<compile_context>
chip_gen: v7x
topology: tpu7x:2x2x1
jax: 0.10.2.dev20260603
libtpu: 0.0.44.dev20260713+nightly
codegen_flags: <defaults>
</compile_context>

<pallas_src>
import jax
import jax.numpy as jnp
import numpy as np
from jax import lax
from jax.experimental import pallas as pl
from jax.experimental.pallas import tpu as pltpu
from jax.experimental.pallas import tpu_sc as plsc

D_MODEL = 256
N_HEADS = 8
N_LEVELS = 4
N_POINTS = 4
HEAD_DIM = 32
LEVEL_WH = (48, 24, 12, 6)
LEVEL_OFF = (0, 2304, 2880, 3024)
LEN_V = 3060
NQ_PAD = 3072
BQ = 1024
NQB = NQ_PAD // BQ
CH = 64
N_CMP = 4
LP = N_LEVELS * N_POINTS
N_CHUNK = (NQ_PAD // 2) // CH
N_OUTER = N_CHUNK // 2

def _lane_consts():
    k = np.arange(N_HEADS * LP)
    lvl = (k // N_POINTS) % N_LEVELS
    w = np.asarray(LEVEL_WH, np.float32)[lvl]
    base = np.asarray(LEVEL_OFF, np.float32)[lvl]
    bx = (np.arange(8)[:, None] == (lvl * 2)[None, :]).astype(np.float32)
    by = (np.arange(8)[:, None] == (lvl * 2 + 1)[None, :]).astype(np.float32)
    g = (k[:, None] // LP == k[None, :] // LP).astype(np.float32)
    return w, base, bx, by, g


def _prep_body(q_ref, rb_ref, val_ref, wcat_ref, waw_ref, wv_ref,
               bcat_ref, baw_ref, bv_ref, bxy_ref, g_ref, wvec_ref, base_ref,
               lo_ref, hi_ref, v_ref, pk_ref):
    f32 = jnp.float32
    i32 = jnp.int32
    hp = lax.Precision.HIGHEST
    q = q_ref[0]
    big = jnp.dot(q, wcat_ref[...], preferred_element_type=f32, precision=hp) + bcat_ref[0]
    logits = jnp.dot(q, waw_ref[...], preferred_element_type=f32) + baw_ref[0]
    rb = rb_ref[0]
    rbxy = jnp.dot(rb, bxy_ref[...], preferred_element_type=f32, precision=hp)
    e = jnp.exp(logits)
    s = jnp.dot(e, g_ref[...], preferred_element_type=f32, precision=hp)
    aw = e / s
    wv = wvec_ref[0]
    basev = base_ref[0]
    gx = rbxy[:, 0:128] + big[:, 0:128]
    gy = rbxy[:, 128:256] + big[:, 128:256]
    x0 = jnp.floor(gx)
    y0 = jnp.floor(gy)
    fx = gx - x0
    fy = gy - y0
    wm1 = wv - 1.0
    vx0 = ((x0 >= 0.0) & (x0 <= wm1)).astype(i32)
    vx1 = ((x0 >= -1.0) & (x0 <= wm1 - 1.0)).astype(i32)
    vy0 = ((y0 >= 0.0) & (y0 <= wm1)).astype(i32)
    vy1 = ((y0 >= -1.0) & (y0 <= wm1 - 1.0)).astype(i32)
    xc = jnp.clip(x0, 0.0, wm1)
    yc = jnp.clip(y0, 0.0, wm1)
    dx = jnp.clip((jnp.clip(x0 + 1.0, 0.0, wm1) - xc).astype(i32), 0, 1)
    dy = jnp.clip((jnp.clip(y0 + 1.0, 0.0, wm1) - yc).astype(i32), 0, 1)
    idx_i = jnp.clip((basev + yc * wv + xc).astype(i32), lo_ref[0], hi_ref[0])
    packed = (idx_i | (vx0 << 12) | (vx1 << 13) | (vy0 << 14) | (vy1 << 15)
              | (dx << 16) | (dy << 17))
    comps = (packed, lax.bitcast_convert_type(fx, i32),
             lax.bitcast_convert_type(fy, i32),
             lax.bitcast_convert_type(aw, i32))
    for cc, arr in enumerate(comps):
        for h in range(N_HEADS):
            pk_ref[0, h, :, pl.ds(cc * LP, LP)] = arr[:, h * LP:(h + 1) * LP]
    v = jnp.dot(val_ref[0], wv_ref[...], preferred_element_type=f32) + bv_ref[0]
    for h in range(N_HEADS):
        v_ref[0, h] = v[:, h * HEAD_DIM:(h + 1) * HEAD_DIM]


def _prep_call(bs, q_p, rb8, val_p, wcat, waw, wv, bcat, baw, bv, bxy, g,
               wvec, basev, lo_i, hi_i):
    grid = (bs, NQB)
    qmap = lambda b, i: (b, i, 0)
    full = lambda b, i: (0, 0)
    return pl.pallas_call(
        _prep_body,
        grid=grid,
        in_specs=[
            pl.BlockSpec((1, BQ, D_MODEL), qmap),
            pl.BlockSpec((1, BQ, 8), qmap),
            pl.BlockSpec((1, BQ, D_MODEL), qmap),
            pl.BlockSpec((D_MODEL, 256), full),
            pl.BlockSpec((D_MODEL, 128), full),
            pl.BlockSpec((D_MODEL, D_MODEL), full),
            pl.BlockSpec((1, 256), full),
            pl.BlockSpec((1, 128), full),
            pl.BlockSpec((1, D_MODEL), full),
            pl.BlockSpec((8, 256), full),
            pl.BlockSpec((128, 128), full),
            pl.BlockSpec((1, 128), full),
            pl.BlockSpec((1, 128), full),
            pl.BlockSpec((1, 128), full),
            pl.BlockSpec((1, 128), full),
        ],
        out_specs=[
            pl.BlockSpec((1, N_HEADS, BQ, HEAD_DIM), lambda b, i: (b, 0, i, 0)),
            pl.BlockSpec((1, N_HEADS, BQ, N_CMP * LP), lambda b, i: (b, 0, i, 0)),
        ],
        out_shape=[
            jax.ShapeDtypeStruct((bs, N_HEADS, NQ_PAD, HEAD_DIM), jnp.float32),
            jax.ShapeDtypeStruct((bs, N_HEADS, NQ_PAD, N_CMP * LP), jnp.int32),
        ],
    )(q_p, rb8, val_p, wcat, waw, wv, bcat, baw, bv, bxy, g, wvec, basev,
      lo_i, hi_i)


def _lane_bcast(vec, t):
    tv = jnp.full((16,), t, jnp.int32)
    dn = lax.GatherDimensionNumbers(offset_dims=(), collapsed_slice_dims=(0,),
                                    start_index_map=(0,))
    return lax.gather(vec, tv[:, None], dimension_numbers=dn, slice_sizes=(1,),
                      mode=lax.GatherScatterMode.PROMISE_IN_BOUNDS)


_W32 = tuple(int(w) * HEAD_DIM for w in LEVEL_WH)


def _sc_body(table_hbm, pk_hbm, out_hbm, table_v, in_v, out_v,
             sem_t, sem_i0, sem_i1, sem_o0, sem_o1):
    c = lax.axis_index("c")
    s = lax.axis_index("s")
    wid = s * 2 + c
    bh = wid % 16
    half = wid // 16
    iota_lo = lax.iota(jnp.int32, 16)
    qbase = half * (NQ_PAD // 2)
    sem_i = (sem_i0, sem_i1)
    sem_o = (sem_o0, sem_o1)
    lvl = lax.iota(jnp.int32, 16) >> 2
    w32 = jnp.where(lvl == 0, _W32[0],
                    jnp.where(lvl == 1, _W32[1],
                              jnp.where(lvl == 2, _W32[2], _W32[3])))

    def in_copy(k, b):
        q0 = qbase + k * CH
        return pltpu.make_async_copy(
            pk_hbm.at[bh, pl.ds(q0, CH), :], in_v.at[b], sem_i[b])

    def out_copy(k, b):
        q0 = qbase + k * CH
        return pltpu.make_async_copy(
            out_v.at[b], out_hbm.at[bh, pl.ds(q0, CH), :], sem_o[b])

    tdesc = pltpu.make_async_copy(table_hbm.at[bh], table_v, sem_t)
    tdesc.start()
    for b in (0, 1):
        in_copy(b, b).start()
    tdesc.wait()

    def outer(ci2, carry):
        for b in (0, 1):
            k = ci2 * 2 + b
            in_copy(k, b).wait()

            @pl.when(ci2 > 0)
            def _():
                out_copy(k - 2, b).wait()

            def qloop(qi, carry2):
                idxf = in_v[b, qi, pl.ds(0, LP)]
                fx = plsc.bitcast(in_v[b, qi, pl.ds(LP, LP)], jnp.float32)
                fy = plsc.bitcast(in_v[b, qi, pl.ds(2 * LP, LP)], jnp.float32)
                aw = plsc.bitcast(in_v[b, qi, pl.ds(3 * LP, LP)], jnp.float32)
                rows_a = (idxf & 0xFFF) * HEAD_DIM
                mx0 = ((idxf >> 12) & 1).astype(jnp.float32)
                mx1 = ((idxf >> 13) & 1).astype(jnp.float32)
                my0 = ((idxf >> 14) & 1).astype(jnp.float32)
                my1 = ((idxf >> 15) & 1).astype(jnp.float32)
                ax = (1.0 - fx) * mx0
                bxw = fx * mx1
                ay = (1.0 - fy) * my0 * aw
                byw = fy * my1 * aw
                dxw = ((idxf >> 16) & 1) << 5
                rows_c = rows_a + ((idxf >> 17) & 1) * w32
                groups = ((rows_a, ax * ay),
                          (rows_a + dxw, bxw * ay),
                          (rows_c, ax * byw),
                          (rows_c + dxw, bxw * byw))
                accs = []
                for gpair in (groups[:2], groups[2:]):
                    acc_lo = jnp.zeros((16,), jnp.float32)
                    acc_hi = jnp.zeros((16,), jnp.float32)
                    for rows, ws in gpair:
                        for t in range(16):
                            addr_lo = _lane_bcast(rows, t) + iota_lo
                            wb = _lane_bcast(ws, t)
                            lo = plsc.load_gather(table_v, [addr_lo])
                            hi = plsc.load_gather(table_v, [addr_lo + 16])
                            acc_lo = acc_lo + lo * wb
                            acc_hi = acc_hi + hi * wb
                    accs.append((acc_lo, acc_hi))
                (a0, h0), (a1, h1) = accs
                out_v[b, qi, pl.ds(0, 16)] = a0 + a1
                out_v[b, qi, pl.ds(16, 16)] = h0 + h1
                return carry2

            lax.fori_loop(0, CH, qloop, 0)
            out_copy(k, b).start()

            @pl.when(ci2 < N_OUTER - 1)
            def _():
                in_copy(k + 2, b).start()
        return carry

    lax.fori_loop(0, N_OUTER, outer, 0)
    for b in (0, 1):
        out_copy(N_CHUNK - 2 + b, b).wait()


def _sc_call(tables, packed):
    bs_h = tables.shape[0]
    mesh = plsc.VectorSubcoreMesh(core_axis_name="c", subcore_axis_name="s")
    f = pl.kernel(
        _sc_body,
        out_type=jax.ShapeDtypeStruct((bs_h, NQ_PAD, HEAD_DIM), jnp.float32),
        mesh=mesh,
        scratch_types=[
            pltpu.VMEM((NQ_PAD * HEAD_DIM,), jnp.float32),
            pltpu.VMEM((2, CH, N_CMP * LP), jnp.int32),
            pltpu.VMEM((2, CH, HEAD_DIM), jnp.float32),
            pltpu.SemaphoreType.DMA,
            pltpu.SemaphoreType.DMA,
            pltpu.SemaphoreType.DMA,
            pltpu.SemaphoreType.DMA,
            pltpu.SemaphoreType.DMA,
        ],
        compiler_params=pltpu.CompilerParams(needs_layout_passes=False),
    )
    return f(tables, packed)


def _proj_body(x_ref, w_ref, b_ref, o_ref):
    acc = jnp.broadcast_to(b_ref[0], (BQ, D_MODEL))
    for h in range(N_HEADS):
        acc = acc + jnp.dot(x_ref[0, h], w_ref[h],
                            preferred_element_type=jnp.float32)
    o_ref[0] = acc


def _proj_call(x, w, b):
    bs = x.shape[0]
    return pl.pallas_call(
        _proj_body,
        grid=(bs, NQB),
        in_specs=[
            pl.BlockSpec((1, N_HEADS, BQ, HEAD_DIM), lambda bb, i: (bb, 0, i, 0)),
            pl.BlockSpec((N_HEADS, HEAD_DIM, D_MODEL), lambda bb, i: (0, 0, 0)),
            pl.BlockSpec((1, D_MODEL), lambda bb, i: (0, 0)),
        ],
        out_specs=pl.BlockSpec((1, BQ, D_MODEL), lambda bb, i: (bb, i, 0)),
        out_shape=jax.ShapeDtypeStruct((bs, LEN_V, D_MODEL), jnp.float32),
    )(x, w, b)


def kernel(query, refer_bbox, value, value_shapes, W_so, b_so, W_aw, b_aw,
           W_v, b_v, W_o, b_o):
    bs, len_q, _ = query.shape
    rb8 = refer_bbox.reshape(bs, len_q, 8)

    wnp, basenp, bxnp, bynp, gnp = _lane_consts()
    wcat = jnp.concatenate([W_so[:, 0::2], W_so[:, 1::2]], axis=1)
    bcat = jnp.concatenate([b_so[0::2] - 0.5, b_so[1::2] - 0.5])[None]
    bxy = jnp.asarray(np.concatenate([bxnp * wnp, bynp * wnp], axis=1))
    wvec = jnp.asarray(wnp)[None]
    basev = jnp.asarray(basenp)[None]
    g = jnp.asarray(gnp)
    lo_i = jnp.asarray(basenp.astype(np.int32))[None]
    hi_i = jnp.asarray((basenp + wnp * wnp - 1).astype(np.int32))[None]

    v, pk = _prep_call(bs, query, rb8, value, wcat, W_aw, W_v,
                       bcat, b_aw[None], b_v[None], bxy, g, wvec, basev,
                       lo_i, hi_i)

    tables = v.reshape(bs * N_HEADS, NQ_PAD * HEAD_DIM)
    out_sc = _sc_call(tables, pk.reshape(bs * N_HEADS, NQ_PAD, N_CMP * LP))

    attn = out_sc.reshape(bs, N_HEADS, NQ_PAD, HEAD_DIM)
    return _proj_call(attn, W_o.reshape(N_HEADS, HEAD_DIM, D_MODEL), b_o[None])

# --- scband reference (transcript-rebuilt; emitter-appended) ---
"""Pipeline reference for scband-msdeform-attn-89687507075619 (READ-ONLY COPY).

The authoritative reference and input builder live on the scoring server;
editing this copy changes nothing except your own understanding.
"""

import jax, jax.numpy as jnp
import numpy as np

D_MODEL = 256
N_LEVELS = 4
N_HEADS = 8
N_POINTS = 4
HEAD_DIM = D_MODEL // N_HEADS


def _grid_sample(im, grid):
    # im: [N, C, H, W]; grid: [N, Q, P, 2] in [-1, 1] ordered (x, y)
    # Equivalent to F.grid_sample(mode='bilinear', padding_mode='zeros', align_corners=False)
    N, C, H, W = im.shape
    gx = (grid[..., 0] + 1.0) * (W * 0.5) - 0.5
    gy = (grid[..., 1] + 1.0) * (H * 0.5) - 0.5
    x0 = jnp.floor(gx)
    y0 = jnp.floor(gy)
    x1 = x0 + 1.0
    y1 = y0 + 1.0
    wa = (x1 - gx) * (y1 - gy)
    wb = (gx - x0) * (y1 - gy)
    wc = (x1 - gx) * (gy - y0)
    wd = (gx - x0) * (gy - y0)
    flat = im.reshape(N, C, H * W)

    def fetch(ix, iy):
        valid = (ix >= 0) & (ix <= W - 1) & (iy >= 0) & (iy <= H - 1)
        idx = (jnp.clip(iy, 0, H - 1) * W + jnp.clip(ix, 0, W - 1)).astype(jnp.int32)
        v = jax.vmap(lambda f, i: f[:, i])(flat, idx.reshape(N, -1))
        v = v.reshape(N, C, idx.shape[1], idx.shape[2])
        return v * valid[:, None, :, :].astype(im.dtype)

    x0i = x0.astype(jnp.int32)
    x1i = x1.astype(jnp.int32)
    y0i = y0.astype(jnp.int32)
    y1i = y1.astype(jnp.int32)
    va = fetch(x0i, y0i)
    vb = fetch(x1i, y0i)
    vc = fetch(x0i, y1i)
    vd = fetch(x1i, y1i)
    return va * wa[:, None] + vb * wb[:, None] + vc * wc[:, None] + vd * wd[:, None]


def _ms_deform_attn(value, shapes, sampling_locations, attention_weights):
    bs, len_v, n_heads, head_dim = value.shape
    _, len_q, _, n_levels, n_points, _ = sampling_locations.shape
    shapes = np.asarray(shapes)
    split = [int(h) * int(w) for h, w in shapes]
    offs = np.concatenate([[0], np.cumsum(split)])
    grids = 2.0 * sampling_locations - 1.0
    sampled = []
    for lvl in range(n_levels):
        H, W = int(shapes[lvl, 0]), int(shapes[lvl, 1])
        v_l = value[:, offs[lvl]:offs[lvl + 1]]
        v_l = jnp.transpose(v_l, (0, 2, 3, 1)).reshape(bs * n_heads, head_dim, H, W)
        g_l = jnp.transpose(grids[:, :, :, lvl], (0, 2, 1, 3, 4)).reshape(bs * n_heads, len_q, n_points, 2)
        sampled.append(_grid_sample(v_l, g_l))
    aw = jnp.transpose(attention_weights, (0, 2, 1, 3, 4)).reshape(bs * n_heads, 1, len_q, n_levels * n_points)
    stacked = jnp.stack(sampled, axis=-2).reshape(bs * n_heads, head_dim, len_q, n_levels * n_points)
    out = (stacked * aw).sum(-1).reshape(bs, n_heads * head_dim, len_q)
    return jnp.transpose(out, (0, 2, 1))


def _forward(query, refer_bbox, value, value_shapes, W_so, b_so, W_aw, b_aw, W_v, b_v, W_o, b_o):
    bs, len_q, _ = query.shape
    len_v = value.shape[1]
    v = (value @ W_v + b_v).reshape(bs, len_v, N_HEADS, HEAD_DIM)
    so = (query @ W_so + b_so).reshape(bs, len_q, N_HEADS, N_LEVELS, N_POINTS, 2)
    aw = (query @ W_aw + b_aw).reshape(bs, len_q, N_HEADS, N_LEVELS * N_POINTS)
    aw = jax.nn.softmax(aw, axis=-1).reshape(bs, len_q, N_HEADS, N_LEVELS, N_POINTS)
    shapes_np = np.array([[48, 48], [24, 24], [12, 12], [6, 6]], dtype=np.int64)
    # refer_bbox has last dim 2 -> normalize offsets by (W, H) per level
    offset_normalizer = value_shapes[:, ::-1].astype(jnp.float32)
    loc = refer_bbox[:, :, None, :, None, :] + so / offset_normalizer[None, None, None, :, None, :]
    out = _ms_deform_attn(v, shapes_np, loc, aw)
    return out @ W_o + b_o


def setup_inputs(seed: int = 0):
    key = jax.random.key(seed)
    ks = jax.random.split(key, 12)
    bs, len_q = 2, 3060
    shapes = np.array([[48, 48], [24, 24], [12, 12], [6, 6]], dtype=np.int64)
    len_v = int((shapes[:, 0] * shapes[:, 1]).sum())  # 3060
    sc = 0.02
    return {
        "query": jax.random.normal(ks[0], (bs, len_q, D_MODEL), jnp.float32),
        "refer_bbox": jax.random.uniform(ks[1], (bs, len_q, N_LEVELS, 2), dtype=jnp.float32),
        "value": jax.random.normal(ks[2], (bs, len_v, D_MODEL), jnp.float32),
        "value_shapes": shapes,
        "W_so": jax.random.normal(ks[3], (D_MODEL, N_HEADS * N_LEVELS * N_POINTS * 2), jnp.float32) * sc,
        "b_so": jax.random.normal(ks[4], (N_HEADS * N_LEVELS * N_POINTS * 2,), jnp.float32) * 0.5,
        "W_aw": jax.random.normal(ks[5], (D_MODEL, N_HEADS * N_LEVELS * N_POINTS), jnp.float32) * sc,
        "b_aw": jnp.zeros((N_HEADS * N_LEVELS * N_POINTS,), jnp.float32),
        "W_v": jax.random.normal(ks[6], (D_MODEL, D_MODEL), jnp.float32) * sc,
        "b_v": jnp.zeros((D_MODEL,), jnp.float32),
        "W_o": jax.random.normal(ks[7], (D_MODEL, D_MODEL), jnp.float32) * sc,
        "b_o": jnp.zeros((D_MODEL,), jnp.float32),
    }


def reference(query, refer_bbox, value, value_shapes, W_so, b_so, W_aw, b_aw, W_v, b_v, W_o, b_o):
    return _forward(query, refer_bbox, value, value_shapes, W_so, b_so, W_aw, b_aw, W_v, b_v, W_o, b_o)

if __name__ == "__main__":
    import jax
    _d = setup_inputs()
    print(jax.jit(kernel)(*tuple(_d.values())))

</pallas_src>

<mosaic_0001>
#map = affine_map<(d0, d1) -> (0, 0)>
#map1 = affine_map<(d0, d1) -> (0, 0, 0)>
module attributes {stable_mosaic.version = 14 : i64} {
  func.func @_sc_body(%arg0: i32, %arg1: i32, %arg2: memref<16x98304xf32, #tpu.memory_space<hbm>>, %arg3: memref<16x3072x64xi32, #tpu.memory_space<hbm>>, %arg4: memref<16x3072x32xf32, #tpu.memory_space<hbm>>, %arg5: memref<98304xf32, #tpu.memory_space<vmem>>, %arg6: memref<2x64x64xi32, #tpu.memory_space<vmem>>, %arg7: memref<2x64x32xf32, #tpu.memory_space<vmem>>, %arg8: memref<!tpu.dma_semaphore, #tpu.memory_space<semaphore_mem>>, %arg9: memref<!tpu.dma_semaphore, #tpu.memory_space<semaphore_mem>>, %arg10: memref<!tpu.dma_semaphore, #tpu.memory_space<semaphore_mem>>, %arg11: memref<!tpu.dma_semaphore, #tpu.memory_space<semaphore_mem>>, %arg12: memref<!tpu.dma_semaphore, #tpu.memory_space<semaphore_mem>>) attributes {dimension_semantics = [#tpu.dimension_semantics<core_parallel>, #tpu.dimension_semantics<subcore_parallel>], iteration_bounds = array<i64: 2, 16>, scalar_prefetch = 0 : i64, scratch_operands = 8 : i64, tpu.core_type = #tpu.core_type<sc_vector_subcore>, window_params = [{transform_indices = #map}, {transform_indices = #map1}, {transform_indices = #map1}]} {
    %mul3A = arith.constant 2 : i32
    %mul3A_0 = arith.muli %arg1, %mul3A : i32
    %add3A = arith.addi %mul3A_0, %arg0 : i32
    %jit3A = arith.constant 16 : i32
    %eq3A = arith.constant 0 : i32
    %eq3A_1 = arith.cmpi eq, %jit3A, %eq3A : i32
    %jit3A_2 = arith.constant 1 : i32
    %select_n3A = arith.select %eq3A_1, %jit3A_2, %jit3A : i32
    %rem3A = arith.remsi %add3A, %select_n3A : i32
    %ne3A = arith.constant 0 : i32
    %ne3A_3 = arith.cmpi ne, %rem3A, %ne3A : i32
    %lt3A = arith.constant 0 : i32
    %lt3A_4 = arith.cmpi slt, %rem3A, %lt3A : i32
    %lt3A_5 = arith.constant 0 : i32
    %lt3A_6 = arith.cmpi slt, %select_n3A, %lt3A_5 : i32
    %ne3A_7 = arith.xori %lt3A_4, %lt3A_6 : i1
    %and3A = arith.andi %ne3A_7, %ne3A_3 : i1
    %add3A_8 = arith.addi %rem3A, %select_n3A : i32
    %select_n3A_9 = arith.select %and3A, %add3A_8, %rem3A : i32
    %jit3A_10 = arith.constant 16 : i32
    %div3A = arith.divsi %add3A, %jit3A_10 : i32
    %sign3A = arith.constant 0 : i32
    %sign3A_11 = arith.cmpi sgt, %add3A, %sign3A : i32
    %sign3A_12 = arith.extui %sign3A_11 : i1 to i32
    %sign3A_13 = arith.constant 0 : i32
    %sign3A_14 = arith.cmpi slt, %add3A, %sign3A_13 : i32
    %sign3A_15 = arith.extui %sign3A_14 : i1 to i32
    %sign3A_16 = arith.subi %sign3A_12, %sign3A_15 : i32
    %sign3A_17 = arith.constant 0 : i32
    %sign3A_18 = arith.cmpi sgt, %jit3A_10, %sign3A_17 : i32
    %sign3A_19 = arith.extui %sign3A_18 : i1 to i32
    %sign3A_20 = arith.constant 0 : i32
    %sign3A_21 = arith.cmpi slt, %jit3A_10, %sign3A_20 : i32
    %sign3A_22 = arith.extui %sign3A_21 : i1 to i32
    %sign3A_23 = arith.subi %sign3A_19, %sign3A_22 : i32
    %ne3A_24 = arith.cmpi ne, %sign3A_16, %sign3A_23 : i32
    %rem3A_25 = arith.remsi %add3A, %jit3A_10 : i32
    %ne3A_26 = arith.constant 0 : i32
    %ne3A_27 = arith.cmpi ne, %rem3A_25, %ne3A_26 : i32
    %and3A_28 = arith.andi %ne3A_24, %ne3A_27 : i1
    %sub3A = arith.constant 1 : i32
    %sub3A_29 = arith.subi %div3A, %sub3A : i32
    %select_n3A_30 = arith.select %and3A_28, %sub3A_29, %div3A : i32
    %iota3A = tpu.iota {dimensions = array<i32: 0>} : vector<16xi32>
    %mul3A_31 = arith.constant 1536 : i32
    %mul3A_32 = arith.muli %select_n3A_30, %mul3A_31 : i32
    %iota3A_33 = tpu.iota {dimensions = array<i32: 0>} : vector<16xi32>
    %shift_right_arithmetic3A = arith.constant 2 : i32
    %shift_right_arithmetic3A_34 = vector.broadcast %shift_right_arithmetic3A : i32 to vector<16xi32>
    %shift_right_arithmetic3A_35 = arith.shrsi %iota3A_33, %shift_right_arithmetic3A_34 : vector<16xi32>
    %eq3A_36 = arith.constant 0 : i32
    %eq3A_37 = vector.broadcast %eq3A_36 : i32 to vector<16xi32>
    %eq3A_38 = arith.cmpi eq, %shift_right_arithmetic3A_35, %eq3A_37 : vector<16xi32>
    %eq3A_39 = arith.constant 1 : i32
    %eq3A_40 = vector.broadcast %eq3A_39 : i32 to vector<16xi32>
    %eq3A_41 = arith.cmpi eq, %shift_right_arithmetic3A_35, %eq3A_40 : vector<16xi32>
    %eq3A_42 = arith.constant 2 : i32
    %eq3A_43 = vector.broadcast %eq3A_42 : i32 to vector<16xi32>
    %eq3A_44 = arith.cmpi eq, %shift_right_arithmetic3A_35, %eq3A_43 : vector<16xi32>
    %jit3A_45 = arith.constant 384 : i32
    %jit3A_46 = arith.constant 192 : i32
    %broadcast_in_dim3A = vector.broadcast %jit3A_45 : i32 to vector<16xi32>
    %broadcast_in_dim3A_47 = vector.broadcast %jit3A_46 : i32 to vector<16xi32>
    %select_n3A_48 = arith.select %eq3A_44, %broadcast_in_dim3A, %broadcast_in_dim3A_47 : vector<16xi1>, vector<16xi32>
    %jit3A_49 = arith.constant 768 : i32
    %broadcast_in_dim3A_50 = vector.broadcast %jit3A_49 : i32 to vector<16xi32>
    %select_n3A_51 = arith.select %eq3A_41, %broadcast_in_dim3A_50, %select_n3A_48 : vector<16xi1>, vector<16xi32>
    %jit3A_52 = arith.constant 1536 : i32
    %broadcast_in_dim3A_53 = vector.broadcast %jit3A_52 : i32 to vector<16xi32>
    %select_n3A_54 = arith.select %eq3A_38, %broadcast_in_dim3A_53, %select_n3A_51 : vector<16xi1>, vector<16xi32>
    %dma_start3A = arith.constant 0 : i32
    %dma_start3A_55 = tpu.memref_slice %arg2[%select_n3A_9, %dma_start3A] : memref<16x98304xf32, #tpu.memory_space<hbm>> -> memref<1x98304xf32, #tpu.memory_space<hbm>>
    %dma_start3A_56 = tpu.memref_squeeze %dma_start3A_55 : memref<1x98304xf32, #tpu.memory_space<hbm>> -> memref<98304xf32, #tpu.memory_space<hbm>>
    %dma_start3A_57 = arith.constant 0 : i32
    %dma_start3A_58 = tpu.memref_slice %arg2[%select_n3A_9, %dma_start3A_57] : memref<16x98304xf32, #tpu.memory_space<hbm>> -> memref<1x98304xf32, #tpu.memory_space<hbm>>
    %dma_start3A_59 = tpu.memref_squeeze %dma_start3A_58 : memref<1x98304xf32, #tpu.memory_space<hbm>> -> memref<98304xf32, #tpu.memory_space<hbm>>
    tpu.enqueue_dma source(%dma_start3A_59 : memref<98304xf32, #tpu.memory_space<hbm>>) target(%arg5 : memref<98304xf32, #tpu.memory_space<vmem>>) target_semaphore(%arg8 : memref<!tpu.dma_semaphore, #tpu.memory_space<semaphore_mem>>)
    %add3A_60 = arith.constant 0 : i32
    %add3A_61 = arith.addi %mul3A_32, %add3A_60 : i32
    %dma_start3A_62 = arith.constant 0 : i32
    %dma_start3A_63 = arith.constant 0 : i32
    %dma_start3A_64 = arith.constant 0 : i32
    %dma_start3A_65 = tpu.memref_slice %arg6[%dma_start3A_62, %dma_start3A_63, %dma_start3A_64] : memref<2x64x64xi32, #tpu.memory_space<vmem>> -> memref<1x64x64xi32, #tpu.memory_space<vmem>>
    %dma_start3A_66 = tpu.memref_squeeze %dma_start3A_65 : memref<1x64x64xi32, #tpu.memory_space<vmem>> -> memref<64x64xi32, #tpu.memory_space<vmem>>
    %dma_start3A_67 = arith.constant 0 : i32
    %dma_start3A_68 = tpu.memref_slice %arg3[%select_n3A_9, %add3A_61, %dma_start3A_67] : memref<16x3072x64xi32, #tpu.memory_space<hbm>> -> memref<1x64x64xi32, #tpu.memory_space<hbm>>
    %dma_start3A_69 = tpu.memref_squeeze %dma_start3A_68 : memref<1x64x64xi32, #tpu.memory_space<hbm>> -> memref<64x64xi32, #tpu.memory_space<hbm>>
    %dma_start3A_70 = arith.constant 0 : i32
    %dma_start3A_71 = arith.constant 0 : i32
    %dma_start3A_72 = tpu.memref_slice %arg6[%dma_start3A_62, %dma_start3A_70, %dma_start3A_71] : memref<2x64x64xi32, #tpu.memory_space<vmem>> -> memref<1x64x64xi32, #tpu.memory_space<vmem>>
    %dma_start3A_73 = tpu.memref_squeeze %dma_start3A_72 : memref<1x64x64xi32, #tpu.memory_space<vmem>> -> memref<64x64xi32, #tpu.memory_space<vmem>>
    %dma_start3A_74 = arith.constant 0 : i32
    %dma_start3A_75 = tpu.memref_slice %arg3[%select_n3A_9, %add3A_61, %dma_start3A_74] : memref<16x3072x64xi32, #tpu.memory_space<hbm>> -> memref<1x64x64xi32, #tpu.memory_space<hbm>>
    %dma_start3A_76 = tpu.memref_squeeze %dma_start3A_75 : memref<1x64x64xi32, #tpu.memory_space<hbm>> -> memref<64x64xi32, #tpu.memory_space<hbm>>
    tpu.enqueue_dma source(%dma_start3A_76 : memref<64x64xi32, #tpu.memory_space<hbm>>) target(%dma_start3A_73 : memref<64x64xi32, #tpu.memory_space<vmem>>) target_semaphore(%arg9 : memref<!tpu.dma_semaphore, #tpu.memory_space<semaphore_mem>>)
    %add3A_77 = arith.constant 64 : i32
    %add3A_78 = arith.addi %mul3A_32, %add3A_77 : i32
    %dma_start3A_79 = arith.constant 1 : i32
    %dma_start3A_80 = arith.constant 0 : i32
    %dma_start3A_81 = arith.constant 0 : i32
    %dma_start3A_82 = tpu.memref_slice %arg6[%dma_start3A_79, %dma_start3A_80, %dma_start3A_81] : memref<2x64x64xi32, #tpu.memory_space<vmem>> -> memref<1x64x64xi32, #tpu.memory_space<vmem>>
    %dma_start3A_83 = tpu.memref_squeeze %dma_start3A_82 : memref<1x64x64xi32, #tpu.memory_space<vmem>> -> memref<64x64xi32, #tpu.memory_space<vmem>>
    %dma_start3A_84 = arith.constant 0 : i32
    %dma_start3A_85 = tpu.memref_slice %arg3[%select_n3A_9, %add3A_78, %dma_start3A_84] : memref<16x3072x64xi32, #tpu.memory_space<hbm>> -> memref<1x64x64xi32, #tpu.memory_space<hbm>>
    %dma_start3A_86 = tpu.memref_squeeze %dma_start3A_85 : memref<1x64x64xi32, #tpu.memory_space<hbm>> -> memref<64x64xi32, #tpu.memory_space<hbm>>
    %dma_start3A_87 = arith.constant 0 : i32
    %dma_start3A_88 = arith.constant 0 : i32
    %dma_start3A_89 = tpu.memref_slice %arg6[%dma_start3A_79, %dma_start3A_87, %dma_start3A_88] : memref<2x64x64xi32, #tpu.memory_space<vmem>> -> memref<1x64x64xi32, #tpu.memory_space<vmem>>
    %dma_start3A_90 = tpu.memref_squeeze %dma_start3A_89 : memref<1x64x64xi32, #tpu.memory_space<vmem>> -> memref<64x64xi32, #tpu.memory_space<vmem>>
    %dma_start3A_91 = arith.constant 0 : i32
    %dma_start3A_92 = tpu.memref_slice %arg3[%select_n3A_9, %add3A_78, %dma_start3A_91] : memref<16x3072x64xi32, #tpu.memory_space<hbm>> -> memref<1x64x64xi32, #tpu.memory_space<hbm>>
    %dma_start3A_93 = tpu.memref_squeeze %dma_start3A_92 : memref<1x64x64xi32, #tpu.memory_space<hbm>> -> memref<64x64xi32, #tpu.memory_space<hbm>>
    tpu.enqueue_dma source(%dma_start3A_93 : memref<64x64xi32, #tpu.memory_space<hbm>>) target(%dma_start3A_90 : memref<64x64xi32, #tpu.memory_space<vmem>>) target_semaphore(%arg10 : memref<!tpu.dma_semaphore, #tpu.memory_space<semaphore_mem>>)
    %dma_wait3A = arith.constant 0 : i32
    %dma_wait3A_94 = tpu.memref_slice %arg2[%select_n3A_9, %dma_wait3A] : memref<16x98304xf32, #tpu.memory_space<hbm>> -> memref<1x98304xf32, #tpu.memory_space<hbm>>
    %dma_wait3A_95 = tpu.memref_squeeze %dma_wait3A_94 : memref<1x98304xf32, #tpu.memory_space<hbm>> -> memref<98304xf32, #tpu.memory_space<hbm>>
    %dma_wait3A_96 = arith.constant 0 : i32
    %dma_wait3A_97 = tpu.memref_slice %arg2[%select_n3A_9, %dma_wait3A_96] : memref<16x98304xf32, #tpu.memory_space<hbm>> -> memref<1x98304xf32, #tpu.memory_space<hbm>>
    %dma_wait3A_98 = tpu.memref_squeeze %dma_wait3A_97 : memref<1x98304xf32, #tpu.memory_space<hbm>> -> memref<98304xf32, #tpu.memory_space<hbm>>
    tpu.wait_dma2 semaphore(%arg8 : memref<!tpu.dma_semaphore, #tpu.memory_space<semaphore_mem>>) src(%dma_wait3A_98 : memref<98304xf32, #tpu.memory_space<hbm>>) dst(%arg5 : memref<98304xf32, #tpu.memory_space<vmem>>)
    %scan3A = arith.constant 0 : i32
    %scan3A_99 = arith.constant 0 : i32
    %scan3A_100 = arith.constant 12 : i32
    %scan3A_101 = arith.addi %scan3A_99, %scan3A_100 : i32
    %scan3A_102 = arith.constant 1 : i32
    scf.for %scan3A_138 = %scan3A_99 to %scan3A_101 step %scan3A_102  : i32 {
      %mul3A_139 = arith.constant 2 : i32
      %mul3A_140 = arith.muli %scan3A_138, %mul3A_139 : i32
      %add3A_141 = arith.constant 0 : i32
      %add3A_142 = arith.addi %mul3A_140, %add3A_141 : i32
      %mul3A_143 = arith.constant 64 : i32
      %mul3A_144 = arith.muli %add3A_142, %mul3A_143 : i32
      %add3A_145 = arith.addi %mul3A_32, %mul3A_144 : i32
      %dma_wait3A_146 = arith.constant 0 : i32
      %dma_wait3A_147 = arith.constant 0 : i32
      %dma_wait3A_148 = arith.constant 0 : i32
      %dma_wait3A_149 = tpu.memref_slice %arg6[%dma_wait3A_146, %dma_wait3A_147, %dma_wait3A_148] : memref<2x64x64xi32, #tpu.memory_space<vmem>> -> memref<1x64x64xi32, #tpu.memory_space<vmem>>
      %dma_wait3A_150 = tpu.memref_squeeze %dma_wait3A_149 : memref<1x64x64xi32, #tpu.memory_space<vmem>> -> memref<64x64xi32, #tpu.memory_space<vmem>>
      %dma_wait3A_151 = arith.constant 0 : i32
      %dma_wait3A_152 = tpu.memref_slice %arg3[%select_n3A_9, %add3A_145, %dma_wait3A_151] : memref<16x3072x64xi32, #tpu.memory_space<hbm>> -> memref<1x64x64xi32, #tpu.memory_space<hbm>>
      %dma_wait3A_153 = tpu.memref_squeeze %dma_wait3A_152 : memref<1x64x64xi32, #tpu.memory_space<hbm>> -> memref<64x64xi32, #tpu.memory_space<hbm>>
      %dma_wait3A_154 = arith.constant 0 : i32
      %dma_wait3A_155 = arith.constant 0 : i32
      %dma_wait3A_156 = tpu.memref_slice %arg6[%dma_wait3A_146, %dma_wait3A_154, %dma_wait3A_155] : memref<2x64x64xi32, #tpu.memory_space<vmem>> -> memref<1x64x64xi32, #tpu.memory_space<vmem>>
      %dma_wait3A_157 = tpu.memref_squeeze %dma_wait3A_156 : memref<1x64x64xi32, #tpu.memory_space<vmem>> -> memref<64x64xi32, #tpu.memory_space<vmem>>
      %dma_wait3A_158 = arith.constant 0 : i32
      %dma_wait3A_159 = tpu.memref_slice %arg3[%select_n3A_9, %add3A_145, %dma_wait3A_158] : memref<16x3072x64xi32, #tpu.memory_space<hbm>> -> memref<1x64x64xi32, #tpu.memory_space<hbm>>
      %dma_wait3A_160 = tpu.memref_squeeze %dma_wait3A_159 : memref<1x64x64xi32, #tpu.memory_space<hbm>> -> memref<64x64xi32, #tpu.memory_space<hbm>>
      tpu.wait_dma2 semaphore(%arg9 : memref<!tpu.dma_semaphore, #tpu.memory_space<semaphore_mem>>) src(%dma_wait3A_160 : memref<64x64xi32, #tpu.memory_space<hbm>>) dst(%dma_wait3A_157 : memref<64x64xi32, #tpu.memory_space<vmem>>)
      %gt3A = arith.constant 0 : i32
      %gt3A_161 = arith.cmpi sgt, %scan3A_138, %gt3A : i32
      %convert_element_type3A = arith.extui %gt3A_161 : i1 to i32
      %cond3A = arith.constant 0 : i32
      %cond3A_162 = arith.cmpi ne, %convert_element_type3A, %cond3A : i32
      scf.if %cond3A_162 {
        %sub3A_248 = arith.constant 2 : i32
        %sub3A_249 = arith.subi %add3A_142, %sub3A_248 : i32
        %mul3A_250 = arith.constant 64 : i32
        %mul3A_251 = arith.muli %sub3A_249, %mul3A_250 : i32
        %add3A_252 = arith.addi %mul3A_32, %mul3A_251 : i32
        %dma_wait3A_253 = arith.constant 0 : i32
        %dma_wait3A_254 = arith.constant 0 : i32
        %dma_wait3A_255 = arith.constant 0 : i32
        %dma_wait3A_256 = tpu.memref_slice %arg7[%dma_wait3A_253, %dma_wait3A_254, %dma_wait3A_255] : memref<2x64x32xf32, #tpu.memory_space<vmem>> -> memref<1x64x32xf32, #tpu.memory_space<vmem>>
        %dma_wait3A_257 = tpu.memref_squeeze %dma_wait3A_256 : memref<1x64x32xf32, #tpu.memory_space<vmem>> -> memref<64x32xf32, #tpu.memory_space<vmem>>
        %dma_wait3A_258 = arith.constant 0 : i32
        %dma_wait3A_259 = tpu.memref_slice %arg4[%select_n3A_9, %add3A_252, %dma_wait3A_258] : memref<16x3072x32xf32, #tpu.memory_space<hbm>> -> memref<1x64x32xf32, #tpu.memory_space<hbm>>
        %dma_wait3A_260 = tpu.memref_squeeze %dma_wait3A_259 : memref<1x64x32xf32, #tpu.memory_space<hbm>> -> memref<64x32xf32, #tpu.memory_space<hbm>>
        %dma_wait3A_261 = arith.constant 0 : i32
        %dma_wait3A_262 = tpu.memref_slice %arg4[%select_n3A_9, %add3A_252, %dma_wait3A_261] : memref<16x3072x32xf32, #tpu.memory_space<hbm>> -> memref<1x64x32xf32, #tpu.memory_space<hbm>>
        %dma_wait3A_263 = tpu.memref_squeeze %dma_wait3A_262 : memref<1x64x32xf32, #tpu.memory_space<hbm>> -> memref<64x32xf32, #tpu.memory_space<hbm>>
        %dma_wait3A_264 = arith.constant 0 : i32
        %dma_wait3A_265 = arith.constant 0 : i32
        %dma_wait3A_266 = tpu.memref_slice %arg7[%dma_wait3A_253, %dma_wait3A_264, %dma_wait3A_265] : memref<2x64x32xf32, #tpu.memory_space<vmem>> -> memref<1x64x32xf32, #tpu.memory_space<vmem>>
        %dma_wait3A_267 = tpu.memref_squeeze %dma_wait3A_266 : memref<1x64x32xf32, #tpu.memory_space<vmem>> -> memref<64x32xf32, #tpu.memory_space<vmem>>
        tpu.wait_dma2 semaphore(%arg11 : memref<!tpu.dma_semaphore, #tpu.memory_space<semaphore_mem>>) src(%dma_wait3A_267 : memref<64x32xf32, #tpu.memory_space<vmem>>) dst(%dma_wait3A_263 : memref<64x32xf32, #tpu.memory_space<hbm>>)
      } else {
      }
      %scan3A_163 = arith.constant 0 : i32
      %scan3A_164 = arith.constant 0 : i32
      %scan3A_165 = arith.constant 64 : i32
      %scan3A_166 = arith.addi %scan3A_164, %scan3A_165 : i32
      %scan3A_167 = arith.constant 1 : i32
      scf.for %scan3A_248 = %scan3A_164 to %scan3A_166 step %scan3A_167  : i32 {
        %get3A = arith.constant 0 : i32
        %get3A_249 = arith.index_cast %get3A : i32 to index
        %get3A_250 = arith.index_cast %scan3A_248 : i32 to index
        %get3A_251 = arith.constant 0 : index
        %get3A_252 = tpu.vector_load %arg6[%get3A_249, %get3A_250, %get3A_251] {strides = array<i32>} : memref<2x64x64xi32, #tpu.memory_space<vmem>>, vector<16xi32>,
        %get3A_253 = arith.constant 0 : i32
        %get3A_254 = arith.index_cast %get3A_253 : i32 to index
        %get3A_255 = arith.index_cast %scan3A_248 : i32 to index
        %get3A_256 = arith.constant 16 : index
        %get3A_257 = tpu.vector_load %arg6[%get3A_254, %get3A_255, %get3A_256] {strides = array<i32>} : memref<2x64x64xi32, #tpu.memory_space<vmem>>, vector<16xi32>,
        %bitcast3A = vector.bitcast %get3A_257 : vector<16xi32> to vector<16xf32>
        %get3A_258 = arith.constant 0 : i32
        %get3A_259 = arith.index_cast %get3A_258 : i32 to index
        %get3A_260 = arith.index_cast %scan3A_248 : i32 to index
        %get3A_261 = arith.constant 32 : index
        %get3A_262 = tpu.vector_load %arg6[%get3A_259, %get3A_260, %get3A_261] {strides = array<i32>} : memref<2x64x64xi32, #tpu.memory_space<vmem>>, vector<16xi32>,
        %bitcast3A_263 = vector.bitcast %get3A_262 : vector<16xi32> to vector<16xf32>
        %get3A_264 = arith.constant 0 : i32
        %get3A_265 = arith.index_cast %get3A_264 : i32 to index
        %get3A_266 = arith.index_cast %scan3A_248 : i32 to index
        %get3A_267 = arith.constant 48 : index
        %get3A_268 = tpu.vector_load %arg6[%get3A_265, %get3A_266, %get3A_267] {strides = array<i32>} : memref<2x64x64xi32, #tpu.memory_space<vmem>>, vector<16xi32>,
        %bitcast3A_269 = vector.bitcast %get3A_268 : vector<16xi32> to vector<16xf32>
        %and3A_270 = arith.constant 4095 : i32
        %and3A_271 = vector.broadcast %and3A_270 : i32 to vector<16xi32>
        %and3A_272 = arith.andi %get3A_252, %and3A_271 : vector<16xi32>
        %mul3A_273 = arith.constant 32 : i32
        %mul3A_274 = vector.broadcast %mul3A_273 : i32 to vector<16xi32>
        %mul3A_275 = arith.muli %and3A_272, %mul3A_274 : vector<16xi32>
        %shift_right_arithmetic3A_276 = arith.constant 12 : i32
        %shift_right_arithmetic3A_277 = vector.broadcast %shift_right_arithmetic3A_276 : i32 to vector<16xi32>
        %shift_right_arithmetic3A_278 = arith.shrsi %get3A_252, %shift_right_arithmetic3A_277 : vector<16xi32>
        %and3A_279 = arith.constant 1 : i32
        %and3A_280 = vector.broadcast %and3A_279 : i32 to vector<16xi32>
        %and3A_281 = arith.andi %shift_right_arithmetic3A_278, %and3A_280 : vector<16xi32>
        %convert_element_type3A_282 = arith.sitofp %and3A_281 : vector<16xi32> to vector<16xf32>
        %shift_right_arithmetic3A_283 = arith.constant 13 : i32
        %shift_right_arithmetic3A_284 = vector.broadcast %shift_right_arithmetic3A_283 : i32 to vector<16xi32>
        %shift_right_arithmetic3A_285 = arith.shrsi %get3A_252, %shift_right_arithmetic3A_284 : vector<16xi32>
        %and3A_286 = arith.constant 1 : i32
        %and3A_287 = vector.broadcast %and3A_286 : i32 to vector<16xi32>
        %and3A_288 = arith.andi %shift_right_arithmetic3A_285, %and3A_287 : vector<16xi32>
        %convert_element_type3A_289 = arith.sitofp %and3A_288 : vector<16xi32> to vector<16xf32>
        %shift_right_arithmetic3A_290 = arith.constant 14 : i32
        %shift_right_arithmetic3A_291 = vector.broadcast %shift_right_arithmetic3A_290 : i32 to vector<16xi32>
        %shift_right_arithmetic3A_292 = arith.shrsi %get3A_252, %shift_right_arithmetic3A_291 : vector<16xi32>
        %and3A_293 = arith.constant 1 : i32
        %and3A_294 = vector.broadcast %and3A_293 : i32 to vector<16xi32>
        %and3A_295 = arith.andi %shift_right_arithmetic3A_292, %and3A_294 : vector<16xi32>
        %convert_element_type3A_296 = arith.sitofp %and3A_295 : vector<16xi32> to vector<16xf32>
        %shift_right_arithmetic3A_297 = arith.constant 15 : i32
        %shift_right_arithmetic3A_298 = vector.broadcast %shift_right_arithmetic3A_297 : i32 to vector<16xi32>
        %shift_right_arithmetic3A_299 = arith.shrsi %get3A_252, %shift_right_arithmetic3A_298 : vector<16xi32>
        %and3A_300 = arith.constant 1 : i32
        %and3A_301 = vector.broadcast %and3A_300 : i32 to vector<16xi32>
        %and3A_302 = arith.andi %shift_right_arithmetic3A_299, %and3A_301 : vector<16xi32>
        %convert_element_type3A_303 = arith.sitofp %and3A_302 : vector<16xi32> to vector<16xf32>
        %sub3A_304 = arith.constant 1.000000e+00 : f32
        %sub3A_305 = vector.broadcast %sub3A_304 : f32 to vector<16xf32>
        %sub3A_306 = arith.subf %sub3A_305, %bitcast3A : vector<16xf32>
        %mul3A_307 = arith.mulf %sub3A_306, %convert_element_type3A_282 : vector<16xf32>
        %mul3A_308 = arith.mulf %bitcast3A, %convert_element_type3A_289 : vector<16xf32>
        %sub3A_309 = arith.constant 1.000000e+00 : f32
        %sub3A_310 = vector.broadcast %sub3A_309 : f32 to vector<16xf32>
        %sub3A_311 = arith.subf %sub3A_310, %bitcast3A_263 : vector<16xf32>
        %mul3A_312 = arith.mulf %sub3A_311, %convert_element_type3A_296 : vector<16xf32>
        %mul3A_313 = arith.mulf %mul3A_312, %bitcast3A_269 : vector<16xf32>
        %mul3A_314 = arith.mulf %bitcast3A_263, %convert_element_type3A_303 : vector<16xf32>
        %mul3A_315 = arith.mulf %mul3A_314, %bitcast3A_269 : vector<16xf32>
        %shift_right_arithmetic3A_316 = arith.constant 16 : i32
        %shift_right_arithmetic3A_317 = vector.broadcast %shift_right_arithmetic3A_316 : i32 to vector<16xi32>
        %shift_right_arithmetic3A_318 = arith.shrsi %get3A_252, %shift_right_arithmetic3A_317 : vector<16xi32>
        %and3A_319 = arith.constant 1 : i32
        %and3A_320 = vector.broadcast %and3A_319 : i32 to vector<16xi32>
        %and3A_321 = arith.andi %shift_right_arithmetic3A_318, %and3A_320 : vector<16xi32>
        %shift_left3A = arith.constant 5 : i32
        %shift_left3A_322 = vector.broadcast %shift_left3A : i32 to vector<16xi32>
        %shift_left3A_323 = arith.shli %and3A_321, %shift_left3A_322 : vector<16xi32>
        %shift_right_arithmetic3A_324 = arith.constant 17 : i32
        %shift_right_arithmetic3A_325 = vector.broadcast %shift_right_arithmetic3A_324 : i32 to vector<16xi32>
        %shift_right_arithmetic3A_326 = arith.shrsi %get3A_252, %shift_right_arithmetic3A_325 : vector<16xi32>
        %and3A_327 = arith.constant 1 : i32
        %and3A_328 = vector.broadcast %and3A_327 : i32 to vector<16xi32>
        %and3A_329 = arith.andi %shift_right_arithmetic3A_326, %and3A_328 : vector<16xi32>
        %mul3A_330 = arith.muli %and3A_329, %select_n3A_54 : vector<16xi32>
        %add3A_331 = arith.addi %mul3A_275, %mul3A_330 : vector<16xi32>
        %mul3A_332 = arith.mulf %mul3A_307, %mul3A_313 : vector<16xf32>
        %add3A_333 = arith.addi %mul3A_275, %shift_left3A_323 : vector<16xi32>
        %mul3A_334 = arith.mulf %mul3A_308, %mul3A_313 : vector<16xf32>
        %mul3A_335 = arith.mulf %mul3A_307, %mul3A_315 : vector<16xf32>
        %add3A_336 = arith.addi %add3A_331, %shift_left3A_323 : vector<16xi32>
        %mul3A_337 = arith.mulf %mul3A_308, %mul3A_315 : vector<16xf32>
        %broadcast_in_dim3A_338 = arith.constant 0.000000e+00 : f32
        %broadcast_in_dim3A_339 = vector.broadcast %broadcast_in_dim3A_338 : f32 to vector<16xf32>
        %broadcast_in_dim3A_340 = arith.constant 0.000000e+00 : f32
        %broadcast_in_dim3A_341 = vector.broadcast %broadcast_in_dim3A_340 : f32 to vector<16xf32>
        %broadcast_in_dim3A_342 = arith.constant 0 : i32
        %broadcast_in_dim3A_343 = vector.broadcast %broadcast_in_dim3A_342 : i32 to vector<16xi32>
        %broadcast_in_dim3A_344 = vector.shape_cast %broadcast_in_dim3A_343 : vector<16xi32> to vector<16x1xi32>
        %gather3A = vector.shape_cast %broadcast_in_dim3A_344 : vector<16x1xi32> to vector<16xi32>
        %gather3A_345 = tpu.dynamic_gather %mul3A_275[%gather3A] in [0] : vector<16xi32>, vector<16xi32> -> vector<16xi32>
        %add3A_346 = arith.addi %gather3A_345, %iota3A : vector<16xi32>
        %broadcast_in_dim3A_347 = arith.constant 0 : i32
        %broadcast_in_dim3A_348 = vector.broadcast %broadcast_in_dim3A_347 : i32 to vector<16xi32>
        %broadcast_in_dim3A_349 = vector.shape_cast %broadcast_in_dim3A_348 : vector<16xi32> to vector<16x1xi32>
        %gather3A_350 = vector.shape_cast %broadcast_in_dim3A_349 : vector<16x1xi32> to vector<16xi32>
        %gather3A_351 = tpu.dynamic_gather %mul3A_332[%gather3A_350] in [0] : vector<16xf32>, vector<16xi32> -> vector<16xf32>
        %gather3A_352 = tpu.vector_load_idx %arg5[%add3A_346] : memref<98304xf32, #tpu.memory_space<vmem>>[vector<16xi32>], vector<16xf32>,
        %add3A_353 = arith.constant 16 : i32
        %add3A_354 = vector.broadcast %add3A_353 : i32 to vector<16xi32>
        %add3A_355 = arith.addi %add3A_346, %add3A_354 : vector<16xi32>
        %gather3A_356 = tpu.vector_load_idx %arg5[%add3A_355] : memref<98304xf32, #tpu.memory_space<vmem>>[vector<16xi32>], vector<16xf32>,
        %mul3A_357 = arith.mulf %gather3A_352, %gather3A_351 : vector<16xf32>
        %add3A_358 = arith.addf %broadcast_in_dim3A_339, %mul3A_357 : vector<16xf32>
        %mul3A_359 = arith.mulf %gather3A_356, %gather3A_351 : vector<16xf32>
        %add3A_360 = arith.addf %broadcast_in_dim3A_341, %mul3A_359 : vector<16xf32>
        %broadcast_in_dim3A_361 = arith.constant 1 : i32
        %broadcast_in_dim3A_362 = vector.broadcast %broadcast_in_dim3A_361 : i32 to vector<16xi32>
        %broadcast_in_dim3A_363 = vector.shape_cast %broadcast_in_dim3A_362 : vector<16xi32> to vector<16x1xi32>
        %gather3A_364 = vector.shape_cast %broadcast_in_dim3A_363 : vector<16x1xi32> to vector<16xi32>
        %gather3A_365 = tpu.dynamic_gather %mul3A_275[%gather3A_364] in [0] : vector<16xi32>, vector<16xi32> -> vector<16xi32>
        %add3A_366 = arith.addi %gather3A_365, %iota3A : vector<16xi32>
        %broadcast_in_dim3A_367 = arith.constant 1 : i32
        %broadcast_in_dim3A_368 = vector.broadcast %broadcast_in_dim3A_367 : i32 to vector<16xi32>
        %broadcast_in_dim3A_369 = vector.shape_cast %broadcast_in_dim3A_368 : vector<16xi32> to vector<16x1xi32>
        %gather3A_370 = vector.shape_cast %broadcast_in_dim3A_369 : vector<16x1xi32> to vector<16xi32>
        %gather3A_371 = tpu.dynamic_gather %mul3A_332[%gather3A_370] in [0] : vector<16xf32>, vector<16xi32> -> vector<16xf32>
        %gather3A_372 = tpu.vector_load_idx %arg5[%add3A_366] : memref<98304xf32, #tpu.memory_space<vmem>>[vector<16xi32>], vector<16xf32>,
        %add3A_373 = arith.constant 16 : i32
        %add3A_374 = vector.broadcast %add3A_373 : i32 to vector<16xi32>
        %add3A_375 = arith.addi %add3A_366, %add3A_374 : vector<16xi32>
        %gather3A_376 = tpu.vector_load_idx %arg5[%add3A_375] : memref<98304xf32, #tpu.memory_space<vmem>>[vector<16xi32>], vector<16xf32>,
        %mul3A_377 = arith.mulf %gather3A_372, %gather3A_371 : vector<16xf32>
        %add3A_378 = arith.addf %add3A_358, %mul3A_377 : vector<16xf32>
        %mul3A_379 = arith.mulf %gather3A_376, %gather3A_371 : vector<16xf32>
        %add3A_380 = arith.addf %add3A_360, %mul3A_379 : vector<16xf32>
        %broadcast_in_dim3A_381 = arith.constant 2 : i32
        %broadcast_in_dim3A_382 = vector.broadcast %broadcast_in_dim3A_381 : i32 to vector<16xi32>
        %broadcast_in_dim3A_383 = vector.shape_cast %broadcast_in_dim3A_382 : vector<16xi32> to vector<16x1xi32>
        %gather3A_384 = vector.shape_cast %broadcast_in_dim3A_383 : vector<16x1xi32> to vector<16xi32>
        %gather3A_385 = tpu.dynamic_gather %mul3A_275[%gather3A_384] in [0] : vector<16xi32>, vector<16xi32> -> vector<16xi32>
        %add3A_386 = arith.addi %gather3A_385, %iota3A : vector<16xi32>
        %broadcast_in_dim3A_387 = arith.constant 2 : i32
        %broadcast_in_dim3A_388 = vector.broadcast %broadcast_in_dim3A_387 : i32 to vector<16xi32>
        %broadcast_in_dim3A_389 = vector.shape_cast %broadcast_in_dim3A_388 : vector<16xi32> to vector<16x1xi32>
        %gather3A_390 = vector.shape_cast %broadcast_in_dim3A_389 : vector<16x1xi32> to vector<16xi32>
        %gather3A_391 = tpu.dynamic_gather %mul3A_332[%gather3A_390] in [0] : vector<16xf32>, vector<16xi32> -> vector<16xf32>
        %gather3A_392 = tpu.vector_load_idx %arg5[%add3A_386] : memref<98304xf32, #tpu.memory_space<vmem>>[vector<16xi32>], vector<16xf32>,
        %add3A_393 = arith.constant 16 : i32
        %add3A_394 = vector.broadcast %add3A_393 : i32 to vector<16xi32>
        %add3A_395 = arith.addi %add3A_386, %add3A_394 : vector<16xi32>
        %gather3A_396 = tpu.vector_load_idx %arg5[%add3A_395] : memref<98304xf32, #tpu.memory_space<vmem>>[vector<16xi32>], vector<16xf32>,
        %mul3A_397 = arith.mulf %gather3A_392, %gather3A_391 : vector<16xf32>
        %add3A_398 = arith.addf %add3A_378, %mul3A_397 : vector<16xf32>
        %mul3A_399 = arith.mulf %gather3A_396, %gather3A_391 : vector<16xf32>
        %add3A_400 = arith.addf %add3A_380, %mul3A_399 : vector<16xf32>
        %broadcast_in_dim3A_401 = arith.constant 3 : i32
        %broadcast_in_dim3A_402 = vector.broadcast %broadcast_in_dim3A_401 : i32 to vector<16xi32>
        %broadcast_in_dim3A_403 = vector.shape_cast %broadcast_in_dim3A_402 : vector<16xi32> to vector<16x1xi32>
        %gather3A_404 = vector.shape_cast %broadcast_in_dim3A_403 : vector<16x1xi32> to vector<16xi32>
        %gather3A_405 = tpu.dynamic_gather %mul3A_275[%gather3A_404] in [0] : vector<16xi32>, vector<16xi32> -> vector<16xi32>
        %add3A_406 = arith.addi %gather3A_405, %iota3A : vector<16xi32>
        %broadcast_in_dim3A_407 = arith.constant 3 : i32
        %broadcast_in_dim3A_408 = vector.broadcast %broadcast_in_dim3A_407 : i32 to vector<16xi32>
        %broadcast_in_dim3A_409 = vector.shape_cast %broadcast_in_dim3A_408 : vector<16xi32> to vector<16x1xi32>
        %gather3A_410 = vector.shape_cast %broadcast_in_dim3A_409 : vector<16x1xi32> to vector<16xi32>
        %gather3A_411 = tpu.dynamic_gather %mul3A_332[%gather3A_410] in [0] : vector<16xf32>, vector<16xi32> -> vector<16xf32>
        %gather3A_412 = tpu.vector_load_idx %arg5[%add3A_406] : memref<98304xf32, #tpu.memory_space<vmem>>[vector<16xi32>], vector<16xf32>,
        %add3A_413 = arith.constant 16 : i32
        %add3A_414 = vector.broadcast %add3A_413 : i32 to vector<16xi32>
        %add3A_415 = arith.addi %add3A_406, %add3A_414 : vector<16xi32>
        %gather3A_416 = tpu.vector_load_idx %arg5[%add3A_415] : memref<98304xf32, #tpu.memory_space<vmem>>[vector<16xi32>], vector<16xf32>,
        %mul3A_417 = arith.mulf %gather3A_412, %gather3A_411 : vector<16xf32>
        %add3A_418 = arith.addf %add3A_398, %mul3A_417 : vector<16xf32>
        %mul3A_419 = arith.mulf %gather3A_416, %gather3A_411 : vector<16xf32>
        %add3A_420 = arith.addf %add3A_400, %mul3A_419 : vector<16xf32>
        %broadcast_in_dim3A_421 = arith.constant 4 : i32
        %broadcast_in_dim3A_422 = vector.broadcast %broadcast_in_dim3A_421 : i32 to vector<16xi32>
        %broadcast_in_dim3A_423 = vector.shape_cast %broadcast_in_dim3A_422 : vector<16xi32> to vector<16x1xi32>
        %gather3A_424 = vector.shape_cast %broadcast_in_dim3A_423 : vector<16x1xi32> to vector<16xi32>
        %gather3A_425 = tpu.dynamic_gather %mul3A_275[%gather3A_424] in [0] : vector<16xi32>, vector<16xi32> -> vector<16xi32>
        %add3A_426 = arith.addi %gather3A_425, %iota3A : vector<16xi32>
        %broadcast_in_dim3A_427 = arith.constant 4 : i32
        %broadcast_in_dim3A_428 = vector.broadcast %broadcast_in_dim3A_427 : i32 to vector<16xi32>
        %broadcast_in_dim3A_429 = vector.shape_cast %broadcast_in_dim3A_428 : vector<16xi32> to vector<16x1xi32>
        %gather3A_430 = vector.shape_cast %broadcast_in_dim3A_429 : vector<16x1xi32> to vector<16xi32>
        %gather3A_431 = tpu.dynamic_gather %mul3A_332[%gather3A_430] in [0] : vector<16xf32>, vector<16xi32> -> vector<16xf32>
        %gather3A_432 = tpu.vector_load_idx %arg5[%add3A_426] : memref<98304xf32, #tpu.memory_space<vmem>>[vector<16xi32>], vector<16xf32>,
        %add3A_433 = arith.constant 16 : i32
        %add3A_434 = vector.broadcast %add3A_433 : i32 to vector<16xi32>
        %add3A_435 = arith.addi %add3A_426, %add3A_434 : vector<16xi32>
        %gather3A_436 = tpu.vector_load_idx %arg5[%add3A_435] : memref<98304xf32, #tpu.memory_space<vmem>>[vector<16xi32>], vector<16xf32>,
        %mul3A_437 = arith.mulf %gather3A_432, %gather3A_431 : vector<16xf32>
        %add3A_438 = arith.addf %add3A_418, %mul3A_437 : vector<16xf32>
        %mul3A_439 = arith.mulf %gather3A_436, %gather3A_431 : vector<16xf32>
        %add3A_440 = arith.addf %add3A_420, %mul3A_439 : vector<16xf32>
        %broadcast_in_dim3A_441 = arith.constant 5 : i32
        %broadcast_in_dim3A_442 = vector.broadcast %broadcast_in_dim3A_441 : i32 to vector<16xi32>
        %broadcast_in_dim3A_443 = vector.shape_cast %broadcast_in_dim3A_442 : vector<16xi32> to vector<16x1xi32>
        %gather3A_444 = vector.shape_cast %broadcast_in_dim3A_443 : vector<16x1xi32> to vector<16xi32>
        %gather3A_445 = tpu.dynamic_gather %mul3A_275[%gather3A_444] in [0] : vector<16xi32>, vector<16xi32> -> vector<16xi32>
        %add3A_446 = arith.addi %gather3A_445, %iota3A : vector<16xi32>
        %broadcast_in_dim3A_447 = arith.constant 5 : i32
        %broadcast_in_dim3A_448 = vector.broadcast %broadcast_in_dim3A_447 : i32 to vector<16xi32>
        %broadcast_in_dim3A_449 = vector.shape_cast %broadcast_in_dim3A_448 : vector<16xi32> to vector<16x1xi32>
        %gather3A_450 = vector.shape_cast %broadcast_in_dim3A_449 : vector<16x1xi32> to vector<16xi32>
        %gather3A_451 = tpu.dynamic_gather %mul3A_332[%gather3A_450] in [0] : vector<16xf32>, vector<16xi32> -> vector<16xf32>
        %gather3A_452 = tpu.vector_load_idx %arg5[%add3A_446] : memref<98304xf32, #tpu.memory_space<vmem>>[vector<16xi32>], vector<16xf32>,
        %add3A_453 = arith.constant 16 : i32
        %add3A_454 = vector.broadcast %add3A_453 : i32 to vector<16xi32>
        %add3A_455 = arith.addi %add3A_446, %add3A_454 : vector<16xi32>
        %gather3A_456 = tpu.vector_load_idx %arg5[%add3A_455] : memref<98304xf32, #tpu.memory_space<vmem>>[vector<16xi32>], vector<16xf32>,
        %mul3A_457 = arith.mulf %gather3A_452, %gather3A_451 : vector<16xf32>
        %add3A_458 = arith.addf %add3A_438, %mul3A_457 : vector<16xf32>
        %mul3A_459 = arith.mulf %gather3A_456, %gather3A_451 : vector<16xf32>
        %add3A_460 = arith.addf %add3A_440, %mul3A_459 : vector<16xf32>
        %broadcast_in_dim3A_461 = arith.constant 6 : i32
        %broadcast_in_dim3A_462 = vector.broadcast %broadcast_in_dim3A_461 : i32 to vector<16xi32>
        %broadcast_in_dim3A_463 = vector.shape_cast %broadcast_in_dim3A_462 : vector<16xi32> to vector<16x1xi32>
        %gather3A_464 = vector.shape_cast %broadcast_in_dim3A_463 : vector<16x1xi32> to vector<16xi32>
        %gather3A_465 = tpu.dynamic_gather %mul3A_275[%gather3A_464] in [0] : vector<16xi32>, vector<16xi32> -> vector<16xi32>
        %add3A_466 = arith.addi %gather3A_465, %iota3A : vector<16xi32>
        %broadcast_in_dim3A_467 = arith.constant 6 : i32
        %broadcast_in_dim3A_468 = vector.broadcast %broadcast_in_dim3A_467 : i32 to vector<16xi32>
        %broadcast_in_dim3A_469 = vector.shape_cast %broadcast_in_dim3A_468 : vector<16xi32> to vector<16x1xi32>
        %gather3A_470 = vector.shape_cast %broadcast_in_dim3A_469 : vector<16x1xi32> to vector<16xi32>
        %gather3A_471 = tpu.dynamic_gather %mul3A_332[%gather3A_470] in [0] : vector<16xf32>, vector<16xi32> -> vector<16xf32>
        %gather3A_472 = tpu.vector_load_idx %arg5[%add3A_466] : memref<98304xf32, #tpu.memory_space<vmem>>[vector<16xi32>], vector<16xf32>,
        %add3A_473 = arith.constant 16 : i32
        %add3A_474 = vector.broadcast %add3A_473 : i32 to vector<16xi32>
        %add3A_475 = arith.addi %add3A_466, %add3A_474 : vector<16xi32>
        %gather3A_476 = tpu.vector_load_idx %arg5[%add3A_475] : memref<98304xf32, #tpu.memory_space<vmem>>[vector<16xi32>], vector<16xf32>,
        %mul3A_477 = arith.mulf %gather3A_472, %gather3A_471 : vector<16xf32>
        %add3A_478 = arith.addf %add3A_458, %mul3A_477 : vector<16xf32>
        %mul3A_479 = arith.mulf %gather3A_476, %gather3A_471 : vector<16xf32>
        %add3A_480 = arith.addf %add3A_460, %mul3A_479 : vector<16xf32>
        %broadcast_in_dim3A_481 = arith.constant 7 : i32
        %broadcast_in_dim3A_482 = vector.broadcast %broadcast_in_dim3A_481 : i32 to vector<16xi32>
        %broadcast_in_dim3A_483 = vector.shape_cast %broadcast_in_dim3A_482 : vector<16xi32> to vector<16x1xi32>
        %gather3A_484 = vector.shape_cast %broadcast_in_dim3A_483 : vector<16x1xi32> to vector<16xi32>
        %gather3A_485 = tpu.dynamic_gather %mul3A_275[%gather3A_484] in [0] : vector<16xi32>, vector<16xi32> -> vector<16xi32>
        %add3A_486 = arith.addi %gather3A_485, %iota3A : vector<16xi32>
        %broadcast_in_dim3A_487 = arith.constant 7 : i32
        %broadcast_in_dim3A_488 = vector.broadcast %broadcast_in_dim3A_487 : i32 to vector<16xi32>
        %broadcast_in_dim3A_489 = vector.shape_cast %broadcast_in_dim3A_488 : vector<16xi32> to vector<16x1xi32>
        %gather3A_490 = vector.shape_cast %broadcast_in_dim3A_489 : vector<16x1xi32> to vector<16xi32>
        %gather3A_491 = tpu.dynamic_gather %mul3A_332[%gather3A_490] in [0] : vector<16xf32>, vector<16xi32> -> vector<16xf32>
        %gather3A_492 = tpu.vector_load_idx %arg5[%add3A_486] : memref<98304xf32, #tpu.memory_space<vmem>>[vector<16xi32>], vector<16xf32>,
        %add3A_493 = arith.constant 16 : i32
        %add3A_494 = vector.broadcast %add3A_493 : i32 to vector<16xi32>
        %add3A_495 = arith.addi %add3A_486, %add3A_494 : vector<16xi32>
        %gather3A_496 = tpu.vector_load_idx %arg5[%add3A_495] : memref<98304xf32, #tpu.memory_space<vmem>>[vector<16xi32>], vector<16xf32>,
        %mul3A_497 = arith.mulf %gather3A_492, %gather3A_491 : vector<16xf32>
        %add3A_498 = arith.addf %add3A_478, %mul3A_497 : vector<16xf32>
        %mul3A_499 = arith.mulf %gather3A_496, %gather3A_491 : vector<16xf32>
        %add3A_500 = arith.addf %add3A_480, %mul3A_499 : vector<16xf32>
        %broadcast_in_dim3A_501 = arith.constant 8 : i32
        %broadcast_in_dim3A_502 = vector.broadcast %broadcast_in_dim3A_501 : i32 to vector<16xi32>
        %broadcast_in_dim3A_503 = vector.shape_cast %broadcast_in_dim3A_502 : vector<16xi32> to vector<16x1xi32>
        %gather3A_504 = vector.shape_cast %broadcast_in_dim3A_503 : vector<16x1xi32> to vector<16xi32>
        %gather3A_505 = tpu.dynamic_gather %mul3A_275[%gather3A_504] in [0] : vector<16xi32>, vector<16xi32> -> vector<16xi32>
        %add3A_506 = arith.addi %gather3A_505, %iota3A : vector<16xi32>
        %broadcast_in_dim3A_507 = arith.constant 8 : i32
        %broadcast_in_dim3A_508 = vector.broadcast %broadcast_in_dim3A_507 : i32 to vector<16xi32>
        %broadcast_in_dim3A_509 = vector.shape_cast %broadcast_in_dim3A_508 : vector<16xi32> to vector<16x1xi32>
        %gather3A_510 = vector.shape_cast %broadcast_in_dim3A_509 : vector<16x1xi32> to vector<16xi32>
        %gather3A_511 = tpu.dynamic_gather %mul3A_332[%gather3A_510] in [0] : vector<16xf32>, vector<16xi32> -> vector<16xf32>
        %gather3A_512 = tpu.vector_load_idx %arg5[%add3A_506] : memref<98304xf32, #tpu.memory_space<vmem>>[vector<16xi32>], vector<16xf32>,
        %add3A_513 = arith.constant 16 : i32
        %add3A_514 = vector.broadcast %add3A_513 : i32 to vector<16xi32>
        %add3A_515 = arith.addi %add3A_506, %add3A_514 : vector<16xi32>
        %gather3A_516 = tpu.vector_load_idx %arg5[%add3A_515] : memref<98304xf32, #tpu.memory_space<vmem>>[vector<16xi32>], vector<16xf32>,
        %mul3A_517 = arith.mulf %gather3A_512, %gather3A_511 : vector<16xf32>
        %add3A_518 = arith.addf %add3A_498, %mul3A_517 : vector<16xf32>
        %mul3A_519 = arith.mulf %gather3A_516, %gather3A_511 : vector<16xf32>
        %add3A_520 = arith.addf %add3A_500, %mul3A_519 : vector<16xf32>
        %broadcast_in_dim3A_521 = arith.constant 9 : i32
        %broadcast_in_dim3A_522 = vector.broadcast %broadcast_in_dim3A_521 : i32 to vector<16xi32>
        %broadcast_in_dim3A_523 = vector.shape_cast %broadcast_in_dim3A_522 : vector<16xi32> to vector<16x1xi32>
        %gather3A_524 = vector.shape_cast %broadcast_in_dim3A_523 : vector<16x1xi32> to vector<16xi32>
        %gather3A_525 = tpu.dynamic_gather %mul3A_275[%gather3A_524] in [0] : vector<16xi32>, vector<16xi32> -> vector<16xi32>
        %add3A_526 = arith.addi %gather3A_525, %iota3A : vector<16xi32>
        %broadcast_in_dim3A_527 = arith.constant 9 : i32
        %broadcast_in_dim3A_528 = vector.broadcast %broadcast_in_dim3A_527 : i32 to vector<16xi32>
        %broadcast_in_dim3A_529 = vector.shape_cast %broadcast_in_dim3A_528 : vector<16xi32> to vector<16x1xi32>
        %gather3A_530 = vector.shape_cast %broadcast_in_dim3A_529 : vector<16x1xi32> to vector<16xi32>
        %gather3A_531 = tpu.dynamic_gather %mul3A_332[%gather3A_530] in [0] : vector<16xf32>, vector<16xi32> -> vector<16xf32>
        %gather3A_532 = tpu.vector_load_idx %arg5[%add3A_526] : memref<98304xf32, #tpu.memory_space<vmem>>[vector<16xi32>], vector<16xf32>,
        %add3A_533 = arith.constant 16 : i32
        %add3A_534 = vector.broadcast %add3A_533 : i32 to vector<16xi32>
        %add3A_535 = arith.addi %add3A_526, %add3A_534 : vector<16xi32>
        %gather3A_536 = tpu.vector_load_idx %arg5[%add3A_535] : memref<98304xf32, #tpu.memory_space<vmem>>[vector<16xi32>], vector<16xf32>,
        %mul3A_537 = arith.mulf %gather3A_532, %gather3A_531 : vector<16xf32>
        %add3A_538 = arith.addf %add3A_518, %mul3A_537 : vector<16xf32>
        %mul3A_539 = arith.mulf %gather3A_536, %gather3A_531 : vector<16xf32>
        %add3A_540 = arith.addf %add3A_520, %mul3A_539 : vector<16xf32>
        %broadcast_in_dim3A_541 = arith.constant 10 : i32
        %broadcast_in_dim3A_542 = vector.broadcast %broadcast_in_dim3A_541 : i32 to vector<16xi32>
        %broadcast_in_dim3A_543 = vector.shape_cast %broadcast_in_dim3A_542 : vector<16xi32> to vector<16x1xi32>
        %gather3A_544 = vector.shape_cast %broadcast_in_dim3A_543 : vector<16x1xi32> to vector<16xi32>
        %gather3A_545 = tpu.dynamic_gather %mul3A_275[%gather3A_544] in [0] : vector<16xi32>, vector<16xi32> -> vector<16xi32>
        %add3A_546 = arith.addi %gather3A_545, %iota3A : vector<16xi32>
        %broadcast_in_dim3A_547 = arith.constant 10 : i32
        %broadcast_in_dim3A_548 = vector.broadcast %broadcast_in_dim3A_547 : i32 to vector<16xi32>
        %broadcast_in_dim3A_549 = vector.shape_cast %broadcast_in_dim3A_548 : vector<16xi32> to vector<16x1xi32>
        %gather3A_550 = vector.shape_cast %broadcast_in_dim3A_549 : vector<16x1xi32> to vector<16xi32>
        %gather3A_551 = tpu.dynamic_gather %mul3A_332[%gather3A_550] in [0] : vector<16xf32>, vector<16xi32> -> vector<16xf32>
        %gather3A_552 = tpu.vector_load_idx %arg5[%add3A_546] : memref<98304xf32, #tpu.memory_space<vmem>>[vector<16xi32>], vector<16xf32>,
        %add3A_553 = arith.constant 16 : i32
        %add3A_554 = vector.broadcast %add3A_553 : i32 to vector<16xi32>
        %add3A_555 = arith.addi %add3A_546, %add3A_554 : vector<16xi32>
        %gather3A_556 = tpu.vector_load_idx %arg5[%add3A_555] : memref<98304xf32, #tpu.memory_space<vmem>>[vector<16xi32>], vector<16xf32>,
        %mul3A_557 = arith.mulf %gather3A_552, %gather3A_551 : vector<16xf32>
        %add3A_558 = arith.addf %add3A_538, %mul3A_557 : vector<16xf32>
        %mul3A_559 = arith.mulf %gather3A_556, %gather3A_551 : vector<16xf32>
        %add3A_560 = arith.addf %add3A_540, %mul3A_559 : vector<16xf32>
        %broadcast_in_dim3A_561 = arith.constant 11 : i32
        %broadcast_in_dim3A_562 = vector.broadcast %broadcast_in_dim3A_561 : i32 to vector<16xi32>
        %broadcast_in_dim3A_563 = vector.shape_cast %broadcast_in_dim3A_562 : vector<16xi32> to vector<16x1xi32>
        %gather3A_564 = vector.shape_cast %broadcast_in_dim3A_563 : vector<16x1xi32> to vector<16xi32>
        %gather3A_565 = tpu.dynamic_gather %mul3A_275[%gather3A_564] in [0] : vector<16xi32>, vector<16xi32> -> vector<16xi32>
        %add3A_566 = arith.addi %gather3A_565, %iota3A : vector<16xi32>
        %broadcast_in_dim3A_567 = arith.constant 11 : i32
        %broadcast_in_dim3A_568 = vector.broadcast %broadcast_in_dim3A_567 : i32 to vector<16xi32>
        %broadcast_in_dim3A_569 = vector.shape_cast %broadcast_in_dim3A_568 : vector<16xi32> to vector<16x1xi32>
        %gather3A_570 = vector.shape_cast %broadcast_in_dim3A_569 : vector<16x1xi32> to vector<16xi32>
        %gather3A_571 = tpu.dynamic_gather %mul3A_332[%gather3A_570] in [0] : vector<16xf32>, vector<16xi32> -> vector<16xf32>
        %gather3A_572 = tpu.vector_load_idx %arg5[%add3A_566] : memref<98304xf32, #tpu.memory_space<vmem>>[vector<16xi32>], vector<16xf32>,
        %add3A_573 = arith.constant 16 : i32
        %add3A_574 = vector.broadcast %add3A_573 : i32 to vector<16xi32>
        %add3A_575 = arith.addi %add3A_566, %add3A_574 : vector<16xi32>
        %gather3A_576 = tpu.vector_load_idx %arg5[%add3A_575] : memref<98304xf32, #tpu.memory_space<vmem>>[vector<16xi32>], vector<16xf32>,
        %mul3A_577 = arith.mulf %gather3A_572, %gather3A_571 : vector<16xf32>
        %add3A_578 = arith.addf %add3A_558, %mul3A_577 : vector<16xf32>
        %mul3A_579 = arith.mulf %gather3A_576, %gather3A_571 : vector<16xf32>
        %add3A_580 = arith.addf %add3A_560, %mul3A_579 : vector<16xf32>
        %broadcast_in_dim3A_581 = arith.constant 12 : i32
        %broadcast_in_dim3A_582 = vector.broadcast %broadcast_in_dim3A_581 : i32 to vector<16xi32>
        %broadcast_in_dim3A_583 = vector.shape_cast %broadcast_in_dim3A_582 : vector<16xi32> to vector<16x1xi32>
        %gather3A_584 = vector.shape_cast %broadcast_in_dim3A_583 : vector<16x1xi32> to vector<16xi32>
        %gather3A_585 = tpu.dynamic_gather %mul3A_275[%gather3A_584] in [0] : vector<16xi32>, vector<16xi32> -> vector<16xi32>
        %add3A_586 = arith.addi %gather3A_585, %iota3A : vector<16xi32>
        %broadcast_in_dim3A_587 = arith.constant 12 : i32
        %broadcast_in_dim3A_588 = vector.broadcast %broadcast_in_dim3A_587 : i32 to vector<16xi32>
        %broadcast_in_dim3A_589 = vector.shape_cast %broadcast_in_dim3A_588 : vector<16xi32> to vector<16x1xi32>
        %gather3A_590 = vector.shape_cast %broadcast_in_dim3A_589 : vector<16x1xi32> to vector<16xi32>
        %gather3A_591 = tpu.dynamic_gather %mul3A_332[%gather3A_590] in [0] : vector<16xf32>, vector<16xi32> -> vector<16xf32>
        %gather3A_592 = tpu.vector_load_idx %arg5[%add3A_586] : memref<98304xf32, #tpu.memory_space<vmem>>[vector<16xi32>], vector<16xf32>,
        %add3A_593 = arith.constant 16 : i32
        %add3A_594 = vector.broadcast %add3A_593 : i32 to vector<16xi32>
        %add3A_595 = arith.addi %add3A_586, %add3A_594 : vector<16xi32>
        %gather3A_596 = tpu.vector_load_idx %arg5[%add3A_595] : memref<98304xf32, #tpu.memory_space<vmem>>[vector<16xi32>], vector<16xf32>,
        %mul3A_597 = arith.mulf %gather3A_592, %gather3A_591 : vector<16xf32>
        %add3A_598 = arith.addf %add3A_578, %mul3A_597 : vector<16xf32>
        %mul3A_599 = arith.mulf %gather3A_596, %gather3A_591 : vector<16xf32>
        %add3A_600 = arith.addf %add3A_580, %mul3A_599 : vector<16xf32>
        %broadcast_in_dim3A_601 = arith.constant 13 : i32
        %broadcast_in_dim3A_602 = vector.broadcast %broadcast_in_dim3A_601 : i32 to vector<16xi32>
        %broadcast_in_dim3A_603 = vector.shape_cast %broadcast_in_dim3A_602 : vector<16xi32> to vector<16x1xi32>
        %gather3A_604 = vector.shape_cast %broadcast_in_dim3A_603 : vector<16x1xi32> to vector<16xi32>
        %gather3A_605 = tpu.dynamic_gather %mul3A_275[%gather3A_604] in [0] : vector<16xi32>, vector<16xi32> -> vector<16xi32>
        %add3A_606 = arith.addi %gather3A_605, %iota3A : vector<16xi32>
        %broadcast_in_dim3A_607 = arith.constant 13 : i32
        %broadcast_in_dim3A_608 = vector.broadcast %broadcast_in_dim3A_607 : i32 to vector<16xi32>
        %broadcast_in_dim3A_609 = vector.shape_cast %broadcast_in_dim3A_608 : vector<16xi32> to vector<16x1xi32>
        %gather3A_610 = vector.shape_cast %broadcast_in_dim3A_609 : vector<16x1xi32> to vector<16xi32>
        %gather3A_611 = tpu.dynamic_gather %mul3A_332[%gather3A_610] in [0] : vector<16xf32>, vector<16xi32> -> vector<16xf32>
        %gather3A_612 = tpu.vector_load_idx %arg5[%add3A_606] : memref<98304xf32, #tpu.memory_space<vmem>>[vector<16xi32>], vector<16xf32>,
        %add3A_613 = arith.constant 16 : i32
        %add3A_614 = vector.broadcast %add3A_613 : i32 to vector<16xi32>
        %add3A_615 = arith.addi %add3A_606, %add3A_614 : vector<16xi32>
        %gather3A_616 = tpu.vector_load_idx %arg5[%add3A_615] : memref<98304xf32, #tpu.memory_space<vmem>>[vector<16xi32>], vector<16xf32>,
        %mul3A_617 = arith.mulf %gather3A_612, %gather3A_611 : vector<16xf32>
        %add3A_618 = arith.addf %add3A_598, %mul3A_617 : vector<16xf32>
        %mul3A_619 = arith.mulf %gather3A_616, %gather3A_611 : vector<16xf32>
        %add3A_620 = arith.addf %add3A_600, %mul3A_619 : vector<16xf32>
        %broadcast_in_dim3A_621 = arith.constant 14 : i32
        %broadcast_in_dim3A_622 = vector.broadcast %broadcast_in_dim3A_621 : i32 to vector<16xi32>
        %broadcast_in_dim3A_623 = vector.shape_cast %broadcast_in_dim3A_622 : vector<16xi32> to vector<16x1xi32>
        %gather3A_624 = vector.shape_cast %broadcast_in_dim3A_623 : vector<16x1xi32> to vector<16xi32>
        %gather3A_625 = tpu.dynamic_gather %mul3A_275[%gather3A_624] in [0] : vector<16xi32>, vector<16xi32> -> vector<16xi32>
        %add3A_626 = arith.addi %gather3A_625, %iota3A : vector<16xi32>
        %broadcast_in_dim3A_627 = arith.constant 14 : i32
        %broadcast_in_dim3A_628 = vector.broadcast %broadcast_in_dim3A_627 : i32 to vector<16xi32>
        %broadcast_in_dim3A_629 = vector.shape_cast %broadcast_in_dim3A_628 : vector<16xi32> to vector<16x1xi32>
        %gather3A_630 = vector.shape_cast %broadcast_in_dim3A_629 : vector<16x1xi32> to vector<16xi32>
        %gather3A_631 = tpu.dynamic_gather %mul3A_332[%gather3A_630] in [0] : vector<16xf32>, vector<16xi32> -> vector<16xf32>
        %gather3A_632 = tpu.vector_load_idx %arg5[%add3A_626] : memref<98304xf32, #tpu.memory_space<vmem>>[vector<16xi32>], vector<16xf32>,
        %add3A_633 = arith.constant 16 : i32
        %add3A_634 = vector.broadcast %add3A_633 : i32 to vector<16xi32>
        %add3A_635 = arith.addi %add3A_626, %add3A_634 : vector<16xi32>
        %gather3A_636 = tpu.vector_load_idx %arg5[%add3A_635] : memref<98304xf32, #tpu.memory_space<vmem>>[vector<16xi32>], vector<16xf32>,
        %mul3A_637 = arith.mulf %gather3A_632, %gather3A_631 : vector<16xf32>
        %add3A_638 = arith.addf %add3A_618, %mul3A_637 : vector<16xf32>
        %mul3A_639 = arith.mulf %gather3A_636, %gather3A_631 : vector<16xf32>
        %add3A_640 = arith.addf %add3A_620, %mul3A_639 : vector<16xf32>
        %broadcast_in_dim3A_641 = arith.constant 15 : i32
        %broadcast_in_dim3A_642 = vector.broadcast %broadcast_in_dim3A_641 : i32 to vector<16xi32>
        %broadcast_in_dim3A_643 = vector.shape_cast %broadcast_in_dim3A_642 : vector<16xi32> to vector<16x1xi32>
        %gather3A_644 = vector.shape_cast %broadcast_in_dim3A_643 : vector<16x1xi32> to vector<16xi32>
        %gather3A_645 = tpu.dynamic_gather %mul3A_275[%gather3A_644] in [0] : vector<16xi32>, vector<16xi32> -> vector<16xi32>
        %add3A_646 = arith.addi %gather3A_645, %iota3A : vector<16xi32>
        %broadcast_in_dim3A_647 = arith.constant 15 : i32
        %broadcast_in_dim3A_648 = vector.broadcast %broadcast_in_dim3A_647 : i32 to vector<16xi32>
        %broadcast_in_dim3A_649 = vector.shape_cast %broadcast_in_dim3A_648 : vector<16xi32> to vector<16x1xi32>
        %gather3A_650 = vector.shape_cast %broadcast_in_dim3A_649 : vector<16x1xi32> to vector<16xi32>
        %gather3A_651 = tpu.dynamic_gather %mul3A_332[%gather3A_650] in [0] : vector<16xf32>, vector<16xi32> -> vector<16xf32>
        %gather3A_652 = tpu.vector_load_idx %arg5[%add3A_646] : memref<98304xf32, #tpu.memory_space<vmem>>[vector<16xi32>], vector<16xf32>,
        %add3A_653 = arith.constant 16 : i32
        %add3A_654 = vector.broadcast %add3A_653 : i32 to vector<16xi32>
        %add3A_655 = arith.addi %add3A_646, %add3A_654 : vector<16xi32>
        %gather3A_656 = tpu.vector_load_idx %arg5[%add3A_655] : memref<98304xf32, #tpu.memory_space<vmem>>[vector<16xi32>], vector<16xf32>,
        %mul3A_657 = arith.mulf %gather3A_652, %gather3A_651 : vector<16xf32>
        %add3A_658 = arith.addf %add3A_638, %mul3A_657 : vector<16xf32>
        %mul3A_659 = arith.mulf %gather3A_656, %gather3A_651 : vector<16xf32>
        %add3A_660 = arith.addf %add3A_640, %mul3A_659 : vector<16xf32>
        %broadcast_in_dim3A_661 = arith.constant 0 : i32
        %broadcast_in_dim3A_662 = vector.broadcast %broadcast_in_dim3A_661 : i32 to vector<16xi32>
        %broadcast_in_dim3A_663 = vector.shape_cast %broadcast_in_dim3A_662 : vector<16xi32> to vector<16x1xi32>
        %gather3A_664 = vector.shape_cast %broadcast_in_dim3A_663 : vector<16x1xi32> to vector<16xi32>
        %gather3A_665 = tpu.dynamic_gather %add3A_333[%gather3A_664] in [0] : vector<16xi32>, vector<16xi32> -> vector<16xi32>
        %add3A_666 = arith.addi %gather3A_665, %iota3A : vector<16xi32>
        %broadcast_in_dim3A_667 = arith.constant 0 : i32
        %broadcast_in_dim3A_668 = vector.broadcast %broadcast_in_dim3A_667 : i32 to vector<16xi32>
        %broadcast_in_dim3A_669 = vector.shape_cast %broadcast_in_dim3A_668 : vector<16xi32> to vector<16x1xi32>
        %gather3A_670 = vector.shape_cast %broadcast_in_dim3A_669 : vector<16x1xi32> to vector<16xi32>
        %gather3A_671 = tpu.dynamic_gather %mul3A_334[%gather3A_670] in [0] : vector<16xf32>, vector<16xi32> -> vector<16xf32>
        %gather3A_672 = tpu.vector_load_idx %arg5[%add3A_666] : memref<98304xf32, #tpu.memory_space<vmem>>[vector<16xi32>], vector<16xf32>,
        %add3A_673 = arith.constant 16 : i32
        %add3A_674 = vector.broadcast %add3A_673 : i32 to vector<16xi32>
        %add3A_675 = arith.addi %add3A_666, %add3A_674 : vector<16xi32>
        %gather3A_676 = tpu.vector_load_idx %arg5[%add3A_675] : memref<98304xf32, #tpu.memory_space<vmem>>[vector<16xi32>], vector<16xf32>,
        %mul3A_677 = arith.mulf %gather3A_672, %gather3A_671 : vector<16xf32>
        %add3A_678 = arith.addf %add3A_658, %mul3A_677 : vector<16xf32>
        %mul3A_679 = arith.mulf %gather3A_676, %gather3A_671 : vector<16xf32>
        %add3A_680 = arith.addf %add3A_660, %mul3A_679 : vector<16xf32>
        %broadcast_in_dim3A_681 = arith.constant 1 : i32
        %broadcast_in_dim3A_682 = vector.broadcast %broadcast_in_dim3A_681 : i32 to vector<16xi32>
        %broadcast_in_dim3A_683 = vector.shape_cast %broadcast_in_dim3A_682 : vector<16xi32> to vector<16x1xi32>
        %gather3A_684 = vector.shape_cast %broadcast_in_dim3A_683 : vector<16x1xi32> to vector<16xi32>
        %gather3A_685 = tpu.dynamic_gather %add3A_333[%gather3A_684] in [0] : vector<16xi32>, vector<16xi32> -> vector<16xi32>
        %add3A_686 = arith.addi %gather3A_685, %iota3A : vector<16xi32>
        %broadcast_in_dim3A_687 = arith.constant 1 : i32
        %broadcast_in_dim3A_688 = vector.broadcast %broadcast_in_dim3A_687 : i32 to vector<16xi32>
        %broadcast_in_dim3A_689 = vector.shape_cast %broadcast_in_dim3A_688 : vector<16xi32> to vector<16x1xi32>
        %gather3A_690 = vector.shape_cast %broadcast_in_dim3A_689 : vector<16x1xi32> to vector<16xi32>
        %gather3A_691 = tpu.dynamic_gather %mul3A_334[%gather3A_690] in [0] : vector<16xf32>, vector<16xi32> -> vector<16xf32>
        %gather3A_692 = tpu.vector_load_idx %arg5[%add3A_686] : memref<98304xf32, #tpu.memory_space<vmem>>[vector<16xi32>], vector<16xf32>,
        %add3A_693 = arith.constant 16 : i32
        %add3A_694 = vector.broadcast %add3A_693 : i32 to vector<16xi32>
        %add3A_695 = arith.addi %add3A_686, %add3A_694 : vector<16xi32>
        %gather3A_696 = tpu.vector_load_idx %arg5[%add3A_695] : memref<98304xf32, #tpu.memory_space<vmem>>[vector<16xi32>], vector<16xf32>,
        %mul3A_697 = arith.mulf %gather3A_692, %gather3A_691 : vector<16xf32>
        %add3A_698 = arith.addf %add3A_678, %mul3A_697 : vector<16xf32>
        %mul3A_699 = arith.mulf %gather3A_696, %gather3A_691 : vector<16xf32>
        %add3A_700 = arith.addf %add3A_680, %mul3A_699 : vector<16xf32>
        %broadcast_in_dim3A_701 = arith.constant 2 : i32
        %broadcast_in_dim3A_702 = vector.broadcast %broadcast_in_dim3A_701 : i32 to vector<16xi32>
        %broadcast_in_dim3A_703 = vector.shape_cast %broadcast_in_dim3A_702 : vector<16xi32> to vector<16x1xi32>
        %gather3A_704 = vector.shape_cast %broadcast_in_dim3A_703 : vector<16x1xi32> to vector<16xi32>
        %gather3A_705 = tpu.dynamic_gather %add3A_333[%gather3A_704] in [0] : vector<16xi32>, vector<16xi32> -> vector<16xi32>
        %add3A_706 = arith.addi %gather3A_705, %iota3A : vector<16xi32>
        %broadcast_in_dim3A_707 = arith.constant 2 : i32
        %broadcast_in_dim3A_708 = vector.broadcast %broadcast_in_dim3A_707 : i32 to vector<16xi32>
        %broadcast_in_dim3A_709 = vector.shape_cast %broadcast_in_dim3A_708 : vector<16xi32> to vector<16x1xi32>
        %gather3A_710 = vector.shape_cast %broadcast_in_dim3A_709 : vector<16x1xi32> to vector<16xi32>
        %gather3A_711 = tpu.dynamic_gather %mul3A_334[%gather3A_710] in [0] : vector<16xf32>, vector<16xi32> -> vector<16xf32>
        %gather3A_712 = tpu.vector_load_idx %arg5[%add3A_706] : memref<98304xf32, #tpu.memory_space<vmem>>[vector<16xi32>], vector<16xf32>,
        %add3A_713 = arith.constant 16 : i32
        %add3A_714 = vector.broadcast %add3A_713 : i32 to vector<16xi32>
        %add3A_715 = arith.addi %add3A_706, %add3A_714 : vector<16xi32>
        %gather3A_716 = tpu.vector_load_idx %arg5[%add3A_715] : memref<98304xf32, #tpu.memory_space<vmem>>[vector<16xi32>], vector<16xf32>,
        %mul3A_717 = arith.mulf %gather3A_712, %gather3A_711 : vector<16xf32>
        %add3A_718 = arith.addf %add3A_698, %mul3A_717 : vector<16xf32>
        %mul3A_719 = arith.mulf %gather3A_716, %gather3A_711 : vector<16xf32>
        %add3A_720 = arith.addf %add3A_700, %mul3A_719 : vector<16xf32>
        %broadcast_in_dim3A_721 = arith.constant 3 : i32
        %broadcast_in_dim3A_722 = vector.broadcast %broadcast_in_dim3A_721 : i32 to vector<16xi32>
        %broadcast_in_dim3A_723 = vector.shape_cast %broadcast_in_dim3A_722 : vector<16xi32> to vector<16x1xi32>
        %gather3A_724 = vector.shape_cast %broadcast_in_dim3A_723 : vector<16x1xi32> to vector<16xi32>
        %gather3A_725 = tpu.dynamic_gather %add3A_333[%gather3A_724] in [0] : vector<16xi32>, vector<16xi32> -> vector<16xi32>
        %add3A_726 = arith.addi %gather3A_725, %iota3A : vector<16xi32>
        %broadcast_in_dim3A_727 = arith.constant 3 : i32
        %broadcast_in_dim3A_728 = vector.broadcast %broadcast_in_dim3A_727 : i32 to vector<16xi32>
        %broadcast_in_dim3A_729 = vector.shape_cast %broadcast_in_dim3A_728 : vector<16xi32> to vector<16x1xi32>
        %gather3A_730 = vector.shape_cast %broadcast_in_dim3A_729 : vector<16x1xi32> to vector<16xi32>
        %gather3A_731 = tpu.dynamic_gather %mul3A_334[%gather3A_730] in [0] : vector<16xf32>, vector<16xi32> -> vector<16xf32>
        %gather3A_732 = tpu.vector_load_idx %arg5[%add3A_726] : memref<98304xf32, #tpu.memory_space<vmem>>[vector<16xi32>], vector<16xf32>,
        %add3A_733 = arith.constant 16 : i32
        %add3A_734 = vector.broadcast %add3A_733 : i32 to vector<16xi32>
        %add3A_735 = arith.addi %add3A_726, %add3A_734 : vector<16xi32>
        %gather3A_736 = tpu.vector_load_idx %arg5[%add3A_735] : memref<98304xf32, #tpu.memory_space<vmem>>[vector<16xi32>], vector<16xf32>,
        %mul3A_737 = arith.mulf %gather3A_732, %gather3A_731 : vector<16xf32>
        %add3A_738 = arith.addf %add3A_718, %mul3A_737 : vector<16xf32>
        %mul3A_739 = arith.mulf %gather3A_736, %gather3A_731 : vector<16xf32>
        %add3A_740 = arith.addf %add3A_720, %mul3A_739 : vector<16xf32>
        %broadcast_in_dim3A_741 = arith.constant 4 : i32
        %broadcast_in_dim3A_742 = vector.broadcast %broadcast_in_dim3A_741 : i32 to vector<16xi32>
        %broadcast_in_dim3A_743 = vector.shape_cast %broadcast_in_dim3A_742 : vector<16xi32> to vector<16x1xi32>
        %gather3A_744 = vector.shape_cast %broadcast_in_dim3A_743 : vector<16x1xi32> to vector<16xi32>
        %gather3A_745 = tpu.dynamic_gather %add3A_333[%gather3A_744] in [0] : vector<16xi32>, vector<16xi32> -> vector<16xi32>
        %add3A_746 = arith.addi %gather3A_745, %iota3A : vector<16xi32>
        %broadcast_in_dim3A_747 = arith.constant 4 : i32
        %broadcast_in_dim3A_748 = vector.broadcast %broadcast_in_dim3A_747 : i32 to vector<16xi32>
        %broadcast_in_dim3A_749 = vector.shape_cast %broadcast_in_dim3A_748 : vector<16xi32> to vector<16x1xi32>
        %gather3A_750 = vector.shape_cast %broadcast_in_dim3A_749 : vector<16x1xi32> to vector<16xi32>
        %gather3A_751 = tpu.dynamic_gather %mul3A_334[%gather3A_750] in [0] : vector<16xf32>, vector<16xi32> -> vector<16xf32>
        %gather3A_752 = tpu.vector_load_idx %arg5[%add3A_746] : memref<98304xf32, #tpu.memory_space<vmem>>[vector<16xi32>], vector<16xf32>,
        %add3A_753 = arith.constant 16 : i32
        %add3A_754 = vector.broadcast %add3A_753 : i32 to vector<16xi32>
        %add3A_755 = arith.addi %add3A_746, %add3A_754 : vector<16xi32>
        %gather3A_756 = tpu.vector_load_idx %arg5[%add3A_755] : memref<98304xf32, #tpu.memory_space<vmem>>[vector<16xi32>], vector<16xf32>,
        %mul3A_757 = arith.mulf %gather3A_752, %gather3A_751 : vector<16xf32>
        %add3A_758 = arith.addf %add3A_738, %mul3A_757 : vector<16xf32>
        %mul3A_759 = arith.mulf %gather3A_756, %gather3A_751 : vector<16xf32>
        %add3A_760 = arith.addf %add3A_740, %mul3A_759 : vector<16xf32>
        %broadcast_in_dim3A_761 = arith.constant 5 : i32
        %broadcast_in_dim3A_762 = vector.broadcast %broadcast_in_dim3A_761 : i32 to vector<16xi32>
        %broadcast_in_dim3A_763 = vector.shape_cast %broadcast_in_dim3A_762 : vector<16xi32> to vector<16x1xi32>
        %gather3A_764 = vector.shape_cast %broadcast_in_dim3A_763 : vector<16x1xi32> to vector<16xi32>
        %gather3A_765 = tpu.dynamic_gather %add3A_333[%gather3A_764] in [0] : vector<16xi32>, vector<16xi32> -> vector<16xi32>
        %add3A_766 = arith.addi %gather3A_765, %iota3A : vector<16xi32>
        %broadcast_in_dim3A_767 = arith.constant 5 : i32
        %broadcast_in_dim3A_768 = vector.broadcast %broadcast_in_dim3A_767 : i32 to vector<16xi32>
        %broadcast_in_dim3A_769 = vector.shape_cast %broadcast_in_dim3A_768 : vector<16xi32> to vector<16x1xi32>
        %gather3A_770 = vector.shape_cast %broadcast_in_dim3A_769 : vector<16x1xi32> to vector<16xi32>
        %gather3A_771 = tpu.dynamic_gather %mul3A_334[%gather3A_770] in [0] : vector<16xf32>, vector<16xi32> -> vector<16xf32>
        %gather3A_772 = tpu.vector_load_idx %arg5[%add3A_766] : memref<98304xf32, #tpu.memory_space<vmem>>[vector<16xi32>], vector<16xf32>,
        %add3A_773 = arith.constant 16 : i32
        %add3A_774 = vector.broadcast %add3A_773 : i32 to vector<16xi32>
        %add3A_775 = arith.addi %add3A_766, %add3A_774 : vector<16xi32>
        %gather3A_776 = tpu.vector_load_idx %arg5[%add3A_775] : memref<98304xf32, #tpu.memory_space<vmem>>[vector<16xi32>], vector<16xf32>,
        %mul3A_777 = arith.mulf %gather3A_772, %gather3A_771 : vector<16xf32>
        %add3A_778 = arith.addf %add3A_758, %mul3A_777 : vector<16xf32>
        %mul3A_779 = arith.mulf %gather3A_776, %gather3A_771 : vector<16xf32>
        %add3A_780 = arith.addf %add3A_760, %mul3A_779 : vector<16xf32>
        %broadcast_in_dim3A_781 = arith.constant 6 : i32
        %broadcast_in_dim3A_782 = vector.broadcast %broadcast_in_dim3A_781 : i32 to vector<16xi32>
        %broadcast_in_dim3A_783 = vector.shape_cast %broadcast_in_dim3A_782 : vector<16xi32> to vector<16x1xi32>
        %gather3A_784 = vector.shape_cast %broadcast_in_dim3A_783 : vector<16x1xi32> to vector<16xi32>
        %gather3A_785 = tpu.dynamic_gather %add3A_333[%gather3A_784] in [0] : vector<16xi32>, vector<16xi32> -> vector<16xi32>
        %add3A_786 = arith.addi %gather3A_785, %iota3A : vector<16xi32>
        %broadcast_in_dim3A_787 = arith.constant 6 : i32
        %broadcast_in_dim3A_788 = vector.broadcast %broadcast_in_dim3A_787 : i32 to vector<16xi32>
        %broadcast_in_dim3A_789 = vector.shape_cast %broadcast_in_dim3A_788 : vector<16xi32> to vector<16x1xi32>
        %gather3A_790 = vector.shape_cast %broadcast_in_dim3A_789 : vector<16x1xi32> to vector<16xi32>
        %gather3A_791 = tpu.dynamic_gather %mul3A_334[%gather3A_790] in [0] : vector<16xf32>, vector<16xi32> -> vector<16xf32>
        %gather3A_792 = tpu.vector_load_idx %arg5[%add3A_786] : memref<98304xf32, #tpu.memory_space<vmem>>[vector<16xi32>], vector<16xf32>,
        %add3A_793 = arith.constant 16 : i32
        %add3A_794 = vector.broadcast %add3A_793 : i32 to vector<16xi32>
        %add3A_795 = arith.addi %add3A_786, %add3A_794 : vector<16xi32>
        %gather3A_796 = tpu.vector_load_idx %arg5[%add3A_795] : memref<98304xf32, #tpu.memory_space<vmem>>[vector<16xi32>], vector<16xf32>,
        %mul3A_797 = arith.mulf %gather3A_792, %gather3A_791 : vector<16xf32>
        %add3A_798 = arith.addf %add3A_778, %mul3A_797 : vector<16xf32>
        %mul3A_799 = arith.mulf %gather3A_796, %gather3A_791 : vector<16xf32>
        %add3A_800 = arith.addf %add3A_780, %mul3A_799 : vector<16xf32>
        %broadcast_in_dim3A_801 = arith.constant 7 : i32
        %broadcast_in_dim3A_802 = vector.broadcast %broadcast_in_dim3A_801 : i32 to vector<16xi32>
        %broadcast_in_dim3A_803 = vector.shape_cast %broadcast_in_dim3A_802 : vector<16xi32> to vector<16x1xi32>
        %gather3A_804 = vector.shape_cast %broadcast_in_dim3A_803 : vector<16x1xi32> to vector<16xi32>
        %gather3A_805 = tpu.dynamic_gather %add3A_333[%gather3A_804] in [0] : vector<16xi32>, vector<16xi32> -> vector<16xi32>
        %add3A_806 = arith.addi %gather3A_805, %iota3A : vector<16xi32>
        %broadcast_in_dim3A_807 = arith.constant 7 : i32
        %broadcast_in_dim3A_808 = vector.broadcast %broadcast_in_dim3A_807 : i32 to vector<16xi32>
        %broadcast_in_dim3A_809 = vector.shape_cast %broadcast_in_dim3A_808 : vector<16xi32> to vector<16x1xi32>
        %gather3A_810 = vector.shape_cast %broadcast_in_dim3A_809 : vector<16x1xi32> to vector<16xi32>
        %gather3A_811 = tpu.dynamic_gather %mul3A_334[%gather3A_810] in [0] : vector<16xf32>, vector<16xi32> -> vector<16xf32>
        %gather3A_812 = tpu.vector_load_idx %arg5[%add3A_806] : memref<98304xf32, #tpu.memory_space<vmem>>[vector<16xi32>], vector<16xf32>,
        %add3A_813 = arith.constant 16 : i32
        %add3A_814 = vector.broadcast %add3A_813 : i32 to vector<16xi32>
        %add3A_815 = arith.addi %add3A_806, %add3A_814 : vector<16xi32>
        %gather3A_816 = tpu.vector_load_idx %arg5[%add3A_815] : memref<98304xf32, #tpu.memory_space<vmem>>[vector<16xi32>], vector<16xf32>,
        %mul3A_817 = arith.mulf %gather3A_812, %gather3A_811 : vector<16xf32>
        %add3A_818 = arith.addf %add3A_798, %mul3A_817 : vector<16xf32>
        %mul3A_819 = arith.mulf %gather3A_816, %gather3A_811 : vector<16xf32>
        %add3A_820 = arith.addf %add3A_800, %mul3A_819 : vector<16xf32>
        %broadcast_in_dim3A_821 = arith.constant 8 : i32
        %broadcast_in_dim3A_822 = vector.broadcast %broadcast_in_dim3A_821 : i32 to vector<16xi32>
        %broadcast_in_dim3A_823 = vector.shape_cast %broadcast_in_dim3A_822 : vector<16xi32> to vector<16x1xi32>
        %gather3A_824 = vector.shape_cast %broadcast_in_dim3A_823 : vector<16x1xi32> to vector<16xi32>
        %gather3A_825 = tpu.dynamic_gather %add3A_333[%gather3A_824] in [0] : vector<16xi32>, vector<16xi32> -> vector<16xi32>
        %add3A_826 = arith.addi %gather3A_825, %iota3A : vector<16xi32>
        %broadcast_in_dim3A_827 = arith.constant 8 : i32
        %broadcast_in_dim3A_828 = vector.broadcast %broadcast_in_dim3A_827 : i32 to vector<16xi32>
        %broadcast_in_dim3A_829 = vector.shape_cast %broadcast_in_dim3A_828 : vector<16xi32> to vector<16x1xi32>
        %gather3A_830 = vector.shape_cast %broadcast_in_dim3A_829 : vector<16x1xi32> to vector<16xi32>
        %gather3A_831 = tpu.dynamic_gather %mul3A_334[%gather3A_830] in [0] : vector<16xf32>, vector<16xi32> -> vector<16xf32>
        %gather3A_832 = tpu.vector_load_idx %arg5[%add3A_826] : memref<98304xf32, #tpu.memory_space<vmem>>[vector<16xi32>], vector<16xf32>,
        %add3A_833 = arith.constant 16 : i32
        %add3A_834 = vector.broadcast %add3A_833 : i32 to vector<16xi32>
        %add3A_835 = arith.addi %add3A_826, %add3A_834 : vector<16xi32>
        %gather3A_836 = tpu.vector_load_idx %arg5[%add3A_835] : memref<98304xf32, #tpu.memory_space<vmem>>[vector<16xi32>], vector<16xf32>,
        %mul3A_837 = arith.mulf %gather3A_832, %gather3A_831 : vector<16xf32>
        %add3A_838 = arith.addf %add3A_818, %mul3A_837 : vector<16xf32>
        %mul3A_839 = arith.mulf %gather3A_836, %gather3A_831 : vector<16xf32>
        %add3A_840 = arith.addf %add3A_820, %mul3A_839 : vector<16xf32>
        %broadcast_in_dim3A_841 = arith.constant 9 : i32
        %broadcast_in_dim3A_842 = vector.broadcast %broadcast_in_dim3A_841 : i32 to vector<16xi32>
        %broadcast_in_dim3A_843 = vector.shape_cast %broadcast_in_dim3A_842 : vector<16xi32> to vector<16x1xi32>
        %gather3A_844 = vector.shape_cast %broadcast_in_dim3A_843 : vector<16x1xi32> to vector<16xi32>
        %gather3A_845 = tpu.dynamic_gather %add3A_333[%gather3A_844] in [0] : vector<16xi32>, vector<16xi32> -> vector<16xi32>
        %add3A_846 = arith.addi %gather3A_845, %iota3A : vector<16xi32>
        %broadcast_in_dim3A_847 = arith.constant 9 : i32
        %broadcast_in_dim3A_848 = vector.broadcast %broadcast_in_dim3A_847 : i32 to vector<16xi32>
        %broadcast_in_dim3A_849 = vector.shape_cast %broadcast_in_dim3A_848 : vector<16xi32> to vector<16x1xi32>
        %gather3A_850 = vector.shape_cast %broadcast_in_dim3A_849 : vector<16x1xi32> to vector<16xi32>
        %gather3A_851 = tpu.dynamic_gather %mul3A_334[%gather3A_850] in [0] : vector<16xf32>, vector<16xi32> -> vector<16xf32>
        %gather3A_852 = tpu.vector_load_idx %arg5[%add3A_846] : memref<98304xf32, #tpu.memory_space<vmem>>[vector<16xi32>], vector<16xf32>,
        %add3A_853 = arith.constant 16 : i32
        %add3A_854 = vector.broadcast %add3A_853 : i32 to vector<16xi32>
        %add3A_855 = arith.addi %add3A_846, %add3A_854 : vector<16xi32>
        %gather3A_856 = tpu.vector_load_idx %arg5[%add3A_855] : memref<98304xf32, #tpu.memory_space<vmem>>[vector<16xi32>], vector<16xf32>,
        %mul3A_857 = arith.mulf %gather3A_852, %gather3A_851 : vector<16xf32>
        %add3A_858 = arith.addf %add3A_838, %mul3A_857 : vector<16xf32>
        %mul3A_859 = arith.mulf %gather3A_856, %gather3A_851 : vector<16xf32>
        %add3A_860 = arith.addf %add3A_840, %mul3A_859 : vector<16xf32>
        %broadcast_in_dim3A_861 = arith.constant 10 : i32
        %broadcast_in_dim3A_862 = vector.broadcast %broadcast_in_dim3A_861 : i32 to vector<16xi32>
        %broadcast_in_dim3A_863 = vector.shape_cast %broadcast_in_dim3A_862 : vector<16xi32> to vector<16x1xi32>
        %gather3A_864 = vector.shape_cast %broadcast_in_dim3A_863 : vector<16x1xi32> to vector<16xi32>
        %gather3A_865 = tpu.dynamic_gather %add3A_333[%gather3A_864] in [0] : vector<16xi32>, vector<16xi32> -> vector<16xi32>
        %add3A_866 = arith.addi %gather3A_865, %iota3A : vector<16xi32>
        %broadcast_in_dim3A_867 = arith.constant 10 : i32
        %broadcast_in_dim3A_868 = vector.broadcast %broadcast_in_dim3A_867 : i32 to vector<16xi32>
        %broadcast_in_dim3A_869 = vector.shape_cast %broadcast_in_dim3A_868 : vector<16xi32> to vector<16x1xi32>
        %gather3A_870 = vector.shape_cast %broadcast_in_dim3A_869 : vector<16x1xi32> to vector<16xi32>
        %gather3A_871 = tpu.dynamic_gather %mul3A_334[%gather3A_870] in [0] : vector<16xf32>, vector<16xi32> -> vector<16xf32>
        %gather3A_872 = tpu.vector_load_idx %arg5[%add3A_866] : memref<98304xf32, #tpu.memory_space<vmem>>[vector<16xi32>], vector<16xf32>,
        %add3A_873 = arith.constant 16 : i32
        %add3A_874 = vector.broadcast %add3A_873 : i32 to vector<16xi32>
        %add3A_875 = arith.addi %add3A_866, %add3A_874 : vector<16xi32>
        %gather3A_876 = tpu.vector_load_idx %arg5[%add3A_875] : memref<98304xf32, #tpu.memory_space<vmem>>[vector<16xi32>], vector<16xf32>,
        %mul3A_877 = arith.mulf %gather3A_872, %gather3A_871 : vector<16xf32>
        %add3A_878 = arith.addf %add3A_858, %mul3A_877 : vector<16xf32>
        %mul3A_879 = arith.mulf %gather3A_876, %gather3A_871 : vector<16xf32>
        %add3A_880 = arith.addf %add3A_860, %mul3A_879 : vector<16xf32>
        %broadcast_in_dim3A_881 = arith.constant 11 : i32
        %broadcast_in_dim3A_882 = vector.broadcast %broadcast_in_dim3A_881 : i32 to vector<16xi32>
        %broadcast_in_dim3A_883 = vector.shape_cast %broadcast_in_dim3A_882 : vector<16xi32> to vector<16x1xi32>
        %gather3A_884 = vector.shape_cast %broadcast_in_dim3A_883 : vector<16x1xi32> to vector<16xi32>
        %gather3A_885 = tpu.dynamic_gather %add3A_333[%gather3A_884] in [0] : vector<16xi32>, vector<16xi32> -> vector<16xi32>
        %add3A_886 = arith.addi %gather3A_885, %iota3A : vector<16xi32>
        %broadcast_in_dim3A_887 = arith.constant 11 : i32
        %broadcast_in_dim3A_888 = vector.broadcast %broadcast_in_dim3A_887 : i32 to vector<16xi32>
        %broadcast_in_dim3A_889 = vector.shape_cast %broadcast_in_dim3A_888 : vector<16xi32> to vector<16x1xi32>
        %gather3A_890 = vector.shape_cast %broadcast_in_dim3A_889 : vector<16x1xi32> to vector<16xi32>
        %gather3A_891 = tpu.dynamic_gather %mul3A_334[%gather3A_890] in [0] : vector<16xf32>, vector<16xi32> -> vector<16xf32>
        %gather3A_892 = tpu.vector_load_idx %arg5[%add3A_886] : memref<98304xf32, #tpu.memory_space<vmem>>[vector<16xi32>], vector<16xf32>,
        %add3A_893 = arith.constant 16 : i32
        %add3A_894 = vector.broadcast %add3A_893 : i32 to vector<16xi32>
        %add3A_895 = arith.addi %add3A_886, %add3A_894 : vector<16xi32>
        %gather3A_896 = tpu.vector_load_idx %arg5[%add3A_895] : memref<98304xf32, #tpu.memory_space<vmem>>[vector<16xi32>], vector<16xf32>,
        %mul3A_897 = arith.mulf %gather3A_892, %gather3A_891 : vector<16xf32>
        %add3A_898 = arith.addf %add3A_878, %mul3A_897 : vector<16xf32>
        %mul3A_899 = arith.mulf %gather3A_896, %gather3A_891 : vector<16xf32>
        %add3A_900 = arith.addf %add3A_880, %mul3A_899 : vector<16xf32>
        %broadcast_in_dim3A_901 = arith.constant 12 : i32
        %broadcast_in_dim3A_902 = vector.broadcast %broadcast_in_dim3A_901 : i32 to vector<16xi32>
        %broadcast_in_dim3A_903 = vector.shape_cast %broadcast_in_dim3A_902 : vector<16xi32> to vector<16x1xi32>
        %gather3A_904 = vector.shape_cast %broadcast_in_dim3A_903 : vector<16x1xi32> to vector<16xi32>
        %gather3A_905 = tpu.dynamic_gather %add3A_333[%gather3A_904] in [0] : vector<16xi32>, vector<16xi32> -> vector<16xi32>
        %add3A_906 = arith.addi %gather3A_905, %iota3A : vector<16xi32>
        %broadcast_in_dim3A_907 = arith.constant 12 : i32
        %broadcast_in_dim3A_908 = vector.broadcast %broadcast_in_dim3A_907 : i32 to vector<16xi32>
        %broadcast_in_dim3A_909 = vector.shape_cast %broadcast_in_dim3A_908 : vector<16xi32> to vector<16x1xi32>
        %gather3A_910 = vector.shape_cast %broadcast_in_dim3A_909 : vector<16x1xi32> to vector<16xi32>
        %gather3A_911 = tpu.dynamic_gather %mul3A_334[%gather3A_910] in [0] : vector<16xf32>, vector<16xi32> -> vector<16xf32>
        %gather3A_912 = tpu.vector_load_idx %arg5[%add3A_906] : memref<98304xf32, #tpu.memory_space<vmem>>[vector<16xi32>], vector<16xf32>,
        %add3A_913 = arith.constant 16 : i32
        %add3A_914 = vector.broadcast %add3A_913 : i32 to vector<16xi32>
        %add3A_915 = arith.addi %add3A_906, %add3A_914 : vector<16xi32>
        %gather3A_916 = tpu.vector_load_idx %arg5[%add3A_915] : memref<98304xf32, #tpu.memory_space<vmem>>[vector<16xi32>], vector<16xf32>,
        %mul3A_917 = arith.mulf %gather3A_912, %gather3A_911 : vector<16xf32>
        %add3A_918 = arith.addf %add3A_898, %mul3A_917 : vector<16xf32>
        %mul3A_919 = arith.mulf %gather3A_916, %gather3A_911 : vector<16xf32>
        %add3A_920 = arith.addf %add3A_900, %mul3A_919 : vector<16xf32>
        %broadcast_in_dim3A_921 = arith.constant 13 : i32
        %broadcast_in_dim3A_922 = vector.broadcast %broadcast_in_dim3A_921 : i32 to vector<16xi32>
        %broadcast_in_dim3A_923 = vector.shape_cast %broadcast_in_dim3A_922 : vector<16xi32> to vector<16x1xi32>
        %gather3A_924 = vector.shape_cast %broadcast_in_dim3A_923 : vector<16x1xi32> to vector<16xi32>
        %gather3A_925 = tpu.dynamic_gather %add3A_333[%gather3A_924] in [0] : vector<16xi32>, vector<16xi32> -> vector<16xi32>
        %add3A_926 = arith.addi %gather3A_925, %iota3A : vector<16xi32>
        %broadcast_in_dim3A_927 = arith.constant 13 : i32
        %broadcast_in_dim3A_928 = vector.broadcast %broadcast_in_dim3A_927 : i32 to vector<16xi32>
        %broadcast_in_dim3A_929 = vector.shape_cast %broadcast_in_dim3A_928 : vector<16xi32> to vector<16x1xi32>
        %gather3A_930 = vector.shape_cast %broadcast_in_dim3A_929 : vector<16x1xi32> to vector<16xi32>
        %gather3A_931 = tpu.dynamic_gather %mul3A_334[%gather3A_930] in [0] : vector<16xf32>, vector<16xi32> -> vector<16xf32>
        %gather3A_932 = tpu.vector_load_idx %arg5[%add3A_926] : memref<98304xf32, #tpu.memory_space<vmem>>[vector<16xi32>], vector<16xf32>,
        %add3A_933 = arith.constant 16 : i32
        %add3A_934 = vector.broadcast %add3A_933 : i32 to vector<16xi32>
        %add3A_935 = arith.addi %add3A_926, %add3A_934 : vector<16xi32>
        %gather3A_936 = tpu.vector_load_idx %arg5[%add3A_935] : memref<98304xf32, #tpu.memory_space<vmem>>[vector<16xi32>], vector<16xf32>,
        %mul3A_937 = arith.mulf %gather3A_932, %gather3A_931 : vector<16xf32>
        %add3A_938 = arith.addf %add3A_918, %mul3A_937 : vector<16xf32>
        %mul3A_939 = arith.mulf %gather3A_936, %gather3A_931 : vector<16xf32>
        %add3A_940 = arith.addf %add3A_920, %mul3A_939 : vector<16xf32>
        %broadcast_in_dim3A_941 = arith.constant 14 : i32
        %broadcast_in_dim3A_942 = vector.broadcast %broadcast_in_dim3A_941 : i32 to vector<16xi32>
        %broadcast_in_dim3A_943 = vector.shape_cast %broadcast_in_dim3A_942 : vector<16xi32> to vector<16x1xi32>
        %gather3A_944 = vector.shape_cast %broadcast_in_dim3A_943 : vector<16x1xi32> to vector<16xi32>
        %gather3A_945 = tpu.dynamic_gather %add3A_333[%gather3A_944] in [0] : vector<16xi32>, vector<16xi32> -> vector<16xi32>
        %add3A_946 = arith.addi %gather3A_945, %iota3A : vector<16xi32>
        %broadcast_in_dim3A_947 = arith.constant 14 : i32
        %broadcast_in_dim3A_948 = vector.broadcast %broadcast_in_dim3A_947 : i32 to vector<16xi32>
        %broadcast_in_dim3A_949 = vector.shape_cast %broadcast_in_dim3A_948 : vector<16xi32> to vector<16x1xi32>
        %gather3A_950 = vector.shape_cast %broadcast_in_dim3A_949 : vector<16x1xi32> to vector<16xi32>
        %gather3A_951 = tpu.dynamic_gather %mul3A_334[%gather3A_950] in [0] : vector<16xf32>, vector<16xi32> -> vector<16xf32>
        %gather3A_952 = tpu.vector_load_idx %arg5[%add3A_946] : memref<98304xf32, #tpu.memory_space<vmem>>[vector<16xi32>], vector<16xf32>,
        %add3A_953 = arith.constant 16 : i32
        %add3A_954 = vector.broadcast %add3A_953 : i32 to vector<16xi32>
        %add3A_955 = arith.addi %add3A_946, %add3A_954 : vector<16xi32>
        %gather3A_956 = tpu.vector_load_idx %arg5[%add3A_955] : memref<98304xf32, #tpu.memory_space<vmem>>[vector<16xi32>], vector<16xf32>,
        %mul3A_957 = arith.mulf %gather3A_952, %gather3A_951 : vector<16xf32>
        %add3A_958 = arith.addf %add3A_938, %mul3A_957 : vector<16xf32>
        %mul3A_959 = arith.mulf %gather3A_956, %gather3A_951 : vector<16xf32>
        %add3A_960 = arith.addf %add3A_940, %mul3A_959 : vector<16xf32>
        %broadcast_in_dim3A_961 = arith.constant 15 : i32
        %broadcast_in_dim3A_962 = vector.broadcast %broadcast_in_dim3A_961 : i32 to vector<16xi32>
        %broadcast_in_dim3A_963 = vector.shape_cast %broadcast_in_dim3A_962 : vector<16xi32> to vector<16x1xi32>
        %gather3A_964 = vector.shape_cast %broadcast_in_dim3A_963 : vector<16x1xi32> to vector<16xi32>
        %gather3A_965 = tpu.dynamic_gather %add3A_333[%gather3A_964] in [0] : vector<16xi32>, vector<16xi32> -> vector<16xi32>
        %add3A_966 = arith.addi %gather3A_965, %iota3A : vector<16xi32>
        %broadcast_in_dim3A_967 = arith.constant 15 : i32
        %broadcast_in_dim3A_968 = vector.broadcast %broadcast_in_dim3A_967 : i32 to vector<16xi32>
        %broadcast_in_dim3A_969 = vector.shape_cast %broadcast_in_dim3A_968 : vector<16xi32> to vector<16x1xi32>
        %gather3A_970 = vector.shape_cast %broadcast_in_dim3A_969 : vector<16x1xi32> to vector<16xi32>
        %gather3A_971 = tpu.dynamic_gather %mul3A_334[%gather3A_970] in [0] : vector<16xf32>, vector<16xi32> -> vector<16xf32>
        %gather3A_972 = tpu.vector_load_idx %arg5[%add3A_966] : memref<98304xf32, #tpu.memory_space<vmem>>[vector<16xi32>], vector<16xf32>,
        %add3A_973 = arith.constant 16 : i32
        %add3A_974 = vector.broadcast %add3A_973 : i32 to vector<16xi32>
        %add3A_975 = arith.addi %add3A_966, %add3A_974 : vector<16xi32>
        %gather3A_976 = tpu.vector_load_idx %arg5[%add3A_975] : memref<98304xf32, #tpu.memory_space<vmem>>[vector<16xi32>], vector<16xf32>,
        %mul3A_977 = arith.mulf %gather3A_972, %gather3A_971 : vector<16xf32>
        %add3A_978 = arith.addf %add3A_958, %mul3A_977 : vector<16xf32>
        %mul3A_979 = arith.mulf %gather3A_976, %gather3A_971 : vector<16xf32>
        %add3A_980 = arith.addf %add3A_960, %mul3A_979 : vector<16xf32>
        %broadcast_in_dim3A_981 = arith.constant 0.000000e+00 : f32
        %broadcast_in_dim3A_982 = vector.broadcast %broadcast_in_dim3A_981 : f32 to vector<16xf32>
        %broadcast_in_dim3A_983 = arith.constant 0.000000e+00 : f32
        %broadcast_in_dim3A_984 = vector.broadcast %broadcast_in_dim3A_983 : f32 to vector<16xf32>
        %broadcast_in_dim3A_985 = arith.constant 0 : i32
        %broadcast_in_dim3A_986 = vector.broadcast %broadcast_in_dim3A_985 : i32 to vector<16xi32>
        %broadcast_in_dim3A_987 = vector.shape_cast %broadcast_in_dim3A_986 : vector<16xi32> to vector<16x1xi32>
        %gather3A_988 = vector.shape_cast %broadcast_in_dim3A_987 : vector<16x1xi32> to vector<16xi32>
        %gather3A_989 = tpu.dynamic_gather %add3A_331[%gather3A_988] in [0] : vector<16xi32>, vector<16xi32> -> vector<16xi32>
        %add3A_990 = arith.addi %gather3A_989, %iota3A : vector<16xi32>
        %broadcast_in_dim3A_991 = arith.constant 0 : i32
        %broadcast_in_dim3A_992 = vector.broadcast %broadcast_in_dim3A_991 : i32 to vector<16xi32>
        %broadcast_in_dim3A_993 = vector.shape_cast %broadcast_in_dim3A_992 : vector<16xi32> to vector<16x1xi32>
        %gather3A_994 = vector.shape_cast %broadcast_in_dim3A_993 : vector<16x1xi32> to vector<16xi32>
        %gather3A_995 = tpu.dynamic_gather %mul3A_335[%gather3A_994] in [0] : vector<16xf32>, vector<16xi32> -> vector<16xf32>
        %gather3A_996 = tpu.vector_load_idx %arg5[%add3A_990] : memref<98304xf32, #tpu.memory_space<vmem>>[vector<16xi32>], vector<16xf32>,
        %add3A_997 = arith.constant 16 : i32
        %add3A_998 = vector.broadcast %add3A_997 : i32 to vector<16xi32>
        %add3A_999 = arith.addi %add3A_990, %add3A_998 : vector<16xi32>
        %gather3A_1000 = tpu.vector_load_idx %arg5[%add3A_999] : memref<98304xf32, #tpu.memory_space<vmem>>[vector<16xi32>], vector<16xf32>,
        %mul3A_1001 = arith.mulf %gather3A_996, %gather3A_995 : vector<16xf32>
        %add3A_1002 = arith.addf %broadcast_in_dim3A_982, %mul3A_1001 : vector<16xf32>
        %mul3A_1003 = arith.mulf %gather3A_1000, %gather3A_995 : vector<16xf32>
        %add3A_1004 = arith.addf %broadcast_in_dim3A_984, %mul3A_1003 : vector<16xf32>
        %broadcast_in_dim3A_1005 = arith.constant 1 : i32
        %broadcast_in_dim3A_1006 = vector.broadcast %broadcast_in_dim3A_1005 : i32 to vector<16xi32>
        %broadcast_in_dim3A_1007 = vector.shape_cast %broadcast_in_dim3A_1006 : vector<16xi32> to vector<16x1xi32>
        %gather3A_1008 = vector.shape_cast %broadcast_in_dim3A_1007 : vector<16x1xi32> to vector<16xi32>
        %gather3A_1009 = tpu.dynamic_gather %add3A_331[%gather3A_1008] in [0] : vector<16xi32>, vector<16xi32> -> vector<16xi32>
        %add3A_1010 = arith.addi %gather3A_1009, %iota3A : vector<16xi32>
        %broadcast_in_dim3A_1011 = arith.constant 1 : i32
        %broadcast_in_dim3A_1012 = vector.broadcast %broadcast_in_dim3A_1011 : i32 to vector<16xi32>
        %broadcast_in_dim3A_1013 = vector.shape_cast %broadcast_in_dim3A_1012 : vector<16xi32> to vector<16x1xi32>
        %gather3A_1014 = vector.shape_cast %broadcast_in_dim3A_1013 : vector<16x1xi32> to vector<16xi32>
        %gather3A_1015 = tpu.dynamic_gather %mul3A_335[%gather3A_1014] in [0] : vector<16xf32>, vector<16xi32> -> vector<16xf32>
        %gather3A_1016 = tpu.vector_load_idx %arg5[%add3A_1010] : memref<98304xf32, #tpu.memory_space<vmem>>[vector<16xi32>], vector<16xf32>,
        %add3A_1017 = arith.constant 16 : i32
        %add3A_1018 = vector.broadcast %add3A_1017 : i32 to vector<16xi32>
        %add3A_1019 = arith.addi %add3A_1010, %add3A_1018 : vector<16xi32>
        %gather3A_1020 = tpu.vector_load_idx %arg5[%add3A_1019] : memref<98304xf32, #tpu.memory_space<vmem>>[vector<16xi32>], vector<16xf32>,
        %mul3A_1021 = arith.mulf %gather3A_1016, %gather3A_1015 : vector<16xf32>
        %add3A_1022 = arith.addf %add3A_1002, %mul3A_1021 : vector<16xf32>
        %mul3A_1023 = arith.mulf %gather3A_1020, %gather3A_1015 : vector<16xf32>
        %add3A_1024 = arith.addf %add3A_1004, %mul3A_1023 : vector<16xf32>
        %broadcast_in_dim3A_1025 = arith.constant 2 : i32
        %broadcast_in_dim3A_1026 = vector.broadcast %broadcast_in_dim3A_1025 : i32 to vector<16xi32>
        %broadcast_in_dim3A_1027 = vector.shape_cast %broadcast_in_dim3A_1026 : vector<16xi32> to vector<16x1xi32>
        %gather3A_1028 = vector.shape_cast %broadcast_in_dim3A_1027 : vector<16x1xi32> to vector<16xi32>
        %gather3A_1029 = tpu.dynamic_gather %add3A_331[%gather3A_1028] in [0] : vector<16xi32>, vector<16xi32> -> vector<16xi32>
        %add3A_1030 = arith.addi %gather3A_1029, %iota3A : vector<16xi32>
        %broadcast_in_dim3A_1031 = arith.constant 2 : i32
        %broadcast_in_dim3A_1032 = vector.broadcast %broadcast_in_dim3A_1031 : i32 to vector<16xi32>
        %broadcast_in_dim3A_1033 = vector.shape_cast %broadcast_in_dim3A_1032 : vector<16xi32> to vector<16x1xi32>
        %gather3A_1034 = vector.shape_cast %broadcast_in_dim3A_1033 : vector<16x1xi32> to vector<16xi32>
        %gather3A_1035 = tpu.dynamic_gather %mul3A_335[%gather3A_1034] in [0] : vector<16xf32>, vector<16xi32> -> vector<16xf32>
        %gather3A_1036 = tpu.vector_load_idx %arg5[%add3A_1030] : memref<98304xf32, #tpu.memory_space<vmem>>[vector<16xi32>], vector<16xf32>,
        %add3A_1037 = arith.constant 16 : i32
        %add3A_1038 = vector.broadcast %add3A_1037 : i32 to vector<16xi32>
        %add3A_1039 = arith.addi %add3A_1030, %add3A_1038 : vector<16xi32>
        %gather3A_1040 = tpu.vector_load_idx %arg5[%add3A_1039] : memref<98304xf32, #tpu.memory_space<vmem>>[vector<16xi32>], vector<16xf32>,
        %mul3A_1041 = arith.mulf %gather3A_1036, %gather3A_1035 : vector<16xf32>
        %add3A_1042 = arith.addf %add3A_1022, %mul3A_1041 : vector<16xf32>
        %mul3A_1043 = arith.mulf %gather3A_1040, %gather3A_1035 : vector<16xf32>
        %add3A_1044 = arith.addf %add3A_1024, %mul3A_1043 : vector<16xf32>
        %broadcast_in_dim3A_1045 = arith.constant 3 : i32
        %broadcast_in_dim3A_1046 = vector.broadcast %broadcast_in_dim3A_1045 : i32 to vector<16xi32>
        %broadcast_in_dim3A_1047 = vector.shape_cast %broadcast_in_dim3A_1046 : vector<16xi32> to vector<16x1xi32>
        %gather3A_1048 = vector.shape_cast %broadcast_in_dim3A_1047 : vector<16x1xi32> to vector<16xi32>
        %gather3A_1049 = tpu.dynamic_gather %add3A_331[%gather3A_1048] in [0] : vector<16xi32>, vector<16xi32> -> vector<16xi32>
        %add3A_1050 = arith.addi %gather3A_1049, %iota3A : vector<16xi32>
        %broadcast_in_dim3A_1051 = arith.constant 3 : i32
        %broadcast_in_dim3A_1052 = vector.broadcast %broadcast_in_dim3A_1051 : i32 to vector<16xi32>
        %broadcast_in_dim3A_1053 = vector.shape_cast %broadcast_in_dim3A_1052 : vector<16xi32> to vector<16x1xi32>
        %gather3A_1054 = vector.shape_cast %broadcast_in_dim3A_1053 : vector<16x1xi32> to vector<16xi32>
        %gather3A_1055 = tpu.dynamic_gather %mul3A_335[%gather3A_1054] in [0] : vector<16xf32>, vector<16xi32> -> vector<16xf32>
        %gather3A_1056 = tpu.vector_load_idx %arg5[%add3A_1050] : memref<98304xf32, #tpu.memory_space<vmem>>[vector<16xi32>], vector<16xf32>,
        %add3A_1057 = arith.constant 16 : i32
        %add3A_1058 = vector.broadcast %add3A_1057 : i32 to vector<16xi32>
        %add3A_1059 = arith.addi %add3A_1050, %add3A_1058 : vector<16xi32>
        %gather3A_1060 = tpu.vector_load_idx %arg5[%add3A_1059] : memref<98304xf32, #tpu.memory_space<vmem>>[vector<16xi32>], vector<16xf32>,
        %mul3A_1061 = arith.mulf %gather3A_1056, %gather3A_1055 : vector<16xf32>
        %add3A_1062 = arith.addf %add3A_1042, %mul3A_1061 : vector<16xf32>
        %mul3A_1063 = arith.mulf %gather3A_1060, %gather3A_1055 : vector<16xf32>
        %add3A_1064 = arith.addf %add3A_1044, %mul3A_1063 : vector<16xf32>
        %broadcast_in_dim3A_1065 = arith.constant 4 : i32
        %broadcast_in_dim3A_1066 = vector.broadcast %broadcast_in_dim3A_1065 : i32 to vector<16xi32>
        %broadcast_in_dim3A_1067 = vector.shape_cast %broadcast_in_dim3A_1066 : vector<16xi32> to vector<16x1xi32>
        %gather3A_1068 = vector.shape_cast %broadcast_in_dim3A_1067 : vector<16x1xi32> to vector<16xi32>
        %gather3A_1069 = tpu.dynamic_gather %add3A_331[%gather3A_1068] in [0] : vector<16xi32>, vector<16xi32> -> vector<16xi32>
        %add3A_1070 = arith.addi %gather3A_1069, %iota3A : vector<16xi32>
        %broadcast_in_dim3A_1071 = arith.constant 4 : i32
        %broadcast_in_dim3A_1072 = vector.broadcast %broadcast_in_dim3A_1071 : i32 to vector<16xi32>
        %broadcast_in_dim3A_1073 = vector.shape_cast %broadcast_in_dim3A_1072 : vector<16xi32> to vector<16x1xi32>
        %gather3A_1074 = vector.shape_cast %broadcast_in_dim3A_1073 : vector<16x1xi32> to vector<16xi32>
        %gather3A_1075 = tpu.dynamic_gather %mul3A_335[%gather3A_1074] in [0] : vector<16xf32>, vector<16xi32> -> vector<16xf32>
        %gather3A_1076 = tpu.vector_load_idx %arg5[%add3A_1070] : memref<98304xf32, #tpu.memory_space<vmem>>[vector<16xi32>], vector<16xf32>,
        %add3A_1077 = arith.constant 16 : i32
        %add3A_1078 = vector.broadcast %add3A_1077 : i32 to vector<16xi32>
        %add3A_1079 = arith.addi %add3A_1070, %add3A_1078 : vector<16xi32>
        %gather3A_1080 = tpu.vector_load_idx %arg5[%add3A_1079] : memref<98304xf32, #tpu.memory_space<vmem>>[vector<16xi32>], vector<16xf32>,
        %mul3A_1081 = arith.mulf %gather3A_1076, %gather3A_1075 : vector<16xf32>
        %add3A_1082 = arith.addf %add3A_1062, %mul3A_1081 : vector<16xf32>
        %mul3A_1083 = arith.mulf %gather3A_1080, %gather3A_1075 : vector<16xf32>
        %add3A_1084 = arith.addf %add3A_1064, %mul3A_1083 : vector<16xf32>
        %broadcast_in_dim3A_1085 = arith.constant 5 : i32
        %broadcast_in_dim3A_1086 = vector.broadcast %broadcast_in_dim3A_1085 : i32 to vector<16xi32>
        %broadcast_in_dim3A_1087 = vector.shape_cast %broadcast_in_dim3A_1086 : vector<16xi32> to vector<16x1xi32>
        %gather3A_1088 = vector.shape_cast %broadcast_in_dim3A_1087 : vector<16x1xi32> to vector<16xi32>
        %gather3A_1089 = tpu.dynamic_gather %add3A_331[%gather3A_1088] in [0] : vector<16xi32>, vector<16xi32> -> vector<16xi32>
        %add3A_1090 = arith.addi %gather3A_1089, %iota3A : vector<16xi32>
        %broadcast_in_dim3A_1091 = arith.constant 5 : i32
        %broadcast_in_dim3A_1092 = vector.broadcast %broadcast_in_dim3A_1091 : i32 to vector<16xi32>
        %broadcast_in_dim3A_1093 = vector.shape_cast %broadcast_in_dim3A_1092 : vector<16xi32> to vector<16x1xi32>
        %gather3A_1094 = vector.shape_cast %broadcast_in_dim3A_1093 : vector<16x1xi32> to vector<16xi32>
        %gather3A_1095 = tpu.dynamic_gather %mul3A_335[%gather3A_1094] in [0] : vector<16xf32>, vector<16xi32> -> vector<16xf32>
        %gather3A_1096 = tpu.vector_load_idx %arg5[%add3A_1090] : memref<98304xf32, #tpu.memory_space<vmem>>[vector<16xi32>], vector<16xf32>,
        %add3A_1097 = arith.constant 16 : i32
        %add3A_1098 = vector.broadcast %add3A_1097 : i32 to vector<16xi32>
        %add3A_1099 = arith.addi %add3A_1090, %add3A_1098 : vector<16xi32>
        %gather3A_1100 = tpu.vector_load_idx %arg5[%add3A_1099] : memref<98304xf32, #tpu.memory_space<vmem>>[vector<16xi32>], vector<16xf32>,
        %mul3A_1101 = arith.mulf %gather3A_1096, %gather3A_1095 : vector<16xf32>
        %add3A_1102 = arith.addf %add3A_1082, %mul3A_1101 : vector<16xf32>
        %mul3A_1103 = arith.mulf %gather3A_1100, %gather3A_1095 : vector<16xf32>
        %add3A_1104 = arith.addf %add3A_1084, %mul3A_1103 : vector<16xf32>
        %broadcast_in_dim3A_1105 = arith.constant 6 : i32
        %broadcast_in_dim3A_1106 = vector.broadcast %broadcast_in_dim3A_1105 : i32 to vector<16xi32>
        %broadcast_in_dim3A_1107 = vector.shape_cast %broadcast_in_dim3A_1106 : vector<16xi32> to vector<16x1xi32>
        %gather3A_1108 = vector.shape_cast %broadcast_in_dim3A_1107 : vector<16x1xi32> to vector<16xi32>
        %gather3A_1109 = tpu.dynamic_gather %add3A_331[%gather3A_1108] in [0] : vector<16xi32>, vector<16xi32> -> vector<16xi32>
        %add3A_1110 = arith.addi %gather3A_1109, %iota3A : vector<16xi32>
        %broadcast_in_dim3A_1111 = arith.constant 6 : i32
        %broadcast_in_dim3A_1112 = vector.broadcast %broadcast_in_dim3A_1111 : i32 to vector<16xi32>
        %broadcast_in_dim3A_1113 = vector.shape_cast %broadcast_in_dim3A_1112 : vector<16xi32> to vector<16x1xi32>
        %gather3A_1114 = vector.shape_cast %broadcast_in_dim3A_1113 : vector<16x1xi32> to vector<16xi32>
        %gather3A_1115 = tpu.dynamic_gather %mul3A_335[%gather3A_1114] in [0] : vector<16xf32>, vector<16xi32> -> vector<16xf32>
        %gather3A_1116 = tpu.vector_load_idx %arg5[%add3A_1110] : memref<98304xf32, #tpu.memory_space<vmem>>[vector<16xi32>], vector<16xf32>,
        %add3A_1117 = arith.constant 16 : i32
        %add3A_1118 = vector.broadcast %add3A_1117 : i32 to vector<16xi32>
        %add3A_1119 = arith.addi %add3A_1110, %add3A_1118 : vector<16xi32>
        %gather3A_1120 = tpu.vector_load_idx %arg5[%add3A_1119] : memref<98304xf32, #tpu.memory_space<vmem>>[vector<16xi32>], vector<16xf32>,
        %mul3A_1121 = arith.mulf %gather3A_1116, %gather3A_1115 : vector<16xf32>
        %add3A_1122 = arith.addf %add3A_1102, %mul3A_1121 : vector<16xf32>
        %mul3A_1123 = arith.mulf %gather3A_1120, %gather3A_1115 : vector<16xf32>
        %add3A_1124 = arith.addf %add3A_1104, %mul3A_1123 : vector<16xf32>
        %broadcast_in_dim3A_1125 = arith.constant 7 : i32
        %broadcast_in_dim3A_1126 = vector.broadcast %broadcast_in_dim3A_1125 : i32 to vector<16xi32>
        %broadcast_in_dim3A_1127 = vector.shape_cast %broadcast_in_dim3A_1126 : vector<16xi32> to vector<16x1xi32>
        %gather3A_1128 = vector.shape_cast %broadcast_in_dim3A_1127 : vector<16x1xi32> to vector<16xi32>
        %gather3A_1129 = tpu.dynamic_gather %add3A_331[%gather3A_1128] in [0] : vector<16xi32>, vector<16xi32> -> vector<16xi32>
        %add3A_1130 = arith.addi %gather3A_1129, %iota3A : vector<16xi32>
        %broadcast_in_dim3A_1131 = arith.constant 7 : i32
        %broadcast_in_dim3A_1132 = vector.broadcast %broadcast_in_dim3A_1131 : i32 to vector<16xi32>
        %broadcast_in_dim3A_1133 = vector.shape_cast %broadcast_in_dim3A_1132 : vector<16xi32> to vector<16x1xi32>
        %gather3A_1134 = vector.shape_cast %broadcast_in_dim3A_1133 : vector<16x1xi32> to vector<16xi32>
        %gather3A_1135 = tpu.dynamic_gather %mul3A_335[%gather3A_1134] in [0] : vector<16xf32>, vector<16xi32> -> vector<16xf32>
        %gather3A_1136 = tpu.vector_load_idx %arg5[%add3A_1130] : memref<98304xf32, #tpu.memory_space<vmem>>[vector<16xi32>], vector<16xf32>,
        %add3A_1137 = arith.constant 16 : i32
        %add3A_1138 = vector.broadcast %add3A_1137 : i32 to vector<16xi32>
        %add3A_1139 = arith.addi %add3A_1130, %add3A_1138 : vector<16xi32>
        %gather3A_1140 = tpu.vector_load_idx %arg5[%add3A_1139] : memref<98304xf32, #tpu.memory_space<vmem>>[vector<16xi32>], vector<16xf32>,
        %mul3A_1141 = arith.mulf %gather3A_1136, %gather3A_1135 : vector<16xf32>
        %add3A_1142 = arith.addf %add3A_1122, %mul3A_1141 : vector<16xf32>
        %mul3A_1143 = arith.mulf %gather3A_1140, %gather3A_1135 : vector<16xf32>
        %add3A_1144 = arith.addf %add3A_1124, %mul3A_1143 : vector<16xf32>
        %broadcast_in_dim3A_1145 = arith.constant 8 : i32
        %broadcast_in_dim3A_1146 = vector.broadcast %broadcast_in_dim3A_1145 : i32 to vector<16xi32>
        %broadcast_in_dim3A_1147 = vector.shape_cast %broadcast_in_dim3A_1146 : vector<16xi32> to vector<16x1xi32>
        %gather3A_1148 = vector.shape_cast %broadcast_in_dim3A_1147 : vector<16x1xi32> to vector<16xi32>
        %gather3A_1149 = tpu.dynamic_gather %add3A_331[%gather3A_1148] in [0] : vector<16xi32>, vector<16xi32> -> vector<16xi32>
        %add3A_1150 = arith.addi %gather3A_1149, %iota3A : vector<16xi32>
        %broadcast_in_dim3A_1151 = arith.constant 8 : i32
        %broadcast_in_dim3A_1152 = vector.broadcast %broadcast_in_dim3A_1151 : i32 to vector<16xi32>
        %broadcast_in_dim3A_1153 = vector.shape_cast %broadcast_in_dim3A_1152 : vector<16xi32> to vector<16x1xi32>
        %gather3A_1154 = vector.shape_cast %broadcast_in_dim3A_1153 : vector<16x1xi32> to vector<16xi32>
        %gather3A_1155 = tpu.dynamic_gather %mul3A_335[%gather3A_1154] in [0] : vector<16xf32>, vector<16xi32> -> vector<16xf32>
        %gather3A_1156 = tpu.vector_load_idx %arg5[%add3A_1150] : memref<98304xf32, #tpu.memory_space<vmem>>[vector<16xi32>], vector<16xf32>,
        %add3A_1157 = arith.constant 16 : i32
        %add3A_1158 = vector.broadcast %add3A_1157 : i32 to vector<16xi32>
        %add3A_1159 = arith.addi %add3A_1150, %add3A_1158 : vector<16xi32>
        %gather3A_1160 = tpu.vector_load_idx %arg5[%add3A_1159] : memref<98304xf32, #tpu.memory_space<vmem>>[vector<16xi32>], vector<16xf32>,
        %mul3A_1161 = arith.mulf %gather3A_1156, %gather3A_1155 : vector<16xf32>
        %add3A_1162 = arith.addf %add3A_1142, %mul3A_1161 : vector<16xf32>
        %mul3A_1163 = arith.mulf %gather3A_1160, %gather3A_1155 : vector<16xf32>
        %add3A_1164 = arith.addf %add3A_1144, %mul3A_1163 : vector<16xf32>
        %broadcast_in_dim3A_1165 = arith.constant 9 : i32
        %broadcast_in_dim3A_1166 = vector.broadcast %broadcast_in_dim3A_1165 : i32 to vector<16xi32>
        %broadcast_in_dim3A_1167 = vector.shape_cast %broadcast_in_dim3A_1166 : vector<16xi32> to vector<16x1xi32>
        %gather3A_1168 = vector.shape_cast %broadcast_in_dim3A_1167 : vector<16x1xi32> to vector<16xi32>
        %gather3A_1169 = tpu.dynamic_gather %add3A_331[%gather3A_1168] in [0] : vector<16xi32>, vector<16xi32> -> vector<16xi32>
        %add3A_1170 = arith.addi %gather3A_1169, %iota3A : vector<16xi32>
        %broadcast_in_dim3A_1171 = arith.constant 9 : i32
        %broadcast_in_dim3A_1172 = vector.broadcast %broadcast_in_dim3A_1171 : i32 to vector<16xi32>
        %broadcast_in_dim3A_1173 = vector.shape_cast %broadcast_in_dim3A_1172 : vector<16xi32> to vector<16x1xi32>
        %gather3A_1174 = vector.shape_cast %broadcast_in_dim3A_1173 : vector<16x1xi32> to vector<16xi32>
        %gather3A_1175 = tpu.dynamic_gather %mul3A_335[%gather3A_1174] in [0] : vector<16xf32>, vector<16xi32> -> vector<16xf32>
        %gather3A_1176 = tpu.vector_load_idx %arg5[%add3A_1170] : memref<98304xf32, #tpu.memory_space<vmem>>[vector<16xi32>], vector<16xf32>,
        %add3A_1177 = arith.constant 16 : i32
        %add3A_1178 = vector.broadcast %add3A_1177 : i32 to vector<16xi32>
        %add3A_1179 = arith.addi %add3A_1170, %add3A_1178 : vector<16xi32>
        %gather3A_1180 = tpu.vector_load_idx %arg5[%add3A_1179] : memref<98304xf32, #tpu.memory_space<vmem>>[vector<16xi32>], vector<16xf32>,
        %mul3A_1181 = arith.mulf %gather3A_1176, %gather3A_1175 : vector<16xf32>
        %add3A_1182 = arith.addf %add3A_1162, %mul3A_1181 : vector<16xf32>
        %mul3A_1183 = arith.mulf %gather3A_1180, %gather3A_1175 : vector<16xf32>
        %add3A_1184 = arith.addf %add3A_1164, %mul3A_1183 : vector<16xf32>
        %broadcast_in_dim3A_1185 = arith.constant 10 : i32
        %broadcast_in_dim3A_1186 = vector.broadcast %broadcast_in_dim3A_1185 : i32 to vector<16xi32>
        %broadcast_in_dim3A_1187 = vector.shape_cast %broadcast_in_dim3A_1186 : vector<16xi32> to vector<16x1xi32>
        %gather3A_1188 = vector.shape_cast %broadcast_in_dim3A_1187 : vector<16x1xi32> to vector<16xi32>
        %gather3A_1189 = tpu.dynamic_gather %add3A_331[%gather3A_1188] in [0] : vector<16xi32>, vector<16xi32> -> vector<16xi32>
        %add3A_1190 = arith.addi %gather3A_1189, %iota3A : vector<16xi32>
        %broadcast_in_dim3A_1191 = arith.constant 10 : i32
        %broadcast_in_dim3A_1192 = vector.broadcast %broadcast_in_dim3A_1191 : i32 to vector<16xi32>
        %broadcast_in_dim3A_1193 = vector.shape_cast %broadcast_in_dim3A_1192 : vector<16xi32> to vector<16x1xi32>
        %gather3A_1194 = vector.shape_cast %broadcast_in_dim3A_1193 : vector<16x1xi32> to vector<16xi32>
        %gather3A_1195 = tpu.dynamic_gather %mul3A_335[%gather3A_1194] in [0] : vector<16xf32>, vector<16xi32> -> vector<16xf32>
        %gather3A_1196 = tpu.vector_load_idx %arg5[%add3A_1190] : memref<98304xf32, #tpu.memory_space<vmem>>[vector<16xi32>], vector<16xf32>,
        %add3A_1197 = arith.constant 16 : i32
        %add3A_1198 = vector.broadcast %add3A_1197 : i32 to vector<16xi32>
        %add3A_1199 = arith.addi %add3A_1190, %add3A_1198 : vector<16xi32>
        %gather3A_1200 = tpu.vector_load_idx %arg5[%add3A_1199] : memref<98304xf32, #tpu.memory_space<vmem>>[vector<16xi32>], vector<16xf32>,
        %mul3A_1201 = arith.mulf %gather3A_1196, %gather3A_1195 : vector<16xf32>
        %add3A_1202 = arith.addf %add3A_1182, %mul3A_1201 : vector<16xf32>
        %mul3A_1203 = arith.mulf %gather3A_1200, %gather3A_1195 : vector<16xf32>
        %add3A_1204 = arith.addf %add3A_1184, %mul3A_1203 : vector<16xf32>
        %broadcast_in_dim3A_1205 = arith.constant 11 : i32
        %broadcast_in_dim3A_1206 = vector.broadcast %broadcast_in_dim3A_1205 : i32 to vector<16xi32>
        %broadcast_in_dim3A_1207 = vector.shape_cast %broadcast_in_dim3A_1206 : vector<16xi32> to vector<16x1xi32>
        %gather3A_1208 = vector.shape_cast %broadcast_in_dim3A_1207 : vector<16x1xi32> to vector<16xi32>
        %gather3A_1209 = tpu.dynamic_gather %add3A_331[%gather3A_1208] in [0] : vector<16xi32>, vector<16xi32> -> vector<16xi32>
        %add3A_1210 = arith.addi %gather3A_1209, %iota3A : vector<16xi32>
        %broadcast_in_dim3A_1211 = arith.constant 11 : i32
        %broadcast_in_dim3A_1212 = vector.broadcast %broadcast_in_dim3A_1211 : i32 to vector<16xi32>
        %broadcast_in_dim3A_1213 = vector.shape_cast %broadcast_in_dim3A_1212 : vector<16xi32> to vector<16x1xi32>
        %gather3A_1214 = vector.shape_cast %broadcast_in_dim3A_1213 : vector<16x1xi32> to vector<16xi32>
        %gather3A_1215 = tpu.dynamic_gather %mul3A_335[%gather3A_1214] in [0] : vector<16xf32>, vector<16xi32> -> vector<16xf32>
        %gather3A_1216 = tpu.vector_load_idx %arg5[%add3A_1210] : memref<98304xf32, #tpu.memory_space<vmem>>[vector<16xi32>], vector<16xf32>,
        %add3A_1217 = arith.constant 16 : i32
        %add3A_1218 = vector.broadcast %add3A_1217 : i32 to vector<16xi32>
        %add3A_1219 = arith.addi %add3A_1210, %add3A_1218 : vector<16xi32>
        %gather3A_1220 = tpu.vector_load_idx %arg5[%add3A_1219] : memref<98304xf32, #tpu.memory_space<vmem>>[vector<16xi32>], vector<16xf32>,
        %mul3A_1221 = arith.mulf %gather3A_1216, %gather3A_1215 : vector<16xf32>
        %add3A_1222 = arith.addf %add3A_1202, %mul3A_1221 : vector<16xf32>
        %mul3A_1223 = arith.mulf %gather3A_1220, %gather3A_1215 : vector<16xf32>
        %add3A_1224 = arith.addf %add3A_1204, %mul3A_1223 : vector<16xf32>
        %broadcast_in_dim3A_1225 = arith.constant 12 : i32
        %broadcast_in_dim3A_1226 = vector.broadcast %broadcast_in_dim3A_1225 : i32 to vector<16xi32>
        %broadcast_in_dim3A_1227 = vector.shape_cast %broadcast_in_dim3A_1226 : vector<16xi32> to vector<16x1xi32>
        %gather3A_1228 = vector.shape_cast %broadcast_in_dim3A_1227 : vector<16x1xi32> to vector<16xi32>
        %gather3A_1229 = tpu.dynamic_gather %add3A_331[%gather3A_1228] in [0] : vector<16xi32>, vector<16xi32> -> vector<16xi32>
        %add3A_1230 = arith.addi %gather3A_1229, %iota3A : vector<16xi32>
        %broadcast_in_dim3A_1231 = arith.constant 12 : i32
        %broadcast_in_dim3A_1232 = vector.broadcast %broadcast_in_dim3A_1231 : i32 to vector<16xi32>
        %broadcast_in_dim3A_1233 = vector.shape_cast %broadcast_in_dim3A_1232 : vector<16xi32> to vector<16x1xi32>
        %gather3A_1234 = vector.shape_cast %broadcast_in_dim3A_1233 : vector<16x1xi32> to vector<16xi32>
        %gather3A_1235 = tpu.dynamic_gather %mul3A_335[%gather3A_1234] in [0] : vector<16xf32>, vector<16xi32> -> vector<16xf32>
        %gather3A_1236 = tpu.vector_load_idx %arg5[%add3A_1230] : memref<98304xf32, #tpu.memory_space<vmem>>[vector<16xi32>], vector<16xf32>,
        %add3A_1237 = arith.constant 16 : i32
        %add3A_1238 = vector.broadcast %add3A_1237 : i32 to vector<16xi32>
        %add3A_1239 = arith.addi %add3A_1230, %add3A_1238 : vector<16xi32>
        %gather3A_1240 = tpu.vector_load_idx %arg5[%add3A_1239] : memref<98304xf32, #tpu.memory_space<vmem>>[vector<16xi32>], vector<16xf32>,
        %mul3A_1241 = arith.mulf %gather3A_1236, %gather3A_1235 : vector<16xf32>
        %add3A_1242 = arith.addf %add3A_1222, %mul3A_1241 : vector<16xf32>
        %mul3A_1243 = arith.mulf %gather3A_1240, %gather3A_1235 : vector<16xf32>
        %add3A_1244 = arith.addf %add3A_1224, %mul3A_1243 : vector<16xf32>
        %broadcast_in_dim3A_1245 = arith.constant 13 : i32
        %broadcast_in_dim3A_1246 = vector.broadcast %broadcast_in_dim3A_1245 : i32 to vector<16xi32>
        %broadcast_in_dim3A_1247 = vector.shape_cast %broadcast_in_dim3A_1246 : vector<16xi32> to vector<16x1xi32>
        %gather3A_1248 = vector.shape_cast %broadcast_in_dim3A_1247 : vector<16x1xi32> to vector<16xi32>
        %gather3A_1249 = tpu.dynamic_gather %add3A_331[%gather3A_1248] in [0] : vector<16xi32>, vector<16xi32> -> vector<16xi32>
        %add3A_1250 = arith.addi %gather3A_1249, %iota3A : vector<16xi32>
        %broadcast_in_dim3A_1251 = arith.constant 13 : i32
        %broadcast_in_dim3A_1252 = vector.broadcast %broadcast_in_dim3A_1251 : i32 to vector<16xi32>
        %broadcast_in_dim3A_1253 = vector.shape_cast %broadcast_in_dim3A_1252 : vector<16xi32> to vector<16x1xi32>
        %gather3A_1254 = vector.shape_cast %broadcast_in_dim3A_1253 : vector<16x1xi32> to vector<16xi32>
        %gather3A_1255 = tpu.dynamic_gather %mul3A_335[%gather3A_1254] in [0] : vector<16xf32>, vector<16xi32> -> vector<16xf32>
        %gather3A_1256 = tpu.vector_load_idx %arg5[%add3A_1250] : memref<98304xf32, #tpu.memory_space<vmem>>[vector<16xi32>], vector<16xf32>,
        %add3A_1257 = arith.constant 16 : i32
        %add3A_1258 = vector.broadcast %add3A_1257 : i32 to vector<16xi32>
        %add3A_1259 = arith.addi %add3A_1250, %add3A_1258 : vector<16xi32>
        %gather3A_1260 = tpu.vector_load_idx %arg5[%add3A_1259] : memref<98304xf32, #tpu.memory_space<vmem>>[vector<16xi32>], vector<16xf32>,
        %mul3A_1261 = arith.mulf %gather3A_1256, %gather3A_1255 : vector<16xf32>
        %add3A_1262 = arith.addf %add3A_1242, %mul3A_1261 : vector<16xf32>
        %mul3A_1263 = arith.mulf %gather3A_1260, %gather3A_1255 : vector<16xf32>
        %add3A_1264 = arith.addf %add3A_1244, %mul3A_1263 : vector<16xf32>
        %broadcast_in_dim3A_1265 = arith.constant 14 : i32
        %broadcast_in_dim3A_1266 = vector.broadcast %broadcast_in_dim3A_1265 : i32 to vector<16xi32>
        %broadcast_in_dim3A_1267 = vector.shape_cast %broadcast_in_dim3A_1266 : vector<16xi32> to vector<16x1xi32>
        %gather3A_1268 = vector.shape_cast %broadcast_in_dim3A_1267 : vector<16x1xi32> to vector<16xi32>
        %gather3A_1269 = tpu.dynamic_gather %add3A_331[%gather3A_1268] in [0] : vector<16xi32>, vector<16xi32> -> vector<16xi32>
        %add3A_1270 = arith.addi %gather3A_1269, %iota3A : vector<16xi32>
        %broadcast_in_dim3A_1271 = arith.constant 14 : i32
        %broadcast_in_dim3A_1272 = vector.broadcast %broadcast_in_dim3A_1271 : i32 to vector<16xi32>
        %broadcast_in_dim3A_1273 = vector.shape_cast %broadcast_in_dim3A_1272 : vector<16xi32> to vector<16x1xi32>
        %gather3A_1274 = vector.shape_cast %broadcast_in_dim3A_1273 : vector<16x1xi32> to vector<16xi32>
        %gather3A_1275 = tpu.dynamic_gather %mul3A_335[%gather3A_1274] in [0] : vector<16xf32>, vector<16xi32> -> vector<16xf32>
        %gather3A_1276 = tpu.vector_load_idx %arg5[%add3A_1270] : memref<98304xf32, #tpu.memory_space<vmem>>[vector<16xi32>], vector<16xf32>,
        %add3A_1277 = arith.constant 16 : i32
        %add3A_1278 = vector.broadcast %add3A_1277 : i32 to vector<16xi32>
        %add3A_1279 = arith.addi %add3A_1270, %add3A_1278 : vector<16xi32>
        %gather3A_1280 = tpu.vector_load_idx %arg5[%add3A_1279] : memref<98304xf32, #tpu.memory_space<vmem>>[vector<16xi32>], vector<16xf32>,
        %mul3A_1281 = arith.mulf %gather3A_1276, %gather3A_1275 : vector<16xf32>
        %add3A_1282 = arith.addf %add3A_1262, %mul3A_1281 : vector<16xf32>
        %mul3A_1283 = arith.mulf %gather3A_1280, %gather3A_1275 : vector<16xf32>
        %add3A_1284 = arith.addf %add3A_1264, %mul3A_1283 : vector<16xf32>
        %broadcast_in_dim3A_1285 = arith.constant 15 : i32
        %broadcast_in_dim3A_1286 = vector.broadcast %broadcast_in_dim3A_1285 : i32 to vector<16xi32>
        %broadcast_in_dim3A_1287 = vector.shape_cast %broadcast_in_dim3A_1286 : vector<16xi32> to vector<16x1xi32>
        %gather3A_1288 = vector.shape_cast %broadcast_in_dim3A_1287 : vector<16x1xi32> to vector<16xi32>
        %gather3A_1289 = tpu.dynamic_gather %add3A_331[%gather3A_1288] in [0] : vector<16xi32>, vector<16xi32> -> vector<16xi32>
        %add3A_1290 = arith.addi %gather3A_1289, %iota3A : vector<16xi32>
        %broadcast_in_dim3A_1291 = arith.constant 15 : i32
        %broadcast_in_dim3A_1292 = vector.broadcast %broadcast_in_dim3A_1291 : i32 to vector<16xi32>
        %broadcast_in_dim3A_1293 = vector.shape_cast %broadcast_in_dim3A_1292 : vector<16xi32> to vector<16x1xi32>
        %gather3A_1294 = vector.shape_cast %broadcast_in_dim3A_1293 : vector<16x1xi32> to vector<16xi32>
        %gather3A_1295 = tpu.dynamic_gather %mul3A_335[%gather3A_1294] in [0] : vector<16xf32>, vector<16xi32> -> vector<16xf32>
        %gather3A_1296 = tpu.vector_load_idx %arg5[%add3A_1290] : memref<98304xf32, #tpu.memory_space<vmem>>[vector<16xi32>], vector<16xf32>,
        %add3A_1297 = arith.constant 16 : i32
        %add3A_1298 = vector.broadcast %add3A_1297 : i32 to vector<16xi32>
        %add3A_1299 = arith.addi %add3A_1290, %add3A_1298 : vector<16xi32>
        %gather3A_1300 = tpu.vector_load_idx %arg5[%add3A_1299] : memref<98304xf32, #tpu.memory_space<vmem>>[vector<16xi32>], vector<16xf32>,
        %mul3A_1301 = arith.mulf %gather3A_1296, %gather3A_1295 : vector<16xf32>
        %add3A_1302 = arith.addf %add3A_1282, %mul3A_1301 : vector<16xf32>
        %mul3A_1303 = arith.mulf %gather3A_1300, %gather3A_1295 : vector<16xf32>
        %add3A_1304 = arith.addf %add3A_1284, %mul3A_1303 : vector<16xf32>
        %broadcast_in_dim3A_1305 = arith.constant 0 : i32
        %broadcast_in_dim3A_1306 = vector.broadcast %broadcast_in_dim3A_1305 : i32 to vector<16xi32>
        %broadcast_in_dim3A_1307 = vector.shape_cast %broadcast_in_dim3A_1306 : vector<16xi32> to vector<16x1xi32>
        %gather3A_1308 = vector.shape_cast %broadcast_in_dim3A_1307 : vector<16x1xi32> to vector<16xi32>
        %gather3A_1309 = tpu.dynamic_gather %add3A_336[%gather3A_1308] in [0] : vector<16xi32>, vector<16xi32> -> vector<16xi32>
        %add3A_1310 = arith.addi %gather3A_1309, %iota3A : vector<16xi32>
        %broadcast_in_dim3A_1311 = arith.constant 0 : i32
        %broadcast_in_dim3A_1312 = vector.broadcast %broadcast_in_dim3A_1311 : i32 to vector<16xi32>
        %broadcast_in_dim3A_1313 = vector.shape_cast %broadcast_in_dim3A_1312 : vector<16xi32> to vector<16x1xi32>
        %gather3A_1314 = vector.shape_cast %broadcast_in_dim3A_1313 : vector<16x1xi32> to vector<16xi32>
        %gather3A_1315 = tpu.dynamic_gather %mul3A_337[%gather3A_1314] in [0] : vector<16xf32>, vector<16xi32> -> vector<16xf32>
        %gather3A_1316 = tpu.vector_load_idx %arg5[%add3A_1310] : memref<98304xf32, #tpu.memory_space<vmem>>[vector<16xi32>], vector<16xf32>,
        %add3A_1317 = arith.constant 16 : i32
        %add3A_1318 = vector.broadcast %add3A_1317 : i32 to vector<16xi32>
        %add3A_1319 = arith.addi %add3A_1310, %add3A_1318 : vector<16xi32>
        %gather3A_1320 = tpu.vector_load_idx %arg5[%add3A_1319] : memref<98304xf32, #tpu.memory_space<vmem>>[vector<16xi32>], vector<16xf32>,
        %mul3A_1321 = arith.mulf %gather3A_1316, %gather3A_1315 : vector<16xf32>
        %add3A_1322 = arith.addf %add3A_1302, %mul3A_1321 : vector<16xf32>
        %mul3A_1323 = arith.mulf %gather3A_1320, %gather3A_1315 : vector<16xf32>
        %add3A_1324 = arith.addf %add3A_1304, %mul3A_1323 : vector<16xf32>
        %broadcast_in_dim3A_1325 = arith.constant 1 : i32
        %broadcast_in_dim3A_1326 = vector.broadcast %broadcast_in_dim3A_1325 : i32 to vector<16xi32>
        %broadcast_in_dim3A_1327 = vector.shape_cast %broadcast_in_dim3A_1326 : vector<16xi32> to vector<16x1xi32>
        %gather3A_1328 = vector.shape_cast %broadcast_in_dim3A_1327 : vector<16x1xi32> to vector<16xi32>
        %gather3A_1329 = tpu.dynamic_gather %add3A_336[%gather3A_1328] in [0] : vector<16xi32>, vector<16xi32> -> vector<16xi32>
        %add3A_1330 = arith.addi %gather3A_1329, %iota3A : vector<16xi32>
        %broadcast_in_dim3A_1331 = arith.constant 1 : i32
        %broadcast_in_dim3A_1332 = vector.broadcast %broadcast_in_dim3A_1331 : i32 to vector<16xi32>
        %broadcast_in_dim3A_1333 = vector.shape_cast %broadcast_in_dim3A_1332 : vector<16xi32> to vector<16x1xi32>
        %gather3A_1334 = vector.shape_cast %broadcast_in_dim3A_1333 : vector<16x1xi32> to vector<16xi32>
        %gather3A_1335 = tpu.dynamic_gather %mul3A_337[%gather3A_1334] in [0] : vector<16xf32>, vector<16xi32> -> vector<16xf32>
        %gather3A_1336 = tpu.vector_load_idx %arg5[%add3A_1330] : memref<98304xf32, #tpu.memory_space<vmem>>[vector<16xi32>], vector<16xf32>,
        %add3A_1337 = arith.constant 16 : i32
        %add3A_1338 = vector.broadcast %add3A_1337 : i32 to vector<16xi32>
        %add3A_1339 = arith.addi %add3A_1330, %add3A_1338 : vector<16xi32>
        %gather3A_1340 = tpu.vector_load_idx %arg5[%add3A_1339] : memref<98304xf32, #tpu.memory_space<vmem>>[vector<16xi32>], vector<16xf32>,
        %mul3A_1341 = arith.mulf %gather3A_1336, %gather3A_1335 : vector<16xf32>
        %add3A_1342 = arith.addf %add3A_1322, %mul3A_1341 : vector<16xf32>
        %mul3A_1343 = arith.mulf %gather3A_1340, %gather3A_1335 : vector<16xf32>
        %add3A_1344 = arith.addf %add3A_1324, %mul3A_1343 : vector<16xf32>
        %broadcast_in_dim3A_1345 = arith.constant 2 : i32
        %broadcast_in_dim3A_1346 = vector.broadcast %broadcast_in_dim3A_1345 : i32 to vector<16xi32>
        %broadcast_in_dim3A_1347 = vector.shape_cast %broadcast_in_dim3A_1346 : vector<16xi32> to vector<16x1xi32>
        %gather3A_1348 = vector.shape_cast %broadcast_in_dim3A_1347 : vector<16x1xi32> to vector<16xi32>
        %gather3A_1349 = tpu.dynamic_gather %add3A_336[%gather3A_1348] in [0] : vector<16xi32>, vector<16xi32> -> vector<16xi32>
        %add3A_1350 = arith.addi %gather3A_1349, %iota3A : vector<16xi32>
        %broadcast_in_dim3A_1351 = arith.constant 2 : i32
        %broadcast_in_dim3A_1352 = vector.broadcast %broadcast_in_dim3A_1351 : i32 to vector<16xi32>
        %broadcast_in_dim3A_1353 = vector.shape_cast %broadcast_in_dim3A_1352 : vector<16xi32> to vector<16x1xi32>
        %gather3A_1354 = vector.shape_cast %broadcast_in_dim3A_1353 : vector<16x1xi32> to vector<16xi32>
        %gather3A_1355 = tpu.dynamic_gather %mul3A_337[%gather3A_1354] in [0] : vector<16xf32>, vector<16xi32> -> vector<16xf32>
        %gather3A_1356 = tpu.vector_load_idx %arg5[%add3A_1350] : memref<98304xf32, #tpu.memory_space<vmem>>[vector<16xi32>], vector<16xf32>,
        %add3A_1357 = arith.constant 16 : i32
        %add3A_1358 = vector.broadcast %add3A_1357 : i32 to vector<16xi32>
        %add3A_1359 = arith.addi %add3A_1350, %add3A_1358 : vector<16xi32>
        %gather3A_1360 = tpu.vector_load_idx %arg5[%add3A_1359] : memref<98304xf32, #tpu.memory_space<vmem>>[vector<16xi32>], vector<16xf32>,
        %mul3A_1361 = arith.mulf %gather3A_1356, %gather3A_1355 : vector<16xf32>
        %add3A_1362 = arith.addf %add3A_1342, %mul3A_1361 : vector<16xf32>
        %mul3A_1363 = arith.mulf %gather3A_1360, %gather3A_1355 : vector<16xf32>
        %add3A_1364 = arith.addf %add3A_1344, %mul3A_1363 : vector<16xf32>
        %broadcast_in_dim3A_1365 = arith.constant 3 : i32
        %broadcast_in_dim3A_1366 = vector.broadcast %broadcast_in_dim3A_1365 : i32 to vector<16xi32>
        %broadcast_in_dim3A_1367 = vector.shape_cast %broadcast_in_dim3A_1366 : vector<16xi32> to vector<16x1xi32>
        %gather3A_1368 = vector.shape_cast %broadcast_in_dim3A_1367 : vector<16x1xi32> to vector<16xi32>
        %gather3A_1369 = tpu.dynamic_gather %add3A_336[%gather3A_1368] in [0] : vector<16xi32>, vector<16xi32> -> vector<16xi32>
        %add3A_1370 = arith.addi %gather3A_1369, %iota3A : vector<16xi32>
        %broadcast_in_dim3A_1371 = arith.constant 3 : i32
        %broadcast_in_dim3A_1372 = vector.broadcast %broadcast_in_dim3A_1371 : i32 to vector<16xi32>
        %broadcast_in_dim3A_1373 = vector.shape_cast %broadcast_in_dim3A_1372 : vector<16xi32> to vector<16x1xi32>
        %gather3A_1374 = vector.shape_cast %broadcast_in_dim3A_1373 : vector<16x1xi32> to vector<16xi32>
        %gather3A_1375 = tpu.dynamic_gather %mul3A_337[%gather3A_1374] in [0] : vector<16xf32>, vector<16xi32> -> vector<16xf32>
        %gather3A_1376 = tpu.vector_load_idx %arg5[%add3A_1370] : memref<98304xf32, #tpu.memory_space<vmem>>[vector<16xi32>], vector<16xf32>,
        %add3A_1377 = arith.constant 16 : i32
        %add3A_1378 = vector.broadcast %add3A_1377 : i32 to vector<16xi32>
        %add3A_1379 = arith.addi %add3A_1370, %add3A_1378 : vector<16xi32>
        %gather3A_1380 = tpu.vector_load_idx %arg5[%add3A_1379] : memref<98304xf32, #tpu.memory_space<vmem>>[vector<16xi32>], vector<16xf32>,
        %mul3A_1381 = arith.mulf %gather3A_1376, %gather3A_1375 : vector<16xf32>
        %add3A_1382 = arith.addf %add3A_1362, %mul3A_1381 : vector<16xf32>
        %mul3A_1383 = arith.mulf %gather3A_1380, %gather3A_1375 : vector<16xf32>
        %add3A_1384 = arith.addf %add3A_1364, %mul3A_1383 : vector<16xf32>
        %broadcast_in_dim3A_1385 = arith.constant 4 : i32
        %broadcast_in_dim3A_1386 = vector.broadcast %broadcast_in_dim3A_1385 : i32 to vector<16xi32>
        %broadcast_in_dim3A_1387 = vector.shape_cast %broadcast_in_dim3A_1386 : vector<16xi32> to vector<16x1xi32>
        %gather3A_1388 = vector.shape_cast %broadcast_in_dim3A_1387 : vector<16x1xi32> to vector<16xi32>
        %gather3A_1389 = tpu.dynamic_gather %add3A_336[%gather3A_1388] in [0] : vector<16xi32>, vector<16xi32> -> vector<16xi32>
        %add3A_1390 = arith.addi %gather3A_1389, %iota3A : vector<16xi32>
        %broadcast_in_dim3A_1391 = arith.constant 4 : i32
        %broadcast_in_dim3A_1392 = vector.broadcast %broadcast_in_dim3A_1391 : i32 to vector<16xi32>
        %broadcast_in_dim3A_1393 = vector.shape_cast %broadcast_in_dim3A_1392 : vector<16xi32> to vector<16x1xi32>
        %gather3A_1394 = vector.shape_cast %broadcast_in_dim3A_1393 : vector<16x1xi32> to vector<16xi32>
        %gather3A_1395 = tpu.dynamic_gather %mul3A_337[%gather3A_1394] in [0] : vector<16xf32>, vector<16xi32> -> vector<16xf32>
        %gather3A_1396 = tpu.vector_load_idx %arg5[%add3A_1390] : memref<98304xf32, #tpu.memory_space<vmem>>[vector<16xi32>], vector<16xf32>,
        %add3A_1397 = arith.constant 16 : i32
        %add3A_1398 = vector.broadcast %add3A_1397 : i32 to vector<16xi32>
        %add3A_1399 = arith.addi %add3A_1390, %add3A_1398 : vector<16xi32>
        %gather3A_1400 = tpu.vector_load_idx %arg5[%add3A_1399] : memref<98304xf32, #tpu.memory_space<vmem>>[vector<16xi32>], vector<16xf32>,
        %mul3A_1401 = arith.mulf %gather3A_1396, %gather3A_1395 : vector<16xf32>
        %add3A_1402 = arith.addf %add3A_1382, %mul3A_1401 : vector<16xf32>
        %mul3A_1403 = arith.mulf %gather3A_1400, %gather3A_1395 : vector<16xf32>
        %add3A_1404 = arith.addf %add3A_1384, %mul3A_1403 : vector<16xf32>
        %broadcast_in_dim3A_1405 = arith.constant 5 : i32
        %broadcast_in_dim3A_1406 = vector.broadcast %broadcast_in_dim3A_1405 : i32 to vector<16xi32>
        %broadcast_in_dim3A_1407 = vector.shape_cast %broadcast_in_dim3A_1406 : vector<16xi32> to vector<16x1xi32>
        %gather3A_1408 = vector.shape_cast %broadcast_in_dim3A_1407 : vector<16x1xi32> to vector<16xi32>
        %gather3A_1409 = tpu.dynamic_gather %add3A_336[%gather3A_1408] in [0] : vector<16xi32>, vector<16xi32> -> vector<16xi32>
        %add3A_1410 = arith.addi %gather3A_1409, %iota3A : vector<16xi32>
        %broadcast_in_dim3A_1411 = arith.constant 5 : i32
        %broadcast_in_dim3A_1412 = vector.broadcast %broadcast_in_dim3A_1411 : i32 to vector<16xi32>
        %broadcast_in_dim3A_1413 = vector.shape_cast %broadcast_in_dim3A_1412 : vector<16xi32> to vector<16x1xi32>
        %gather3A_1414 = vector.shape_cast %broadcast_in_dim3A_1413 : vector<16x1xi32> to vector<16xi32>
        %gather3A_1415 = tpu.dynamic_gather %mul3A_337[%gather3A_1414] in [0] : vector<16xf32>, vector<16xi32> -> vector<16xf32>
        %gather3A_1416 = tpu.vector_load_idx %arg5[%add3A_1410] : memref<98304xf32, #tpu.memory_space<vmem>>[vector<16xi32>], vector<16xf32>,
        %add3A_1417 = arith.constant 16 : i32
        %add3A_1418 = vector.broadcast %add3A_1417 : i32 to vector<16xi32>
        %add3A_1419 = arith.addi %add3A_1410, %add3A_1418 : vector<16xi32>
        %gather3A_1420 = tpu.vector_load_idx %arg5[%add3A_1419] : memref<98304xf32, #tpu.memory_space<vmem>>[vector<16xi32>], vector<16xf32>,
        %mul3A_1421 = arith.mulf %gather3A_1416, %gather3A_1415 : vector<16xf32>
        %add3A_1422 = arith.addf %add3A_1402, %mul3A_1421 : vector<16xf32>
        %mul3A_1423 = arith.mulf %gather3A_1420, %gather3A_1415 : vector<16xf32>
        %add3A_1424 = arith.addf %add3A_1404, %mul3A_1423 : vector<16xf32>
        %broadcast_in_dim3A_1425 = arith.constant 6 : i32
        %broadcast_in_dim3A_1426 = vector.broadcast %broadcast_in_dim3A_1425 : i32 to vector<16xi32>
        %broadcast_in_dim3A_1427 = vector.shape_cast %broadcast_in_dim3A_1426 : vector<16xi32> to vector<16x1xi32>
        %gather3A_1428 = vector.shape_cast %broadcast_in_dim3A_1427 : vector<16x1xi32> to vector<16xi32>
        %gather3A_1429 = tpu.dynamic_gather %add3A_336[%gather3A_1428] in [0] : vector<16xi32>, vector<16xi32> -> vector<16xi32>
        %add3A_1430 = arith.addi %gather3A_1429, %iota3A : vector<16xi32>
        %broadcast_in_dim3A_1431 = arith.constant 6 : i32
        %broadcast_in_dim3A_1432 = vector.broadcast %broadcast_in_dim3A_1431 : i32 to vector<16xi32>
        %broadcast_in_dim3A_1433 = vector.shape_cast %broadcast_in_dim3A_1432 : vector<16xi32> to vector<16x1xi32>
        %gather3A_1434 = vector.shape_cast %broadcast_in_dim3A_1433 : vector<16x1xi32> to vector<16xi32>
        %gather3A_1435 = tpu.dynamic_gather %mul3A_337[%gather3A_1434] in [0] : vector<16xf32>, vector<16xi32> -> vector<16xf32>
        %gather3A_1436 = tpu.vector_load_idx %arg5[%add3A_1430] : memref<98304xf32, #tpu.memory_space<vmem>>[vector<16xi32>], vector<16xf32>,
        %add3A_1437 = arith.constant 16 : i32
        %add3A_1438 = vector.broadcast %add3A_1437 : i32 to vector<16xi32>
        %add3A_1439 = arith.addi %add3A_1430, %add3A_1438 : vector<16xi32>
        %gather3A_1440 = tpu.vector_load_idx %arg5[%add3A_1439] : memref<98304xf32, #tpu.memory_space<vmem>>[vector<16xi32>], vector<16xf32>,
        %mul3A_1441 = arith.mulf %gather3A_1436, %gather3A_1435 : vector<16xf32>
        %add3A_1442 = arith.addf %add3A_1422, %mul3A_1441 : vector<16xf32>
        %mul3A_1443 = arith.mulf %gather3A_1440, %gather3A_1435 : vector<16xf32>
        %add3A_1444 = arith.addf %add3A_1424, %mul3A_1443 : vector<16xf32>
        %broadcast_in_dim3A_1445 = arith.constant 7 : i32
        %broadcast_in_dim3A_1446 = vector.broadcast %broadcast_in_dim3A_1445 : i32 to vector<16xi32>
        %broadcast_in_dim3A_1447 = vector.shape_cast %broadcast_in_dim3A_1446 : vector<16xi32> to vector<16x1xi32>
        %gather3A_1448 = vector.shape_cast %broadcast_in_dim3A_1447 : vector<16x1xi32> to vector<16xi32>
        %gather3A_1449 = tpu.dynamic_gather %add3A_336[%gather3A_1448] in [0] : vector<16xi32>, vector<16xi32> -> vector<16xi32>
        %add3A_1450 = arith.addi %gather3A_1449, %iota3A : vector<16xi32>
        %broadcast_in_dim3A_1451 = arith.constant 7 : i32
        %broadcast_in_dim3A_1452 = vector.broadcast %broadcast_in_dim3A_1451 : i32 to vector<16xi32>
        %broadcast_in_dim3A_1453 = vector.shape_cast %broadcast_in_dim3A_1452 : vector<16xi32> to vector<16x1xi32>
        %gather3A_1454 = vector.shape_cast %broadcast_in_dim3A_1453 : vector<16x1xi32> to vector<16xi32>
        %gather3A_1455 = tpu.dynamic_gather %mul3A_337[%gather3A_1454] in [0] : vector<16xf32>, vector<16xi32> -> vector<16xf32>
        %gather3A_1456 = tpu.vector_load_idx %arg5[%add3A_1450] : memref<98304xf32, #tpu.memory_space<vmem>>[vector<16xi32>], vector<16xf32>,
        %add3A_1457 = arith.constant 16 : i32
        %add3A_1458 = vector.broadcast %add3A_1457 : i32 to vector<16xi32>
        %add3A_1459 = arith.addi %add3A_1450, %add3A_1458 : vector<16xi32>
        %gather3A_1460 = tpu.vector_load_idx %arg5[%add3A_1459] : memref<98304xf32, #tpu.memory_space<vmem>>[vector<16xi32>], vector<16xf32>,
        %mul3A_1461 = arith.mulf %gather3A_1456, %gather3A_1455 : vector<16xf32>
        %add3A_1462 = arith.addf %add3A_1442, %mul3A_1461 : vector<16xf32>
        %mul3A_1463 = arith.mulf %gather3A_1460, %gather3A_1455 : vector<16xf32>
        %add3A_1464 = arith.addf %add3A_1444, %mul3A_1463 : vector<16xf32>
        %broadcast_in_dim3A_1465 = arith.constant 8 : i32
        %broadcast_in_dim3A_1466 = vector.broadcast %broadcast_in_dim3A_1465 : i32 to vector<16xi32>
        %broadcast_in_dim3A_1467 = vector.shape_cast %broadcast_in_dim3A_1466 : vector<16xi32> to vector<16x1xi32>
        %gather3A_1468 = vector.shape_cast %broadcast_in_dim3A_1467 : vector<16x1xi32> to vector<16xi32>
        %gather3A_1469 = tpu.dynamic_gather %add3A_336[%gather3A_1468] in [0] : vector<16xi32>, vector<16xi32> -> vector<16xi32>
        %add3A_1470 = arith.addi %gather3A_1469, %iota3A : vector<16xi32>
        %broadcast_in_dim3A_1471 = arith.constant 8 : i32
        %broadcast_in_dim3A_1472 = vector.broadcast %broadcast_in_dim3A_1471 : i32 to vector<16xi32>
        %broadcast_in_dim3A_1473 = vector.shape_cast %broadcast_in_dim3A_1472 : vector<16xi32> to vector<16x1xi32>
        %gather3A_1474 = vector.shape_cast %broadcast_in_dim3A_1473 : vector<16x1xi32> to vector<16xi32>
        %gather3A_1475 = tpu.dynamic_gather %mul3A_337[%gather3A_1474] in [0] : vector<16xf32>, vector<16xi32> -> vector<16xf32>
        %gather3A_1476 = tpu.vector_load_idx %arg5[%add3A_1470] : memref<98304xf32, #tpu.memory_space<vmem>>[vector<16xi32>], vector<16xf32>,
        %add3A_1477 = arith.constant 16 : i32
        %add3A_1478 = vector.broadcast %add3A_1477 : i32 to vector<16xi32>
        %add3A_1479 = arith.addi %add3A_1470, %add3A_1478 : vector<16xi32>
        %gather3A_1480 = tpu.vector_load_idx %arg5[%add3A_1479] : memref<98304xf32, #tpu.memory_space<vmem>>[vector<16xi32>], vector<16xf32>,
        %mul3A_1481 = arith.mulf %gather3A_1476, %gather3A_1475 : vector<16xf32>
        %add3A_1482 = arith.addf %add3A_1462, %mul3A_1481 : vector<16xf32>
        %mul3A_1483 = arith.mulf %gather3A_1480, %gather3A_1475 : vector<16xf32>
        %add3A_1484 = arith.addf %add3A_1464, %mul3A_1483 : vector<16xf32>
        %broadcast_in_dim3A_1485 = arith.constant 9 : i32
        %broadcast_in_dim3A_1486 = vector.broadcast %broadcast_in_dim3A_1485 : i32 to vector<16xi32>
        %broadcast_in_dim3A_1487 = vector.shape_cast %broadcast_in_dim3A_1486 : vector<16xi32> to vector<16x1xi32>
        %gather3A_1488 = vector.shape_cast %broadcast_in_dim3A_1487 : vector<16x1xi32> to vector<16xi32>
        %gather3A_1489 = tpu.dynamic_gather %add3A_336[%gather3A_1488] in [0] : vector<16xi32>, vector<16xi32> -> vector<16xi32>
        %add3A_1490 = arith.addi %gather3A_1489, %iota3A : vector<16xi32>
        %broadcast_in_dim3A_1491 = arith.constant 9 : i32
        %broadcast_in_dim3A_1492 = vector.broadcast %broadcast_in_dim3A_1491 : i32 to vector<16xi32>
        %broadcast_in_dim3A_1493 = vector.shape_cast %broadcast_in_dim3A_1492 : vector<16xi32> to vector<16x1xi32>
        %gather3A_1494 = vector.shape_cast %broadcast_in_dim3A_1493 : vector<16x1xi32> to vector<16xi32>
        %gather3A_1495 = tpu.dynamic_gather %mul3A_337[%gather3A_1494] in [0] : vector<16xf32>, vector<16xi32> -> vector<16xf32>
        %gather3A_1496 = tpu.vector_load_idx %arg5[%add3A_1490] : memref<98304xf32, #tpu.memory_space<vmem>>[vector<16xi32>], vector<16xf32>,
        %add3A_1497 = arith.constant 16 : i32
        %add3A_1498 = vector.broadcast %add3A_1497 : i32 to vector<16xi32>
        %add3A_1499 = arith.addi %add3A_1490, %add3A_1498 : vector<16xi32>
        %gather3A_1500 = tpu.vector_load_idx %arg5[%add3A_1499] : memref<98304xf32, #tpu.memory_space<vmem>>[vector<16xi32>], vector<16xf32>,
        %mul3A_1501 = arith.mulf %gather3A_1496, %gather3A_1495 : vector<16xf32>
        %add3A_1502 = arith.addf %add3A_1482, %mul3A_1501 : vector<16xf32>
        %mul3A_1503 = arith.mulf %gather3A_1500, %gather3A_1495 : vector<16xf32>
        %add3A_1504 = arith.addf %add3A_1484, %mul3A_1503 : vector<16xf32>
        %broadcast_in_dim3A_1505 = arith.constant 10 : i32
        %broadcast_in_dim3A_1506 = vector.broadcast %broadcast_in_dim3A_1505 : i32 to vector<16xi32>
        %broadcast_in_dim3A_1507 = vector.shape_cast %broadcast_in_dim3A_1506 : vector<16xi32> to vector<16x1xi32>
        %gather3A_1508 = vector.shape_cast %broadcast_in_dim3A_1507 : vector<16x1xi32> to vector<16xi32>
        %gather3A_1509 = tpu.dynamic_gather %add3A_336[%gather3A_1508] in [0] : vector<16xi32>, vector<16xi32> -> vector<16xi32>
        %add3A_1510 = arith.addi %gather3A_1509, %iota3A : vector<16xi32>
        %broadcast_in_dim3A_1511 = arith.constant 10 : i32
        %broadcast_in_dim3A_1512 = vector.broadcast %broadcast_in_dim3A_1511 : i32 to vector<16xi32>
        %broadcast_in_dim3A_1513 = vector.shape_cast %broadcast_in_dim3A_1512 : vector<16xi32> to vector<16x1xi32>
        %gather3A_1514 = vector.shape_cast %broadcast_in_dim3A_1513 : vector<16x1xi32> to vector<16xi32>
        %gather3A_1515 = tpu.dynamic_gather %mul3A_337[%gather3A_1514] in [0] : vector<16xf32>, vector<16xi32> -> vector<16xf32>
        %gather3A_1516 = tpu.vector_load_idx %arg5[%add3A_1510] : memref<98304xf32, #tpu.memory_space<vmem>>[vector<16xi32>], vector<16xf32>,
        %add3A_1517 = arith.constant 16 : i32
        %add3A_1518 = vector.broadcast %add3A_1517 : i32 to vector<16xi32>
        %add3A_1519 = arith.addi %add3A_1510, %add3A_1518 : vector<16xi32>
        %gather3A_1520 = tpu.vector_load_idx %arg5[%add3A_1519] : memref<98304xf32, #tpu.memory_space<vmem>>[vector<16xi32>], vector<16xf32>,
        %mul3A_1521 = arith.mulf %gather3A_1516, %gather3A_1515 : vector<16xf32>
        %add3A_1522 = arith.addf %add3A_1502, %mul3A_1521 : vector<16xf32>
        %mul3A_1523 = arith.mulf %gather3A_1520, %gather3A_1515 : vector<16xf32>
        %add3A_1524 = arith.addf %add3A_1504, %mul3A_1523 : vector<16xf32>
        %broadcast_in_dim3A_1525 = arith.constant 11 : i32
        %broadcast_in_dim3A_1526 = vector.broadcast %broadcast_in_dim3A_1525 : i32 to vector<16xi32>
        %broadcast_in_dim3A_1527 = vector.shape_cast %broadcast_in_dim3A_1526 : vector<16xi32> to vector<16x1xi32>
        %gather3A_1528 = vector.shape_cast %broadcast_in_dim3A_1527 : vector<16x1xi32> to vector<16xi32>
        %gather3A_1529 = tpu.dynamic_gather %add3A_336[%gather3A_1528] in [0] : vector<16xi32>, vector<16xi32> -> vector<16xi32>
        %add3A_1530 = arith.addi %gather3A_1529, %iota3A : vector<16xi32>
        %broadcast_in_dim3A_1531 = arith.constant 11 : i32
        %broadcast_in_dim3A_1532 = vector.broadcast %broadcast_in_dim3A_1531 : i32 to vector<16xi32>
        %broadcast_in_dim3A_1533 = vector.shape_cast %broadcast_in_dim3A_1532 : vector<16xi32> to vector<16x1xi32>
        %gather3A_1534 = vector.shape_cast %broadcast_in_dim3A_1533 : vector<16x1xi32> to vector<16xi32>
        %gather3A_1535 = tpu.dynamic_gather %mul3A_337[%gather3A_1534] in [0] : vector<16xf32>, vector<16xi32> -> vector<16xf32>
        %gather3A_1536 = tpu.vector_load_idx %arg5[%add3A_1530] : memref<98304xf32, #tpu.memory_space<vmem>>[vector<16xi32>], vector<16xf32>,
        %add3A_1537 = arith.constant 16 : i32
        %add3A_1538 = vector.broadcast %add3A_1537 : i32 to vector<16xi32>
        %add3A_1539 = arith.addi %add3A_1530, %add3A_1538 : vector<16xi32>
        %gather3A_1540 = tpu.vector_load_idx %arg5[%add3A_1539] : memref<98304xf32, #tpu.memory_space<vmem>>[vector<16xi32>], vector<16xf32>,
        %mul3A_1541 = arith.mulf %gather3A_1536, %gather3A_1535 : vector<16xf32>
        %add3A_1542 = arith.addf %add3A_1522, %mul3A_1541 : vector<16xf32>
        %mul3A_1543 = arith.mulf %gather3A_1540, %gather3A_1535 : vector<16xf32>
        %add3A_1544 = arith.addf %add3A_1524, %mul3A_1543 : vector<16xf32>
        %broadcast_in_dim3A_1545 = arith.constant 12 : i32
        %broadcast_in_dim3A_1546 = vector.broadcast %broadcast_in_dim3A_1545 : i32 to vector<16xi32>
        %broadcast_in_dim3A_1547 = vector.shape_cast %broadcast_in_dim3A_1546 : vector<16xi32> to vector<16x1xi32>
        %gather3A_1548 = vector.shape_cast %broadcast_in_dim3A_1547 : vector<16x1xi32> to vector<16xi32>
        %gather3A_1549 = tpu.dynamic_gather %add3A_336[%gather3A_1548] in [0] : vector<16xi32>, vector<16xi32> -> vector<16xi32>
        %add3A_1550 = arith.addi %gather3A_1549, %iota3A : vector<16xi32>
        %broadcast_in_dim3A_1551 = arith.constant 12 : i32
        %broadcast_in_dim3A_1552 = vector.broadcast %broadcast_in_dim3A_1551 : i32 to vector<16xi32>
        %broadcast_in_dim3A_1553 = vector.shape_cast %broadcast_in_dim3A_1552 : vector<16xi32> to vector<16x1xi32>
        %gather3A_1554 = vector.shape_cast %broadcast_in_dim3A_1553 : vector<16x1xi32> to vector<16xi32>
        %gather3A_1555 = tpu.dynamic_gather %mul3A_337[%gather3A_1554] in [0] : vector<16xf32>, vector<16xi32> -> vector<16xf32>
        %gather3A_1556 = tpu.vector_load_idx %arg5[%add3A_1550] : memref<98304xf32, #tpu.memory_space<vmem>>[vector<16xi32>], vector<16xf32>,
        %add3A_1557 = arith.constant 16 : i32
        %add3A_1558 = vector.broadcast %add3A_1557 : i32 to vector<16xi32>
        %add3A_1559 = arith.addi %add3A_1550, %add3A_1558 : vector<16xi32>
        %gather3A_1560 = tpu.vector_load_idx %arg5[%add3A_1559] : memref<98304xf32, #tpu.memory_space<vmem>>[vector<16xi32>], vector<16xf32>,
        %mul3A_1561 = arith.mulf %gather3A_1556, %gather3A_1555 : vector<16xf32>
        %add3A_1562 = arith.addf %add3A_1542, %mul3A_1561 : vector<16xf32>
        %mul3A_1563 = arith.mulf %gather3A_1560, %gather3A_1555 : vector<16xf32>
        %add3A_1564 = arith.addf %add3A_1544, %mul3A_1563 : vector<16xf32>
        %broadcast_in_dim3A_1565 = arith.constant 13 : i32
        %broadcast_in_dim3A_1566 = vector.broadcast %broadcast_in_dim3A_1565 : i32 to vector<16xi32>
        %broadcast_in_dim3A_1567 = vector.shape_cast %broadcast_in_dim3A_1566 : vector<16xi32> to vector<16x1xi32>
        %gather3A_1568 = vector.shape_cast %broadcast_in_dim3A_1567 : vector<16x1xi32> to vector<16xi32>
        %gather3A_1569 = tpu.dynamic_gather %add3A_336[%gather3A_1568] in [0] : vector<16xi32>, vector<16xi32> -> vector<16xi32>
        %add3A_1570 = arith.addi %gather3A_1569, %iota3A : vector<16xi32>
        %broadcast_in_dim3A_1571 = arith.constant 13 : i32
        %broadcast_in_dim3A_1572 = vector.broadcast %broadcast_in_dim3A_1571 : i32 to vector<16xi32>
        %broadcast_in_dim3A_1573 = vector.shape_cast %broadcast_in_dim3A_1572 : vector<16xi32> to vector<16x1xi32>
        %gather3A_1574 = vector.shape_cast %broadcast_in_dim3A_1573 : vector<16x1xi32> to vector<16xi32>
        %gather3A_1575 = tpu.dynamic_gather %mul3A_337[%gather3A_1574] in [0] : vector<16xf32>, vector<16xi32> -> vector<16xf32>
        %gather3A_1576 = tpu.vector_load_idx %arg5[%add3A_1570] : memref<98304xf32, #tpu.memory_space<vmem>>[vector<16xi32>], vector<16xf32>,
        %add3A_1577 = arith.constant 16 : i32
        %add3A_1578 = vector.broadcast %add3A_1577 : i32 to vector<16xi32>
        %add3A_1579 = arith.addi %add3A_1570, %add3A_1578 : vector<16xi32>
        %gather3A_1580 = tpu.vector_load_idx %arg5[%add3A_1579] : memref<98304xf32, #tpu.memory_space<vmem>>[vector<16xi32>], vector<16xf32>,
        %mul3A_1581 = arith.mulf %gather3A_1576, %gather3A_1575 : vector<16xf32>
        %add3A_1582 = arith.addf %add3A_1562, %mul3A_1581 : vector<16xf32>
        %mul3A_1583 = arith.mulf %gather3A_1580, %gather3A_1575 : vector<16xf32>
        %add3A_1584 = arith.addf %add3A_1564, %mul3A_1583 : vector<16xf32>
        %broadcast_in_dim3A_1585 = arith.constant 14 : i32
        %broadcast_in_dim3A_1586 = vector.broadcast %broadcast_in_dim3A_1585 : i32 to vector<16xi32>
        %broadcast_in_dim3A_1587 = vector.shape_cast %broadcast_in_dim3A_1586 : vector<16xi32> to vector<16x1xi32>
        %gather3A_1588 = vector.shape_cast %broadcast_in_dim3A_1587 : vector<16x1xi32> to vector<16xi32>
        %gather3A_1589 = tpu.dynamic_gather %add3A_336[%gather3A_1588] in [0] : vector<16xi32>, vector<16xi32> -> vector<16xi32>
        %add3A_1590 = arith.addi %gather3A_1589, %iota3A : vector<16xi32>
        %broadcast_in_dim3A_1591 = arith.constant 14 : i32
        %broadcast_in_dim3A_1592 = vector.broadcast %broadcast_in_dim3A_1591 : i32 to vector<16xi32>
        %broadcast_in_dim3A_1593 = vector.shape_cast %broadcast_in_dim3A_1592 : vector<16xi32> to vector<16x1xi32>
        %gather3A_1594 = vector.shape_cast %broadcast_in_dim3A_1593 : vector<16x1xi32> to vector<16xi32>
        %gather3A_1595 = tpu.dynamic_gather %mul3A_337[%gather3A_1594] in [0] : vector<16xf32>, vector<16xi32> -> vector<16xf32>
        %gather3A_1596 = tpu.vector_load_idx %arg5[%add3A_1590] : memref<98304xf32, #tpu.memory_space<vmem>>[vector<16xi32>], vector<16xf32>,
        %add3A_1597 = arith.constant 16 : i32
        %add3A_1598 = vector.broadcast %add3A_1597 : i32 to vector<16xi32>
        %add3A_1599 = arith.addi %add3A_1590, %add3A_1598 : vector<16xi32>
        %gather3A_1600 = tpu.vector_load_idx %arg5[%add3A_1599] : memref<98304xf32, #tpu.memory_space<vmem>>[vector<16xi32>], vector<16xf32>,
        %mul3A_1601 = arith.mulf %gather3A_1596, %gather3A_1595 : vector<16xf32>
        %add3A_1602 = arith.addf %add3A_1582, %mul3A_1601 : vector<16xf32>
        %mul3A_1603 = arith.mulf %gather3A_1600, %gather3A_1595 : vector<16xf32>
        %add3A_1604 = arith.addf %add3A_1584, %mul3A_1603 : vector<16xf32>
        %broadcast_in_dim3A_1605 = arith.constant 15 : i32
        %broadcast_in_dim3A_1606 = vector.broadcast %broadcast_in_dim3A_1605 : i32 to vector<16xi32>
        %broadcast_in_dim3A_1607 = vector.shape_cast %broadcast_in_dim3A_1606 : vector<16xi32> to vector<16x1xi32>
        %gather3A_1608 = vector.shape_cast %broadcast_in_dim3A_1607 : vector<16x1xi32> to vector<16xi32>
        %gather3A_1609 = tpu.dynamic_gather %add3A_336[%gather3A_1608] in [0] : vector<16xi32>, vector<16xi32> -> vector<16xi32>
        %add3A_1610 = arith.addi %gather3A_1609, %iota3A : vector<16xi32>
        %broadcast_in_dim3A_1611 = arith.constant 15 : i32
        %broadcast_in_dim3A_1612 = vector.broadcast %broadcast_in_dim3A_1611 : i32 to vector<16xi32>
        %broadcast_in_dim3A_1613 = vector.shape_cast %broadcast_in_dim3A_1612 : vector<16xi32> to vector<16x1xi32>
        %gather3A_1614 = vector.shape_cast %broadcast_in_dim3A_1613 : vector<16x1xi32> to vector<16xi32>
        %gather3A_1615 = tpu.dynamic_gather %mul3A_337[%gather3A_1614] in [0] : vector<16xf32>, vector<16xi32> -> vector<16xf32>
        %gather3A_1616 = tpu.vector_load_idx %arg5[%add3A_1610] : memref<98304xf32, #tpu.memory_space<vmem>>[vector<16xi32>], vector<16xf32>,
        %add3A_1617 = arith.constant 16 : i32
        %add3A_1618 = vector.broadcast %add3A_1617 : i32 to vector<16xi32>
        %add3A_1619 = arith.addi %add3A_1610, %add3A_1618 : vector<16xi32>
        %gather3A_1620 = tpu.vector_load_idx %arg5[%add3A_1619] : memref<98304xf32, #tpu.memory_space<vmem>>[vector<16xi32>], vector<16xf32>,
        %mul3A_1621 = arith.mulf %gather3A_1616, %gather3A_1615 : vector<16xf32>
        %add3A_1622 = arith.addf %add3A_1602, %mul3A_1621 : vector<16xf32>
        %mul3A_1623 = arith.mulf %gather3A_1620, %gather3A_1615 : vector<16xf32>
        %add3A_1624 = arith.addf %add3A_1604, %mul3A_1623 : vector<16xf32>
        %add3A_1625 = arith.addf %add3A_978, %add3A_1622 : vector<16xf32>
        %swap3A = arith.constant 0 : i32
        %swap3A_1626 = arith.index_cast %swap3A : i32 to index
        %swap3A_1627 = arith.index_cast %scan3A_248 : i32 to index
        %swap3A_1628 = arith.constant 0 : index
        %swap3A_1629 = tpu.vector_load %arg7[%swap3A_1626, %swap3A_1627, %swap3A_1628] {strides = array<i32>} : memref<2x64x32xf32, #tpu.memory_space<vmem>>, vector<16xf32>,
        tpu.vector_store %arg7[%swap3A_1626, %swap3A_1627, %swap3A_1628], %add3A_1625 {strides = array<i32>} : memref<2x64x32xf32, #tpu.memory_space<vmem>>, vector<16xf32>,
        %add3A_1630 = arith.addf %add3A_980, %add3A_1624 : vector<16xf32>
        %swap3A_1631 = arith.constant 0 : i32
        %swap3A_1632 = arith.index_cast %swap3A_1631 : i32 to index
        %swap3A_1633 = arith.index_cast %scan3A_248 : i32 to index
        %swap3A_1634 = arith.constant 16 : index
        %swap3A_1635 = tpu.vector_load %arg7[%swap3A_1632, %swap3A_1633, %swap3A_1634] {strides = array<i32>} : memref<2x64x32xf32, #tpu.memory_space<vmem>>, vector<16xf32>,
        tpu.vector_store %arg7[%swap3A_1632, %swap3A_1633, %swap3A_1634], %add3A_1630 {strides = array<i32>} : memref<2x64x32xf32, #tpu.memory_space<vmem>>, vector<16xf32>,
      }
      %scan3A_168 = arith.constant 64 : i32
      %mul3A_169 = arith.constant 64 : i32
      %mul3A_170 = arith.muli %add3A_142, %mul3A_169 : i32
      %add3A_171 = arith.addi %mul3A_32, %mul3A_170 : i32
      %dma_start3A_172 = arith.constant 0 : i32
      %dma_start3A_173 = arith.constant 0 : i32
      %dma_start3A_174 = arith.constant 0 : i32
      %dma_start3A_175 = tpu.memref_slice %arg7[%dma_start3A_172, %dma_start3A_173, %dma_start3A_174] : memref<2x64x32xf32, #tpu.memory_space<vmem>> -> memref<1x64x32xf32, #tpu.memory_space<vmem>>
      %dma_start3A_176 = tpu.memref_squeeze %dma_start3A_175 : memref<1x64x32xf32, #tpu.memory_space<vmem>> -> memref<64x32xf32, #tpu.memory_space<vmem>>
      %dma_start3A_177 = arith.constant 0 : i32
      %dma_start3A_178 = tpu.memref_slice %arg4[%select_n3A_9, %add3A_171, %dma_start3A_177] : memref<16x3072x32xf32, #tpu.memory_space<hbm>> -> memref<1x64x32xf32, #tpu.memory_space<hbm>>
      %dma_start3A_179 = tpu.memref_squeeze %dma_start3A_178 : memref<1x64x32xf32, #tpu.memory_space<hbm>> -> memref<64x32xf32, #tpu.memory_space<hbm>>
      %dma_start3A_180 = arith.constant 0 : i32
      %dma_start3A_181 = tpu.memref_slice %arg4[%select_n3A_9, %add3A_171, %dma_start3A_180] : memref<16x3072x32xf32, #tpu.memory_space<hbm>> -> memref<1x64x32xf32, #tpu.memory_space<hbm>>
      %dma_start3A_182 = tpu.memref_squeeze %dma_start3A_181 : memref<1x64x32xf32, #tpu.memory_space<hbm>> -> memref<64x32xf32, #tpu.memory_space<hbm>>
      %dma_start3A_183 = arith.constant 0 : i32
      %dma_start3A_184 = arith.constant 0 : i32
      %dma_start3A_185 = tpu.memref_slice %arg7[%dma_start3A_172, %dma_start3A_183, %dma_start3A_184] : memref<2x64x32xf32, #tpu.memory_space<vmem>> -> memref<1x64x32xf32, #tpu.memory_space<vmem>>
      %dma_start3A_186 = tpu.memref_squeeze %dma_start3A_185 : memref<1x64x32xf32, #tpu.memory_space<vmem>> -> memref<64x32xf32, #tpu.memory_space<vmem>>
      tpu.enqueue_dma source(%dma_start3A_186 : memref<64x32xf32, #tpu.memory_space<vmem>>) target(%dma_start3A_182 : memref<64x32xf32, #tpu.memory_space<hbm>>) target_semaphore(%arg11 : memref<!tpu.dma_semaphore, #tpu.memory_space<semaphore_mem>>)
      %lt3A_187 = arith.constant 11 : i32
      %lt3A_188 = arith.cmpi slt, %scan3A_138, %lt3A_187 : i32
      %convert_element_type3A_189 = arith.extui %lt3A_188 : i1 to i32
      %cond3A_190 = arith.constant 0 : i32
      %cond3A_191 = arith.cmpi ne, %convert_element_type3A_189, %cond3A_190 : i32
      scf.if %cond3A_191 {
        %add3A_248 = arith.constant 2 : i32
        %add3A_249 = arith.addi %add3A_142, %add3A_248 : i32
        %mul3A_250 = arith.constant 64 : i32
        %mul3A_251 = arith.muli %add3A_249, %mul3A_250 : i32
        %add3A_252 = arith.addi %mul3A_32, %mul3A_251 : i32
        %dma_start3A_253 = arith.constant 0 : i32
        %dma_start3A_254 = arith.constant 0 : i32
        %dma_start3A_255 = arith.constant 0 : i32
        %dma_start3A_256 = tpu.memref_slice %arg6[%dma_start3A_253, %dma_start3A_254, %dma_start3A_255] : memref<2x64x64xi32, #tpu.memory_space<vmem>> -> memref<1x64x64xi32, #tpu.memory_space<vmem>>
        %dma_start3A_257 = tpu.memref_squeeze %dma_start3A_256 : memref<1x64x64xi32, #tpu.memory_space<vmem>> -> memref<64x64xi32, #tpu.memory_space<vmem>>
        %dma_start3A_258 = arith.constant 0 : i32
        %dma_start3A_259 = tpu.memref_slice %arg3[%select_n3A_9, %add3A_252, %dma_start3A_258] : memref<16x3072x64xi32, #tpu.memory_space<hbm>> -> memref<1x64x64xi32, #tpu.memory_space<hbm>>
        %dma_start3A_260 = tpu.memref_squeeze %dma_start3A_259 : memref<1x64x64xi32, #tpu.memory_space<hbm>> -> memref<64x64xi32, #tpu.memory_space<hbm>>
        %dma_start3A_261 = arith.constant 0 : i32
        %dma_start3A_262 = arith.constant 0 : i32
        %dma_start3A_263 = tpu.memref_slice %arg6[%dma_start3A_253, %dma_start3A_261, %dma_start3A_262] : memref<2x64x64xi32, #tpu.memory_space<vmem>> -> memref<1x64x64xi32, #tpu.memory_space<vmem>>
        %dma_start3A_264 = tpu.memref_squeeze %dma_start3A_263 : memref<1x64x64xi32, #tpu.memory_space<vmem>> -> memref<64x64xi32, #tpu.memory_space<vmem>>
        %dma_start3A_265 = arith.constant 0 : i32
        %dma_start3A_266 = tpu.memref_slice %arg3[%select_n3A_9, %add3A_252, %dma_start3A_265] : memref<16x3072x64xi32, #tpu.memory_space<hbm>> -> memref<1x64x64xi32, #tpu.memory_space<hbm>>
        %dma_start3A_267 = tpu.memref_squeeze %dma_start3A_266 : memref<1x64x64xi32, #tpu.memory_space<hbm>> -> memref<64x64xi32, #tpu.memory_space<hbm>>
        tpu.enqueue_dma source(%dma_start3A_267 : memref<64x64xi32, #tpu.memory_space<hbm>>) target(%dma_start3A_264 : memref<64x64xi32, #tpu.memory_space<vmem>>) target_semaphore(%arg9 : memref<!tpu.dma_semaphore, #tpu.memory_space<semaphore_mem>>)
      } else {
      }
      %mul3A_192 = arith.constant 2 : i32
      %mul3A_193 = arith.muli %scan3A_138, %mul3A_192 : i32
      %add3A_194 = arith.constant 1 : i32
      %add3A_195 = arith.addi %mul3A_193, %add3A_194 : i32
      %mul3A_196 = arith.constant 64 : i32
      %mul3A_197 = arith.muli %add3A_195, %mul3A_196 : i32
      %add3A_198 = arith.addi %mul3A_32, %mul3A_197 : i32
      %dma_wait3A_199 = arith.constant 1 : i32
      %dma_wait3A_200 = arith.constant 0 : i32
      %dma_wait3A_201 = arith.constant 0 : i32
      %dma_wait3A_202 = tpu.memref_slice %arg6[%dma_wait3A_199, %dma_wait3A_200, %dma_wait3A_201] : memref<2x64x64xi32, #tpu.memory_space<vmem>> -> memref<1x64x64xi32, #tpu.memory_space<vmem>>
      %dma_wait3A_203 = tpu.memref_squeeze %dma_wait3A_202 : memref<1x64x64xi32, #tpu.memory_space<vmem>> -> memref<64x64xi32, #tpu.memory_space<vmem>>
      %dma_wait3A_204 = arith.constant 0 : i32
      %dma_wait3A_205 = tpu.memref_slice %arg3[%select_n3A_9, %add3A_198, %dma_wait3A_204] : memref<16x3072x64xi32, #tpu.memory_space<hbm>> -> memref<1x64x64xi32, #tpu.memory_space<hbm>>
      %dma_wait3A_206 = tpu.memref_squeeze %dma_wait3A_205 : memref<1x64x64xi32, #tpu.memory_space<hbm>> -> memref<64x64xi32, #tpu.memory_space<hbm>>
      %dma_wait3A_207 = arith.constant 0 : i32
      %dma_wait3A_208 = arith.constant 0 : i32
      %dma_wait3A_209 = tpu.memref_slice %arg6[%dma_wait3A_199, %dma_wait3A_207, %dma_wait3A_208] : memref<2x64x64xi32, #tpu.memory_space<vmem>> -> memref<1x64x64xi32, #tpu.memory_space<vmem>>
      %dma_wait3A_210 = tpu.memref_squeeze %dma_wait3A_209 : memref<1x64x64xi32, #tpu.memory_space<vmem>> -> memref<64x64xi32, #tpu.memory_space<vmem>>
      %dma_wait3A_211 = arith.constant 0 : i32
      %dma_wait3A_212 = tpu.memref_slice %arg3[%select_n3A_9, %add3A_198, %dma_wait3A_211] : memref<16x3072x64xi32, #tpu.memory_space<hbm>> -> memref<1x64x64xi32, #tpu.memory_space<hbm>>
      %dma_wait3A_213 = tpu.memref_squeeze %dma_wait3A_212 : memref<1x64x64xi32, #tpu.memory_space<hbm>> -> memref<64x64xi32, #tpu.memory_space<hbm>>
      tpu.wait_dma2 semaphore(%arg10 : memref<!tpu.dma_semaphore, #tpu.memory_space<semaphore_mem>>) src(%dma_wait3A_213 : memref<64x64xi32, #tpu.memory_space<hbm>>) dst(%dma_wait3A_210 : memref<64x64xi32, #tpu.memory_space<vmem>>)
      %gt3A_214 = arith.constant 0 : i32
      %gt3A_215 = arith.cmpi sgt, %scan3A_138, %gt3A_214 : i32
      %convert_element_type3A_216 = arith.extui %gt3A_215 : i1 to i32
      %cond3A_217 = arith.constant 0 : i32
      %cond3A_218 = arith.cmpi ne, %convert_element_type3A_216, %cond3A_217 : i32
      scf.if %cond3A_218 {
        %sub3A_248 = arith.constant 2 : i32
        %sub3A_249 = arith.subi %add3A_195, %sub3A_248 : i32
        %mul3A_250 = arith.constant 64 : i32
        %mul3A_251 = arith.muli %sub3A_249, %mul3A_250 : i32
        %add3A_252 = arith.addi %mul3A_32, %mul3A_251 : i32
        %dma_wait3A_253 = arith.constant 1 : i32
        %dma_wait3A_254 = arith.constant 0 : i32
        %dma_wait3A_255 = arith.constant 0 : i32
        %dma_wait3A_256 = tpu.memref_slice %arg7[%dma_wait3A_253, %dma_wait3A_254, %dma_wait3A_255] : memref<2x64x32xf32, #tpu.memory_space<vmem>> -> memref<1x64x32xf32, #tpu.memory_space<vmem>>
        %dma_wait3A_257 = tpu.memref_squeeze %dma_wait3A_256 : memref<1x64x32xf32, #tpu.memory_space<vmem>> -> memref<64x32xf32, #tpu.memory_space<vmem>>
        %dma_wait3A_258 = arith.constant 0 : i32
        %dma_wait3A_259 = tpu.memref_slice %arg4[%select_n3A_9, %add3A_252, %dma_wait3A_258] : memref<16x3072x32xf32, #tpu.memory_space<hbm>> -> memref<1x64x32xf32, #tpu.memory_space<hbm>>
        %dma_wait3A_260 = tpu.memref_squeeze %dma_wait3A_259 : memref<1x64x32xf32, #tpu.memory_space<hbm>> -> memref<64x32xf32, #tpu.memory_space<hbm>>
        %dma_wait3A_261 = arith.constant 0 : i32
        %dma_wait3A_262 = tpu.memref_slice %arg4[%select_n3A_9, %add3A_252, %dma_wait3A_261] : memref<16x3072x32xf32, #tpu.memory_space<hbm>> -> memref<1x64x32xf32, #tpu.memory_space<hbm>>
        %dma_wait3A_263 = tpu.memref_squeeze %dma_wait3A_262 : memref<1x64x32xf32, #tpu.memory_space<hbm>> -> memref<64x32xf32, #tpu.memory_space<hbm>>
        %dma_wait3A_264 = arith.constant 0 : i32
        %dma_wait3A_265 = arith.constant 0 : i32
        %dma_wait3A_266 = tpu.memref_slice %arg7[%dma_wait3A_253, %dma_wait3A_264, %dma_wait3A_265] : memref<2x64x32xf32, #tpu.memory_space<vmem>> -> memref<1x64x32xf32, #tpu.memory_space<vmem>>
        %dma_wait3A_267 = tpu.memref_squeeze %dma_wait3A_266 : memref<1x64x32xf32, #tpu.memory_space<vmem>> -> memref<64x32xf32, #tpu.memory_space<vmem>>
        tpu.wait_dma2 semaphore(%arg12 : memref<!tpu.dma_semaphore, #tpu.memory_space<semaphore_mem>>) src(%dma_wait3A_267 : memref<64x32xf32, #tpu.memory_space<vmem>>) dst(%dma_wait3A_263 : memref<64x32xf32, #tpu.memory_space<hbm>>)
      } else {
      }
      %scan3A_219 = arith.constant 0 : i32
      %scan3A_220 = arith.constant 0 : i32
      %scan3A_221 = arith.constant 64 : i32
      %scan3A_222 = arith.addi %scan3A_220, %scan3A_221 : i32
      %scan3A_223 = arith.constant 1 : i32
      scf.for %scan3A_248 = %scan3A_220 to %scan3A_222 step %scan3A_223  : i32 {
        %get3A = arith.constant 1 : i32
        %get3A_249 = arith.index_cast %get3A : i32 to index
        %get3A_250 = arith.index_cast %scan3A_248 : i32 to index
        %get3A_251 = arith.constant 0 : index
        %get3A_252 = tpu.vector_load %arg6[%get3A_249, %get3A_250, %get3A_251] {strides = array<i32>} : memref<2x64x64xi32, #tpu.memory_space<vmem>>, vector<16xi32>,
        %get3A_253 = arith.constant 1 : i32
        %get3A_254 = arith.index_cast %get3A_253 : i32 to index
        %get3A_255 = arith.index_cast %scan3A_248 : i32 to index
        %get3A_256 = arith.constant 16 : index
        %get3A_257 = tpu.vector_load %arg6[%get3A_254, %get3A_255, %get3A_256] {strides = array<i32>} : memref<2x64x64xi32, #tpu.memory_space<vmem>>, vector<16xi32>,
        %bitcast3A = vector.bitcast %get3A_257 : vector<16xi32> to vector<16xf32>
        %get3A_258 = arith.constant 1 : i32
        %get3A_259 = arith.index_cast %get3A_258 : i32 to index
        %get3A_260 = arith.index_cast %scan3A_248 : i32 to index
        %get3A_261 = arith.constant 32 : index
        %get3A_262 = tpu.vector_load %arg6[%get3A_259, %get3A_260, %get3A_261] {strides = array<i32>} : memref<2x64x64xi32, #tpu.memory_space<vmem>>, vector<16xi32>,
        %bitcast3A_263 = vector.bitcast %get3A_262 : vector<16xi32> to vector<16xf32>
        %get3A_264 = arith.constant 1 : i32
        %get3A_265 = arith.index_cast %get3A_264 : i32 to index
        %get3A_266 = arith.index_cast %scan3A_248 : i32 to index
        %get3A_267 = arith.constant 48 : index
        %get3A_268 = tpu.vector_load %arg6[%get3A_265, %get3A_266, %get3A_267] {strides = array<i32>} : memref<2x64x64xi32, #tpu.memory_space<vmem>>, vector<16xi32>,
        %bitcast3A_269 = vector.bitcast %get3A_268 : vector<16xi32> to vector<16xf32>
        %and3A_270 = arith.constant 4095 : i32
        %and3A_271 = vector.broadcast %and3A_270 : i32 to vector<16xi32>
        %and3A_272 = arith.andi %get3A_252, %and3A_271 : vector<16xi32>
        %mul3A_273 = arith.constant 32 : i32
        %mul3A_274 = vector.broadcast %mul3A_273 : i32 to vector<16xi32>
        %mul3A_275 = arith.muli %and3A_272, %mul3A_274 : vector<16xi32>
        %shift_right_arithmetic3A_276 = arith.constant 12 : i32
        %shift_right_arithmetic3A_277 = vector.broadcast %shift_right_arithmetic3A_276 : i32 to vector<16xi32>
        %shift_right_arithmetic3A_278 = arith.shrsi %get3A_252, %shift_right_arithmetic3A_277 : vector<16xi32>
        %and3A_279 = arith.constant 1 : i32
        %and3A_280 = vector.broadcast %and3A_279 : i32 to vector<16xi32>
        %and3A_281 = arith.andi %shift_right_arithmetic3A_278, %and3A_280 : vector<16xi32>
        %convert_element_type3A_282 = arith.sitofp %and3A_281 : vector<16xi32> to vector<16xf32>
        %shift_right_arithmetic3A_283 = arith.constant 13 : i32
        %shift_right_arithmetic3A_284 = vector.broadcast %shift_right_arithmetic3A_283 : i32 to vector<16xi32>
        %shift_right_arithmetic3A_285 = arith.shrsi %get3A_252, %shift_right_arithmetic3A_284 : vector<16xi32>
        %and3A_286 = arith.constant 1 : i32
        %and3A_287 = vector.broadcast %and3A_286 : i32 to vector<16xi32>
        %and3A_288 = arith.andi %shift_right_arithmetic3A_285, %and3A_287 : vector<16xi32>
        %convert_element_type3A_289 = arith.sitofp %and3A_288 : vector<16xi32> to vector<16xf32>
        %shift_right_arithmetic3A_290 = arith.constant 14 : i32
        %shift_right_arithmetic3A_291 = vector.broadcast %shift_right_arithmetic3A_290 : i32 to vector<16xi32>
        %shift_right_arithmetic3A_292 = arith.shrsi %get3A_252, %shift_right_arithmetic3A_291 : vector<16xi32>
        %and3A_293 = arith.constant 1 : i32
        %and3A_294 = vector.broadcast %and3A_293 : i32 to vector<16xi32>
        %and3A_295 = arith.andi %shift_right_arithmetic3A_292, %and3A_294 : vector<16xi32>
        %convert_element_type3A_296 = arith.sitofp %and3A_295 : vector<16xi32> to vector<16xf32>
        %shift_right_arithmetic3A_297 = arith.constant 15 : i32
        %shift_right_arithmetic3A_298 = vector.broadcast %shift_right_arithmetic3A_297 : i32 to vector<16xi32>
        %shift_right_arithmetic3A_299 = arith.shrsi %get3A_252, %shift_right_arithmetic3A_298 : vector<16xi32>
        %and3A_300 = arith.constant 1 : i32
        %and3A_301 = vector.broadcast %and3A_300 : i32 to vector<16xi32>
        %and3A_302 = arith.andi %shift_right_arithmetic3A_299, %and3A_301 : vector<16xi32>
        %convert_element_type3A_303 = arith.sitofp %and3A_302 : vector<16xi32> to vector<16xf32>
        %sub3A_304 = arith.constant 1.000000e+00 : f32
        %sub3A_305 = vector.broadcast %sub3A_304 : f32 to vector<16xf32>
        %sub3A_306 = arith.subf %sub3A_305, %bitcast3A : vector<16xf32>
        %mul3A_307 = arith.mulf %sub3A_306, %convert_element_type3A_282 : vector<16xf32>
        %mul3A_308 = arith.mulf %bitcast3A, %convert_element_type3A_289 : vector<16xf32>
        %sub3A_309 = arith.constant 1.000000e+00 : f32
        %sub3A_310 = vector.broadcast %sub3A_309 : f32 to vector<16xf32>
        %sub3A_311 = arith.subf %sub3A_310, %bitcast3A_263 : vector<16xf32>
        %mul3A_312 = arith.mulf %sub3A_311, %convert_element_type3A_296 : vector<16xf32>
        %mul3A_313 = arith.mulf %mul3A_312, %bitcast3A_269 : vector<16xf32>
        %mul3A_314 = arith.mulf %bitcast3A_263, %convert_element_type3A_303 : vector<16xf32>
        %mul3A_315 = arith.mulf %mul3A_314, %bitcast3A_269 : vector<16xf32>
        %shift_right_arithmetic3A_316 = arith.constant 16 : i32
        %shift_right_arithmetic3A_317 = vector.broadcast %shift_right_arithmetic3A_316 : i32 to vector<16xi32>
        %shift_right_arithmetic3A_318 = arith.shrsi %get3A_252, %shift_right_arithmetic3A_317 : vector<16xi32>
        %and3A_319 = arith.constant 1 : i32
        %and3A_320 = vector.broadcast %and3A_319 : i32 to vector<16xi32>
        %and3A_321 = arith.andi %shift_right_arithmetic3A_318, %and3A_320 : vector<16xi32>
        %shift_left3A = arith.constant 5 : i32
        %shift_left3A_322 = vector.broadcast %shift_left3A : i32 to vector<16xi32>
        %shift_left3A_323 = arith.shli %and3A_321, %shift_left3A_322 : vector<16xi32>
        %shift_right_arithmetic3A_324 = arith.constant 17 : i32
        %shift_right_arithmetic3A_325 = vector.broadcast %shift_right_arithmetic3A_324 : i32 to vector<16xi32>
        %shift_right_arithmetic3A_326 = arith.shrsi %get3A_252, %shift_right_arithmetic3A_325 : vector<16xi32>
        %and3A_327 = arith.constant 1 : i32
        %and3A_328 = vector.broadcast %and3A_327 : i32 to vector<16xi32>
        %and3A_329 = arith.andi %shift_right_arithmetic3A_326, %and3A_328 : vector<16xi32>
        %mul3A_330 = arith.muli %and3A_329, %select_n3A_54 : vector<16xi32>
        %add3A_331 = arith.addi %mul3A_275, %mul3A_330 : vector<16xi32>
        %mul3A_332 = arith.mulf %mul3A_307, %mul3A_313 : vector<16xf32>
        %add3A_333 = arith.addi %mul3A_275, %shift_left3A_323 : vector<16xi32>
        %mul3A_334 = arith.mulf %mul3A_308, %mul3A_313 : vector<16xf32>
        %mul3A_335 = arith.mulf %mul3A_307, %mul3A_315 : vector<16xf32>
        %add3A_336 = arith.addi %add3A_331, %shift_left3A_323 : vector<16xi32>
        %mul3A_337 = arith.mulf %mul3A_308, %mul3A_315 : vector<16xf32>
        %broadcast_in_dim3A_338 = arith.constant 0.000000e+00 : f32
        %broadcast_in_dim3A_339 = vector.broadcast %broadcast_in_dim3A_338 : f32 to vector<16xf32>
        %broadcast_in_dim3A_340 = arith.constant 0.000000e+00 : f32
        %broadcast_in_dim3A_341 = vector.broadcast %broadcast_in_dim3A_340 : f32 to vector<16xf32>
        %broadcast_in_dim3A_342 = arith.constant 0 : i32
        %broadcast_in_dim3A_343 = vector.broadcast %broadcast_in_dim3A_342 : i32 to vector<16xi32>
        %broadcast_in_dim3A_344 = vector.shape_cast %broadcast_in_dim3A_343 : vector<16xi32> to vector<16x1xi32>
        %gather3A = vector.shape_cast %broadcast_in_dim3A_344 : vector<16x1xi32> to vector<16xi32>
        %gather3A_345 = tpu.dynamic_gather %mul3A_275[%gather3A] in [0] : vector<16xi32>, vector<16xi32> -> vector<16xi32>
        %add3A_346 = arith.addi %gather3A_345, %iota3A : vector<16xi32>
        %broadcast_in_dim3A_347 = arith.constant 0 : i32
        %broadcast_in_dim3A_348 = vector.broadcast %broadcast_in_dim3A_347 : i32 to vector<16xi32>
        %broadcast_in_dim3A_349 = vector.shape_cast %broadcast_in_dim3A_348 : vector<16xi32> to vector<16x1xi32>
        %gather3A_350 = vector.shape_cast %broadcast_in_dim3A_349 : vector<16x1xi32> to vector<16xi32>
        %gather3A_351 = tpu.dynamic_gather %mul3A_332[%gather3A_350] in [0] : vector<16xf32>, vector<16xi32> -> vector<16xf32>
        %gather3A_352 = tpu.vector_load_idx %arg5[%add3A_346] : memref<98304xf32, #tpu.memory_space<vmem>>[vector<16xi32>], vector<16xf32>,
        %add3A_353 = arith.constant 16 : i32
        %add3A_354 = vector.broadcast %add3A_353 : i32 to vector<16xi32>
        %add3A_355 = arith.addi %add3A_346, %add3A_354 : vector<16xi32>
        %gather3A_356 = tpu.vector_load_idx %arg5[%add3A_355] : memref<98304xf32, #tpu.memory_space<vmem>>[vector<16xi32>], vector<16xf32>,
        %mul3A_357 = arith.mulf %gather3A_352, %gather3A_351 : vector<16xf32>
        %add3A_358 = arith.addf %broadcast_in_dim3A_339, %mul3A_357 : vector<16xf32>
        %mul3A_359 = arith.mulf %gather3A_356, %gather3A_351 : vector<16xf32>
        %add3A_360 = arith.addf %broadcast_in_dim3A_341, %mul3A_359 : vector<16xf32>
        %broadcast_in_dim3A_361 = arith.constant 1 : i32
        %broadcast_in_dim3A_362 = vector.broadcast %broadcast_in_dim3A_361 : i32 to vector<16xi32>
        %broadcast_in_dim3A_363 = vector.shape_cast %broadcast_in_dim3A_362 : vector<16xi32> to vector<16x1xi32>
        %gather3A_364 = vector.shape_cast %broadcast_in_dim3A_363 : vector<16x1xi32> to vector<16xi32>
        %gather3A_365 = tpu.dynamic_gather %mul3A_275[%gather3A_364] in [0] : vector<16xi32>, vector<16xi32> -> vector<16xi32>
        %add3A_366 = arith.addi %gather3A_365, %iota3A : vector<16xi32>
        %broadcast_in_dim3A_367 = arith.constant 1 : i32
        %broadcast_in_dim3A_368 = vector.broadcast %broadcast_in_dim3A_367 : i32 to vector<16xi32>
        %broadcast_in_dim3A_369 = vector.shape_cast %broadcast_in_dim3A_368 : vector<16xi32> to vector<16x1xi32>
        %gather3A_370 = vector.shape_cast %broadcast_in_dim3A_369 : vector<16x1xi32> to vector<16xi32>
        %gather3A_371 = tpu.dynamic_gather %mul3A_332[%gather3A_370] in [0] : vector<16xf32>, vector<16xi32> -> vector<16xf32>
        %gather3A_372 = tpu.vector_load_idx %arg5[%add3A_366] : memref<98304xf32, #tpu.memory_space<vmem>>[vector<16xi32>], vector<16xf32>,
        %add3A_373 = arith.constant 16 : i32
        %add3A_374 = vector.broadcast %add3A_373 : i32 to vector<16xi32>
        %add3A_375 = arith.addi %add3A_366, %add3A_374 : vector<16xi32>
        %gather3A_376 = tpu.vector_load_idx %arg5[%add3A_375] : memref<98304xf32, #tpu.memory_space<vmem>>[vector<16xi32>], vector<16xf32>,
        %mul3A_377 = arith.mulf %gather3A_372, %gather3A_371 : vector<16xf32>
        %add3A_378 = arith.addf %add3A_358, %mul3A_377 : vector<16xf32>
        %mul3A_379 = arith.mulf %gather3A_376, %gather3A_371 : vector<16xf32>
        %add3A_380 = arith.addf %add3A_360, %mul3A_379 : vector<16xf32>
        %broadcast_in_dim3A_381 = arith.constant 2 : i32
        %broadcast_in_dim3A_382 = vector.broadcast %broadcast_in_dim3A_381 : i32 to vector<16xi32>
        %broadcast_in_dim3A_383 = vector.shape_cast %broadcast_in_dim3A_382 : vector<16xi32> to vector<16x1xi32>
        %gather3A_384 = vector.shape_cast %broadcast_in_dim3A_383 : vector<16x1xi32> to vector<16xi32>
        %gather3A_385 = tpu.dynamic_gather %mul3A_275[%gather3A_384] in [0] : vector<16xi32>, vector<16xi32> -> vector<16xi32>
        %add3A_386 = arith.addi %gather3A_385, %iota3A : vector<16xi32>
        %broadcast_in_dim3A_387 = arith.constant 2 : i32
        %broadcast_in_dim3A_388 = vector.broadcast %broadcast_in_dim3A_387 : i32 to vector<16xi32>
        %broadcast_in_dim3A_389 = vector.shape_cast %broadcast_in_dim3A_388 : vector<16xi32> to vector<16x1xi32>
        %gather3A_390 = vector.shape_cast %broadcast_in_dim3A_389 : vector<16x1xi32> to vector<16xi32>
        %gather3A_391 = tpu.dynamic_gather %mul3A_332[%gather3A_390] in [0] : vector<16xf32>, vector<16xi32> -> vector<16xf32>
        %gather3A_392 = tpu.vector_load_idx %arg5[%add3A_386] : memref<98304xf32, #tpu.memory_space<vmem>>[vector<16xi32>], vector<16xf32>,
        %add3A_393 = arith.constant 16 : i32
        %add3A_394 = vector.broadcast %add3A_393 : i32 to vector<16xi32>
        %add3A_395 = arith.addi %add3A_386, %add3A_394 : vector<16xi32>
        %gather3A_396 = tpu.vector_load_idx %arg5[%add3A_395] : memref<98304xf32, #tpu.memory_space<vmem>>[vector<16xi32>], vector<16xf32>,
        %mul3A_397 = arith.mulf %gather3A_392, %gather3A_391 : vector<16xf32>
        %add3A_398 = arith.addf %add3A_378, %mul3A_397 : vector<16xf32>
        %mul3A_399 = arith.mulf %gather3A_396, %gather3A_391 : vector<16xf32>
        %add3A_400 = arith.addf %add3A_380, %mul3A_399 : vector<16xf32>
        %broadcast_in_dim3A_401 = arith.constant 3 : i32
        %broadcast_in_dim3A_402 = vector.broadcast %broadcast_in_dim3A_401 : i32 to vector<16xi32>
        %broadcast_in_dim3A_403 = vector.shape_cast %broadcast_in_dim3A_402 : vector<16xi32> to vector<16x1xi32>
        %gather3A_404 = vector.shape_cast %broadcast_in_dim3A_403 : vector<16x1xi32> to vector<16xi32>
        %gather3A_405 = tpu.dynamic_gather %mul3A_275[%gather3A_404] in [0] : vector<16xi32>, vector<16xi32> -> vector<16xi32>
        %add3A_406 = arith.addi %gather3A_405, %iota3A : vector<16xi32>
        %broadcast_in_dim3A_407 = arith.constant 3 : i32
        %broadcast_in_dim3A_408 = vector.broadcast %broadcast_in_dim3A_407 : i32 to vector<16xi32>
        %broadcast_in_dim3A_409 = vector.shape_cast %broadcast_in_dim3A_408 : vector<16xi32> to vector<16x1xi32>
        %gather3A_410 = vector.shape_cast %broadcast_in_dim3A_409 : vector<16x1xi32> to vector<16xi32>
        %gather3A_411 = tpu.dynamic_gather %mul3A_332[%gather3A_410] in [0] : vector<16xf32>, vector<16xi32> -> vector<16xf32>
        %gather3A_412 = tpu.vector_load_idx %arg5[%add3A_406] : memref<98304xf32, #tpu.memory_space<vmem>>[vector<16xi32>], vector<16xf32>,
        %add3A_413 = arith.constant 16 : i32
        %add3A_414 = vector.broadcast %add3A_413 : i32 to vector<16xi32>
        %add3A_415 = arith.addi %add3A_406, %add3A_414 : vector<16xi32>
        %gather3A_416 = tpu.vector_load_idx %arg5[%add3A_415] : memref<98304xf32, #tpu.memory_space<vmem>>[vector<16xi32>], vector<16xf32>,
        %mul3A_417 = arith.mulf %gather3A_412, %gather3A_411 : vector<16xf32>
        %add3A_418 = arith.addf %add3A_398, %mul3A_417 : vector<16xf32>
        %mul3A_419 = arith.mulf %gather3A_416, %gather3A_411 : vector<16xf32>
        %add3A_420 = arith.addf %add3A_400, %mul3A_419 : vector<16xf32>
        %broadcast_in_dim3A_421 = arith.constant 4 : i32
        %broadcast_in_dim3A_422 = vector.broadcast %broadcast_in_dim3A_421 : i32 to vector<16xi32>
        %broadcast_in_dim3A_423 = vector.shape_cast %broadcast_in_dim3A_422 : vector<16xi32> to vector<16x1xi32>
        %gather3A_424 = vector.shape_cast %broadcast_in_dim3A_423 : vector<16x1xi32> to vector<16xi32>
        %gather3A_425 = tpu.dynamic_gather %mul3A_275[%gather3A_424] in [0] : vector<16xi32>, vector<16xi32> -> vector<16xi32>
        %add3A_426 = arith.addi %gather3A_425, %iota3A : vector<16xi32>
        %broadcast_in_dim3A_427 = arith.constant 4 : i32
        %broadcast_in_dim3A_428 = vector.broadcast %broadcast_in_dim3A_427 : i32 to vector<16xi32>
        %broadcast_in_dim3A_429 = vector.shape_cast %broadcast_in_dim3A_428 : vector<16xi32> to vector<16x1xi32>
        %gather3A_430 = vector.shape_cast %broadcast_in_dim3A_429 : vector<16x1xi32> to vector<16xi32>
        %gather3A_431 = tpu.dynamic_gather %mul3A_332[%gather3A_430] in [0] : vector<16xf32>, vector<16xi32> -> vector<16xf32>
        %gather3A_432 = tpu.vector_load_idx %arg5[%add3A_426] : memref<98304xf32, #tpu.memory_space<vmem>>[vector<16xi32>], vector<16xf32>,
        %add3A_433 = arith.constant 16 : i32
        %add3A_434 = vector.broadcast %add3A_433 : i32 to vector<16xi32>
        %add3A_435 = arith.addi %add3A_426, %add3A_434 : vector<16xi32>
        %gather3A_436 = tpu.vector_load_idx %arg5[%add3A_435] : memref<98304xf32, #tpu.memory_space<vmem>>[vector<16xi32>], vector<16xf32>,
        %mul3A_437 = arith.mulf %gather3A_432, %gather3A_431 : vector<16xf32>
        %add3A_438 = arith.addf %add3A_418, %mul3A_437 : vector<16xf32>
        %mul3A_439 = arith.mulf %gather3A_436, %gather3A_431 : vector<16xf32>
        %add3A_440 = arith.addf %add3A_420, %mul3A_439 : vector<16xf32>
        %broadcast_in_dim3A_441 = arith.constant 5 : i32
        %broadcast_in_dim3A_442 = vector.broadcast %broadcast_in_dim3A_441 : i32 to vector<16xi32>
        %broadcast_in_dim3A_443 = vector.shape_cast %broadcast_in_dim3A_442 : vector<16xi32> to vector<16x1xi32>
        %gather3A_444 = vector.shape_cast %broadcast_in_dim3A_443 : vector<16x1xi32> to vector<16xi32>
        %gather3A_445 = tpu.dynamic_gather %mul3A_275[%gather3A_444] in [0] : vector<16xi32>, vector<16xi32> -> vector<16xi32>
        %add3A_446 = arith.addi %gather3A_445, %iota3A : vector<16xi32>
        %broadcast_in_dim3A_447 = arith.constant 5 : i32
        %broadcast_in_dim3A_448 = vector.broadcast %broadcast_in_dim3A_447 : i32 to vector<16xi32>
        %broadcast_in_dim3A_449 = vector.shape_cast %broadcast_in_dim3A_448 : vector<16xi32> to vector<16x1xi32>
        %gather3A_450 = vector.shape_cast %broadcast_in_dim3A_449 : vector<16x1xi32> to vector<16xi32>
        %gather3A_451 = tpu.dynamic_gather %mul3A_332[%gather3A_450] in [0] : vector<16xf32>, vector<16xi32> -> vector<16xf32>
        %gather3A_452 = tpu.vector_load_idx %arg5[%add3A_446] : memref<98304xf32, #tpu.memory_space<vmem>>[vector<16xi32>], vector<16xf32>,
        %add3A_453 = arith.constant 16 : i32
        %add3A_454 = vector.broadcast %add3A_453 : i32 to vector<16xi32>
        %add3A_455 = arith.addi %add3A_446, %add3A_454 : vector<16xi32>
        %gather3A_456 = tpu.vector_load_idx %arg5[%add3A_455] : memref<98304xf32, #tpu.memory_space<vmem>>[vector<16xi32>], vector<16xf32>,
        %mul3A_457 = arith.mulf %gather3A_452, %gather3A_451 : vector<16xf32>
        %add3A_458 = arith.addf %add3A_438, %mul3A_457 : vector<16xf32>
        %mul3A_459 = arith.mulf %gather3A_456, %gather3A_451 : vector<16xf32>
        %add3A_460 = arith.addf %add3A_440, %mul3A_459 : vector<16xf32>
        %broadcast_in_dim3A_461 = arith.constant 6 : i32
        %broadcast_in_dim3A_462 = vector.broadcast %broadcast_in_dim3A_461 : i32 to vector<16xi32>
        %broadcast_in_dim3A_463 = vector.shape_cast %broadcast_in_dim3A_462 : vector<16xi32> to vector<16x1xi32>
        %gather3A_464 = vector.shape_cast %broadcast_in_dim3A_463 : vector<16x1xi32> to vector<16xi32>
        %gather3A_465 = tpu.dynamic_gather %mul3A_275[%gather3A_464] in [0] : vector<16xi32>, vector<16xi32> -> vector<16xi32>
        %add3A_466 = arith.addi %gather3A_465, %iota3A : vector<16xi32>
        %broadcast_in_dim3A_467 = arith.constant 6 : i32
        %broadcast_in_dim3A_468 = vector.broadcast %broadcast_in_dim3A_467 : i32 to vector<16xi32>
        %broadcast_in_dim3A_469 = vector.shape_cast %broadcast_in_dim3A_468 : vector<16xi32> to vector<16x1xi32>
        %gather3A_470 = vector.shape_cast %broadcast_in_dim3A_469 : vector<16x1xi32> to vector<16xi32>
        %gather3A_471 = tpu.dynamic_gather %mul3A_332[%gather3A_470] in [0] : vector<16xf32>, vector<16xi32> -> vector<16xf32>
        %gather3A_472 = tpu.vector_load_idx %arg5[%add3A_466] : memref<98304xf32, #tpu.memory_space<vmem>>[vector<16xi32>], vector<16xf32>,
        %add3A_473 = arith.constant 16 : i32
        %add3A_474 = vector.broadcast %add3A_473 : i32 to vector<16xi32>
        %add3A_475 = arith.addi %add3A_466, %add3A_474 : vector<16xi32>
        %gather3A_476 = tpu.vector_load_idx %arg5[%add3A_475] : memref<98304xf32, #tpu.memory_space<vmem>>[vector<16xi32>], vector<16xf32>,
        %mul3A_477 = arith.mulf %gather3A_472, %gather3A_471 : vector<16xf32>
        %add3A_478 = arith.addf %add3A_458, %mul3A_477 : vector<16xf32>
        %mul3A_479 = arith.mulf %gather3A_476, %gather3A_471 : vector<16xf32>
        %add3A_480 = arith.addf %add3A_460, %mul3A_479 : vector<16xf32>
        %broadcast_in_dim3A_481 = arith.constant 7 : i32
        %broadcast_in_dim3A_482 = vector.broadcast %broadcast_in_dim3A_481 : i32 to vector<16xi32>
        %broadcast_in_dim3A_483 = vector.shape_cast %broadcast_in_dim3A_482 : vector<16xi32> to vector<16x1xi32>
        %gather3A_484 = vector.shape_cast %broadcast_in_dim3A_483 : vector<16x1xi32> to vector<16xi32>
        %gather3A_485 = tpu.dynamic_gather %mul3A_275[%gather3A_484] in [0] : vector<16xi32>, vector<16xi32> -> vector<16xi32>
        %add3A_486 = arith.addi %gather3A_485, %iota3A : vector<16xi32>
        %broadcast_in_dim3A_487 = arith.constant 7 : i32
        %broadcast_in_dim3A_488 = vector.broadcast %broadcast_in_dim3A_487 : i32 to vector<16xi32>
        %broadcast_in_dim3A_489 = vector.shape_cast %broadcast_in_dim3A_488 : vector<16xi32> to vector<16x1xi32>
        %gather3A_490 = vector.shape_cast %broadcast_in_dim3A_489 : vector<16x1xi32> to vector<16xi32>
        %gather3A_491 = tpu.dynamic_gather %mul3A_332[%gather3A_490] in [0] : vector<16xf32>, vector<16xi32> -> vector<16xf32>
        %gather3A_492 = tpu.vector_load_idx %arg5[%add3A_486] : memref<98304xf32, #tpu.memory_space<vmem>>[vector<16xi32>], vector<16xf32>,
        %add3A_493 = arith.constant 16 : i32
        %add3A_494 = vector.broadcast %add3A_493 : i32 to vector<16xi32>
        %add3A_495 = arith.addi %add3A_486, %add3A_494 : vector<16xi32>
        %gather3A_496 = tpu.vector_load_idx %arg5[%add3A_495] : memref<98304xf32, #tpu.memory_space<vmem>>[vector<16xi32>], vector<16xf32>,
        %mul3A_497 = arith.mulf %gather3A_492, %gather3A_491 : vector<16xf32>
        %add3A_498 = arith.addf %add3A_478, %mul3A_497 : vector<16xf32>
        %mul3A_499 = arith.mulf %gather3A_496, %gather3A_491 : vector<16xf32>
        %add3A_500 = arith.addf %add3A_480, %mul3A_499 : vector<16xf32>
        %broadcast_in_dim3A_501 = arith.constant 8 : i32
        %broadcast_in_dim3A_502 = vector.broadcast %broadcast_in_dim3A_501 : i32 to vector<16xi32>
        %broadcast_in_dim3A_503 = vector.shape_cast %broadcast_in_dim3A_502 : vector<16xi32> to vector<16x1xi32>
        %gather3A_504 = vector.shape_cast %broadcast_in_dim3A_503 : vector<16x1xi32> to vector<16xi32>
        %gather3A_505 = tpu.dynamic_gather %mul3A_275[%gather3A_504] in [0] : vector<16xi32>, vector<16xi32> -> vector<16xi32>
        %add3A_506 = arith.addi %gather3A_505, %iota3A : vector<16xi32>
        %broadcast_in_dim3A_507 = arith.constant 8 : i32
        %broadcast_in_dim3A_508 = vector.broadcast %broadcast_in_dim3A_507 : i32 to vector<16xi32>
        %broadcast_in_dim3A_509 = vector.shape_cast %broadcast_in_dim3A_508 : vector<16xi32> to vector<16x1xi32>
        %gather3A_510 = vector.shape_cast %broadcast_in_dim3A_509 : vector<16x1xi32> to vector<16xi32>
        %gather3A_511 = tpu.dynamic_gather %mul3A_332[%gather3A_510] in [0] : vector<16xf32>, vector<16xi32> -> vector<16xf32>
        %gather3A_512 = tpu.vector_load_idx %arg5[%add3A_506] : memref<98304xf32, #tpu.memory_space<vmem>>[vector<16xi32>], vector<16xf32>,
        %add3A_513 = arith.constant 16 : i32
        %add3A_514 = vector.broadcast %add3A_513 : i32 to vector<16xi32>
        %add3A_515 = arith.addi %add3A_506, %add3A_514 : vector<16xi32>
        %gather3A_516 = tpu.vector_load_idx %arg5[%add3A_515] : memref<98304xf32, #tpu.memory_space<vmem>>[vector<16xi32>], vector<16xf32>,
        %mul3A_517 = arith.mulf %gather3A_512, %gather3A_511 : vector<16xf32>
        %add3A_518 = arith.addf %add3A_498, %mul3A_517 : vector<16xf32>
        %mul3A_519 = arith.mulf %gather3A_516, %gather3A_511 : vector<16xf32>
        %add3A_520 = arith.addf %add3A_500, %mul3A_519 : vector<16xf32>
        %broadcast_in_dim3A_521 = arith.constant 9 : i32
        %broadcast_in_dim3A_522 = vector.broadcast %broadcast_in_dim3A_521 : i32 to vector<16xi32>
        %broadcast_in_dim3A_523 = vector.shape_cast %broadcast_in_dim3A_522 : vector<16xi32> to vector<16x1xi32>
        %gather3A_524 = vector.shape_cast %broadcast_in_dim3A_523 : vector<16x1xi32> to vector<16xi32>
        %gather3A_525 = tpu.dynamic_gather %mul3A_275[%gather3A_524] in [0] : vector<16xi32>, vector<16xi32> -> vector<16xi32>
        %add3A_526 = arith.addi %gather3A_525, %iota3A : vector<16xi32>
        %broadcast_in_dim3A_527 = arith.constant 9 : i32
        %broadcast_in_dim3A_528 = vector.broadcast %broadcast_in_dim3A_527 : i32 to vector<16xi32>
        %broadcast_in_dim3A_529 = vector.shape_cast %broadcast_in_dim3A_528 : vector<16xi32> to vector<16x1xi32>
        %gather3A_530 = vector.shape_cast %broadcast_in_dim3A_529 : vector<16x1xi32> to vector<16xi32>
        %gather3A_531 = tpu.dynamic_gather %mul3A_332[%gather3A_530] in [0] : vector<16xf32>, vector<16xi32> -> vector<16xf32>
        %gather3A_532 = tpu.vector_load_idx %arg5[%add3A_526] : memref<98304xf32, #tpu.memory_space<vmem>>[vector<16xi32>], vector<16xf32>,
        %add3A_533 = arith.constant 16 : i32
        %add3A_534 = vector.broadcast %add3A_533 : i32 to vector<16xi32>
        %add3A_535 = arith.addi %add3A_526, %add3A_534 : vector<16xi32>
        %gather3A_536 = tpu.vector_load_idx %arg5[%add3A_535] : memref<98304xf32, #tpu.memory_space<vmem>>[vector<16xi32>], vector<16xf32>,
        %mul3A_537 = arith.mulf %gather3A_532, %gather3A_531 : vector<16xf32>
        %add3A_538 = arith.addf %add3A_518, %mul3A_537 : vector<16xf32>
        %mul3A_539 = arith.mulf %gather3A_536, %gather3A_531 : vector<16xf32>
        %add3A_540 = arith.addf %add3A_520, %mul3A_539 : vector<16xf32>
        %broadcast_in_dim3A_541 = arith.constant 10 : i32
        %broadcast_in_dim3A_542 = vector.broadcast %broadcast_in_dim3A_541 : i32 to vector<16xi32>
        %broadcast_in_dim3A_543 = vector.shape_cast %broadcast_in_dim3A_542 : vector<16xi32> to vector<16x1xi32>
        %gather3A_544 = vector.shape_cast %broadcast_in_dim3A_543 : vector<16x1xi32> to vector<16xi32>
        %gather3A_545 = tpu.dynamic_gather %mul3A_275[%gather3A_544] in [0] : vector<16xi32>, vector<16xi32> -> vector<16xi32>
        %add3A_546 = arith.addi %gather3A_545, %iota3A : vector<16xi32>
        %broadcast_in_dim3A_547 = arith.constant 10 : i32
        %broadcast_in_dim3A_548 = vector.broadcast %broadcast_in_dim3A_547 : i32 to vector<16xi32>
        %broadcast_in_dim3A_549 = vector.shape_cast %broadcast_in_dim3A_548 : vector<16xi32> to vector<16x1xi32>
        %gather3A_550 = vector.shape_cast %broadcast_in_dim3A_549 : vector<16x1xi32> to vector<16xi32>
        %gather3A_551 = tpu.dynamic_gather %mul3A_332[%gather3A_550] in [0] : vector<16xf32>, vector<16xi32> -> vector<16xf32>
        %gather3A_552 = tpu.vector_load_idx %arg5[%add3A_546] : memref<98304xf32, #tpu.memory_space<vmem>>[vector<16xi32>], vector<16xf32>,
        %add3A_553 = arith.constant 16 : i32
        %add3A_554 = vector.broadcast %add3A_553 : i32 to vector<16xi32>
        %add3A_555 = arith.addi %add3A_546, %add3A_554 : vector<16xi32>
        %gather3A_556 = tpu.vector_load_idx %arg5[%add3A_555] : memref<98304xf32, #tpu.memory_space<vmem>>[vector<16xi32>], vector<16xf32>,
        %mul3A_557 = arith.mulf %gather3A_552, %gather3A_551 : vector<16xf32>
        %add3A_558 = arith.addf %add3A_538, %mul3A_557 : vector<16xf32>
        %mul3A_559 = arith.mulf %gather3A_556, %gather3A_551 : vector<16xf32>
        %add3A_560 = arith.addf %add3A_540, %mul3A_559 : vector<16xf32>
        %broadcast_in_dim3A_561 = arith.constant 11 : i32
        %broadcast_in_dim3A_562 = vector.broadcast %broadcast_in_dim3A_561 : i32 to vector<16xi32>
        %broadcast_in_dim3A_563 = vector.shape_cast %broadcast_in_dim3A_562 : vector<16xi32> to vector<16x1xi32>
        %gather3A_564 = vector.shape_cast %broadcast_in_dim3A_563 : vector<16x1xi32> to vector<16xi32>
        %gather3A_565 = tpu.dynamic_gather %mul3A_275[%gather3A_564] in [0] : vector<16xi32>, vector<16xi32> -> vector<16xi32>
        %add3A_566 = arith.addi %gather3A_565, %iota3A : vector<16xi32>
        %broadcast_in_dim3A_567 = arith.constant 11 : i32
        %broadcast_in_dim3A_568 = vector.broadcast %broadcast_in_dim3A_567 : i32 to vector<16xi32>
        %broadcast_in_dim3A_569 = vector.shape_cast %broadcast_in_dim3A_568 : vector<16xi32> to vector<16x1xi32>
        %gather3A_570 = vector.shape_cast %broadcast_in_dim3A_569 : vector<16x1xi32> to vector<16xi32>
        %gather3A_571 = tpu.dynamic_gather %mul3A_332[%gather3A_570] in [0] : vector<16xf32>, vector<16xi32> -> vector<16xf32>
        %gather3A_572 = tpu.vector_load_idx %arg5[%add3A_566] : memref<98304xf32, #tpu.memory_space<vmem>>[vector<16xi32>], vector<16xf32>,
        %add3A_573 = arith.constant 16 : i32
        %add3A_574 = vector.broadcast %add3A_573 : i32 to vector<16xi32>
        %add3A_575 = arith.addi %add3A_566, %add3A_574 : vector<16xi32>
        %gather3A_576 = tpu.vector_load_idx %arg5[%add3A_575] : memref<98304xf32, #tpu.memory_space<vmem>>[vector<16xi32>], vector<16xf32>,
        %mul3A_577 = arith.mulf %gather3A_572, %gather3A_571 : vector<16xf32>
        %add3A_578 = arith.addf %add3A_558, %mul3A_577 : vector<16xf32>
        %mul3A_579 = arith.mulf %gather3A_576, %gather3A_571 : vector<16xf32>
        %add3A_580 = arith.addf %add3A_560, %mul3A_579 : vector<16xf32>
        %broadcast_in_dim3A_581 = arith.constant 12 : i32
        %broadcast_in_dim3A_582 = vector.broadcast %broadcast_in_dim3A_581 : i32 to vector<16xi32>
        %broadcast_in_dim3A_583 = vector.shape_cast %broadcast_in_dim3A_582 : vector<16xi32> to vector<16x1xi32>
        %gather3A_584 = vector.shape_cast %broadcast_in_dim3A_583 : vector<16x1xi32> to vector<16xi32>
        %gather3A_585 = tpu.dynamic_gather %mul3A_275[%gather3A_584] in [0] : vector<16xi32>, vector<16xi32> -> vector<16xi32>
        %add3A_586 = arith.addi %gather3A_585, %iota3A : vector<16xi32>
        %broadcast_in_dim3A_587 = arith.constant 12 : i32
        %broadcast_in_dim3A_588 = vector.broadcast %broadcast_in_dim3A_587 : i32 to vector<16xi32>
        %broadcast_in_dim3A_589 = vector.shape_cast %broadcast_in_dim3A_588 : vector<16xi32> to vector<16x1xi32>
        %gather3A_590 = vector.shape_cast %broadcast_in_dim3A_589 : vector<16x1xi32> to vector<16xi32>
        %gather3A_591 = tpu.dynamic_gather %mul3A_332[%gather3A_590] in [0] : vector<16xf32>, vector<16xi32> -> vector<16xf32>
        %gather3A_592 = tpu.vector_load_idx %arg5[%add3A_586] : memref<98304xf32, #tpu.memory_space<vmem>>[vector<16xi32>], vector<16xf32>,
        %add3A_593 = arith.constant 16 : i32
        %add3A_594 = vector.broadcast %add3A_593 : i32 to vector<16xi32>
        %add3A_595 = arith.addi %add3A_586, %add3A_594 : vector<16xi32>
        %gather3A_596 = tpu.vector_load_idx %arg5[%add3A_595] : memref<98304xf32, #tpu.memory_space<vmem>>[vector<16xi32>], vector<16xf32>,
        %mul3A_597 = arith.mulf %gather3A_592, %gather3A_591 : vector<16xf32>
        %add3A_598 = arith.addf %add3A_578, %mul3A_597 : vector<16xf32>
        %mul3A_599 = arith.mulf %gather3A_596, %gather3A_591 : vector<16xf32>
        %add3A_600 = arith.addf %add3A_580, %mul3A_599 : vector<16xf32>
        %broadcast_in_dim3A_601 = arith.constant 13 : i32
        %broadcast_in_dim3A_602 = vector.broadcast %broadcast_in_dim3A_601 : i32 to vector<16xi32>
        %broadcast_in_dim3A_603 = vector.shape_cast %broadcast_in_dim3A_602 : vector<16xi32> to vector<16x1xi32>
        %gather3A_604 = vector.shape_cast %broadcast_in_dim3A_603 : vector<16x1xi32> to vector<16xi32>
        %gather3A_605 = tpu.dynamic_gather %mul3A_275[%gather3A_604] in [0] : vector<16xi32>, vector<16xi32> -> vector<16xi32>
        %add3A_606 = arith.addi %gather3A_605, %iota3A : vector<16xi32>
        %broadcast_in_dim3A_607 = arith.constant 13 : i32
        %broadcast_in_dim3A_608 = vector.broadcast %broadcast_in_dim3A_607 : i32 to vector<16xi32>
        %broadcast_in_dim3A_609 = vector.shape_cast %broadcast_in_dim3A_608 : vector<16xi32> to vector<16x1xi32>
        %gather3A_610 = vector.shape_cast %broadcast_in_dim3A_609 : vector<16x1xi32> to vector<16xi32>
        %gather3A_611 = tpu.dynamic_gather %mul3A_332[%gather3A_610] in [0] : vector<16xf32>, vector<16xi32> -> vector<16xf32>
        %gather3A_612 = tpu.vector_load_idx %arg5[%add3A_606] : memref<98304xf32, #tpu.memory_space<vmem>>[vector<16xi32>], vector<16xf32>,
        %add3A_613 = arith.constant 16 : i32
        %add3A_614 = vector.broadcast %add3A_613 : i32 to vector<16xi32>
        %add3A_615 = arith.addi %add3A_606, %add3A_614 : vector<16xi32>
        %gather3A_616 = tpu.vector_load_idx %arg5[%add3A_615] : memref<98304xf32, #tpu.memory_space<vmem>>[vector<16xi32>], vector<16xf32>,
        %mul3A_617 = arith.mulf %gather3A_612, %gather3A_611 : vector<16xf32>
        %add3A_618 = arith.addf %add3A_598, %mul3A_617 : vector<16xf32>
        %mul3A_619 = arith.mulf %gather3A_616, %gather3A_611 : vector<16xf32>
        %add3A_620 = arith.addf %add3A_600, %mul3A_619 : vector<16xf32>
        %broadcast_in_dim3A_621 = arith.constant 14 : i32
        %broadcast_in_dim3A_622 = vector.broadcast %broadcast_in_dim3A_621 : i32 to vector<16xi32>
        %broadcast_in_dim3A_623 = vector.shape_cast %broadcast_in_dim3A_622 : vector<16xi32> to vector<16x1xi32>
        %gather3A_624 = vector.shape_cast %broadcast_in_dim3A_623 : vector<16x1xi32> to vector<16xi32>
        %gather3A_625 = tpu.dynamic_gather %mul3A_275[%gather3A_624] in [0] : vector<16xi32>, vector<16xi32> -> vector<16xi32>
        %add3A_626 = arith.addi %gather3A_625, %iota3A : vector<16xi32>
        %broadcast_in_dim3A_627 = arith.constant 14 : i32
        %broadcast_in_dim3A_628 = vector.broadcast %broadcast_in_dim3A_627 : i32 to vector<16xi32>
        %broadcast_in_dim3A_629 = vector.shape_cast %broadcast_in_dim3A_628 : vector<16xi32> to vector<16x1xi32>
        %gather3A_630 = vector.shape_cast %broadcast_in_dim3A_629 : vector<16x1xi32> to vector<16xi32>
        %gather3A_631 = tpu.dynamic_gather %mul3A_332[%gather3A_630] in [0] : vector<16xf32>, vector<16xi32> -> vector<16xf32>
        %gather3A_632 = tpu.vector_load_idx %arg5[%add3A_626] : memref<98304xf32, #tpu.memory_space<vmem>>[vector<16xi32>], vector<16xf32>,
        %add3A_633 = arith.constant 16 : i32
        %add3A_634 = vector.broadcast %add3A_633 : i32 to vector<16xi32>
        %add3A_635 = arith.addi %add3A_626, %add3A_634 : vector<16xi32>
        %gather3A_636 = tpu.vector_load_idx %arg5[%add3A_635] : memref<98304xf32, #tpu.memory_space<vmem>>[vector<16xi32>], vector<16xf32>,
        %mul3A_637 = arith.mulf %gather3A_632, %gather3A_631 : vector<16xf32>
        %add3A_638 = arith.addf %add3A_618, %mul3A_637 : vector<16xf32>
        %mul3A_639 = arith.mulf %gather3A_636, %gather3A_631 : vector<16xf32>
        %add3A_640 = arith.addf %add3A_620, %mul3A_639 : vector<16xf32>
        %broadcast_in_dim3A_641 = arith.constant 15 : i32
        %broadcast_in_dim3A_642 = vector.broadcast %broadcast_in_dim3A_641 : i32 to vector<16xi32>
        %broadcast_in_dim3A_643 = vector.shape_cast %broadcast_in_dim3A_642 : vector<16xi32> to vector<16x1xi32>
        %gather3A_644 = vector.shape_cast %broadcast_in_dim3A_643 : vector<16x1xi32> to vector<16xi32>
        %gather3A_645 = tpu.dynamic_gather %mul3A_275[%gather3A_644] in [0] : vector<16xi32>, vector<16xi32> -> vector<16xi32>
        %add3A_646 = arith.addi %gather3A_645, %iota3A : vector<16xi32>
        %broadcast_in_dim3A_647 = arith.constant 15 : i32
        %broadcast_in_dim3A_648 = vector.broadcast %broadcast_in_dim3A_647 : i32 to vector<16xi32>
        %broadcast_in_dim3A_649 = vector.shape_cast %broadcast_in_dim3A_648 : vector<16xi32> to vector<16x1xi32>
        %gather3A_650 = vector.shape_cast %broadcast_in_dim3A_649 : vector<16x1xi32> to vector<16xi32>
        %gather3A_651 = tpu.dynamic_gather %mul3A_332[%gather3A_650] in [0] : vector<16xf32>, vector<16xi32> -> vector<16xf32>
        %gather3A_652 = tpu.vector_load_idx %arg5[%add3A_646] : memref<98304xf32, #tpu.memory_space<vmem>>[vector<16xi32>], vector<16xf32>,
        %add3A_653 = arith.constant 16 : i32
        %add3A_654 = vector.broadcast %add3A_653 : i32 to vector<16xi32>
        %add3A_655 = arith.addi %add3A_646, %add3A_654 : vector<16xi32>
        %gather3A_656 = tpu.vector_load_idx %arg5[%add3A_655] : memref<98304xf32, #tpu.memory_space<vmem>>[vector<16xi32>], vector<16xf32>,
        %mul3A_657 = arith.mulf %gather3A_652, %gather3A_651 : vector<16xf32>
        %add3A_658 = arith.addf %add3A_638, %mul3A_657 : vector<16xf32>
        %mul3A_659 = arith.mulf %gather3A_656, %gather3A_651 : vector<16xf32>
        %add3A_660 = arith.addf %add3A_640, %mul3A_659 : vector<16xf32>
        %broadcast_in_dim3A_661 = arith.constant 0 : i32
        %broadcast_in_dim3A_662 = vector.broadcast %broadcast_in_dim3A_661 : i32 to vector<16xi32>
        %broadcast_in_dim3A_663 = vector.shape_cast %broadcast_in_dim3A_662 : vector<16xi32> to vector<16x1xi32>
        %gather3A_664 = vector.shape_cast %broadcast_in_dim3A_663 : vector<16x1xi32> to vector<16xi32>
        %gather3A_665 = tpu.dynamic_gather %add3A_333[%gather3A_664] in [0] : vector<16xi32>, vector<16xi32> -> vector<16xi32>
        %add3A_666 = arith.addi %gather3A_665, %iota3A : vector<16xi32>
        %broadcast_in_dim3A_667 = arith.constant 0 : i32
        %broadcast_in_dim3A_668 = vector.broadcast %broadcast_in_dim3A_667 : i32 to vector<16xi32>
        %broadcast_in_dim3A_669 = vector.shape_cast %broadcast_in_dim3A_668 : vector<16xi32> to vector<16x1xi32>
        %gather3A_670 = vector.shape_cast %broadcast_in_dim3A_669 : vector<16x1xi32> to vector<16xi32>
        %gather3A_671 = tpu.dynamic_gather %mul3A_334[%gather3A_670] in [0] : vector<16xf32>, vector<16xi32> -> vector<16xf32>
        %gather3A_672 = tpu.vector_load_idx %arg5[%add3A_666] : memref<98304xf32, #tpu.memory_space<vmem>>[vector<16xi32>], vector<16xf32>,
        %add3A_673 = arith.constant 16 : i32
        %add3A_674 = vector.broadcast %add3A_673 : i32 to vector<16xi32>
        %add3A_675 = arith.addi %add3A_666, %add3A_674 : vector<16xi32>
        %gather3A_676 = tpu.vector_load_idx %arg5[%add3A_675] : memref<98304xf32, #tpu.memory_space<vmem>>[vector<16xi32>], vector<16xf32>,
        %mul3A_677 = arith.mulf %gather3A_672, %gather3A_671 : vector<16xf32>
        %add3A_678 = arith.addf %add3A_658, %mul3A_677 : vector<16xf32>
        %mul3A_679 = arith.mulf %gather3A_676, %gather3A_671 : vector<16xf32>
        %add3A_680 = arith.addf %add3A_660, %mul3A_679 : vector<16xf32>
        %broadcast_in_dim3A_681 = arith.constant 1 : i32
        %broadcast_in_dim3A_682 = vector.broadcast %broadcast_in_dim3A_681 : i32 to vector<16xi32>
        %broadcast_in_dim3A_683 = vector.shape_cast %broadcast_in_dim3A_682 : vector<16xi32> to vector<16x1xi32>
        %gather3A_684 = vector.shape_cast %broadcast_in_dim3A_683 : vector<16x1xi32> to vector<16xi32>
        %gather3A_685 = tpu.dynamic_gather %add3A_333[%gather3A_684] in [0] : vector<16xi32>, vector<16xi32> -> vector<16xi32>
        %add3A_686 = arith.addi %gather3A_685, %iota3A : vector<16xi32>
        %broadcast_in_dim3A_687 = arith.constant 1 : i32
        %broadcast_in_dim3A_688 = vector.broadcast %broadcast_in_dim3A_687 : i32 to vector<16xi32>
        %broadcast_in_dim3A_689 = vector.shape_cast %broadcast_in_dim3A_688 : vector<16xi32> to vector<16x1xi32>
        %gather3A_690 = vector.shape_cast %broadcast_in_dim3A_689 : vector<16x1xi32> to vector<16xi32>
        %gather3A_691 = tpu.dynamic_gather %mul3A_334[%gather3A_690] in [0] : vector<16xf32>, vector<16xi32> -> vector<16xf32>
        %gather3A_692 = tpu.vector_load_idx %arg5[%add3A_686] : memref<98304xf32, #tpu.memory_space<vmem>>[vector<16xi32>], vector<16xf32>,
        %add3A_693 = arith.constant 16 : i32
        %add3A_694 = vector.broadcast %add3A_693 : i32 to vector<16xi32>
        %add3A_695 = arith.addi %add3A_686, %add3A_694 : vector<16xi32>
        %gather3A_696 = tpu.vector_load_idx %arg5[%add3A_695] : memref<98304xf32, #tpu.memory_space<vmem>>[vector<16xi32>], vector<16xf32>,
        %mul3A_697 = arith.mulf %gather3A_692, %gather3A_691 : vector<16xf32>
        %add3A_698 = arith.addf %add3A_678, %mul3A_697 : vector<16xf32>
        %mul3A_699 = arith.mulf %gather3A_696, %gather3A_691 : vector<16xf32>
        %add3A_700 = arith.addf %add3A_680, %mul3A_699 : vector<16xf32>
        %broadcast_in_dim3A_701 = arith.constant 2 : i32
        %broadcast_in_dim3A_702 = vector.broadcast %broadcast_in_dim3A_701 : i32 to vector<16xi32>
        %broadcast_in_dim3A_703 = vector.shape_cast %broadcast_in_dim3A_702 : vector<16xi32> to vector<16x1xi32>
        %gather3A_704 = vector.shape_cast %broadcast_in_dim3A_703 : vector<16x1xi32> to vector<16xi32>
        %gather3A_705 = tpu.dynamic_gather %add3A_333[%gather3A_704] in [0] : vector<16xi32>, vector<16xi32> -> vector<16xi32>
        %add3A_706 = arith.addi %gather3A_705, %iota3A : vector<16xi32>
        %broadcast_in_dim3A_707 = arith.constant 2 : i32
        %broadcast_in_dim3A_708 = vector.broadcast %broadcast_in_dim3A_707 : i32 to vector<16xi32>
        %broadcast_in_dim3A_709 = vector.shape_cast %broadcast_in_dim3A_708 : vector<16xi32> to vector<16x1xi32>
        %gather3A_710 = vector.shape_cast %broadcast_in_dim3A_709 : vector<16x1xi32> to vector<16xi32>
        %gather3A_711 = tpu.dynamic_gather %mul3A_334[%gather3A_710] in [0] : vector<16xf32>, vector<16xi32> -> vector<16xf32>
        %gather3A_712 = tpu.vector_load_idx %arg5[%add3A_706] : memref<98304xf32, #tpu.memory_space<vmem>>[vector<16xi32>], vector<16xf32>,
        %add3A_713 = arith.constant 16 : i32
        %add3A_714 = vector.broadcast %add3A_713 : i32 to vector<16xi32>
        %add3A_715 = arith.addi %add3A_706, %add3A_714 : vector<16xi32>
        %gather3A_716 = tpu.vector_load_idx %arg5[%add3A_715] : memref<98304xf32, #tpu.memory_space<vmem>>[vector<16xi32>], vector<16xf32>,
        %mul3A_717 = arith.mulf %gather3A_712, %gather3A_711 : vector<16xf32>
        %add3A_718 = arith.addf %add3A_698, %mul3A_717 : vector<16xf32>
        %mul3A_719 = arith.mulf %gather3A_716, %gather3A_711 : vector<16xf32>
        %add3A_720 = arith.addf %add3A_700, %mul3A_719 : vector<16xf32>
        %broadcast_in_dim3A_721 = arith.constant 3 : i32
        %broadcast_in_dim3A_722 = vector.broadcast %broadcast_in_dim3A_721 : i32 to vector<16xi32>
        %broadcast_in_dim3A_723 = vector.shape_cast %broadcast_in_dim3A_722 : vector<16xi32> to vector<16x1xi32>
        %gather3A_724 = vector.shape_cast %broadcast_in_dim3A_723 : vector<16x1xi32> to vector<16xi32>
        %gather3A_725 = tpu.dynamic_gather %add3A_333[%gather3A_724] in [0] : vector<16xi32>, vector<16xi32> -> vector<16xi32>
        %add3A_726 = arith.addi %gather3A_725, %iota3A : vector<16xi32>
        %broadcast_in_dim3A_727 = arith.constant 3 : i32
        %broadcast_in_dim3A_728 = vector.broadcast %broadcast_in_dim3A_727 : i32 to vector<16xi32>
        %broadcast_in_dim3A_729 = vector.shape_cast %broadcast_in_dim3A_728 : vector<16xi32> to vector<16x1xi32>
        %gather3A_730 = vector.shape_cast %broadcast_in_dim3A_729 : vector<16x1xi32> to vector<16xi32>
        %gather3A_731 = tpu.dynamic_gather %mul3A_334[%gather3A_730] in [0] : vector<16xf32>, vector<16xi32> -> vector<16xf32>
        %gather3A_732 = tpu.vector_load_idx %arg5[%add3A_726] : memref<98304xf32, #tpu.memory_space<vmem>>[vector<16xi32>], vector<16xf32>,
        %add3A_733 = arith.constant 16 : i32
        %add3A_734 = vector.broadcast %add3A_733 : i32 to vector<16xi32>
        %add3A_735 = arith.addi %add3A_726, %add3A_734 : vector<16xi32>
        %gather3A_736 = tpu.vector_load_idx %arg5[%add3A_735] : memref<98304xf32, #tpu.memory_space<vmem>>[vector<16xi32>], vector<16xf32>,
        %mul3A_737 = arith.mulf %gather3A_732, %gather3A_731 : vector<16xf32>
        %add3A_738 = arith.addf %add3A_718, %mul3A_737 : vector<16xf32>
        %mul3A_739 = arith.mulf %gather3A_736, %gather3A_731 : vector<16xf32>
        %add3A_740 = arith.addf %add3A_720, %mul3A_739 : vector<16xf32>
        %broadcast_in_dim3A_741 = arith.constant 4 : i32
        %broadcast_in_dim3A_742 = vector.broadcast %broadcast_in_dim3A_741 : i32 to vector<16xi32>
        %broadcast_in_dim3A_743 = vector.shape_cast %broadcast_in_dim3A_742 : vector<16xi32> to vector<16x1xi32>
        %gather3A_744 = vector.shape_cast %broadcast_in_dim3A_743 : vector<16x1xi32> to vector<16xi32>
        %gather3A_745 = tpu.dynamic_gather %add3A_333[%gather3A_744] in [0] : vector<16xi32>, vector<16xi32> -> vector<16xi32>
        %add3A_746 = arith.addi %gather3A_745, %iota3A : vector<16xi32>
        %broadcast_in_dim3A_747 = arith.constant 4 : i32
        %broadcast_in_dim3A_748 = vector.broadcast %broadcast_in_dim3A_747 : i32 to vector<16xi32>
        %broadcast_in_dim3A_749 = vector.shape_cast %broadcast_in_dim3A_748 : vector<16xi32> to vector<16x1xi32>
        %gather3A_750 = vector.shape_cast %broadcast_in_dim3A_749 : vector<16x1xi32> to vector<16xi32>
        %gather3A_751 = tpu.dynamic_gather %mul3A_334[%gather3A_750] in [0] : vector<16xf32>, vector<16xi32> -> vector<16xf32>
        %gather3A_752 = tpu.vector_load_idx %arg5[%add3A_746] : memref<98304xf32, #tpu.memory_space<vmem>>[vector<16xi32>], vector<16xf32>,
        %add3A_753 = arith.constant 16 : i32
        %add3A_754 = vector.broadcast %add3A_753 : i32 to vector<16xi32>
        %add3A_755 = arith.addi %add3A_746, %add3A_754 : vector<16xi32>
        %gather3A_756 = tpu.vector_load_idx %arg5[%add3A_755] : memref<98304xf32, #tpu.memory_space<vmem>>[vector<16xi32>], vector<16xf32>,
        %mul3A_757 = arith.mulf %gather3A_752, %gather3A_751 : vector<16xf32>
        %add3A_758 = arith.addf %add3A_738, %mul3A_757 : vector<16xf32>
        %mul3A_759 = arith.mulf %gather3A_756, %gather3A_751 : vector<16xf32>
        %add3A_760 = arith.addf %add3A_740, %mul3A_759 : vector<16xf32>
        %broadcast_in_dim3A_761 = arith.constant 5 : i32
        %broadcast_in_dim3A_762 = vector.broadcast %broadcast_in_dim3A_761 : i32 to vector<16xi32>
        %broadcast_in_dim3A_763 = vector.shape_cast %broadcast_in_dim3A_762 : vector<16xi32> to vector<16x1xi32>
        %gather3A_764 = vector.shape_cast %broadcast_in_dim3A_763 : vector<16x1xi32> to vector<16xi32>
        %gather3A_765 = tpu.dynamic_gather %add3A_333[%gather3A_764] in [0] : vector<16xi32>, vector<16xi32> -> vector<16xi32>
        %add3A_766 = arith.addi %gather3A_765, %iota3A : vector<16xi32>
        %broadcast_in_dim3A_767 = arith.constant 5 : i32
        %broadcast_in_dim3A_768 = vector.broadcast %broadcast_in_dim3A_767 : i32 to vector<16xi32>
        %broadcast_in_dim3A_769 = vector.shape_cast %broadcast_in_dim3A_768 : vector<16xi32> to vector<16x1xi32>
        %gather3A_770 = vector.shape_cast %broadcast_in_dim3A_769 : vector<16x1xi32> to vector<16xi32>
        %gather3A_771 = tpu.dynamic_gather %mul3A_334[%gather3A_770] in [0] : vector<16xf32>, vector<16xi32> -> vector<16xf32>
        %gather3A_772 = tpu.vector_load_idx %arg5[%add3A_766] : memref<98304xf32, #tpu.memory_space<vmem>>[vector<16xi32>], vector<16xf32>,
        %add3A_773 = arith.constant 16 : i32
        %add3A_774 = vector.broadcast %add3A_773 : i32 to vector<16xi32>
        %add3A_775 = arith.addi %add3A_766, %add3A_774 : vector<16xi32>
        %gather3A_776 = tpu.vector_load_idx %arg5[%add3A_775] : memref<98304xf32, #tpu.memory_space<vmem>>[vector<16xi32>], vector<16xf32>,
        %mul3A_777 = arith.mulf %gather3A_772, %gather3A_771 : vector<16xf32>
        %add3A_778 = arith.addf %add3A_758, %mul3A_777 : vector<16xf32>
        %mul3A_779 = arith.mulf %gather3A_776, %gather3A_771 : vector<16xf32>
        %add3A_780 = arith.addf %add3A_760, %mul3A_779 : vector<16xf32>
        %broadcast_in_dim3A_781 = arith.constant 6 : i32
        %broadcast_in_dim3A_782 = vector.broadcast %broadcast_in_dim3A_781 : i32 to vector<16xi32>
        %broadcast_in_dim3A_783 = vector.shape_cast %broadcast_in_dim3A_782 : vector<16xi32> to vector<16x1xi32>
        %gather3A_784 = vector.shape_cast %broadcast_in_dim3A_783 : vector<16x1xi32> to vector<16xi32>
        %gather3A_785 = tpu.dynamic_gather %add3A_333[%gather3A_784] in [0] : vector<16xi32>, vector<16xi32> -> vector<16xi32>
        %add3A_786 = arith.addi %gather3A_785, %iota3A : vector<16xi32>
        %broadcast_in_dim3A_787 = arith.constant 6 : i32
        %broadcast_in_dim3A_788 = vector.broadcast %broadcast_in_dim3A_787 : i32 to vector<16xi32>
        %broadcast_in_dim3A_789 = vector.shape_cast %broadcast_in_dim3A_788 : vector<16xi32> to vector<16x1xi32>
        %gather3A_790 = vector.shape_cast %broadcast_in_dim3A_789 : vector<16x1xi32> to vector<16xi32>
        %gather3A_791 = tpu.dynamic_gather %mul3A_334[%gather3A_790] in [0] : vector<16xf32>, vector<16xi32> -> vector<16xf32>
        %gather3A_792 = tpu.vector_load_idx %arg5[%add3A_786] : memref<98304xf32, #tpu.memory_space<vmem>>[vector<16xi32>], vector<16xf32>,
        %add3A_793 = arith.constant 16 : i32
        %add3A_794 = vector.broadcast %add3A_793 : i32 to vector<16xi32>
        %add3A_795 = arith.addi %add3A_786, %add3A_794 : vector<16xi32>
        %gather3A_796 = tpu.vector_load_idx %arg5[%add3A_795] : memref<98304xf32, #tpu.memory_space<vmem>>[vector<16xi32>], vector<16xf32>,
        %mul3A_797 = arith.mulf %gather3A_792, %gather3A_791 : vector<16xf32>
        %add3A_798 = arith.addf %add3A_778, %mul3A_797 : vector<16xf32>
        %mul3A_799 = arith.mulf %gather3A_796, %gather3A_791 : vector<16xf32>
        %add3A_800 = arith.addf %add3A_780, %mul3A_799 : vector<16xf32>
        %broadcast_in_dim3A_801 = arith.constant 7 : i32
        %broadcast_in_dim3A_802 = vector.broadcast %broadcast_in_dim3A_801 : i32 to vector<16xi32>
        %broadcast_in_dim3A_803 = vector.shape_cast %broadcast_in_dim3A_802 : vector<16xi32> to vector<16x1xi32>
        %gather3A_804 = vector.shape_cast %broadcast_in_dim3A_803 : vector<16x1xi32> to vector<16xi32>
        %gather3A_805 = tpu.dynamic_gather %add3A_333[%gather3A_804] in [0] : vector<16xi32>, vector<16xi32> -> vector<16xi32>
        %add3A_806 = arith.addi %gather3A_805, %iota3A : vector<16xi32>
        %broadcast_in_dim3A_807 = arith.constant 7 : i32
        %broadcast_in_dim3A_808 = vector.broadcast %broadcast_in_dim3A_807 : i32 to vector<16xi32>
        %broadcast_in_dim3A_809 = vector.shape_cast %broadcast_in_dim3A_808 : vector<16xi32> to vector<16x1xi32>
        %gather3A_810 = vector.shape_cast %broadcast_in_dim3A_809 : vector<16x1xi32> to vector<16xi32>
        %gather3A_811 = tpu.dynamic_gather %mul3A_334[%gather3A_810] in [0] : vector<16xf32>, vector<16xi32> -> vector<16xf32>
        %gather3A_812 = tpu.vector_load_idx %arg5[%add3A_806] : memref<98304xf32, #tpu.memory_space<vmem>>[vector<16xi32>], vector<16xf32>,
        %add3A_813 = arith.constant 16 : i32
        %add3A_814 = vector.broadcast %add3A_813 : i32 to vector<16xi32>
        %add3A_815 = arith.addi %add3A_806, %add3A_814 : vector<16xi32>
        %gather3A_816 = tpu.vector_load_idx %arg5[%add3A_815] : memref<98304xf32, #tpu.memory_space<vmem>>[vector<16xi32>], vector<16xf32>,
        %mul3A_817 = arith.mulf %gather3A_812, %gather3A_811 : vector<16xf32>
        %add3A_818 = arith.addf %add3A_798, %mul3A_817 : vector<16xf32>
        %mul3A_819 = arith.mulf %gather3A_816, %gather3A_811 : vector<16xf32>
        %add3A_820 = arith.addf %add3A_800, %mul3A_819 : vector<16xf32>
        %broadcast_in_dim3A_821 = arith.constant 8 : i32
        %broadcast_in_dim3A_822 = vector.broadcast %broadcast_in_dim3A_821 : i32 to vector<16xi32>
        %broadcast_in_dim3A_823 = vector.shape_cast %broadcast_in_dim3A_822 : vector<16xi32> to vector<16x1xi32>
        %gather3A_824 = vector.shape_cast %broadcast_in_dim3A_823 : vector<16x1xi32> to vector<16xi32>
        %gather3A_825 = tpu.dynamic_gather %add3A_333[%gather3A_824] in [0] : vector<16xi32>, vector<16xi32> -> vector<16xi32>
        %add3A_826 = arith.addi %gather3A_825, %iota3A : vector<16xi32>
        %broadcast_in_dim3A_827 = arith.constant 8 : i32
        %broadcast_in_dim3A_828 = vector.broadcast %broadcast_in_dim3A_827 : i32 to vector<16xi32>
        %broadcast_in_dim3A_829 = vector.shape_cast %broadcast_in_dim3A_828 : vector<16xi32> to vector<16x1xi32>
        %gather3A_830 = vector.shape_cast %broadcast_in_dim3A_829 : vector<16x1xi32> to vector<16xi32>
        %gather3A_831 = tpu.dynamic_gather %mul3A_334[%gather3A_830] in [0] : vector<16xf32>, vector<16xi32> -> vector<16xf32>
        %gather3A_832 = tpu.vector_load_idx %arg5[%add3A_826] : memref<98304xf32, #tpu.memory_space<vmem>>[vector<16xi32>], vector<16xf32>,
        %add3A_833 = arith.constant 16 : i32
        %add3A_834 = vector.broadcast %add3A_833 : i32 to vector<16xi32>
        %add3A_835 = arith.addi %add3A_826, %add3A_834 : vector<16xi32>
        %gather3A_836 = tpu.vector_load_idx %arg5[%add3A_835] : memref<98304xf32, #tpu.memory_space<vmem>>[vector<16xi32>], vector<16xf32>,
        %mul3A_837 = arith.mulf %gather3A_832, %gather3A_831 : vector<16xf32>
        %add3A_838 = arith.addf %add3A_818, %mul3A_837 : vector<16xf32>
        %mul3A_839 = arith.mulf %gather3A_836, %gather3A_831 : vector<16xf32>
        %add3A_840 = arith.addf %add3A_820, %mul3A_839 : vector<16xf32>
        %broadcast_in_dim3A_841 = arith.constant 9 : i32
        %broadcast_in_dim3A_842 = vector.broadcast %broadcast_in_dim3A_841 : i32 to vector<16xi32>
        %broadcast_in_dim3A_843 = vector.shape_cast %broadcast_in_dim3A_842 : vector<16xi32> to vector<16x1xi32>
        %gather3A_844 = vector.shape_cast %broadcast_in_dim3A_843 : vector<16x1xi32> to vector<16xi32>
        %gather3A_845 = tpu.dynamic_gather %add3A_333[%gather3A_844] in [0] : vector<16xi32>, vector<16xi32> -> vector<16xi32>
        %add3A_846 = arith.addi %gather3A_845, %iota3A : vector<16xi32>
        %broadcast_in_dim3A_847 = arith.constant 9 : i32
        %broadcast_in_dim3A_848 = vector.broadcast %broadcast_in_dim3A_847 : i32 to vector<16xi32>
        %broadcast_in_dim3A_849 = vector.shape_cast %broadcast_in_dim3A_848 : vector<16xi32> to vector<16x1xi32>
        %gather3A_850 = vector.shape_cast %broadcast_in_dim3A_849 : vector<16x1xi32> to vector<16xi32>
        %gather3A_851 = tpu.dynamic_gather %mul3A_334[%gather3A_850] in [0] : vector<16xf32>, vector<16xi32> -> vector<16xf32>
        %gather3A_852 = tpu.vector_load_idx %arg5[%add3A_846] : memref<98304xf32, #tpu.memory_space<vmem>>[vector<16xi32>], vector<16xf32>,
        %add3A_853 = arith.constant 16 : i32
        %add3A_854 = vector.broadcast %add3A_853 : i32 to vector<16xi32>
        %add3A_855 = arith.addi %add3A_846, %add3A_854 : vector<16xi32>
        %gather3A_856 = tpu.vector_load_idx %arg5[%add3A_855] : memref<98304xf32, #tpu.memory_space<vmem>>[vector<16xi32>], vector<16xf32>,
        %mul3A_857 = arith.mulf %gather3A_852, %gather3A_851 : vector<16xf32>
        %add3A_858 = arith.addf %add3A_838, %mul3A_857 : vector<16xf32>
        %mul3A_859 = arith.mulf %gather3A_856, %gather3A_851 : vector<16xf32>
        %add3A_860 = arith.addf %add3A_840, %mul3A_859 : vector<16xf32>
        %broadcast_in_dim3A_861 = arith.constant 10 : i32
        %broadcast_in_dim3A_862 = vector.broadcast %broadcast_in_dim3A_861 : i32 to vector<16xi32>
        %broadcast_in_dim3A_863 = vector.shape_cast %broadcast_in_dim3A_862 : vector<16xi32> to vector<16x1xi32>
        %gather3A_864 = vector.shape_cast %broadcast_in_dim3A_863 : vector<16x1xi32> to vector<16xi32>
        %gather3A_865 = tpu.dynamic_gather %add3A_333[%gather3A_864] in [0] : vector<16xi32>, vector<16xi32> -> vector<16xi32>
        %add3A_866 = arith.addi %gather3A_865, %iota3A : vector<16xi32>
        %broadcast_in_dim3A_867 = arith.constant 10 : i32
        %broadcast_in_dim3A_868 = vector.broadcast %broadcast_in_dim3A_867 : i32 to vector<16xi32>
        %broadcast_in_dim3A_869 = vector.shape_cast %broadcast_in_dim3A_868 : vector<16xi32> to vector<16x1xi32>
        %gather3A_870 = vector.shape_cast %broadcast_in_dim3A_869 : vector<16x1xi32> to vector<16xi32>
        %gather3A_871 = tpu.dynamic_gather %mul3A_334[%gather3A_870] in [0] : vector<16xf32>, vector<16xi32> -> vector<16xf32>
        %gather3A_872 = tpu.vector_load_idx %arg5[%add3A_866] : memref<98304xf32, #tpu.memory_space<vmem>>[vector<16xi32>], vector<16xf32>,
        %add3A_873 = arith.constant 16 : i32
        %add3A_874 = vector.broadcast %add3A_873 : i32 to vector<16xi32>
        %add3A_875 = arith.addi %add3A_866, %add3A_874 : vector<16xi32>
        %gather3A_876 = tpu.vector_load_idx %arg5[%add3A_875] : memref<98304xf32, #tpu.memory_space<vmem>>[vector<16xi32>], vector<16xf32>,
        %mul3A_877 = arith.mulf %gather3A_872, %gather3A_871 : vector<16xf32>
        %add3A_878 = arith.addf %add3A_858, %mul3A_877 : vector<16xf32>
        %mul3A_879 = arith.mulf %gather3A_876, %gather3A_871 : vector<16xf32>
        %add3A_880 = arith.addf %add3A_860, %mul3A_879 : vector<16xf32>
        %broadcast_in_dim3A_881 = arith.constant 11 : i32
        %broadcast_in_dim3A_882 = vector.broadcast %broadcast_in_dim3A_881 : i32 to vector<16xi32>
        %broadcast_in_dim3A_883 = vector.shape_cast %broadcast_in_dim3A_882 : vector<16xi32> to vector<16x1xi32>
        %gather3A_884 = vector.shape_cast %broadcast_in_dim3A_883 : vector<16x1xi32> to vector<16xi32>
        %gather3A_885 = tpu.dynamic_gather %add3A_333[%gather3A_884] in [0] : vector<16xi32>, vector<16xi32> -> vector<16xi32>
        %add3A_886 = arith.addi %gather3A_885, %iota3A : vector<16xi32>
        %broadcast_in_dim3A_887 = arith.constant 11 : i32
        %broadcast_in_dim3A_888 = vector.broadcast %broadcast_in_dim3A_887 : i32 to vector<16xi32>
        %broadcast_in_dim3A_889 = vector.shape_cast %broadcast_in_dim3A_888 : vector<16xi32> to vector<16x1xi32>
        %gather3A_890 = vector.shape_cast %broadcast_in_dim3A_889 : vector<16x1xi32> to vector<16xi32>
        %gather3A_891 = tpu.dynamic_gather %mul3A_334[%gather3A_890] in [0] : vector<16xf32>, vector<16xi32> -> vector<16xf32>
        %gather3A_892 = tpu.vector_load_idx %arg5[%add3A_886] : memref<98304xf32, #tpu.memory_space<vmem>>[vector<16xi32>], vector<16xf32>,
        %add3A_893 = arith.constant 16 : i32
        %add3A_894 = vector.broadcast %add3A_893 : i32 to vector<16xi32>
        %add3A_895 = arith.addi %add3A_886, %add3A_894 : vector<16xi32>
        %gather3A_896 = tpu.vector_load_idx %arg5[%add3A_895] : memref<98304xf32, #tpu.memory_space<vmem>>[vector<16xi32>], vector<16xf32>,
        %mul3A_897 = arith.mulf %gather3A_892, %gather3A_891 : vector<16xf32>
        %add3A_898 = arith.addf %add3A_878, %mul3A_897 : vector<16xf32>
        %mul3A_899 = arith.mulf %gather3A_896, %gather3A_891 : vector<16xf32>
        %add3A_900 = arith.addf %add3A_880, %mul3A_899 : vector<16xf32>
        %broadcast_in_dim3A_901 = arith.constant 12 : i32
        %broadcast_in_dim3A_902 = vector.broadcast %broadcast_in_dim3A_901 : i32 to vector<16xi32>
        %broadcast_in_dim3A_903 = vector.shape_cast %broadcast_in_dim3A_902 : vector<16xi32> to vector<16x1xi32>
        %gather3A_904 = vector.shape_cast %broadcast_in_dim3A_903 : vector<16x1xi32> to vector<16xi32>
        %gather3A_905 = tpu.dynamic_gather %add3A_333[%gather3A_904] in [0] : vector<16xi32>, vector<16xi32> -> vector<16xi32>
        %add3A_906 = arith.addi %gather3A_905, %iota3A : vector<16xi32>
        %broadcast_in_dim3A_907 = arith.constant 12 : i32
        %broadcast_in_dim3A_908 = vector.broadcast %broadcast_in_dim3A_907 : i32 to vector<16xi32>
        %broadcast_in_dim3A_909 = vector.shape_cast %broadcast_in_dim3A_908 : vector<16xi32> to vector<16x1xi32>
        %gather3A_910 = vector.shape_cast %broadcast_in_dim3A_909 : vector<16x1xi32> to vector<16xi32>
        %gather3A_911 = tpu.dynamic_gather %mul3A_334[%gather3A_910] in [0] : vector<16xf32>, vector<16xi32> -> vector<16xf32>
        %gather3A_912 = tpu.vector_load_idx %arg5[%add3A_906] : memref<98304xf32, #tpu.memory_space<vmem>>[vector<16xi32>], vector<16xf32>,
        %add3A_913 = arith.constant 16 : i32
        %add3A_914 = vector.broadcast %add3A_913 : i32 to vector<16xi32>
        %add3A_915 = arith.addi %add3A_906, %add3A_914 : vector<16xi32>
        %gather3A_916 = tpu.vector_load_idx %arg5[%add3A_915] : memref<98304xf32, #tpu.memory_space<vmem>>[vector<16xi32>], vector<16xf32>,
        %mul3A_917 = arith.mulf %gather3A_912, %gather3A_911 : vector<16xf32>
        %add3A_918 = arith.addf %add3A_898, %mul3A_917 : vector<16xf32>
        %mul3A_919 = arith.mulf %gather3A_916, %gather3A_911 : vector<16xf32>
        %add3A_920 = arith.addf %add3A_900, %mul3A_919 : vector<16xf32>
        %broadcast_in_dim3A_921 = arith.constant 13 : i32
        %broadcast_in_dim3A_922 = vector.broadcast %broadcast_in_dim3A_921 : i32 to vector<16xi32>
        %broadcast_in_dim3A_923 = vector.shape_cast %broadcast_in_dim3A_922 : vector<16xi32> to vector<16x1xi32>
        %gather3A_924 = vector.shape_cast %broadcast_in_dim3A_923 : vector<16x1xi32> to vector<16xi32>
        %gather3A_925 = tpu.dynamic_gather %add3A_333[%gather3A_924] in [0] : vector<16xi32>, vector<16xi32> -> vector<16xi32>
        %add3A_926 = arith.addi %gather3A_925, %iota3A : vector<16xi32>
        %broadcast_in_dim3A_927 = arith.constant 13 : i32
        %broadcast_in_dim3A_928 = vector.broadcast %broadcast_in_dim3A_927 : i32 to vector<16xi32>
        %broadcast_in_dim3A_929 = vector.shape_cast %broadcast_in_dim3A_928 : vector<16xi32> to vector<16x1xi32>
        %gather3A_930 = vector.shape_cast %broadcast_in_dim3A_929 : vector<16x1xi32> to vector<16xi32>
        %gather3A_931 = tpu.dynamic_gather %mul3A_334[%gather3A_930] in [0] : vector<16xf32>, vector<16xi32> -> vector<16xf32>
        %gather3A_932 = tpu.vector_load_idx %arg5[%add3A_926] : memref<98304xf32, #tpu.memory_space<vmem>>[vector<16xi32>], vector<16xf32>,
        %add3A_933 = arith.constant 16 : i32
        %add3A_934 = vector.broadcast %add3A_933 : i32 to vector<16xi32>
        %add3A_935 = arith.addi %add3A_926, %add3A_934 : vector<16xi32>
        %gather3A_936 = tpu.vector_load_idx %arg5[%add3A_935] : memref<98304xf32, #tpu.memory_space<vmem>>[vector<16xi32>], vector<16xf32>,
        %mul3A_937 = arith.mulf %gather3A_932, %gather3A_931 : vector<16xf32>
        %add3A_938 = arith.addf %add3A_918, %mul3A_937 : vector<16xf32>
        %mul3A_939 = arith.mulf %gather3A_936, %gather3A_931 : vector<16xf32>
        %add3A_940 = arith.addf %add3A_920, %mul3A_939 : vector<16xf32>
        %broadcast_in_dim3A_941 = arith.constant 14 : i32
        %broadcast_in_dim3A_942 = vector.broadcast %broadcast_in_dim3A_941 : i32 to vector<16xi32>
        %broadcast_in_dim3A_943 = vector.shape_cast %broadcast_in_dim3A_942 : vector<16xi32> to vector<16x1xi32>
        %gather3A_944 = vector.shape_cast %broadcast_in_dim3A_943 : vector<16x1xi32> to vector<16xi32>
        %gather3A_945 = tpu.dynamic_gather %add3A_333[%gather3A_944] in [0] : vector<16xi32>, vector<16xi32> -> vector<16xi32>
        %add3A_946 = arith.addi %gather3A_945, %iota3A : vector<16xi32>
        %broadcast_in_dim3A_947 = arith.constant 14 : i32
        %broadcast_in_dim3A_948 = vector.broadcast %broadcast_in_dim3A_947 : i32 to vector<16xi32>
        %broadcast_in_dim3A_949 = vector.shape_cast %broadcast_in_dim3A_948 : vector<16xi32> to vector<16x1xi32>
        %gather3A_950 = vector.shape_cast %broadcast_in_dim3A_949 : vector<16x1xi32> to vector<16xi32>
        %gather3A_951 = tpu.dynamic_gather %mul3A_334[%gather3A_950] in [0] : vector<16xf32>, vector<16xi32> -> vector<16xf32>
        %gather3A_952 = tpu.vector_load_idx %arg5[%add3A_946] : memref<98304xf32, #tpu.memory_space<vmem>>[vector<16xi32>], vector<16xf32>,
        %add3A_953 = arith.constant 16 : i32
        %add3A_954 = vector.broadcast %add3A_953 : i32 to vector<16xi32>
        %add3A_955 = arith.addi %add3A_946, %add3A_954 : vector<16xi32>
        %gather3A_956 = tpu.vector_load_idx %arg5[%add3A_955] : memref<98304xf32, #tpu.memory_space<vmem>>[vector<16xi32>], vector<16xf32>,
        %mul3A_957 = arith.mulf %gather3A_952, %gather3A_951 : vector<16xf32>
        %add3A_958 = arith.addf %add3A_938, %mul3A_957 : vector<16xf32>
        %mul3A_959 = arith.mulf %gather3A_956, %gather3A_951 : vector<16xf32>
        %add3A_960 = arith.addf %add3A_940, %mul3A_959 : vector<16xf32>
        %broadcast_in_dim3A_961 = arith.constant 15 : i32
        %broadcast_in_dim3A_962 = vector.broadcast %broadcast_in_dim3A_961 : i32 to vector<16xi32>
        %broadcast_in_dim3A_963 = vector.shape_cast %broadcast_in_dim3A_962 : vector<16xi32> to vector<16x1xi32>
        %gather3A_964 = vector.shape_cast %broadcast_in_dim3A_963 : vector<16x1xi32> to vector<16xi32>
        %gather3A_965 = tpu.dynamic_gather %add3A_333[%gather3A_964] in [0] : vector<16xi32>, vector<16xi32> -> vector<16xi32>
        %add3A_966 = arith.addi %gather3A_965, %iota3A : vector<16xi32>
        %broadcast_in_dim3A_967 = arith.constant 15 : i32
        %broadcast_in_dim3A_968 = vector.broadcast %broadcast_in_dim3A_967 : i32 to vector<16xi32>
        %broadcast_in_dim3A_969 = vector.shape_cast %broadcast_in_dim3A_968 : vector<16xi32> to vector<16x1xi32>
        %gather3A_970 = vector.shape_cast %broadcast_in_dim3A_969 : vector<16x1xi32> to vector<16xi32>
        %gather3A_971 = tpu.dynamic_gather %mul3A_334[%gather3A_970] in [0] : vector<16xf32>, vector<16xi32> -> vector<16xf32>
        %gather3A_972 = tpu.vector_load_idx %arg5[%add3A_966] : memref<98304xf32, #tpu.memory_space<vmem>>[vector<16xi32>], vector<16xf32>,
        %add3A_973 = arith.constant 16 : i32
        %add3A_974 = vector.broadcast %add3A_973 : i32 to vector<16xi32>
        %add3A_975 = arith.addi %add3A_966, %add3A_974 : vector<16xi32>
        %gather3A_976 = tpu.vector_load_idx %arg5[%add3A_975] : memref<98304xf32, #tpu.memory_space<vmem>>[vector<16xi32>], vector<16xf32>,
        %mul3A_977 = arith.mulf %gather3A_972, %gather3A_971 : vector<16xf32>
        %add3A_978 = arith.addf %add3A_958, %mul3A_977 : vector<16xf32>
        %mul3A_979 = arith.mulf %gather3A_976, %gather3A_971 : vector<16xf32>
        %add3A_980 = arith.addf %add3A_960, %mul3A_979 : vector<16xf32>
        %broadcast_in_dim3A_981 = arith.constant 0.000000e+00 : f32
        %broadcast_in_dim3A_982 = vector.broadcast %broadcast_in_dim3A_981 : f32 to vector<16xf32>
        %broadcast_in_dim3A_983 = arith.constant 0.000000e+00 : f32
        %broadcast_in_dim3A_984 = vector.broadcast %broadcast_in_dim3A_983 : f32 to vector<16xf32>
        %broadcast_in_dim3A_985 = arith.constant 0 : i32
        %broadcast_in_dim3A_986 = vector.broadcast %broadcast_in_dim3A_985 : i32 to vector<16xi32>
        %broadcast_in_dim3A_987 = vector.shape_cast %broadcast_in_dim3A_986 : vector<16xi32> to vector<16x1xi32>
        %gather3A_988 = vector.shape_cast %broadcast_in_dim3A_987 : vector<16x1xi32> to vector<16xi32>
        %gather3A_989 = tpu.dynamic_gather %add3A_331[%gather3A_988] in [0] : vector<16xi32>, vector<16xi32> -> vector<16xi32>
        %add3A_990 = arith.addi %gather3A_989, %iota3A : vector<16xi32>
        %broadcast_in_dim3A_991 = arith.constant 0 : i32
        %broadcast_in_dim3A_992 = vector.broadcast %broadcast_in_dim3A_991 : i32 to vector<16xi32>
        %broadcast_in_dim3A_993 = vector.shape_cast %broadcast_in_dim3A_992 : vector<16xi32> to vector<16x1xi32>
        %gather3A_994 = vector.shape_cast %broadcast_in_dim3A_993 : vector<16x1xi32> to vector<16xi32>
        %gather3A_995 = tpu.dynamic_gather %mul3A_335[%gather3A_994] in [0] : vector<16xf32>, vector<16xi32> -> vector<16xf32>
        %gather3A_996 = tpu.vector_load_idx %arg5[%add3A_990] : memref<98304xf32, #tpu.memory_space<vmem>>[vector<16xi32>], vector<16xf32>,
        %add3A_997 = arith.constant 16 : i32
        %add3A_998 = vector.broadcast %add3A_997 : i32 to vector<16xi32>
        %add3A_999 = arith.addi %add3A_990, %add3A_998 : vector<16xi32>
        %gather3A_1000 = tpu.vector_load_idx %arg5[%add3A_999] : memref<98304xf32, #tpu.memory_space<vmem>>[vector<16xi32>], vector<16xf32>,
        %mul3A_1001 = arith.mulf %gather3A_996, %gather3A_995 : vector<16xf32>
        %add3A_1002 = arith.addf %broadcast_in_dim3A_982, %mul3A_1001 : vector<16xf32>
        %mul3A_1003 = arith.mulf %gather3A_1000, %gather3A_995 : vector<16xf32>
        %add3A_1004 = arith.addf %broadcast_in_dim3A_984, %mul3A_1003 : vector<16xf32>
        %broadcast_in_dim3A_1005 = arith.constant 1 : i32
        %broadcast_in_dim3A_1006 = vector.broadcast %broadcast_in_dim3A_1005 : i32 to vector<16xi32>
        %broadcast_in_dim3A_1007 = vector.shape_cast %broadcast_in_dim3A_1006 : vector<16xi32> to vector<16x1xi32>
        %gather3A_1008 = vector.shape_cast %broadcast_in_dim3A_1007 : vector<16x1xi32> to vector<16xi32>
        %gather3A_1009 = tpu.dynamic_gather %add3A_331[%gather3A_1008] in [0] : vector<16xi32>, vector<16xi32> -> vector<16xi32>
        %add3A_1010 = arith.addi %gather3A_1009, %iota3A : vector<16xi32>
        %broadcast_in_dim3A_1011 = arith.constant 1 : i32
        %broadcast_in_dim3A_1012 = vector.broadcast %broadcast_in_dim3A_1011 : i32 to vector<16xi32>
        %broadcast_in_dim3A_1013 = vector.shape_cast %broadcast_in_dim3A_1012 : vector<16xi32> to vector<16x1xi32>
        %gather3A_1014 = vector.shape_cast %broadcast_in_dim3A_1013 : vector<16x1xi32> to vector<16xi32>
        %gather3A_1015 = tpu.dynamic_gather %mul3A_335[%gather3A_1014] in [0] : vector<16xf32>, vector<16xi32> -> vector<16xf32>
        %gather3A_1016 = tpu.vector_load_idx %arg5[%add3A_1010] : memref<98304xf32, #tpu.memory_space<vmem>>[vector<16xi32>], vector<16xf32>,
        %add3A_1017 = arith.constant 16 : i32
        %add3A_1018 = vector.broadcast %add3A_1017 : i32 to vector<16xi32>
        %add3A_1019 = arith.addi %add3A_1010, %add3A_1018 : vector<16xi32>
        %gather3A_1020 = tpu.vector_load_idx %arg5[%add3A_1019] : memref<98304xf32, #tpu.memory_space<vmem>>[vector<16xi32>], vector<16xf32>,
        %mul3A_1021 = arith.mulf %gather3A_1016, %gather3A_1015 : vector<16xf32>
        %add3A_1022 = arith.addf %add3A_1002, %mul3A_1021 : vector<16xf32>
        %mul3A_1023 = arith.mulf %gather3A_1020, %gather3A_1015 : vector<16xf32>
        %add3A_1024 = arith.addf %add3A_1004, %mul3A_1023 : vector<16xf32>
        %broadcast_in_dim3A_1025 = arith.constant 2 : i32
        %broadcast_in_dim3A_1026 = vector.broadcast %broadcast_in_dim3A_1025 : i32 to vector<16xi32>
        %broadcast_in_dim3A_1027 = vector.shape_cast %broadcast_in_dim3A_1026 : vector<16xi32> to vector<16x1xi32>
        %gather3A_1028 = vector.shape_cast %broadcast_in_dim3A_1027 : vector<16x1xi32> to vector<16xi32>
        %gather3A_1029 = tpu.dynamic_gather %add3A_331[%gather3A_1028] in [0] : vector<16xi32>, vector<16xi32> -> vector<16xi32>
        %add3A_1030 = arith.addi %gather3A_1029, %iota3A : vector<16xi32>
        %broadcast_in_dim3A_1031 = arith.constant 2 : i32
        %broadcast_in_dim3A_1032 = vector.broadcast %broadcast_in_dim3A_1031 : i32 to vector<16xi32>
        %broadcast_in_dim3A_1033 = vector.shape_cast %broadcast_in_dim3A_1032 : vector<16xi32> to vector<16x1xi32>
        %gather3A_1034 = vector.shape_cast %broadcast_in_dim3A_1033 : vector<16x1xi32> to vector<16xi32>
        %gather3A_1035 = tpu.dynamic_gather %mul3A_335[%gather3A_1034] in [0] : vector<16xf32>, vector<16xi32> -> vector<16xf32>
        %gather3A_1036 = tpu.vector_load_idx %arg5[%add3A_1030] : memref<98304xf32, #tpu.memory_space<vmem>>[vector<16xi32>], vector<16xf32>,
        %add3A_1037 = arith.constant 16 : i32
        %add3A_1038 = vector.broadcast %add3A_1037 : i32 to vector<16xi32>
        %add3A_1039 = arith.addi %add3A_1030, %add3A_1038 : vector<16xi32>
        %gather3A_1040 = tpu.vector_load_idx %arg5[%add3A_1039] : memref<98304xf32, #tpu.memory_space<vmem>>[vector<16xi32>], vector<16xf32>,
        %mul3A_1041 = arith.mulf %gather3A_1036, %gather3A_1035 : vector<16xf32>
        %add3A_1042 = arith.addf %add3A_1022, %mul3A_1041 : vector<16xf32>
        %mul3A_1043 = arith.mulf %gather3A_1040, %gather3A_1035 : vector<16xf32>
        %add3A_1044 = arith.addf %add3A_1024, %mul3A_1043 : vector<16xf32>
        %broadcast_in_dim3A_1045 = arith.constant 3 : i32
        %broadcast_in_dim3A_1046 = vector.broadcast %broadcast_in_dim3A_1045 : i32 to vector<16xi32>
        %broadcast_in_dim3A_1047 = vector.shape_cast %broadcast_in_dim3A_1046 : vector<16xi32> to vector<16x1xi32>
        %gather3A_1048 = vector.shape_cast %broadcast_in_dim3A_1047 : vector<16x1xi32> to vector<16xi32>
        %gather3A_1049 = tpu.dynamic_gather %add3A_331[%gather3A_1048] in [0] : vector<16xi32>, vector<16xi32> -> vector<16xi32>
        %add3A_1050 = arith.addi %gather3A_1049, %iota3A : vector<16xi32>
        %broadcast_in_dim3A_1051 = arith.constant 3 : i32
        %broadcast_in_dim3A_1052 = vector.broadcast %broadcast_in_dim3A_1051 : i32 to vector<16xi32>
        %broadcast_in_dim3A_1053 = vector.shape_cast %broadcast_in_dim3A_1052 : vector<16xi32> to vector<16x1xi32>
        %gather3A_1054 = vector.shape_cast %broadcast_in_dim3A_1053 : vector<16x1xi32> to vector<16xi32>
        %gather3A_1055 = tpu.dynamic_gather %mul3A_335[%gather3A_1054] in [0] : vector<16xf32>, vector<16xi32> -> vector<16xf32>
        %gather3A_1056 = tpu.vector_load_idx %arg5[%add3A_1050] : memref<98304xf32, #tpu.memory_space<vmem>>[vector<16xi32>], vector<16xf32>,
        %add3A_1057 = arith.constant 16 : i32
        %add3A_1058 = vector.broadcast %add3A_1057 : i32 to vector<16xi32>
        %add3A_1059 = arith.addi %add3A_1050, %add3A_1058 : vector<16xi32>
        %gather3A_1060 = tpu.vector_load_idx %arg5[%add3A_1059] : memref<98304xf32, #tpu.memory_space<vmem>>[vector<16xi32>], vector<16xf32>,
        %mul3A_1061 = arith.mulf %gather3A_1056, %gather3A_1055 : vector<16xf32>
        %add3A_1062 = arith.addf %add3A_1042, %mul3A_1061 : vector<16xf32>
        %mul3A_1063 = arith.mulf %gather3A_1060, %gather3A_1055 : vector<16xf32>
        %add3A_1064 = arith.addf %add3A_1044, %mul3A_1063 : vector<16xf32>
        %broadcast_in_dim3A_1065 = arith.constant 4 : i32
        %broadcast_in_dim3A_1066 = vector.broadcast %broadcast_in_dim3A_1065 : i32 to vector<16xi32>
        %broadcast_in_dim3A_1067 = vector.shape_cast %broadcast_in_dim3A_1066 : vector<16xi32> to vector<16x1xi32>
        %gather3A_1068 = vector.shape_cast %broadcast_in_dim3A_1067 : vector<16x1xi32> to vector<16xi32>
        %gather3A_1069 = tpu.dynamic_gather %add3A_331[%gather3A_1068] in [0] : vector<16xi32>, vector<16xi32> -> vector<16xi32>
        %add3A_1070 = arith.addi %gather3A_1069, %iota3A : vector<16xi32>
        %broadcast_in_dim3A_1071 = arith.constant 4 : i32
        %broadcast_in_dim3A_1072 = vector.broadcast %broadcast_in_dim3A_1071 : i32 to vector<16xi32>
        %broadcast_in_dim3A_1073 = vector.shape_cast %broadcast_in_dim3A_1072 : vector<16xi32> to vector<16x1xi32>
        %gather3A_1074 = vector.shape_cast %broadcast_in_dim3A_1073 : vector<16x1xi32> to vector<16xi32>
        %gather3A_1075 = tpu.dynamic_gather %mul3A_335[%gather3A_1074] in [0] : vector<16xf32>, vector<16xi32> -> vector<16xf32>
        %gather3A_1076 = tpu.vector_load_idx %arg5[%add3A_1070] : memref<98304xf32, #tpu.memory_space<vmem>>[vector<16xi32>], vector<16xf32>,
        %add3A_1077 = arith.constant 16 : i32
        %add3A_1078 = vector.broadcast %add3A_1077 : i32 to vector<16xi32>
        %add3A_1079 = arith.addi %add3A_1070, %add3A_1078 : vector<16xi32>
        %gather3A_1080 = tpu.vector_load_idx %arg5[%add3A_1079] : memref<98304xf32, #tpu.memory_space<vmem>>[vector<16xi32>], vector<16xf32>,
        %mul3A_1081 = arith.mulf %gather3A_1076, %gather3A_1075 : vector<16xf32>
        %add3A_1082 = arith.addf %add3A_1062, %mul3A_1081 : vector<16xf32>
        %mul3A_1083 = arith.mulf %gather3A_1080, %gather3A_1075 : vector<16xf32>
        %add3A_1084 = arith.addf %add3A_1064, %mul3A_1083 : vector<16xf32>
        %broadcast_in_dim3A_1085 = arith.constant 5 : i32
        %broadcast_in_dim3A_1086 = vector.broadcast %broadcast_in_dim3A_1085 : i32 to vector<16xi32>
        %broadcast_in_dim3A_1087 = vector.shape_cast %broadcast_in_dim3A_1086 : vector<16xi32> to vector<16x1xi32>
        %gather3A_1088 = vector.shape_cast %broadcast_in_dim3A_1087 : vector<16x1xi32> to vector<16xi32>
        %gather3A_1089 = tpu.dynamic_gather %add3A_331[%gather3A_1088] in [0] : vector<16xi32>, vector<16xi32> -> vector<16xi32>
        %add3A_1090 = arith.addi %gather3A_1089, %iota3A : vector<16xi32>
        %broadcast_in_dim3A_1091 = arith.constant 5 : i32
        %broadcast_in_dim3A_1092 = vector.broadcast %broadcast_in_dim3A_1091 : i32 to vector<16xi32>
        %broadcast_in_dim3A_1093 = vector.shape_cast %broadcast_in_dim3A_1092 : vector<16xi32> to vector<16x1xi32>
        %gather3A_1094 = vector.shape_cast %broadcast_in_dim3A_1093 : vector<16x1xi32> to vector<16xi32>
        %gather3A_1095 = tpu.dynamic_gather %mul3A_335[%gather3A_1094] in [0] : vector<16xf32>, vector<16xi32> -> vector<16xf32>
        %gather3A_1096 = tpu.vector_load_idx %arg5[%add3A_1090] : memref<98304xf32, #tpu.memory_space<vmem>>[vector<16xi32>], vector<16xf32>,
        %add3A_1097 = arith.constant 16 : i32
        %add3A_1098 = vector.broadcast %add3A_1097 : i32 to vector<16xi32>
        %add3A_1099 = arith.addi %add3A_1090, %add3A_1098 : vector<16xi32>
        %gather3A_1100 = tpu.vector_load_idx %arg5[%add3A_1099] : memref<98304xf32, #tpu.memory_space<vmem>>[vector<16xi32>], vector<16xf32>,
        %mul3A_1101 = arith.mulf %gather3A_1096, %gather3A_1095 : vector<16xf32>
        %add3A_1102 = arith.addf %add3A_1082, %mul3A_1101 : vector<16xf32>
        %mul3A_1103 = arith.mulf %gather3A_1100, %gather3A_1095 : vector<16xf32>
        %add3A_1104 = arith.addf %add3A_1084, %mul3A_1103 : vector<16xf32>
        %broadcast_in_dim3A_1105 = arith.constant 6 : i32
        %broadcast_in_dim3A_1106 = vector.broadcast %broadcast_in_dim3A_1105 : i32 to vector<16xi32>
        %broadcast_in_dim3A_1107 = vector.shape_cast %broadcast_in_dim3A_1106 : vector<16xi32> to vector<16x1xi32>
        %gather3A_1108 = vector.shape_cast %broadcast_in_dim3A_1107 : vector<16x1xi32> to vector<16xi32>
        %gather3A_1109 = tpu.dynamic_gather %add3A_331[%gather3A_1108] in [0] : vector<16xi32>, vector<16xi32> -> vector<16xi32>
        %add3A_1110 = arith.addi %gather3A_1109, %iota3A : vector<16xi32>
        %broadcast_in_dim3A_1111 = arith.constant 6 : i32
        %broadcast_in_dim3A_1112 = vector.broadcast %broadcast_in_dim3A_1111 : i32 to vector<16xi32>
        %broadcast_in_dim3A_1113 = vector.shape_cast %broadcast_in_dim3A_1112 : vector<16xi32> to vector<16x1xi32>
        %gather3A_1114 = vector.shape_cast %broadcast_in_dim3A_1113 : vector<16x1xi32> to vector<16xi32>
        %gather3A_1115 = tpu.dynamic_gather %mul3A_335[%gather3A_1114] in [0] : vector<16xf32>, vector<16xi32> -> vector<16xf32>
        %gather3A_1116 = tpu.vector_load_idx %arg5[%add3A_1110] : memref<98304xf32, #tpu.memory_space<vmem>>[vector<16xi32>], vector<16xf32>,
        %add3A_1117 = arith.constant 16 : i32
        %add3A_1118 = vector.broadcast %add3A_1117 : i32 to vector<16xi32>
        %add3A_1119 = arith.addi %add3A_1110, %add3A_1118 : vector<16xi32>
        %gather3A_1120 = tpu.vector_load_idx %arg5[%add3A_1119] : memref<98304xf32, #tpu.memory_space<vmem>>[vector<16xi32>], vector<16xf32>,
        %mul3A_1121 = arith.mulf %gather3A_1116, %gather3A_1115 : vector<16xf32>
        %add3A_1122 = arith.addf %add3A_1102, %mul3A_1121 : vector<16xf32>
        %mul3A_1123 = arith.mulf %gather3A_1120, %gather3A_1115 : vector<16xf32>
        %add3A_1124 = arith.addf %add3A_1104, %mul3A_1123 : vector<16xf32>
        %broadcast_in_dim3A_1125 = arith.constant 7 : i32
        %broadcast_in_dim3A_1126 = vector.broadcast %broadcast_in_dim3A_1125 : i32 to vector<16xi32>
        %broadcast_in_dim3A_1127 = vector.shape_cast %broadcast_in_dim3A_1126 : vector<16xi32> to vector<16x1xi32>
        %gather3A_1128 = vector.shape_cast %broadcast_in_dim3A_1127 : vector<16x1xi32> to vector<16xi32>
        %gather3A_1129 = tpu.dynamic_gather %add3A_331[%gather3A_1128] in [0] : vector<16xi32>, vector<16xi32> -> vector<16xi32>
        %add3A_1130 = arith.addi %gather3A_1129, %iota3A : vector<16xi32>
        %broadcast_in_dim3A_1131 = arith.constant 7 : i32
        %broadcast_in_dim3A_1132 = vector.broadcast %broadcast_in_dim3A_1131 : i32 to vector<16xi32>
        %broadcast_in_dim3A_1133 = vector.shape_cast %broadcast_in_dim3A_1132 : vector<16xi32> to vector<16x1xi32>
        %gather3A_1134 = vector.shape_cast %broadcast_in_dim3A_1133 : vector<16x1xi32> to vector<16xi32>
        %gather3A_1135 = tpu.dynamic_gather %mul3A_335[%gather3A_1134] in [0] : vector<16xf32>, vector<16xi32> -> vector<16xf32>
        %gather3A_1136 = tpu.vector_load_idx %arg5[%add3A_1130] : memref<98304xf32, #tpu.memory_space<vmem>>[vector<16xi32>], vector<16xf32>,
        %add3A_1137 = arith.constant 16 : i32
        %add3A_1138 = vector.broadcast %add3A_1137 : i32 to vector<16xi32>
        %add3A_1139 = arith.addi %add3A_1130, %add3A_1138 : vector<16xi32>
        %gather3A_1140 = tpu.vector_load_idx %arg5[%add3A_1139] : memref<98304xf32, #tpu.memory_space<vmem>>[vector<16xi32>], vector<16xf32>,
        %mul3A_1141 = arith.mulf %gather3A_1136, %gather3A_1135 : vector<16xf32>
        %add3A_1142 = arith.addf %add3A_1122, %mul3A_1141 : vector<16xf32>
        %mul3A_1143 = arith.mulf %gather3A_1140, %gather3A_1135 : vector<16xf32>
        %add3A_1144 = arith.addf %add3A_1124, %mul3A_1143 : vector<16xf32>
        %broadcast_in_dim3A_1145 = arith.constant 8 : i32
        %broadcast_in_dim3A_1146 = vector.broadcast %broadcast_in_dim3A_1145 : i32 to vector<16xi32>
        %broadcast_in_dim3A_1147 = vector.shape_cast %broadcast_in_dim3A_1146 : vector<16xi32> to vector<16x1xi32>
        %gather3A_1148 = vector.shape_cast %broadcast_in_dim3A_1147 : vector<16x1xi32> to vector<16xi32>
        %gather3A_1149 = tpu.dynamic_gather %add3A_331[%gather3A_1148] in [0] : vector<16xi32>, vector<16xi32> -> vector<16xi32>
        %add3A_1150 = arith.addi %gather3A_1149, %iota3A : vector<16xi32>
        %broadcast_in_dim3A_1151 = arith.constant 8 : i32
        %broadcast_in_dim3A_1152 = vector.broadcast %broadcast_in_dim3A_1151 : i32 to vector<16xi32>
        %broadcast_in_dim3A_1153 = vector.shape_cast %broadcast_in_dim3A_1152 : vector<16xi32> to vector<16x1xi32>
        %gather3A_1154 = vector.shape_cast %broadcast_in_dim3A_1153 : vector<16x1xi32> to vector<16xi32>
        %gather3A_1155 = tpu.dynamic_gather %mul3A_335[%gather3A_1154] in [0] : vector<16xf32>, vector<16xi32> -> vector<16xf32>
        %gather3A_1156 = tpu.vector_load_idx %arg5[%add3A_1150] : memref<98304xf32, #tpu.memory_space<vmem>>[vector<16xi32>], vector<16xf32>,
        %add3A_1157 = arith.constant 16 : i32
        %add3A_1158 = vector.broadcast %add3A_1157 : i32 to vector<16xi32>
        %add3A_1159 = arith.addi %add3A_1150, %add3A_1158 : vector<16xi32>
        %gather3A_1160 = tpu.vector_load_idx %arg5[%add3A_1159] : memref<98304xf32, #tpu.memory_space<vmem>>[vector<16xi32>], vector<16xf32>,
        %mul3A_1161 = arith.mulf %gather3A_1156, %gather3A_1155 : vector<16xf32>
        %add3A_1162 = arith.addf %add3A_1142, %mul3A_1161 : vector<16xf32>
        %mul3A_1163 = arith.mulf %gather3A_1160, %gather3A_1155 : vector<16xf32>
        %add3A_1164 = arith.addf %add3A_1144, %mul3A_1163 : vector<16xf32>
        %broadcast_in_dim3A_1165 = arith.constant 9 : i32
        %broadcast_in_dim3A_1166 = vector.broadcast %broadcast_in_dim3A_1165 : i32 to vector<16xi32>
        %broadcast_in_dim3A_1167 = vector.shape_cast %broadcast_in_dim3A_1166 : vector<16xi32> to vector<16x1xi32>
        %gather3A_1168 = vector.shape_cast %broadcast_in_dim3A_1167 : vector<16x1xi32> to vector<16xi32>
        %gather3A_1169 = tpu.dynamic_gather %add3A_331[%gather3A_1168] in [0] : vector<16xi32>, vector<16xi32> -> vector<16xi32>
        %add3A_1170 = arith.addi %gather3A_1169, %iota3A : vector<16xi32>
        %broadcast_in_dim3A_1171 = arith.constant 9 : i32
        %broadcast_in_dim3A_1172 = vector.broadcast %broadcast_in_dim3A_1171 : i32 to vector<16xi32>
        %broadcast_in_dim3A_1173 = vector.shape_cast %broadcast_in_dim3A_1172 : vector<16xi32> to vector<16x1xi32>
        %gather3A_1174 = vector.shape_cast %broadcast_in_dim3A_1173 : vector<16x1xi32> to vector<16xi32>
        %gather3A_1175 = tpu.dynamic_gather %mul3A_335[%gather3A_1174] in [0] : vector<16xf32>, vector<16xi32> -> vector<16xf32>
        %gather3A_1176 = tpu.vector_load_idx %arg5[%add3A_1170] : memref<98304xf32, #tpu.memory_space<vmem>>[vector<16xi32>], vector<16xf32>,
        %add3A_1177 = arith.constant 16 : i32
        %add3A_1178 = vector.broadcast %add3A_1177 : i32 to vector<16xi32>
        %add3A_1179 = arith.addi %add3A_1170, %add3A_1178 : vector<16xi32>
        %gather3A_1180 = tpu.vector_load_idx %arg5[%add3A_1179] : memref<98304xf32, #tpu.memory_space<vmem>>[vector<16xi32>], vector<16xf32>,
        %mul3A_1181 = arith.mulf %gather3A_1176, %gather3A_1175 : vector<16xf32>
        %add3A_1182 = arith.addf %add3A_1162, %mul3A_1181 : vector<16xf32>
        %mul3A_1183 = arith.mulf %gather3A_1180, %gather3A_1175 : vector<16xf32>
        %add3A_1184 = arith.addf %add3A_1164, %mul3A_1183 : vector<16xf32>
        %broadcast_in_dim3A_1185 = arith.constant 10 : i32
        %broadcast_in_dim3A_1186 = vector.broadcast %broadcast_in_dim3A_1185 : i32 to vector<16xi32>
        %broadcast_in_dim3A_1187 = vector.shape_cast %broadcast_in_dim3A_1186 : vector<16xi32> to vector<16x1xi32>
        %gather3A_1188 = vector.shape_cast %broadcast_in_dim3A_1187 : vector<16x1xi32> to vector<16xi32>
        %gather3A_1189 = tpu.dynamic_gather %add3A_331[%gather3A_1188] in [0] : vector<16xi32>, vector<16xi32> -> vector<16xi32>
        %add3A_1190 = arith.addi %gather3A_1189, %iota3A : vector<16xi32>
        %broadcast_in_dim3A_1191 = arith.constant 10 : i32
        %broadcast_in_dim3A_1192 = vector.broadcast %broadcast_in_dim3A_1191 : i32 to vector<16xi32>
        %broadcast_in_dim3A_1193 = vector.shape_cast %broadcast_in_dim3A_1192 : vector<16xi32> to vector<16x1xi32>
        %gather3A_1194 = vector.shape_cast %broadcast_in_dim3A_1193 : vector<16x1xi32> to vector<16xi32>
        %gather3A_1195 = tpu.dynamic_gather %mul3A_335[%gather3A_1194] in [0] : vector<16xf32>, vector<16xi32> -> vector<16xf32>
        %gather3A_1196 = tpu.vector_load_idx %arg5[%add3A_1190] : memref<98304xf32, #tpu.memory_space<vmem>>[vector<16xi32>], vector<16xf32>,
        %add3A_1197 = arith.constant 16 : i32
        %add3A_1198 = vector.broadcast %add3A_1197 : i32 to vector<16xi32>
        %add3A_1199 = arith.addi %add3A_1190, %add3A_1198 : vector<16xi32>
        %gather3A_1200 = tpu.vector_load_idx %arg5[%add3A_1199] : memref<98304xf32, #tpu.memory_space<vmem>>[vector<16xi32>], vector<16xf32>,
        %mul3A_1201 = arith.mulf %gather3A_1196, %gather3A_1195 : vector<16xf32>
        %add3A_1202 = arith.addf %add3A_1182, %mul3A_1201 : vector<16xf32>
        %mul3A_1203 = arith.mulf %gather3A_1200, %gather3A_1195 : vector<16xf32>
        %add3A_1204 = arith.addf %add3A_1184, %mul3A_1203 : vector<16xf32>
        %broadcast_in_dim3A_1205 = arith.constant 11 : i32
        %broadcast_in_dim3A_1206 = vector.broadcast %broadcast_in_dim3A_1205 : i32 to vector<16xi32>
        %broadcast_in_dim3A_1207 = vector.shape_cast %broadcast_in_dim3A_1206 : vector<16xi32> to vector<16x1xi32>
        %gather3A_1208 = vector.shape_cast %broadcast_in_dim3A_1207 : vector<16x1xi32> to vector<16xi32>
        %gather3A_1209 = tpu.dynamic_gather %add3A_331[%gather3A_1208] in [0] : vector<16xi32>, vector<16xi32> -> vector<16xi32>
        %add3A_1210 = arith.addi %gather3A_1209, %iota3A : vector<16xi32>
        %broadcast_in_dim3A_1211 = arith.constant 11 : i32
        %broadcast_in_dim3A_1212 = vector.broadcast %broadcast_in_dim3A_1211 : i32 to vector<16xi32>
        %broadcast_in_dim3A_1213 = vector.shape_cast %broadcast_in_dim3A_1212 : vector<16xi32> to vector<16x1xi32>
        %gather3A_1214 = vector.shape_cast %broadcast_in_dim3A_1213 : vector<16x1xi32> to vector<16xi32>
        %gather3A_1215 = tpu.dynamic_gather %mul3A_335[%gather3A_1214] in [0] : vector<16xf32>, vector<16xi32> -> vector<16xf32>
        %gather3A_1216 = tpu.vector_load_idx %arg5[%add3A_1210] : memref<98304xf32, #tpu.memory_space<vmem>>[vector<16xi32>], vector<16xf32>,
        %add3A_1217 = arith.constant 16 : i32
        %add3A_1218 = vector.broadcast %add3A_1217 : i32 to vector<16xi32>
        %add3A_1219 = arith.addi %add3A_1210, %add3A_1218 : vector<16xi32>
        %gather3A_1220 = tpu.vector_load_idx %arg5[%add3A_1219] : memref<98304xf32, #tpu.memory_space<vmem>>[vector<16xi32>], vector<16xf32>,
        %mul3A_1221 = arith.mulf %gather3A_1216, %gather3A_1215 : vector<16xf32>
        %add3A_1222 = arith.addf %add3A_1202, %mul3A_1221 : vector<16xf32>
        %mul3A_1223 = arith.mulf %gather3A_1220, %gather3A_1215 : vector<16xf32>
        %add3A_1224 = arith.addf %add3A_1204, %mul3A_1223 : vector<16xf32>
        %broadcast_in_dim3A_1225 = arith.constant 12 : i32
        %broadcast_in_dim3A_1226 = vector.broadcast %broadcast_in_dim3A_1225 : i32 to vector<16xi32>
        %broadcast_in_dim3A_1227 = vector.shape_cast %broadcast_in_dim3A_1226 : vector<16xi32> to vector<16x1xi32>
        %gather3A_1228 = vector.shape_cast %broadcast_in_dim3A_1227 : vector<16x1xi32> to vector<16xi32>
        %gather3A_1229 = tpu.dynamic_gather %add3A_331[%gather3A_1228] in [0] : vector<16xi32>, vector<16xi32> -> vector<16xi32>
        %add3A_1230 = arith.addi %gather3A_1229, %iota3A : vector<16xi32>
        %broadcast_in_dim3A_1231 = arith.constant 12 : i32
        %broadcast_in_dim3A_1232 = vector.broadcast %broadcast_in_dim3A_1231 : i32 to vector<16xi32>
        %broadcast_in_dim3A_1233 = vector.shape_cast %broadcast_in_dim3A_1232 : vector<16xi32> to vector<16x1xi32>
        %gather3A_1234 = vector.shape_cast %broadcast_in_dim3A_1233 : vector<16x1xi32> to vector<16xi32>
        %gather3A_1235 = tpu.dynamic_gather %mul3A_335[%gather3A_1234] in [0] : vector<16xf32>, vector<16xi32> -> vector<16xf32>
        %gather3A_1236 = tpu.vector_load_idx %arg5[%add3A_1230] : memref<98304xf32, #tpu.memory_space<vmem>>[vector<16xi32>], vector<16xf32>,
        %add3A_1237 = arith.constant 16 : i32
        %add3A_1238 = vector.broadcast %add3A_1237 : i32 to vector<16xi32>
        %add3A_1239 = arith.addi %add3A_1230, %add3A_1238 : vector<16xi32>
        %gather3A_1240 = tpu.vector_load_idx %arg5[%add3A_1239] : memref<98304xf32, #tpu.memory_space<vmem>>[vector<16xi32>], vector<16xf32>,
        %mul3A_1241 = arith.mulf %gather3A_1236, %gather3A_1235 : vector<16xf32>
        %add3A_1242 = arith.addf %add3A_1222, %mul3A_1241 : vector<16xf32>
        %mul3A_1243 = arith.mulf %gather3A_1240, %gather3A_1235 : vector<16xf32>
        %add3A_1244 = arith.addf %add3A_1224, %mul3A_1243 : vector<16xf32>
        %broadcast_in_dim3A_1245 = arith.constant 13 : i32
        %broadcast_in_dim3A_1246 = vector.broadcast %broadcast_in_dim3A_1245 : i32 to vector<16xi32>
        %broadcast_in_dim3A_1247 = vector.shape_cast %broadcast_in_dim3A_1246 : vector<16xi32> to vector<16x1xi32>
        %gather3A_1248 = vector.shape_cast %broadcast_in_dim3A_1247 : vector<16x1xi32> to vector<16xi32>
        %gather3A_1249 = tpu.dynamic_gather %add3A_331[%gather3A_1248] in [0] : vector<16xi32>, vector<16xi32> -> vector<16xi32>
        %add3A_1250 = arith.addi %gather3A_1249, %iota3A : vector<16xi32>
        %broadcast_in_dim3A_1251 = arith.constant 13 : i32
        %broadcast_in_dim3A_1252 = vector.broadcast %broadcast_in_dim3A_1251 : i32 to vector<16xi32>
        %broadcast_in_dim3A_1253 = vector.shape_cast %broadcast_in_dim3A_1252 : vector<16xi32> to vector<16x1xi32>
        %gather3A_1254 = vector.shape_cast %broadcast_in_dim3A_1253 : vector<16x1xi32> to vector<16xi32>
        %gather3A_1255 = tpu.dynamic_gather %mul3A_335[%gather3A_1254] in [0] : vector<16xf32>, vector<16xi32> -> vector<16xf32>
        %gather3A_1256 = tpu.vector_load_idx %arg5[%add3A_1250] : memref<98304xf32, #tpu.memory_space<vmem>>[vector<16xi32>], vector<16xf32>,
        %add3A_1257 = arith.constant 16 : i32
        %add3A_1258 = vector.broadcast %add3A_1257 : i32 to vector<16xi32>
        %add3A_1259 = arith.addi %add3A_1250, %add3A_1258 : vector<16xi32>
        %gather3A_1260 = tpu.vector_load_idx %arg5[%add3A_1259] : memref<98304xf32, #tpu.memory_space<vmem>>[vector<16xi32>], vector<16xf32>,
        %mul3A_1261 = arith.mulf %gather3A_1256, %gather3A_1255 : vector<16xf32>
        %add3A_1262 = arith.addf %add3A_1242, %mul3A_1261 : vector<16xf32>
        %mul3A_1263 = arith.mulf %gather3A_1260, %gather3A_1255 : vector<16xf32>
        %add3A_1264 = arith.addf %add3A_1244, %mul3A_1263 : vector<16xf32>
        %broadcast_in_dim3A_1265 = arith.constant 14 : i32
        %broadcast_in_dim3A_1266 = vector.broadcast %broadcast_in_dim3A_1265 : i32 to vector<16xi32>
        %broadcast_in_dim3A_1267 = vector.shape_cast %broadcast_in_dim3A_1266 : vector<16xi32> to vector<16x1xi32>
        %gather3A_1268 = vector.shape_cast %broadcast_in_dim3A_1267 : vector<16x1xi32> to vector<16xi32>
        %gather3A_1269 = tpu.dynamic_gather %add3A_331[%gather3A_1268] in [0] : vector<16xi32>, vector<16xi32> -> vector<16xi32>
        %add3A_1270 = arith.addi %gather3A_1269, %iota3A : vector<16xi32>
        %broadcast_in_dim3A_1271 = arith.constant 14 : i32
        %broadcast_in_dim3A_1272 = vector.broadcast %broadcast_in_dim3A_1271 : i32 to vector<16xi32>
        %broadcast_in_dim3A_1273 = vector.shape_cast %broadcast_in_dim3A_1272 : vector<16xi32> to vector<16x1xi32>
        %gather3A_1274 = vector.shape_cast %broadcast_in_dim3A_1273 : vector<16x1xi32> to vector<16xi32>
        %gather3A_1275 = tpu.dynamic_gather %mul3A_335[%gather3A_1274] in [0] : vector<16xf32>, vector<16xi32> -> vector<16xf32>
        %gather3A_1276 = tpu.vector_load_idx %arg5[%add3A_1270] : memref<98304xf32, #tpu.memory_space<vmem>>[vector<16xi32>], vector<16xf32>,
        %add3A_1277 = arith.constant 16 : i32
        %add3A_1278 = vector.broadcast %add3A_1277 : i32 to vector<16xi32>
        %add3A_1279 = arith.addi %add3A_1270, %add3A_1278 : vector<16xi32>
        %gather3A_1280 = tpu.vector_load_idx %arg5[%add3A_1279] : memref<98304xf32, #tpu.memory_space<vmem>>[vector<16xi32>], vector<16xf32>,
        %mul3A_1281 = arith.mulf %gather3A_1276, %gather3A_1275 : vector<16xf32>
        %add3A_1282 = arith.addf %add3A_1262, %mul3A_1281 : vector<16xf32>
        %mul3A_1283 = arith.mulf %gather3A_1280, %gather3A_1275 : vector<16xf32>
        %add3A_1284 = arith.addf %add3A_1264, %mul3A_1283 : vector<16xf32>
        %broadcast_in_dim3A_1285 = arith.constant 15 : i32
        %broadcast_in_dim3A_1286 = vector.broadcast %broadcast_in_dim3A_1285 : i32 to vector<16xi32>
        %broadcast_in_dim3A_1287 = vector.shape_cast %broadcast_in_dim3A_1286 : vector<16xi32> to vector<16x1xi32>
        %gather3A_1288 = vector.shape_cast %broadcast_in_dim3A_1287 : vector<16x1xi32> to vector<16xi32>
        %gather3A_1289 = tpu.dynamic_gather %add3A_331[%gather3A_1288] in [0] : vector<16xi32>, vector<16xi32> -> vector<16xi32>
        %add3A_1290 = arith.addi %gather3A_1289, %iota3A : vector<16xi32>
        %broadcast_in_dim3A_1291 = arith.constant 15 : i32
        %broadcast_in_dim3A_1292 = vector.broadcast %broadcast_in_dim3A_1291 : i32 to vector<16xi32>
        %broadcast_in_dim3A_1293 = vector.shape_cast %broadcast_in_dim3A_1292 : vector<16xi32> to vector<16x1xi32>
        %gather3A_1294 = vector.shape_cast %broadcast_in_dim3A_1293 : vector<16x1xi32> to vector<16xi32>
        %gather3A_1295 = tpu.dynamic_gather %mul3A_335[%gather3A_1294] in [0] : vector<16xf32>, vector<16xi32> -> vector<16xf32>
        %gather3A_1296 = tpu.vector_load_idx %arg5[%add3A_1290] : memref<98304xf32, #tpu.memory_space<vmem>>[vector<16xi32>], vector<16xf32>,
        %add3A_1297 = arith.constant 16 : i32
        %add3A_1298 = vector.broadcast %add3A_1297 : i32 to vector<16xi32>
        %add3A_1299 = arith.addi %add3A_1290, %add3A_1298 : vector<16xi32>
        %gather3A_1300 = tpu.vector_load_idx %arg5[%add3A_1299] : memref<98304xf32, #tpu.memory_space<vmem>>[vector<16xi32>], vector<16xf32>,
        %mul3A_1301 = arith.mulf %gather3A_1296, %gather3A_1295 : vector<16xf32>
        %add3A_1302 = arith.addf %add3A_1282, %mul3A_1301 : vector<16xf32>
        %mul3A_1303 = arith.mulf %gather3A_1300, %gather3A_1295 : vector<16xf32>
        %add3A_1304 = arith.addf %add3A_1284, %mul3A_1303 : vector<16xf32>
        %broadcast_in_dim3A_1305 = arith.constant 0 : i32
        %broadcast_in_dim3A_1306 = vector.broadcast %broadcast_in_dim3A_1305 : i32 to vector<16xi32>
        %broadcast_in_dim3A_1307 = vector.shape_cast %broadcast_in_dim3A_1306 : vector<16xi32> to vector<16x1xi32>
        %gather3A_1308 = vector.shape_cast %broadcast_in_dim3A_1307 : vector<16x1xi32> to vector<16xi32>
        %gather3A_1309 = tpu.dynamic_gather %add3A_336[%gather3A_1308] in [0] : vector<16xi32>, vector<16xi32> -> vector<16xi32>
        %add3A_1310 = arith.addi %gather3A_1309, %iota3A : vector<16xi32>
        %broadcast_in_dim3A_1311 = arith.constant 0 : i32
        %broadcast_in_dim3A_1312 = vector.broadcast %broadcast_in_dim3A_1311 : i32 to vector<16xi32>
        %broadcast_in_dim3A_1313 = vector.shape_cast %broadcast_in_dim3A_1312 : vector<16xi32> to vector<16x1xi32>
        %gather3A_1314 = vector.shape_cast %broadcast_in_dim3A_1313 : vector<16x1xi32> to vector<16xi32>
        %gather3A_1315 = tpu.dynamic_gather %mul3A_337[%gather3A_1314] in [0] : vector<16xf32>, vector<16xi32> -> vector<16xf32>
        %gather3A_1316 = tpu.vector_load_idx %arg5[%add3A_1310] : memref<98304xf32, #tpu.memory_space<vmem>>[vector<16xi32>], vector<16xf32>,
        %add3A_1317 = arith.constant 16 : i32
        %add3A_1318 = vector.broadcast %add3A_1317 : i32 to vector<16xi32>
        %add3A_1319 = arith.addi %add3A_1310, %add3A_1318 : vector<16xi32>
        %gather3A_1320 = tpu.vector_load_idx %arg5[%add3A_1319] : memref<98304xf32, #tpu.memory_space<vmem>>[vector<16xi32>], vector<16xf32>,
        %mul3A_1321 = arith.mulf %gather3A_1316, %gather3A_1315 : vector<16xf32>
        %add3A_1322 = arith.addf %add3A_1302, %mul3A_1321 : vector<16xf32>
        %mul3A_1323 = arith.mulf %gather3A_1320, %gather3A_1315 : vector<16xf32>
        %add3A_1324 = arith.addf %add3A_1304, %mul3A_1323 : vector<16xf32>
        %broadcast_in_dim3A_1325 = arith.constant 1 : i32
        %broadcast_in_dim3A_1326 = vector.broadcast %broadcast_in_dim3A_1325 : i32 to vector<16xi32>
        %broadcast_in_dim3A_1327 = vector.shape_cast %broadcast_in_dim3A_1326 : vector<16xi32> to vector<16x1xi32>
        %gather3A_1328 = vector.shape_cast %broadcast_in_dim3A_1327 : vector<16x1xi32> to vector<16xi32>
        %gather3A_1329 = tpu.dynamic_gather %add3A_336[%gather3A_1328] in [0] : vector<16xi32>, vector<16xi32> -> vector<16xi32>
        %add3A_1330 = arith.addi %gather3A_1329, %iota3A : vector<16xi32>
        %broadcast_in_dim3A_1331 = arith.constant 1 : i32
        %broadcast_in_dim3A_1332 = vector.broadcast %broadcast_in_dim3A_1331 : i32 to vector<16xi32>
        %broadcast_in_dim3A_1333 = vector.shape_cast %broadcast_in_dim3A_1332 : vector<16xi32> to vector<16x1xi32>
        %gather3A_1334 = vector.shape_cast %broadcast_in_dim3A_1333 : vector<16x1xi32> to vector<16xi32>
        %gather3A_1335 = tpu.dynamic_gather %mul3A_337[%gather3A_1334] in [0] : vector<16xf32>, vector<16xi32> -> vector<16xf32>
        %gather3A_1336 = tpu.vector_load_idx %arg5[%add3A_1330] : memref<98304xf32, #tpu.memory_space<vmem>>[vector<16xi32>], vector<16xf32>,
        %add3A_1337 = arith.constant 16 : i32
        %add3A_1338 = vector.broadcast %add3A_1337 : i32 to vector<16xi32>
        %add3A_1339 = arith.addi %add3A_1330, %add3A_1338 : vector<16xi32>
        %gather3A_1340 = tpu.vector_load_idx %arg5[%add3A_1339] : memref<98304xf32, #tpu.memory_space<vmem>>[vector<16xi32>], vector<16xf32>,
        %mul3A_1341 = arith.mulf %gather3A_1336, %gather3A_1335 : vector<16xf32>
        %add3A_1342 = arith.addf %add3A_1322, %mul3A_1341 : vector<16xf32>
        %mul3A_1343 = arith.mulf %gather3A_1340, %gather3A_1335 : vector<16xf32>
        %add3A_1344 = arith.addf %add3A_1324, %mul3A_1343 : vector<16xf32>
        %broadcast_in_dim3A_1345 = arith.constant 2 : i32
        %broadcast_in_dim3A_1346 = vector.broadcast %broadcast_in_dim3A_1345 : i32 to vector<16xi32>
        %broadcast_in_dim3A_1347 = vector.shape_cast %broadcast_in_dim3A_1346 : vector<16xi32> to vector<16x1xi32>
        %gather3A_1348 = vector.shape_cast %broadcast_in_dim3A_1347 : vector<16x1xi32> to vector<16xi32>
        %gather3A_1349 = tpu.dynamic_gather %add3A_336[%gather3A_1348] in [0] : vector<16xi32>, vector<16xi32> -> vector<16xi32>
        %add3A_1350 = arith.addi %gather3A_1349, %iota3A : vector<16xi32>
        %broadcast_in_dim3A_1351 = arith.constant 2 : i32
        %broadcast_in_dim3A_1352 = vector.broadcast %broadcast_in_dim3A_1351 : i32 to vector<16xi32>
        %broadcast_in_dim3A_1353 = vector.shape_cast %broadcast_in_dim3A_1352 : vector<16xi32> to vector<16x1xi32>
        %gather3A_1354 = vector.shape_cast %broadcast_in_dim3A_1353 : vector<16x1xi32> to vector<16xi32>
        %gather3A_1355 = tpu.dynamic_gather %mul3A_337[%gather3A_1354] in [0] : vector<16xf32>, vector<16xi32> -> vector<16xf32>
        %gather3A_1356 = tpu.vector_load_idx %arg5[%add3A_1350] : memref<98304xf32, #tpu.memory_space<vmem>>[vector<16xi32>], vector<16xf32>,
        %add3A_1357 = arith.constant 16 : i32
        %add3A_1358 = vector.broadcast %add3A_1357 : i32 to vector<16xi32>
        %add3A_1359 = arith.addi %add3A_1350, %add3A_1358 : vector<16xi32>
        %gather3A_1360 = tpu.vector_load_idx %arg5[%add3A_1359] : memref<98304xf32, #tpu.memory_space<vmem>>[vector<16xi32>], vector<16xf32>,
        %mul3A_1361 = arith.mulf %gather3A_1356, %gather3A_1355 : vector<16xf32>
        %add3A_1362 = arith.addf %add3A_1342, %mul3A_1361 : vector<16xf32>
        %mul3A_1363 = arith.mulf %gather3A_1360, %gather3A_1355 : vector<16xf32>
        %add3A_1364 = arith.addf %add3A_1344, %mul3A_1363 : vector<16xf32>
        %broadcast_in_dim3A_1365 = arith.constant 3 : i32
        %broadcast_in_dim3A_1366 = vector.broadcast %broadcast_in_dim3A_1365 : i32 to vector<16xi32>
        %broadcast_in_dim3A_1367 = vector.shape_cast %broadcast_in_dim3A_1366 : vector<16xi32> to vector<16x1xi32>
        %gather3A_1368 = vector.shape_cast %broadcast_in_dim3A_1367 : vector<16x1xi32> to vector<16xi32>
        %gather3A_1369 = tpu.dynamic_gather %add3A_336[%gather3A_1368] in [0] : vector<16xi32>, vector<16xi32> -> vector<16xi32>
        %add3A_1370 = arith.addi %gather3A_1369, %iota3A : vector<16xi32>
        %broadcast_in_dim3A_1371 = arith.constant 3 : i32
        %broadcast_in_dim3A_1372 = vector.broadcast %broadcast_in_dim3A_1371 : i32 to vector<16xi32>
        %broadcast_in_dim3A_1373 = vector.shape_cast %broadcast_in_dim3A_1372 : vector<16xi32> to vector<16x1xi32>
        %gather3A_1374 = vector.shape_cast %broadcast_in_dim3A_1373 : vector<16x1xi32> to vector<16xi32>
        %gather3A_1375 = tpu.dynamic_gather %mul3A_337[%gather3A_1374] in [0] : vector<16xf32>, vector<16xi32> -> vector<16xf32>
        %gather3A_1376 = tpu.vector_load_idx %arg5[%add3A_1370] : memref<98304xf32, #tpu.memory_space<vmem>>[vector<16xi32>], vector<16xf32>,
        %add3A_1377 = arith.constant 16 : i32
        %add3A_1378 = vector.broadcast %add3A_1377 : i32 to vector<16xi32>
        %add3A_1379 = arith.addi %add3A_1370, %add3A_1378 : vector<16xi32>
        %gather3A_1380 = tpu.vector_load_idx %arg5[%add3A_1379] : memref<98304xf32, #tpu.memory_space<vmem>>[vector<16xi32>], vector<16xf32>,
        %mul3A_1381 = arith.mulf %gather3A_1376, %gather3A_1375 : vector<16xf32>
        %add3A_1382 = arith.addf %add3A_1362, %mul3A_1381 : vector<16xf32>
        %mul3A_1383 = arith.mulf %gather3A_1380, %gather3A_1375 : vector<16xf32>
        %add3A_1384 = arith.addf %add3A_1364, %mul3A_1383 : vector<16xf32>
        %broadcast_in_dim3A_1385 = arith.constant 4 : i32
        %broadcast_in_dim3A_1386 = vector.broadcast %broadcast_in_dim3A_1385 : i32 to vector<16xi32>
        %broadcast_in_dim3A_1387 = vector.shape_cast %broadcast_in_dim3A_1386 : vector<16xi32> to vector<16x1xi32>
        %gather3A_1388 = vector.shape_cast %broadcast_in_dim3A_1387 : vector<16x1xi32> to vector<16xi32>
        %gather3A_1389 = tpu.dynamic_gather %add3A_336[%gather3A_1388] in [0] : vector<16xi32>, vector<16xi32> -> vector<16xi32>
        %add3A_1390 = arith.addi %gather3A_1389, %iota3A : vector<16xi32>
        %broadcast_in_dim3A_1391 = arith.constant 4 : i32
        %broadcast_in_dim3A_1392 = vector.broadcast %broadcast_in_dim3A_1391 : i32 to vector<16xi32>
        %broadcast_in_dim3A_1393 = vector.shape_cast %broadcast_in_dim3A_1392 : vector<16xi32> to vector<16x1xi32>
        %gather3A_1394 = vector.shape_cast %broadcast_in_dim3A_1393 : vector<16x1xi32> to vector<16xi32>
        %gather3A_1395 = tpu.dynamic_gather %mul3A_337[%gather3A_1394] in [0] : vector<16xf32>, vector<16xi32> -> vector<16xf32>
        %gather3A_1396 = tpu.vector_load_idx %arg5[%add3A_1390] : memref<98304xf32, #tpu.memory_space<vmem>>[vector<16xi32>], vector<16xf32>,
        %add3A_1397 = arith.constant 16 : i32
        %add3A_1398 = vector.broadcast %add3A_1397 : i32 to vector<16xi32>
        %add3A_1399 = arith.addi %add3A_1390, %add3A_1398 : vector<16xi32>
        %gather3A_1400 = tpu.vector_load_idx %arg5[%add3A_1399] : memref<98304xf32, #tpu.memory_space<vmem>>[vector<16xi32>], vector<16xf32>,
        %mul3A_1401 = arith.mulf %gather3A_1396, %gather3A_1395 : vector<16xf32>
        %add3A_1402 = arith.addf %add3A_1382, %mul3A_1401 : vector<16xf32>
        %mul3A_1403 = arith.mulf %gather3A_1400, %gather3A_1395 : vector<16xf32>
        %add3A_1404 = arith.addf %add3A_1384, %mul3A_1403 : vector<16xf32>
        %broadcast_in_dim3A_1405 = arith.constant 5 : i32
        %broadcast_in_dim3A_1406 = vector.broadcast %broadcast_in_dim3A_1405 : i32 to vector<16xi32>
        %broadcast_in_dim3A_1407 = vector.shape_cast %broadcast_in_dim3A_1406 : vector<16xi32> to vector<16x1xi32>
        %gather3A_1408 = vector.shape_cast %broadcast_in_dim3A_1407 : vector<16x1xi32> to vector<16xi32>
        %gather3A_1409 = tpu.dynamic_gather %add3A_336[%gather3A_1408] in [0] : vector<16xi32>, vector<16xi32> -> vector<16xi32>
        %add3A_1410 = arith.addi %gather3A_1409, %iota3A : vector<16xi32>
        %broadcast_in_dim3A_1411 = arith.constant 5 : i32
        %broadcast_in_dim3A_1412 = vector.broadcast %broadcast_in_dim3A_1411 : i32 to vector<16xi32>
        %broadcast_in_dim3A_1413 = vector.shape_cast %broadcast_in_dim3A_1412 : vector<16xi32> to vector<16x1xi32>
        %gather3A_1414 = vector.shape_cast %broadcast_in_dim3A_1413 : vector<16x1xi32> to vector<16xi32>
        %gather3A_1415 = tpu.dynamic_gather %mul3A_337[%gather3A_1414] in [0] : vector<16xf32>, vector<16xi32> -> vector<16xf32>
        %gather3A_1416 = tpu.vector_load_idx %arg5[%add3A_1410] : memref<98304xf32, #tpu.memory_space<vmem>>[vector<16xi32>], vector<16xf32>,
        %add3A_1417 = arith.constant 16 : i32
        %add3A_1418 = vector.broadcast %add3A_1417 : i32 to vector<16xi32>
        %add3A_1419 = arith.addi %add3A_1410, %add3A_1418 : vector<16xi32>
        %gather3A_1420 = tpu.vector_load_idx %arg5[%add3A_1419] : memref<98304xf32, #tpu.memory_space<vmem>>[vector<16xi32>], vector<16xf32>,
        %mul3A_1421 = arith.mulf %gather3A_1416, %gather3A_1415 : vector<16xf32>
        %add3A_1422 = arith.addf %add3A_1402, %mul3A_1421 : vector<16xf32>
        %mul3A_1423 = arith.mulf %gather3A_1420, %gather3A_1415 : vector<16xf32>
        %add3A_1424 = arith.addf %add3A_1404, %mul3A_1423 : vector<16xf32>
        %broadcast_in_dim3A_1425 = arith.constant 6 : i32
        %broadcast_in_dim3A_1426 = vector.broadcast %broadcast_in_dim3A_1425 : i32 to vector<16xi32>
        %broadcast_in_dim3A_1427 = vector.shape_cast %broadcast_in_dim3A_1426 : vector<16xi32> to vector<16x1xi32>
        %gather3A_1428 = vector.shape_cast %broadcast_in_dim3A_1427 : vector<16x1xi32> to vector<16xi32>
        %gather3A_1429 = tpu.dynamic_gather %add3A_336[%gather3A_1428] in [0] : vector<16xi32>, vector<16xi32> -> vector<16xi32>
        %add3A_1430 = arith.addi %gather3A_1429, %iota3A : vector<16xi32>
        %broadcast_in_dim3A_1431 = arith.constant 6 : i32
        %broadcast_in_dim3A_1432 = vector.broadcast %broadcast_in_dim3A_1431 : i32 to vector<16xi32>
        %broadcast_in_dim3A_1433 = vector.shape_cast %broadcast_in_dim3A_1432 : vector<16xi32> to vector<16x1xi32>
        %gather3A_1434 = vector.shape_cast %broadcast_in_dim3A_1433 : vector<16x1xi32> to vector<16xi32>
        %gather3A_1435 = tpu.dynamic_gather %mul3A_337[%gather3A_1434] in [0] : vector<16xf32>, vector<16xi32> -> vector<16xf32>
        %gather3A_1436 = tpu.vector_load_idx %arg5[%add3A_1430] : memref<98304xf32, #tpu.memory_space<vmem>>[vector<16xi32>], vector<16xf32>,
        %add3A_1437 = arith.constant 16 : i32
        %add3A_1438 = vector.broadcast %add3A_1437 : i32 to vector<16xi32>
        %add3A_1439 = arith.addi %add3A_1430, %add3A_1438 : vector<16xi32>
        %gather3A_1440 = tpu.vector_load_idx %arg5[%add3A_1439] : memref<98304xf32, #tpu.memory_space<vmem>>[vector<16xi32>], vector<16xf32>,
        %mul3A_1441 = arith.mulf %gather3A_1436, %gather3A_1435 : vector<16xf32>
        %add3A_1442 = arith.addf %add3A_1422, %mul3A_1441 : vector<16xf32>
        %mul3A_1443 = arith.mulf %gather3A_1440, %gather3A_1435 : vector<16xf32>
        %add3A_1444 = arith.addf %add3A_1424, %mul3A_1443 : vector<16xf32>
        %broadcast_in_dim3A_1445 = arith.constant 7 : i32
        %broadcast_in_dim3A_1446 = vector.broadcast %broadcast_in_dim3A_1445 : i32 to vector<16xi32>
        %broadcast_in_dim3A_1447 = vector.shape_cast %broadcast_in_dim3A_1446 : vector<16xi32> to vector<16x1xi32>
        %gather3A_1448 = vector.shape_cast %broadcast_in_dim3A_1447 : vector<16x1xi32> to vector<16xi32>
        %gather3A_1449 = tpu.dynamic_gather %add3A_336[%gather3A_1448] in [0] : vector<16xi32>, vector<16xi32> -> vector<16xi32>
        %add3A_1450 = arith.addi %gather3A_1449, %iota3A : vector<16xi32>
        %broadcast_in_dim3A_1451 = arith.constant 7 : i32
        %broadcast_in_dim3A_1452 = vector.broadcast %broadcast_in_dim3A_1451 : i32 to vector<16xi32>
        %broadcast_in_dim3A_1453 = vector.shape_cast %broadcast_in_dim3A_1452 : vector<16xi32> to vector<16x1xi32>
        %gather3A_1454 = vector.shape_cast %broadcast_in_dim3A_1453 : vector<16x1xi32> to vector<16xi32>
        %gather3A_1455 = tpu.dynamic_gather %mul3A_337[%gather3A_1454] in [0] : vector<16xf32>, vector<16xi32> -> vector<16xf32>
        %gather3A_1456 = tpu.vector_load_idx %arg5[%add3A_1450] : memref<98304xf32, #tpu.memory_space<vmem>>[vector<16xi32>], vector<16xf32>,
        %add3A_1457 = arith.constant 16 : i32
        %add3A_1458 = vector.broadcast %add3A_1457 : i32 to vector<16xi32>
        %add3A_1459 = arith.addi %add3A_1450, %add3A_1458 : vector<16xi32>
        %gather3A_1460 = tpu.vector_load_idx %arg5[%add3A_1459] : memref<98304xf32, #tpu.memory_space<vmem>>[vector<16xi32>], vector<16xf32>,
        %mul3A_1461 = arith.mulf %gather3A_1456, %gather3A_1455 : vector<16xf32>
        %add3A_1462 = arith.addf %add3A_1442, %mul3A_1461 : vector<16xf32>
        %mul3A_1463 = arith.mulf %gather3A_1460, %gather3A_1455 : vector<16xf32>
        %add3A_1464 = arith.addf %add3A_1444, %mul3A_1463 : vector<16xf32>
        %broadcast_in_dim3A_1465 = arith.constant 8 : i32
        %broadcast_in_dim3A_1466 = vector.broadcast %broadcast_in_dim3A_1465 : i32 to vector<16xi32>
        %broadcast_in_dim3A_1467 = vector.shape_cast %broadcast_in_dim3A_1466 : vector<16xi32> to vector<16x1xi32>
        %gather3A_1468 = vector.shape_cast %broadcast_in_dim3A_1467 : vector<16x1xi32> to vector<16xi32>
        %gather3A_1469 = tpu.dynamic_gather %add3A_336[%gather3A_1468] in [0] : vector<16xi32>, vector<16xi32> -> vector<16xi32>
        %add3A_1470 = arith.addi %gather3A_1469, %iota3A : vector<16xi32>
        %broadcast_in_dim3A_1471 = arith.constant 8 : i32
        %broadcast_in_dim3A_1472 = vector.broadcast %broadcast_in_dim3A_1471 : i32 to vector<16xi32>
        %broadcast_in_dim3A_1473 = vector.shape_cast %broadcast_in_dim3A_1472 : vector<16xi32> to vector<16x1xi32>
        %gather3A_1474 = vector.shape_cast %broadcast_in_dim3A_1473 : vector<16x1xi32> to vector<16xi32>
        %gather3A_1475 = tpu.dynamic_gather %mul3A_337[%gather3A_1474] in [0] : vector<16xf32>, vector<16xi32> -> vector<16xf32>
        %gather3A_1476 = tpu.vector_load_idx %arg5[%add3A_1470] : memref<98304xf32, #tpu.memory_space<vmem>>[vector<16xi32>], vector<16xf32>,
        %add3A_1477 = arith.constant 16 : i32
        %add3A_1478 = vector.broadcast %add3A_1477 : i32 to vector<16xi32>
        %add3A_1479 = arith.addi %add3A_1470, %add3A_1478 : vector<16xi32>
        %gather3A_1480 = tpu.vector_load_idx %arg5[%add3A_1479] : memref<98304xf32, #tpu.memory_space<vmem>>[vector<16xi32>], vector<16xf32>,
        %mul3A_1481 = arith.mulf %gather3A_1476, %gather3A_1475 : vector<16xf32>
        %add3A_1482 = arith.addf %add3A_1462, %mul3A_1481 : vector<16xf32>
        %mul3A_1483 = arith.mulf %gather3A_1480, %gather3A_1475 : vector<16xf32>
        %add3A_1484 = arith.addf %add3A_1464, %mul3A_1483 : vector<16xf32>
        %broadcast_in_dim3A_1485 = arith.constant 9 : i32
        %broadcast_in_dim3A_1486 = vector.broadcast %broadcast_in_dim3A_1485 : i32 to vector<16xi32>
        %broadcast_in_dim3A_1487 = vector.shape_cast %broadcast_in_dim3A_1486 : vector<16xi32> to vector<16x1xi32>
        %gather3A_1488 = vector.shape_cast %broadcast_in_dim3A_1487 : vector<16x1xi32> to vector<16xi32>
        %gather3A_1489 = tpu.dynamic_gather %add3A_336[%gather3A_1488] in [0] : vector<16xi32>, vector<16xi32> -> vector<16xi32>
        %add3A_1490 = arith.addi %gather3A_1489, %iota3A : vector<16xi32>
        %broadcast_in_dim3A_1491 = arith.constant 9 : i32
        %broadcast_in_dim3A_1492 = vector.broadcast %broadcast_in_dim3A_1491 : i32 to vector<16xi32>
        %broadcast_in_dim3A_1493 = vector.shape_cast %broadcast_in_dim3A_1492 : vector<16xi32> to vector<16x1xi32>
        %gather3A_1494 = vector.shape_cast %broadcast_in_dim3A_1493 : vector<16x1xi32> to vector<16xi32>
        %gather3A_1495 = tpu.dynamic_gather %mul3A_337[%gather3A_1494] in [0] : vector<16xf32>, vector<16xi32> -> vector<16xf32>
        %gather3A_1496 = tpu.vector_load_idx %arg5[%add3A_1490] : memref<98304xf32, #tpu.memory_space<vmem>>[vector<16xi32>], vector<16xf32>,
        %add3A_1497 = arith.constant 16 : i32
        %add3A_1498 = vector.broadcast %add3A_1497 : i32 to vector<16xi32>
        %add3A_1499 = arith.addi %add3A_1490, %add3A_1498 : vector<16xi32>
        %gather3A_1500 = tpu.vector_load_idx %arg5[%add3A_1499] : memref<98304xf32, #tpu.memory_space<vmem>>[vector<16xi32>], vector<16xf32>,
        %mul3A_1501 = arith.mulf %gather3A_1496, %gather3A_1495 : vector<16xf32>
        %add3A_1502 = arith.addf %add3A_1482, %mul3A_1501 : vector<16xf32>
        %mul3A_1503 = arith.mulf %gather3A_1500, %gather3A_1495 : vector<16xf32>
        %add3A_1504 = arith.addf %add3A_1484, %mul3A_1503 : vector<16xf32>
        %broadcast_in_dim3A_1505 = arith.constant 10 : i32
        %broadcast_in_dim3A_1506 = vector.broadcast %broadcast_in_dim3A_1505 : i32 to vector<16xi32>
        %broadcast_in_dim3A_1507 = vector.shape_cast %broadcast_in_dim3A_1506 : vector<16xi32> to vector<16x1xi32>
        %gather3A_1508 = vector.shape_cast %broadcast_in_dim3A_1507 : vector<16x1xi32> to vector<16xi32>
        %gather3A_1509 = tpu.dynamic_gather %add3A_336[%gather3A_1508] in [0] : vector<16xi32>, vector<16xi32> -> vector<16xi32>
        %add3A_1510 = arith.addi %gather3A_1509, %iota3A : vector<16xi32>
        %broadcast_in_dim3A_1511 = arith.constant 10 : i32
        %broadcast_in_dim3A_1512 = vector.broadcast %broadcast_in_dim3A_1511 : i32 to vector<16xi32>
        %broadcast_in_dim3A_1513 = vector.shape_cast %broadcast_in_dim3A_1512 : vector<16xi32> to vector<16x1xi32>
        %gather3A_1514 = vector.shape_cast %broadcast_in_dim3A_1513 : vector<16x1xi32> to vector<16xi32>
        %gather3A_1515 = tpu.dynamic_gather %mul3A_337[%gather3A_1514] in [0] : vector<16xf32>, vector<16xi32> -> vector<16xf32>
        %gather3A_1516 = tpu.vector_load_idx %arg5[%add3A_1510] : memref<98304xf32, #tpu.memory_space<vmem>>[vector<16xi32>], vector<16xf32>,
        %add3A_1517 = arith.constant 16 : i32
        %add3A_1518 = vector.broadcast %add3A_1517 : i32 to vector<16xi32>
        %add3A_1519 = arith.addi %add3A_1510, %add3A_1518 : vector<16xi32>
        %gather3A_1520 = tpu.vector_load_idx %arg5[%add3A_1519] : memref<98304xf32, #tpu.memory_space<vmem>>[vector<16xi32>], vector<16xf32>,
        %mul3A_1521 = arith.mulf %gather3A_1516, %gather3A_1515 : vector<16xf32>
        %add3A_1522 = arith.addf %add3A_1502, %mul3A_1521 : vector<16xf32>
        %mul3A_1523 = arith.mulf %gather3A_1520, %gather3A_1515 : vector<16xf32>
        %add3A_1524 = arith.addf %add3A_1504, %mul3A_1523 : vector<16xf32>
        %broadcast_in_dim3A_1525 = arith.constant 11 : i32
        %broadcast_in_dim3A_1526 = vector.broadcast %broadcast_in_dim3A_1525 : i32 to vector<16xi32>
        %broadcast_in_dim3A_1527 = vector.shape_cast %broadcast_in_dim3A_1526 : vector<16xi32> to vector<16x1xi32>
        %gather3A_1528 = vector.shape_cast %broadcast_in_dim3A_1527 : vector<16x1xi32> to vector<16xi32>
        %gather3A_1529 = tpu.dynamic_gather %add3A_336[%gather3A_1528] in [0] : vector<16xi32>, vector<16xi32> -> vector<16xi32>
        %add3A_1530 = arith.addi %gather3A_1529, %iota3A : vector<16xi32>
        %broadcast_in_dim3A_1531 = arith.constant 11 : i32
        %broadcast_in_dim3A_1532 = vector.broadcast %broadcast_in_dim3A_1531 : i32 to vector<16xi32>
        %broadcast_in_dim3A_1533 = vector.shape_cast %broadcast_in_dim3A_1532 : vector<16xi32> to vector<16x1xi32>
        %gather3A_1534 = vector.shape_cast %broadcast_in_dim3A_1533 : vector<16x1xi32> to vector<16xi32>
        %gather3A_1535 = tpu.dynamic_gather %mul3A_337[%gather3A_1534] in [0] : vector<16xf32>, vector<16xi32> -> vector<16xf32>
        %gather3A_1536 = tpu.vector_load_idx %arg5[%add3A_1530] : memref<98304xf32, #tpu.memory_space<vmem>>[vector<16xi32>], vector<16xf32>,
        %add3A_1537 = arith.constant 16 : i32
        %add3A_1538 = vector.broadcast %add3A_1537 : i32 to vector<16xi32>
        %add3A_1539 = arith.addi %add3A_1530, %add3A_1538 : vector<16xi32>
        %gather3A_1540 = tpu.vector_load_idx %arg5[%add3A_1539] : memref<98304xf32, #tpu.memory_space<vmem>>[vector<16xi32>], vector<16xf32>,
        %mul3A_1541 = arith.mulf %gather3A_1536, %gather3A_1535 : vector<16xf32>
        %add3A_1542 = arith.addf %add3A_1522, %mul3A_1541 : vector<16xf32>
        %mul3A_1543 = arith.mulf %gather3A_1540, %gather3A_1535 : vector<16xf32>
        %add3A_1544 = arith.addf %add3A_1524, %mul3A_1543 : vector<16xf32>
        %broadcast_in_dim3A_1545 = arith.constant 12 : i32
        %broadcast_in_dim3A_1546 = vector.broadcast %broadcast_in_dim3A_1545 : i32 to vector<16xi32>
        %broadcast_in_dim3A_1547 = vector.shape_cast %broadcast_in_dim3A_1546 : vector<16xi32> to vector<16x1xi32>
        %gather3A_1548 = vector.shape_cast %broadcast_in_dim3A_1547 : vector<16x1xi32> to vector<16xi32>
        %gather3A_1549 = tpu.dynamic_gather %add3A_336[%gather3A_1548] in [0] : vector<16xi32>, vector<16xi32> -> vector<16xi32>
        %add3A_1550 = arith.addi %gather3A_1549, %iota3A : vector<16xi32>
        %broadcast_in_dim3A_1551 = arith.constant 12 : i32
        %broadcast_in_dim3A_1552 = vector.broadcast %broadcast_in_dim3A_1551 : i32 to vector<16xi32>
        %broadcast_in_dim3A_1553 = vector.shape_cast %broadcast_in_dim3A_1552 : vector<16xi32> to vector<16x1xi32>
        %gather3A_1554 = vector.shape_cast %broadcast_in_dim3A_1553 : vector<16x1xi32> to vector<16xi32>
        %gather3A_1555 = tpu.dynamic_gather %mul3A_337[%gather3A_1554] in [0] : vector<16xf32>, vector<16xi32> -> vector<16xf32>
        %gather3A_1556 = tpu.vector_load_idx %arg5[%add3A_1550] : memref<98304xf32, #tpu.memory_space<vmem>>[vector<16xi32>], vector<16xf32>,
        %add3A_1557 = arith.constant 16 : i32
        %add3A_1558 = vector.broadcast %add3A_1557 : i32 to vector<16xi32>
        %add3A_1559 = arith.addi %add3A_1550, %add3A_1558 : vector<16xi32>
        %gather3A_1560 = tpu.vector_load_idx %arg5[%add3A_1559] : memref<98304xf32, #tpu.memory_space<vmem>>[vector<16xi32>], vector<16xf32>,
        %mul3A_1561 = arith.mulf %gather3A_1556, %gather3A_1555 : vector<16xf32>
        %add3A_1562 = arith.addf %add3A_1542, %mul3A_1561 : vector<16xf32>
        %mul3A_1563 = arith.mulf %gather3A_1560, %gather3A_1555 : vector<16xf32>
        %add3A_1564 = arith.addf %add3A_1544, %mul3A_1563 : vector<16xf32>
        %broadcast_in_dim3A_1565 = arith.constant 13 : i32
        %broadcast_in_dim3A_1566 = vector.broadcast %broadcast_in_dim3A_1565 : i32 to vector<16xi32>
        %broadcast_in_dim3A_1567 = vector.shape_cast %broadcast_in_dim3A_1566 : vector<16xi32> to vector<16x1xi32>
        %gather3A_1568 = vector.shape_cast %broadcast_in_dim3A_1567 : vector<16x1xi32> to vector<16xi32>
        %gather3A_1569 = tpu.dynamic_gather %add3A_336[%gather3A_1568] in [0] : vector<16xi32>, vector<16xi32> -> vector<16xi32>
        %add3A_1570 = arith.addi %gather3A_1569, %iota3A : vector<16xi32>
        %broadcast_in_dim3A_1571 = arith.constant 13 : i32
        %broadcast_in_dim3A_1572 = vector.broadcast %broadcast_in_dim3A_1571 : i32 to vector<16xi32>
        %broadcast_in_dim3A_1573 = vector.shape_cast %broadcast_in_dim3A_1572 : vector<16xi32> to vector<16x1xi32>
        %gather3A_1574 = vector.shape_cast %broadcast_in_dim3A_1573 : vector<16x1xi32> to vector<16xi32>
        %gather3A_1575 = tpu.dynamic_gather %mul3A_337[%gather3A_1574] in [0] : vector<16xf32>, vector<16xi32> -> vector<16xf32>
        %gather3A_1576 = tpu.vector_load_idx %arg5[%add3A_1570] : memref<98304xf32, #tpu.memory_space<vmem>>[vector<16xi32>], vector<16xf32>,
        %add3A_1577 = arith.constant 16 : i32
        %add3A_1578 = vector.broadcast %add3A_1577 : i32 to vector<16xi32>
        %add3A_1579 = arith.addi %add3A_1570, %add3A_1578 : vector<16xi32>
        %gather3A_1580 = tpu.vector_load_idx %arg5[%add3A_1579] : memref<98304xf32, #tpu.memory_space<vmem>>[vector<16xi32>], vector<16xf32>,
        %mul3A_1581 = arith.mulf %gather3A_1576, %gather3A_1575 : vector<16xf32>
        %add3A_1582 = arith.addf %add3A_1562, %mul3A_1581 : vector<16xf32>
        %mul3A_1583 = arith.mulf %gather3A_1580, %gather3A_1575 : vector<16xf32>
        %add3A_1584 = arith.addf %add3A_1564, %mul3A_1583 : vector<16xf32>
        %broadcast_in_dim3A_1585 = arith.constant 14 : i32
        %broadcast_in_dim3A_1586 = vector.broadcast %broadcast_in_dim3A_1585 : i32 to vector<16xi32>
        %broadcast_in_dim3A_1587 = vector.shape_cast %broadcast_in_dim3A_1586 : vector<16xi32> to vector<16x1xi32>
        %gather3A_1588 = vector.shape_cast %broadcast_in_dim3A_1587 : vector<16x1xi32> to vector<16xi32>
        %gather3A_1589 = tpu.dynamic_gather %add3A_336[%gather3A_1588] in [0] : vector<16xi32>, vector<16xi32> -> vector<16xi32>
        %add3A_1590 = arith.addi %gather3A_1589, %iota3A : vector<16xi32>
        %broadcast_in_dim3A_1591 = arith.constant 14 : i32
        %broadcast_in_dim3A_1592 = vector.broadcast %broadcast_in_dim3A_1591 : i32 to vector<16xi32>
        %broadcast_in_dim3A_1593 = vector.shape_cast %broadcast_in_dim3A_1592 : vector<16xi32> to vector<16x1xi32>
        %gather3A_1594 = vector.shape_cast %broadcast_in_dim3A_1593 : vector<16x1xi32> to vector<16xi32>
        %gather3A_1595 = tpu.dynamic_gather %mul3A_337[%gather3A_1594] in [0] : vector<16xf32>, vector<16xi32> -> vector<16xf32>
        %gather3A_1596 = tpu.vector_load_idx %arg5[%add3A_1590] : memref<98304xf32, #tpu.memory_space<vmem>>[vector<16xi32>], vector<16xf32>,
        %add3A_1597 = arith.constant 16 : i32
        %add3A_1598 = vector.broadcast %add3A_1597 : i32 to vector<16xi32>
        %add3A_1599 = arith.addi %add3A_1590, %add3A_1598 : vector<16xi32>
        %gather3A_1600 = tpu.vector_load_idx %arg5[%add3A_1599] : memref<98304xf32, #tpu.memory_space<vmem>>[vector<16xi32>], vector<16xf32>,
        %mul3A_1601 = arith.mulf %gather3A_1596, %gather3A_1595 : vector<16xf32>
        %add3A_1602 = arith.addf %add3A_1582, %mul3A_1601 : vector<16xf32>
        %mul3A_1603 = arith.mulf %gather3A_1600, %gather3A_1595 : vector<16xf32>
        %add3A_1604 = arith.addf %add3A_1584, %mul3A_1603 : vector<16xf32>
        %broadcast_in_dim3A_1605 = arith.constant 15 : i32
        %broadcast_in_dim3A_1606 = vector.broadcast %broadcast_in_dim3A_1605 : i32 to vector<16xi32>
        %broadcast_in_dim3A_1607 = vector.shape_cast %broadcast_in_dim3A_1606 : vector<16xi32> to vector<16x1xi32>
        %gather3A_1608 = vector.shape_cast %broadcast_in_dim3A_1607 : vector<16x1xi32> to vector<16xi32>
        %gather3A_1609 = tpu.dynamic_gather %add3A_336[%gather3A_1608] in [0] : vector<16xi32>, vector<16xi32> -> vector<16xi32>
        %add3A_1610 = arith.addi %gather3A_1609, %iota3A : vector<16xi32>
        %broadcast_in_dim3A_1611 = arith.constant 15 : i32
        %broadcast_in_dim3A_1612 = vector.broadcast %broadcast_in_dim3A_1611 : i32 to vector<16xi32>
        %broadcast_in_dim3A_1613 = vector.shape_cast %broadcast_in_dim3A_1612 : vector<16xi32> to vector<16x1xi32>
        %gather3A_1614 = vector.shape_cast %broadcast_in_dim3A_1613 : vector<16x1xi32> to vector<16xi32>
        %gather3A_1615 = tpu.dynamic_gather %mul3A_337[%gather3A_1614] in [0] : vector<16xf32>, vector<16xi32> -> vector<16xf32>
        %gather3A_1616 = tpu.vector_load_idx %arg5[%add3A_1610] : memref<98304xf32, #tpu.memory_space<vmem>>[vector<16xi32>], vector<16xf32>,
        %add3A_1617 = arith.constant 16 : i32
        %add3A_1618 = vector.broadcast %add3A_1617 : i32 to vector<16xi32>
        %add3A_1619 = arith.addi %add3A_1610, %add3A_1618 : vector<16xi32>
        %gather3A_1620 = tpu.vector_load_idx %arg5[%add3A_1619] : memref<98304xf32, #tpu.memory_space<vmem>>[vector<16xi32>], vector<16xf32>,
        %mul3A_1621 = arith.mulf %gather3A_1616, %gather3A_1615 : vector<16xf32>
        %add3A_1622 = arith.addf %add3A_1602, %mul3A_1621 : vector<16xf32>
        %mul3A_1623 = arith.mulf %gather3A_1620, %gather3A_1615 : vector<16xf32>
        %add3A_1624 = arith.addf %add3A_1604, %mul3A_1623 : vector<16xf32>
        %add3A_1625 = arith.addf %add3A_978, %add3A_1622 : vector<16xf32>
        %swap3A = arith.constant 1 : i32
        %swap3A_1626 = arith.index_cast %swap3A : i32 to index
        %swap3A_1627 = arith.index_cast %scan3A_248 : i32 to index
        %swap3A_1628 = arith.constant 0 : index
        %swap3A_1629 = tpu.vector_load %arg7[%swap3A_1626, %swap3A_1627, %swap3A_1628] {strides = array<i32>} : memref<2x64x32xf32, #tpu.memory_space<vmem>>, vector<16xf32>,
        tpu.vector_store %arg7[%swap3A_1626, %swap3A_1627, %swap3A_1628], %add3A_1625 {strides = array<i32>} : memref<2x64x32xf32, #tpu.memory_space<vmem>>, vector<16xf32>,
        %add3A_1630 = arith.addf %add3A_980, %add3A_1624 : vector<16xf32>
        %swap3A_1631 = arith.constant 1 : i32
        %swap3A_1632 = arith.index_cast %swap3A_1631 : i32 to index
        %swap3A_1633 = arith.index_cast %scan3A_248 : i32 to index
        %swap3A_1634 = arith.constant 16 : index
        %swap3A_1635 = tpu.vector_load %arg7[%swap3A_1632, %swap3A_1633, %swap3A_1634] {strides = array<i32>} : memref<2x64x32xf32, #tpu.memory_space<vmem>>, vector<16xf32>,
        tpu.vector_store %arg7[%swap3A_1632, %swap3A_1633, %swap3A_1634], %add3A_1630 {strides = array<i32>} : memref<2x64x32xf32, #tpu.memory_space<vmem>>, vector<16xf32>,
      }
      %scan3A_224 = arith.constant 64 : i32
      %mul3A_225 = arith.constant 64 : i32
      %mul3A_226 = arith.muli %add3A_195, %mul3A_225 : i32
      %add3A_227 = arith.addi %mul3A_32, %mul3A_226 : i32
      %dma_start3A_228 = arith.constant 1 : i32
      %dma_start3A_229 = arith.constant 0 : i32
      %dma_start3A_230 = arith.constant 0 : i32
      %dma_start3A_231 = tpu.memref_slice %arg7[%dma_start3A_228, %dma_start3A_229, %dma_start3A_230] : memref<2x64x32xf32, #tpu.memory_space<vmem>> -> memref<1x64x32xf32, #tpu.memory_space<vmem>>
      %dma_start3A_232 = tpu.memref_squeeze %dma_start3A_231 : memref<1x64x32xf32, #tpu.memory_space<vmem>> -> memref<64x32xf32, #tpu.memory_space<vmem>>
      %dma_start3A_233 = arith.constant 0 : i32
      %dma_start3A_234 = tpu.memref_slice %arg4[%select_n3A_9, %add3A_227, %dma_start3A_233] : memref<16x3072x32xf32, #tpu.memory_space<hbm>> -> memref<1x64x32xf32, #tpu.memory_space<hbm>>
      %dma_start3A_235 = tpu.memref_squeeze %dma_start3A_234 : memref<1x64x32xf32, #tpu.memory_space<hbm>> -> memref<64x32xf32, #tpu.memory_space<hbm>>
      %dma_start3A_236 = arith.constant 0 : i32
      %dma_start3A_237 = tpu.memref_slice %arg4[%select_n3A_9, %add3A_227, %dma_start3A_236] : memref<16x3072x32xf32, #tpu.memory_space<hbm>> -> memref<1x64x32xf32, #tpu.memory_space<hbm>>
      %dma_start3A_238 = tpu.memref_squeeze %dma_start3A_237 : memref<1x64x32xf32, #tpu.memory_space<hbm>> -> memref<64x32xf32, #tpu.memory_space<hbm>>
      %dma_start3A_239 = arith.constant 0 : i32
      %dma_start3A_240 = arith.constant 0 : i32
      %dma_start3A_241 = tpu.memref_slice %arg7[%dma_start3A_228, %dma_start3A_239, %dma_start3A_240] : memref<2x64x32xf32, #tpu.memory_space<vmem>> -> memref<1x64x32xf32, #tpu.memory_space<vmem>>
      %dma_start3A_242 = tpu.memref_squeeze %dma_start3A_241 : memref<1x64x32xf32, #tpu.memory_space<vmem>> -> memref<64x32xf32, #tpu.memory_space<vmem>>
      tpu.enqueue_dma source(%dma_start3A_242 : memref<64x32xf32, #tpu.memory_space<vmem>>) target(%dma_start3A_238 : memref<64x32xf32, #tpu.memory_space<hbm>>) target_semaphore(%arg12 : memref<!tpu.dma_semaphore, #tpu.memory_space<semaphore_mem>>)
      %lt3A_243 = arith.constant 11 : i32
      %lt3A_244 = arith.cmpi slt, %scan3A_138, %lt3A_243 : i32
      %convert_element_type3A_245 = arith.extui %lt3A_244 : i1 to i32
      %cond3A_246 = arith.constant 0 : i32
      %cond3A_247 = arith.cmpi ne, %convert_element_type3A_245, %cond3A_246 : i32
      scf.if %cond3A_247 {
        %add3A_248 = arith.constant 2 : i32
        %add3A_249 = arith.addi %add3A_195, %add3A_248 : i32
        %mul3A_250 = arith.constant 64 : i32
        %mul3A_251 = arith.muli %add3A_249, %mul3A_250 : i32
        %add3A_252 = arith.addi %mul3A_32, %mul3A_251 : i32
        %dma_start3A_253 = arith.constant 1 : i32
        %dma_start3A_254 = arith.constant 0 : i32
        %dma_start3A_255 = arith.constant 0 : i32
        %dma_start3A_256 = tpu.memref_slice %arg6[%dma_start3A_253, %dma_start3A_254, %dma_start3A_255] : memref<2x64x64xi32, #tpu.memory_space<vmem>> -> memref<1x64x64xi32, #tpu.memory_space<vmem>>
        %dma_start3A_257 = tpu.memref_squeeze %dma_start3A_256 : memref<1x64x64xi32, #tpu.memory_space<vmem>> -> memref<64x64xi32, #tpu.memory_space<vmem>>
        %dma_start3A_258 = arith.constant 0 : i32
        %dma_start3A_259 = tpu.memref_slice %arg3[%select_n3A_9, %add3A_252, %dma_start3A_258] : memref<16x3072x64xi32, #tpu.memory_space<hbm>> -> memref<1x64x64xi32, #tpu.memory_space<hbm>>
        %dma_start3A_260 = tpu.memref_squeeze %dma_start3A_259 : memref<1x64x64xi32, #tpu.memory_space<hbm>> -> memref<64x64xi32, #tpu.memory_space<hbm>>
        %dma_start3A_261 = arith.constant 0 : i32
        %dma_start3A_262 = arith.constant 0 : i32
        %dma_start3A_263 = tpu.memref_slice %arg6[%dma_start3A_253, %dma_start3A_261, %dma_start3A_262] : memref<2x64x64xi32, #tpu.memory_space<vmem>> -> memref<1x64x64xi32, #tpu.memory_space<vmem>>
        %dma_start3A_264 = tpu.memref_squeeze %dma_start3A_263 : memref<1x64x64xi32, #tpu.memory_space<vmem>> -> memref<64x64xi32, #tpu.memory_space<vmem>>
        %dma_start3A_265 = arith.constant 0 : i32
        %dma_start3A_266 = tpu.memref_slice %arg3[%select_n3A_9, %add3A_252, %dma_start3A_265] : memref<16x3072x64xi32, #tpu.memory_space<hbm>> -> memref<1x64x64xi32, #tpu.memory_space<hbm>>
        %dma_start3A_267 = tpu.memref_squeeze %dma_start3A_266 : memref<1x64x64xi32, #tpu.memory_space<hbm>> -> memref<64x64xi32, #tpu.memory_space<hbm>>
        tpu.enqueue_dma source(%dma_start3A_267 : memref<64x64xi32, #tpu.memory_space<hbm>>) target(%dma_start3A_264 : memref<64x64xi32, #tpu.memory_space<vmem>>) target_semaphore(%arg10 : memref<!tpu.dma_semaphore, #tpu.memory_space<semaphore_mem>>)
      } else {
      }
    }
    %scan3A_103 = arith.constant 12 : i32
    %add3A_104 = arith.constant 1408 : i32
    %add3A_105 = arith.addi %mul3A_32, %add3A_104 : i32
    %dma_wait3A_106 = arith.constant 0 : i32
    %dma_wait3A_107 = arith.constant 0 : i32
    %dma_wait3A_108 = arith.constant 0 : i32
    %dma_wait3A_109 = tpu.memref_slice %arg7[%dma_wait3A_106, %dma_wait3A_107, %dma_wait3A_108] : memref<2x64x32xf32, #tpu.memory_space<vmem>> -> memref<1x64x32xf32, #tpu.memory_space<vmem>>
    %dma_wait3A_110 = tpu.memref_squeeze %dma_wait3A_109 : memref<1x64x32xf32, #tpu.memory_space<vmem>> -> memref<64x32xf32, #tpu.memory_space<vmem>>
    %dma_wait3A_111 = arith.constant 0 : i32
    %dma_wait3A_112 = tpu.memref_slice %arg4[%select_n3A_9, %add3A_105, %dma_wait3A_111] : memref<16x3072x32xf32, #tpu.memory_space<hbm>> -> memref<1x64x32xf32, #tpu.memory_space<hbm>>
    %dma_wait3A_113 = tpu.memref_squeeze %dma_wait3A_112 : memref<1x64x32xf32, #tpu.memory_space<hbm>> -> memref<64x32xf32, #tpu.memory_space<hbm>>
    %dma_wait3A_114 = arith.constant 0 : i32
    %dma_wait3A_115 = tpu.memref_slice %arg4[%select_n3A_9, %add3A_105, %dma_wait3A_114] : memref<16x3072x32xf32, #tpu.memory_space<hbm>> -> memref<1x64x32xf32, #tpu.memory_space<hbm>>
    %dma_wait3A_116 = tpu.memref_squeeze %dma_wait3A_115 : memref<1x64x32xf32, #tpu.memory_space<hbm>> -> memref<64x32xf32, #tpu.memory_space<hbm>>
    %dma_wait3A_117 = arith.constant 0 : i32
    %dma_wait3A_118 = arith.constant 0 : i32
    %dma_wait3A_119 = tpu.memref_slice %arg7[%dma_wait3A_106, %dma_wait3A_117, %dma_wait3A_118] : memref<2x64x32xf32, #tpu.memory_space<vmem>> -> memref<1x64x32xf32, #tpu.memory_space<vmem>>
    %dma_wait3A_120 = tpu.memref_squeeze %dma_wait3A_119 : memref<1x64x32xf32, #tpu.memory_space<vmem>> -> memref<64x32xf32, #tpu.memory_space<vmem>>
    tpu.wait_dma2 semaphore(%arg11 : memref<!tpu.dma_semaphore, #tpu.memory_space<semaphore_mem>>) src(%dma_wait3A_120 : memref<64x32xf32, #tpu.memory_space<vmem>>) dst(%dma_wait3A_116 : memref<64x32xf32, #tpu.memory_space<hbm>>)
    %add3A_121 = arith.constant 1472 : i32
    %add3A_122 = arith.addi %mul3A_32, %add3A_121 : i32
    %dma_wait3A_123 = arith.constant 1 : i32
    %dma_wait3A_124 = arith.constant 0 : i32
    %dma_wait3A_125 = arith.constant 0 : i32
    %dma_wait3A_126 = tpu.memref_slice %arg7[%dma_wait3A_123, %dma_wait3A_124, %dma_wait3A_125] : memref<2x64x32xf32, #tpu.memory_space<vmem>> -> memref<1x64x32xf32, #tpu.memory_space<vmem>>
    %dma_wait3A_127 = tpu.memref_squeeze %dma_wait3A_126 : memref<1x64x32xf32, #tpu.memory_space<vmem>> -> memref<64x32xf32, #tpu.memory_space<vmem>>
    %dma_wait3A_128 = arith.constant 0 : i32
    %dma_wait3A_129 = tpu.memref_slice %arg4[%select_n3A_9, %add3A_122, %dma_wait3A_128] : memref<16x3072x32xf32, #tpu.memory_space<hbm>> -> memref<1x64x32xf32, #tpu.memory_space<hbm>>
    %dma_wait3A_130 = tpu.memref_squeeze %dma_wait3A_129 : memref<1x64x32xf32, #tpu.memory_space<hbm>> -> memref<64x32xf32, #tpu.memory_space<hbm>>
    %dma_wait3A_131 = arith.constant 0 : i32
    %dma_wait3A_132 = tpu.memref_slice %arg4[%select_n3A_9, %add3A_122, %dma_wait3A_131] : memref<16x3072x32xf32, #tpu.memory_space<hbm>> -> memref<1x64x32xf32, #tpu.memory_space<hbm>>
    %dma_wait3A_133 = tpu.memref_squeeze %dma_wait3A_132 : memref<1x64x32xf32, #tpu.memory_space<hbm>> -> memref<64x32xf32, #tpu.memory_space<hbm>>
    %dma_wait3A_134 = arith.constant 0 : i32
    %dma_wait3A_135 = arith.constant 0 : i32
    %dma_wait3A_136 = tpu.memref_slice %arg7[%dma_wait3A_123, %dma_wait3A_134, %dma_wait3A_135] : memref<2x64x32xf32, #tpu.memory_space<vmem>> -> memref<1x64x32xf32, #tpu.memory_space<vmem>>
    %dma_wait3A_137 = tpu.memref_squeeze %dma_wait3A_136 : memref<1x64x32xf32, #tpu.memory_space<vmem>> -> memref<64x32xf32, #tpu.memory_space<vmem>>
    tpu.wait_dma2 semaphore(%arg12 : memref<!tpu.dma_semaphore, #tpu.memory_space<semaphore_mem>>) src(%dma_wait3A_137 : memref<64x32xf32, #tpu.memory_space<vmem>>) dst(%dma_wait3A_133 : memref<64x32xf32, #tpu.memory_space<hbm>>)
    return
  }
}

module attributes {stable_mosaic.version = 14 : i64} {
  func.func @_prep_body(%arg0: i32, %arg1: i32, %arg2: memref<1x1024x256xf32, #tpu.memory_space<vmem>>, %arg3: memref<1x1024x8xf32, #tpu.memory_space<vmem>>, %arg4: memref<1x1024x256xf32, #tpu.memory_space<vmem>>, %arg5: memref<256x256xf32, #tpu.memory_space<vmem>>, %arg6: memref<256x128xf32, #tpu.memory_space<vmem>>, %arg7: memref<256x256xf32, #tpu.memory_space<vmem>>, %arg8: memref<1x256xf32, #tpu.memory_space<vmem>>, %arg9: memref<1x128xf32, #tpu.memory_space<vmem>>, %arg10: memref<1x256xf32, #tpu.memory_space<vmem>>, %arg11: memref<8x256xf32, #tpu.memory_space<vmem>>, %arg12: memref<128x128xf32, #tpu.memory_space<vmem>>, %arg13: memref<1x128xf32, #tpu.memory_space<vmem>>, %arg14: memref<1x128xf32, #tpu.memory_space<vmem>>, %arg15: memref<1x128xi32, #tpu.memory_space<vmem>>, %arg16: memref<1x128xi32, #tpu.memory_space<vmem>>, %arg17: memref<1x8x1024x32xf32, #tpu.memory_space<vmem>>, %arg18: memref<1x8x1024x64xi32, #tpu.memory_space<vmem>>) attributes {dimension_semantics = [#tpu.dimension_semantics<arbitrary>, #tpu.dimension_semantics<arbitrary>], iteration_bounds = array<i64: 2, 3>, scalar_prefetch = 0 : i64, scratch_operands = 0 : i64, tpu.core_type = #tpu.core_type<tc>, window_params = [{transform_indices = @transform_0, window_bounds = array<i64: 1, 1024, 256>}, {transform_indices = @transform_1, window_bounds = array<i64: 1, 1024, 8>}, {transform_indices = @transform_2, window_bounds = array<i64: 1, 1024, 256>}, {pipeline_mode = #tpu.pipeline_mode<synchronous>, transform_indices = @transform_3, window_bounds = array<i64: 256, 256>}, {pipeline_mode = #tpu.pipeline_mode<synchronous>, transform_indices = @transform_4, window_bounds = array<i64: 256, 128>}, {pipeline_mode = #tpu.pipeline_mode<synchronous>, transform_indices = @transform_5, window_bounds = array<i64: 256, 256>}, {pipeline_mode = #tpu.pipeline_mode<synchronous>, transform_indices = @transform_6, window_bounds = array<i64: 1, 256>}, {pipeline_mode = #tpu.pipeline_mode<synchronous>, transform_indices = @transform_7, window_bounds = array<i64: 1, 128>}, {pipeline_mode = #tpu.pipeline_mode<synchronous>, transform_indices = @transform_8, window_bounds = array<i64: 1, 256>}, {pipeline_mode = #tpu.pipeline_mode<synchronous>, transform_indices = @transform_9, window_bounds = array<i64: 8, 256>}, {pipeline_mode = #tpu.pipeline_mode<synchronous>, transform_indices = @transform_10, window_bounds = array<i64: 128, 128>}, {pipeline_mode = #tpu.pipeline_mode<synchronous>, transform_indices = @transform_11, window_bounds = array<i64: 1, 128>}, {pipeline_mode = #tpu.pipeline_mode<synchronous>, transform_indices = @transform_12, window_bounds = array<i64: 1, 128>}, {pipeline_mode = #tpu.pipeline_mode<synchronous>, transform_indices = @transform_13, window_bounds = array<i64: 1, 128>}, {pipeline_mode = #tpu.pipeline_mode<synchronous>, transform_indices = @transform_14, window_bounds = array<i64: 1, 128>}, {transform_indices = @transform_15, window_bounds = array<i64: 1, 8, 1024, 32>}, {transform_indices = @transform_16, window_bounds = array<i64: 1, 8, 1024, 64>}]} {
    %get3A = arith.constant 0 : index
    %get3A_0 = arith.constant 0 : index
    %get3A_1 = arith.constant 0 : index
    %get3A_2 = vector.load %arg2[%get3A, %get3A_0, %get3A_1] : memref<1x1024x256xf32, #tpu.memory_space<vmem>>, vector<1x1024x256xf32>
    %get3A_3 = vector.shape_cast %get3A_2 : vector<1x1024x256xf32> to vector<1024x256xf32>
    %get3A_4 = arith.constant 0 : index
    %get3A_5 = arith.constant 0 : index
    %get3A_6 = vector.load %arg5[%get3A_4, %get3A_5] : memref<256x256xf32, #tpu.memory_space<vmem>>, vector<256x256xf32>
    %dot_general3A = arith.constant dense<0.000000e+00> : vector<1024x256xf32>
    %dot_general3A_7 = tpu.matmul %get3A_3, %get3A_6, %dot_general3A {dimension_numbers = #tpu.dot_dimension_numbers<[1], [0], [0], [1], [0, 0, 1, 1], [], []>, precision = #tpu.contract_precision<fp32>, transpose_lhs_hint = false} : vector<1024x256xf32>, vector<256x256xf32>, vector<1024x256xf32> -> vector<1024x256xf32>
    %get3A_8 = arith.constant 0 : index
    %get3A_9 = arith.constant 0 : index
    %get3A_10 = vector.load %arg8[%get3A_8, %get3A_9] : memref<1x256xf32, #tpu.memory_space<vmem>>, vector<1x256xf32>
    %get3A_11 = vector.shape_cast %get3A_10 : vector<1x256xf32> to vector<256xf32>
    %broadcast_in_dim3A = vector.shape_cast %get3A_11 : vector<256xf32> to vector<1x256xf32>
    %add3A = vector.broadcast %broadcast_in_dim3A : vector<1x256xf32> to vector<1024x256xf32>
    %add3A_12 = arith.addf %dot_general3A_7, %add3A : vector<1024x256xf32>
    %get3A_13 = arith.constant 0 : index
    %get3A_14 = arith.constant 0 : index
    %get3A_15 = vector.load %arg6[%get3A_13, %get3A_14] : memref<256x128xf32, #tpu.memory_space<vmem>>, vector<256x128xf32>
    %dot_general3A_16 = arith.constant dense<0.000000e+00> : vector<1024x128xf32>
    %dot_general3A_17 = tpu.matmul %get3A_3, %get3A_15, %dot_general3A_16 {dimension_numbers = #tpu.dot_dimension_numbers<[1], [0], [0], [1], [0, 0, 1, 1], [], []>, transpose_lhs_hint = false} : vector<1024x256xf32>, vector<256x128xf32>, vector<1024x128xf32> -> vector<1024x128xf32>
    %get3A_18 = arith.constant 0 : index
    %get3A_19 = arith.constant 0 : index
    %get3A_20 = vector.load %arg9[%get3A_18, %get3A_19] : memref<1x128xf32, #tpu.memory_space<vmem>>, vector<1x128xf32>
    %get3A_21 = vector.shape_cast %get3A_20 : vector<1x128xf32> to vector<128xf32>
    %broadcast_in_dim3A_22 = vector.shape_cast %get3A_21 : vector<128xf32> to vector<1x128xf32>
    %add3A_23 = vector.broadcast %broadcast_in_dim3A_22 : vector<1x128xf32> to vector<1024x128xf32>
    %add3A_24 = arith.addf %dot_general3A_17, %add3A_23 : vector<1024x128xf32>
    %get3A_25 = arith.constant 0 : index
    %get3A_26 = arith.constant 0 : index
    %get3A_27 = arith.constant 0 : index
    %get3A_28 = vector.load %arg3[%get3A_25, %get3A_26, %get3A_27] : memref<1x1024x8xf32, #tpu.memory_space<vmem>>, vector<1x1024x8xf32>
    %get3A_29 = vector.shape_cast %get3A_28 : vector<1x1024x8xf32> to vector<1024x8xf32>
    %get3A_30 = arith.constant 0 : index
    %get3A_31 = arith.constant 0 : index
    %get3A_32 = vector.load %arg11[%get3A_30, %get3A_31] : memref<8x256xf32, #tpu.memory_space<vmem>>, vector<8x256xf32>
    %dot_general3A_33 = arith.constant dense<0.000000e+00> : vector<1024x256xf32>
    %dot_general3A_34 = tpu.matmul %get3A_29, %get3A_32, %dot_general3A_33 {dimension_numbers = #tpu.dot_dimension_numbers<[1], [0], [0], [1], [0, 0, 1, 1], [], []>, precision = #tpu.contract_precision<fp32>, transpose_lhs_hint = false} : vector<1024x8xf32>, vector<8x256xf32>, vector<1024x256xf32> -> vector<1024x256xf32>
    %exp3A = math.exp %add3A_24 : vector<1024x128xf32>
    %get3A_35 = arith.constant 0 : index
    %get3A_36 = arith.constant 0 : index
    %get3A_37 = vector.load %arg12[%get3A_35, %get3A_36] : memref<128x128xf32, #tpu.memory_space<vmem>>, vector<128x128xf32>
    %dot_general3A_38 = arith.constant dense<0.000000e+00> : vector<1024x128xf32>
    %dot_general3A_39 = tpu.matmul %exp3A, %get3A_37, %dot_general3A_38 {dimension_numbers = #tpu.dot_dimension_numbers<[1], [0], [0], [1], [0, 0, 1, 1], [], []>, precision = #tpu.contract_precision<fp32>, transpose_lhs_hint = false} : vector<1024x128xf32>, vector<128x128xf32>, vector<1024x128xf32> -> vector<1024x128xf32>
    %div3A = arith.divf %exp3A, %dot_general3A_39 : vector<1024x128xf32>
    %get3A_40 = arith.constant 0 : index
    %get3A_41 = arith.constant 0 : index
    %get3A_42 = vector.load %arg13[%get3A_40, %get3A_41] : memref<1x128xf32, #tpu.memory_space<vmem>>, vector<1x128xf32>
    %get3A_43 = vector.shape_cast %get3A_42 : vector<1x128xf32> to vector<128xf32>
    %get3A_44 = arith.constant 0 : index
    %get3A_45 = arith.constant 0 : index
    %get3A_46 = vector.load %arg14[%get3A_44, %get3A_45] : memref<1x128xf32, #tpu.memory_space<vmem>>, vector<1x128xf32>
    %get3A_47 = vector.shape_cast %get3A_46 : vector<1x128xf32> to vector<128xf32>
    %slice3A = vector.extract_strided_slice %dot_general3A_34 {offsets = [0, 0], sizes = [1024, 128], strides = [1, 1]} : vector<1024x256xf32> to vector<1024x128xf32>
    %slice3A_48 = vector.extract_strided_slice %add3A_12 {offsets = [0, 0], sizes = [1024, 128], strides = [1, 1]} : vector<1024x256xf32> to vector<1024x128xf32>
    %add3A_49 = arith.addf %slice3A, %slice3A_48 : vector<1024x128xf32>
    %slice3A_50 = vector.extract_strided_slice %dot_general3A_34 {offsets = [0, 128], sizes = [1024, 128], strides = [1, 1]} : vector<1024x256xf32> to vector<1024x128xf32>
    %slice3A_51 = vector.extract_strided_slice %add3A_12 {offsets = [0, 128], sizes = [1024, 128], strides = [1, 1]} : vector<1024x256xf32> to vector<1024x128xf32>
    %add3A_52 = arith.addf %slice3A_50, %slice3A_51 : vector<1024x128xf32>
    %floor3A = math.floor %add3A_49 : vector<1024x128xf32>
    %floor3A_53 = math.floor %add3A_52 : vector<1024x128xf32>
    %sub3A = arith.subf %add3A_49, %floor3A : vector<1024x128xf32>
    %sub3A_54 = arith.subf %add3A_52, %floor3A_53 : vector<1024x128xf32>
    %sub3A_55 = arith.constant 1.000000e+00 : f32
    %sub3A_56 = vector.broadcast %sub3A_55 : f32 to vector<128xf32>
    %sub3A_57 = arith.subf %get3A_43, %sub3A_56 : vector<128xf32>
    %ge3A = arith.constant 0.000000e+00 : f32
    %ge3A_58 = vector.broadcast %ge3A : f32 to vector<1024x128xf32>
    %ge3A_59 = arith.cmpf oge, %floor3A, %ge3A_58 : vector<1024x128xf32>
    %broadcast_in_dim3A_60 = vector.shape_cast %sub3A_57 : vector<128xf32> to vector<1x128xf32>
    %le3A = vector.broadcast %broadcast_in_dim3A_60 : vector<1x128xf32> to vector<1024x128xf32>
    %le3A_61 = arith.cmpf ole, %floor3A, %le3A : vector<1024x128xf32>
    %and3A = arith.andi %ge3A_59, %le3A_61 : vector<1024x128xi1>
    %convert_element_type3A = arith.extui %and3A : vector<1024x128xi1> to vector<1024x128xi32>
    %ge3A_62 = arith.constant -1.000000e+00 : f32
    %ge3A_63 = vector.broadcast %ge3A_62 : f32 to vector<1024x128xf32>
    %ge3A_64 = arith.cmpf oge, %floor3A, %ge3A_63 : vector<1024x128xf32>
    %sub3A_65 = arith.constant 1.000000e+00 : f32
    %sub3A_66 = vector.broadcast %sub3A_65 : f32 to vector<128xf32>
    %sub3A_67 = arith.subf %sub3A_57, %sub3A_66 : vector<128xf32>
    %broadcast_in_dim3A_68 = vector.shape_cast %sub3A_67 : vector<128xf32> to vector<1x128xf32>
    %le3A_69 = vector.broadcast %broadcast_in_dim3A_68 : vector<1x128xf32> to vector<1024x128xf32>
    %le3A_70 = arith.cmpf ole, %floor3A, %le3A_69 : vector<1024x128xf32>
    %and3A_71 = arith.andi %ge3A_64, %le3A_70 : vector<1024x128xi1>
    %convert_element_type3A_72 = arith.extui %and3A_71 : vector<1024x128xi1> to vector<1024x128xi32>
    %ge3A_73 = arith.constant 0.000000e+00 : f32
    %ge3A_74 = vector.broadcast %ge3A_73 : f32 to vector<1024x128xf32>
    %ge3A_75 = arith.cmpf oge, %floor3A_53, %ge3A_74 : vector<1024x128xf32>
    %broadcast_in_dim3A_76 = vector.shape_cast %sub3A_57 : vector<128xf32> to vector<1x128xf32>
    %le3A_77 = vector.broadcast %broadcast_in_dim3A_76 : vector<1x128xf32> to vector<1024x128xf32>
    %le3A_78 = arith.cmpf ole, %floor3A_53, %le3A_77 : vector<1024x128xf32>
    %and3A_79 = arith.andi %ge3A_75, %le3A_78 : vector<1024x128xi1>
    %convert_element_type3A_80 = arith.extui %and3A_79 : vector<1024x128xi1> to vector<1024x128xi32>
    %ge3A_81 = arith.constant -1.000000e+00 : f32
    %ge3A_82 = vector.broadcast %ge3A_81 : f32 to vector<1024x128xf32>
    %ge3A_83 = arith.cmpf oge, %floor3A_53, %ge3A_82 : vector<1024x128xf32>
    %sub3A_84 = arith.constant 1.000000e+00 : f32
    %sub3A_85 = vector.broadcast %sub3A_84 : f32 to vector<128xf32>
    %sub3A_86 = arith.subf %sub3A_57, %sub3A_85 : vector<128xf32>
    %broadcast_in_dim3A_87 = vector.shape_cast %sub3A_86 : vector<128xf32> to vector<1x128xf32>
    %le3A_88 = vector.broadcast %broadcast_in_dim3A_87 : vector<1x128xf32> to vector<1024x128xf32>
    %le3A_89 = arith.cmpf ole, %floor3A_53, %le3A_88 : vector<1024x128xf32>
    %and3A_90 = arith.andi %ge3A_83, %le3A_89 : vector<1024x128xi1>
    %convert_element_type3A_91 = arith.extui %and3A_90 : vector<1024x128xi1> to vector<1024x128xi32>
    %jit3A = arith.constant 0.000000e+00 : f32
    %max3A = vector.broadcast %jit3A : f32 to vector<1024x128xf32>
    %max3A_92 = arith.maximumf %max3A, %floor3A : vector<1024x128xf32>
    %broadcast_in_dim3A_93 = vector.shape_cast %sub3A_57 : vector<128xf32> to vector<1x128xf32>
    %min3A = vector.broadcast %broadcast_in_dim3A_93 : vector<1x128xf32> to vector<1024x128xf32>
    %min3A_94 = arith.minimumf %min3A, %max3A_92 : vector<1024x128xf32>
    %jit3A_95 = arith.constant 0.000000e+00 : f32
    %max3A_96 = vector.broadcast %jit3A_95 : f32 to vector<1024x128xf32>
    %max3A_97 = arith.maximumf %max3A_96, %floor3A_53 : vector<1024x128xf32>
    %broadcast_in_dim3A_98 = vector.shape_cast %sub3A_57 : vector<128xf32> to vector<1x128xf32>
    %min3A_99 = vector.broadcast %broadcast_in_dim3A_98 : vector<1x128xf32> to vector<1024x128xf32>
    %min3A_100 = arith.minimumf %min3A_99, %max3A_97 : vector<1024x128xf32>
    %add3A_101 = arith.constant 1.000000e+00 : f32
    %add3A_102 = vector.broadcast %add3A_101 : f32 to vector<1024x128xf32>
    %add3A_103 = arith.addf %floor3A, %add3A_102 : vector<1024x128xf32>
    %jit3A_104 = arith.constant 0.000000e+00 : f32
    %max3A_105 = vector.broadcast %jit3A_104 : f32 to vector<1024x128xf32>
    %max3A_106 = arith.maximumf %max3A_105, %add3A_103 : vector<1024x128xf32>
    %broadcast_in_dim3A_107 = vector.shape_cast %sub3A_57 : vector<128xf32> to vector<1x128xf32>
    %min3A_108 = vector.broadcast %broadcast_in_dim3A_107 : vector<1x128xf32> to vector<1024x128xf32>
    %min3A_109 = arith.minimumf %min3A_108, %max3A_106 : vector<1024x128xf32>
    %sub3A_110 = arith.subf %min3A_109, %min3A_94 : vector<1024x128xf32>
    %convert_element_type3A_111 = arith.fptosi %sub3A_110 : vector<1024x128xf32> to vector<1024x128xi32>
    %jit3A_112 = arith.constant 0 : i32
    %jit3A_113 = arith.constant 1 : i32
    %max3A_114 = vector.broadcast %jit3A_112 : i32 to vector<1024x128xi32>
    %max3A_115 = arith.maxsi %max3A_114, %convert_element_type3A_111 : vector<1024x128xi32>
    %min3A_116 = vector.broadcast %jit3A_113 : i32 to vector<1024x128xi32>
    %min3A_117 = arith.minsi %min3A_116, %max3A_115 : vector<1024x128xi32>
    %add3A_118 = arith.constant 1.000000e+00 : f32
    %add3A_119 = vector.broadcast %add3A_118 : f32 to vector<1024x128xf32>
    %add3A_120 = arith.addf %floor3A_53, %add3A_119 : vector<1024x128xf32>
    %jit3A_121 = arith.constant 0.000000e+00 : f32
    %max3A_122 = vector.broadcast %jit3A_121 : f32 to vector<1024x128xf32>
    %max3A_123 = arith.maximumf %max3A_122, %add3A_120 : vector<1024x128xf32>
    %broadcast_in_dim3A_124 = vector.shape_cast %sub3A_57 : vector<128xf32> to vector<1x128xf32>
    %min3A_125 = vector.broadcast %broadcast_in_dim3A_124 : vector<1x128xf32> to vector<1024x128xf32>
    %min3A_126 = arith.minimumf %min3A_125, %max3A_123 : vector<1024x128xf32>
    %sub3A_127 = arith.subf %min3A_126, %min3A_100 : vector<1024x128xf32>
    %convert_element_type3A_128 = arith.fptosi %sub3A_127 : vector<1024x128xf32> to vector<1024x128xi32>
    %jit3A_129 = arith.constant 0 : i32
    %jit3A_130 = arith.constant 1 : i32
    %max3A_131 = vector.broadcast %jit3A_129 : i32 to vector<1024x128xi32>
    %max3A_132 = arith.maxsi %max3A_131, %convert_element_type3A_128 : vector<1024x128xi32>
    %min3A_133 = vector.broadcast %jit3A_130 : i32 to vector<1024x128xi32>
    %min3A_134 = arith.minsi %min3A_133, %max3A_132 : vector<1024x128xi32>
    %broadcast_in_dim3A_135 = vector.shape_cast %get3A_43 : vector<128xf32> to vector<1x128xf32>
    %mul3A = vector.broadcast %broadcast_in_dim3A_135 : vector<1x128xf32> to vector<1024x128xf32>
    %mul3A_136 = arith.mulf %min3A_100, %mul3A : vector<1024x128xf32>
    %broadcast_in_dim3A_137 = vector.shape_cast %get3A_47 : vector<128xf32> to vector<1x128xf32>
    %add3A_138 = vector.broadcast %broadcast_in_dim3A_137 : vector<1x128xf32> to vector<1024x128xf32>
    %add3A_139 = arith.addf %add3A_138, %mul3A_136 : vector<1024x128xf32>
    %add3A_140 = arith.addf %add3A_139, %min3A_94 : vector<1024x128xf32>
    %convert_element_type3A_141 = arith.fptosi %add3A_140 : vector<1024x128xf32> to vector<1024x128xi32>
    %get3A_142 = arith.constant 0 : index
    %get3A_143 = arith.constant 0 : index
    %get3A_144 = vector.load %arg15[%get3A_142, %get3A_143] : memref<1x128xi32, #tpu.memory_space<vmem>>, vector<1x128xi32>
    %get3A_145 = vector.shape_cast %get3A_144 : vector<1x128xi32> to vector<128xi32>
    %get3A_146 = arith.constant 0 : index
    %get3A_147 = arith.constant 0 : index
    %get3A_148 = vector.load %arg16[%get3A_146, %get3A_147] : memref<1x128xi32, #tpu.memory_space<vmem>>, vector<1x128xi32>
    %get3A_149 = vector.shape_cast %get3A_148 : vector<1x128xi32> to vector<128xi32>
    %broadcast_in_dim3A_150 = vector.shape_cast %get3A_145 : vector<128xi32> to vector<1x128xi32>
    %max3A_151 = vector.broadcast %broadcast_in_dim3A_150 : vector<1x128xi32> to vector<1024x128xi32>
    %max3A_152 = arith.maxsi %max3A_151, %convert_element_type3A_141 : vector<1024x128xi32>
    %broadcast_in_dim3A_153 = vector.shape_cast %get3A_149 : vector<128xi32> to vector<1x128xi32>
    %min3A_154 = vector.broadcast %broadcast_in_dim3A_153 : vector<1x128xi32> to vector<1024x128xi32>
    %min3A_155 = arith.minsi %min3A_154, %max3A_152 : vector<1024x128xi32>
    %shift_left3A = arith.constant 12 : i32
    %shift_left3A_156 = vector.broadcast %shift_left3A : i32 to vector<1024x128xi32>
    %shift_left3A_157 = arith.shli %convert_element_type3A, %shift_left3A_156 : vector<1024x128xi32>
    %or3A = arith.ori %min3A_155, %shift_left3A_157 : vector<1024x128xi32>
    %shift_left3A_158 = arith.constant 13 : i32
    %shift_left3A_159 = vector.broadcast %shift_left3A_158 : i32 to vector<1024x128xi32>
    %shift_left3A_160 = arith.shli %convert_element_type3A_72, %shift_left3A_159 : vector<1024x128xi32>
    %or3A_161 = arith.ori %or3A, %shift_left3A_160 : vector<1024x128xi32>
    %shift_left3A_162 = arith.constant 14 : i32
    %shift_left3A_163 = vector.broadcast %shift_left3A_162 : i32 to vector<1024x128xi32>
    %shift_left3A_164 = arith.shli %convert_element_type3A_80, %shift_left3A_163 : vector<1024x128xi32>
    %or3A_165 = arith.ori %or3A_161, %shift_left3A_164 : vector<1024x128xi32>
    %shift_left3A_166 = arith.constant 15 : i32
    %shift_left3A_167 = vector.broadcast %shift_left3A_166 : i32 to vector<1024x128xi32>
    %shift_left3A_168 = arith.shli %convert_element_type3A_91, %shift_left3A_167 : vector<1024x128xi32>
    %or3A_169 = arith.ori %or3A_165, %shift_left3A_168 : vector<1024x128xi32>
    %shift_left3A_170 = arith.constant 16 : i32
    %shift_left3A_171 = vector.broadcast %shift_left3A_170 : i32 to vector<1024x128xi32>
    %shift_left3A_172 = arith.shli %min3A_117, %shift_left3A_171 : vector<1024x128xi32>
    %or3A_173 = arith.ori %or3A_169, %shift_left3A_172 : vector<1024x128xi32>
    %shift_left3A_174 = arith.constant 17 : i32
    %shift_left3A_175 = vector.broadcast %shift_left3A_174 : i32 to vector<1024x128xi32>
    %shift_left3A_176 = arith.shli %min3A_134, %shift_left3A_175 : vector<1024x128xi32>
    %or3A_177 = arith.ori %or3A_173, %shift_left3A_176 : vector<1024x128xi32>
    %bitcast_convert_type3A = tpu.bitcast %sub3A : vector<1024x128xf32> -> vector<1024x128xi32>
    %bitcast_convert_type3A_178 = tpu.bitcast %sub3A_54 : vector<1024x128xf32> -> vector<1024x128xi32>
    %bitcast_convert_type3A_179 = tpu.bitcast %div3A : vector<1024x128xf32> -> vector<1024x128xi32>
    %slice3A_180 = vector.extract_strided_slice %or3A_177 {offsets = [0, 0], sizes = [1024, 16], strides = [1, 1]} : vector<1024x128xi32> to vector<1024x16xi32>
    %swap3A = arith.constant 0 : index
    %swap3A_181 = arith.constant 0 : index
    %swap3A_182 = arith.constant 0 : index
    %swap3A_183 = arith.constant 0 : index
    %swap3A_184 = vector.load %arg18[%swap3A, %swap3A_181, %swap3A_182, %swap3A_183] : memref<1x8x1024x64xi32, #tpu.memory_space<vmem>>, vector<1x1x1024x16xi32>
    %swap3A_185 = vector.shape_cast %swap3A_184 : vector<1x1x1024x16xi32> to vector<1024x16xi32>
    %swap3A_186 = vector.shape_cast %slice3A_180 : vector<1024x16xi32> to vector<1x1x1024x16xi32>
    tpu.vector_store %arg18[%swap3A, %swap3A_181, %swap3A_182, %swap3A_183], %swap3A_186 {strides = array<i32>} : memref<1x8x1024x64xi32, #tpu.memory_space<vmem>>, vector<1x1x1024x16xi32>,
    %slice3A_187 = vector.extract_strided_slice %or3A_177 {offsets = [0, 16], sizes = [1024, 16], strides = [1, 1]} : vector<1024x128xi32> to vector<1024x16xi32>
    %swap3A_188 = arith.constant 0 : index
    %swap3A_189 = arith.constant 1 : index
    %swap3A_190 = arith.constant 0 : index
    %swap3A_191 = arith.constant 0 : index
    %swap3A_192 = vector.load %arg18[%swap3A_188, %swap3A_189, %swap3A_190, %swap3A_191] : memref<1x8x1024x64xi32, #tpu.memory_space<vmem>>, vector<1x1x1024x16xi32>
    %swap3A_193 = vector.shape_cast %swap3A_192 : vector<1x1x1024x16xi32> to vector<1024x16xi32>
    %swap3A_194 = vector.shape_cast %slice3A_187 : vector<1024x16xi32> to vector<1x1x1024x16xi32>
    tpu.vector_store %arg18[%swap3A_188, %swap3A_189, %swap3A_190, %swap3A_191], %swap3A_194 {strides = array<i32>} : memref<1x8x1024x64xi32, #tpu.memory_space<vmem>>, vector<1x1x1024x16xi32>,
    %slice3A_195 = vector.extract_strided_slice %or3A_177 {offsets = [0, 32], sizes = [1024, 16], strides = [1, 1]} : vector<1024x128xi32> to vector<1024x16xi32>
    %swap3A_196 = arith.constant 0 : index
    %swap3A_197 = arith.constant 2 : index
    %swap3A_198 = arith.constant 0 : index
    %swap3A_199 = arith.constant 0 : index
    %swap3A_200 = vector.load %arg18[%swap3A_196, %swap3A_197, %swap3A_198, %swap3A_199] : memref<1x8x1024x64xi32, #tpu.memory_space<vmem>>, vector<1x1x1024x16xi32>
    %swap3A_201 = vector.shape_cast %swap3A_200 : vector<1x1x1024x16xi32> to vector<1024x16xi32>
    %swap3A_202 = vector.shape_cast %slice3A_195 : vector<1024x16xi32> to vector<1x1x1024x16xi32>
    tpu.vector_store %arg18[%swap3A_196, %swap3A_197, %swap3A_198, %swap3A_199], %swap3A_202 {strides = array<i32>} : memref<1x8x1024x64xi32, #tpu.memory_space<vmem>>, vector<1x1x1024x16xi32>,
    %slice3A_203 = vector.extract_strided_slice %or3A_177 {offsets = [0, 48], sizes = [1024, 16], strides = [1, 1]} : vector<1024x128xi32> to vector<1024x16xi32>
    %swap3A_204 = arith.constant 0 : index
    %swap3A_205 = arith.constant 3 : index
    %swap3A_206 = arith.constant 0 : index
    %swap3A_207 = arith.constant 0 : index
    %swap3A_208 = vector.load %arg18[%swap3A_204, %swap3A_205, %swap3A_206, %swap3A_207] : memref<1x8x1024x64xi32, #tpu.memory_space<vmem>>, vector<1x1x1024x16xi32>
    %swap3A_209 = vector.shape_cast %swap3A_208 : vector<1x1x1024x16xi32> to vector<1024x16xi32>
    %swap3A_210 = vector.shape_cast %slice3A_203 : vector<1024x16xi32> to vector<1x1x1024x16xi32>
    tpu.vector_store %arg18[%swap3A_204, %swap3A_205, %swap3A_206, %swap3A_207], %swap3A_210 {strides = array<i32>} : memref<1x8x1024x64xi32, #tpu.memory_space<vmem>>, vector<1x1x1024x16xi32>,
    %slice3A_211 = vector.extract_strided_slice %or3A_177 {offsets = [0, 64], sizes = [1024, 16], strides = [1, 1]} : vector<1024x128xi32> to vector<1024x16xi32>
    %swap3A_212 = arith.constant 0 : index
    %swap3A_213 = arith.constant 4 : index
    %swap3A_214 = arith.constant 0 : index
    %swap3A_215 = arith.constant 0 : index
    %swap3A_216 = vector.load %arg18[%swap3A_212, %swap3A_213, %swap3A_214, %swap3A_215] : memref<1x8x1024x64xi32, #tpu.memory_space<vmem>>, vector<1x1x1024x16xi32>
    %swap3A_217 = vector.shape_cast %swap3A_216 : vector<1x1x1024x16xi32> to vector<1024x16xi32>
    %swap3A_218 = vector.shape_cast %slice3A_211 : vector<1024x16xi32> to vector<1x1x1024x16xi32>
    tpu.vector_store %arg18[%swap3A_212, %swap3A_213, %swap3A_214, %swap3A_215], %swap3A_218 {strides = array<i32>} : memref<1x8x1024x64xi32, #tpu.memory_space<vmem>>, vector<1x1x1024x16xi32>,
    %slice3A_219 = vector.extract_strided_slice %or3A_177 {offsets = [0, 80], sizes = [1024, 16], strides = [1, 1]} : vector<1024x128xi32> to vector<1024x16xi32>
    %swap3A_220 = arith.constant 0 : index
    %swap3A_221 = arith.constant 5 : index
    %swap3A_222 = arith.constant 0 : index
    %swap3A_223 = arith.constant 0 : index
    %swap3A_224 = vector.load %arg18[%swap3A_220, %swap3A_221, %swap3A_222, %swap3A_223] : memref<1x8x1024x64xi32, #tpu.memory_space<vmem>>, vector<1x1x1024x16xi32>
    %swap3A_225 = vector.shape_cast %swap3A_224 : vector<1x1x1024x16xi32> to vector<1024x16xi32>
    %swap3A_226 = vector.shape_cast %slice3A_219 : vector<1024x16xi32> to vector<1x1x1024x16xi32>
    tpu.vector_store %arg18[%swap3A_220, %swap3A_221, %swap3A_222, %swap3A_223], %swap3A_226 {strides = array<i32>} : memref<1x8x1024x64xi32, #tpu.memory_space<vmem>>, vector<1x1x1024x16xi32>,
    %slice3A_227 = vector.extract_strided_slice %or3A_177 {offsets = [0, 96], sizes = [1024, 16], strides = [1, 1]} : vector<1024x128xi32> to vector<1024x16xi32>
    %swap3A_228 = arith.constant 0 : index
    %swap3A_229 = arith.constant 6 : index
    %swap3A_230 = arith.constant 0 : index
    %swap3A_231 = arith.constant 0 : index
    %swap3A_232 = vector.load %arg18[%swap3A_228, %swap3A_229, %swap3A_230, %swap3A_231] : memref<1x8x1024x64xi32, #tpu.memory_space<vmem>>, vector<1x1x1024x16xi32>
    %swap3A_233 = vector.shape_cast %swap3A_232 : vector<1x1x1024x16xi32> to vector<1024x16xi32>
    %swap3A_234 = vector.shape_cast %slice3A_227 : vector<1024x16xi32> to vector<1x1x1024x16xi32>
    tpu.vector_store %arg18[%swap3A_228, %swap3A_229, %swap3A_230, %swap3A_231], %swap3A_234 {strides = array<i32>} : memref<1x8x1024x64xi32, #tpu.memory_space<vmem>>, vector<1x1x1024x16xi32>,
    %slice3A_235 = vector.extract_strided_slice %or3A_177 {offsets = [0, 112], sizes = [1024, 16], strides = [1, 1]} : vector<1024x128xi32> to vector<1024x16xi32>
    %swap3A_236 = arith.constant 0 : index
    %swap3A_237 = arith.constant 7 : index
    %swap3A_238 = arith.constant 0 : index
    %swap3A_239 = arith.constant 0 : index
    %swap3A_240 = vector.load %arg18[%swap3A_236, %swap3A_237, %swap3A_238, %swap3A_239] : memref<1x8x1024x64xi32, #tpu.memory_space<vmem>>, vector<1x1x1024x16xi32>
    %swap3A_241 = vector.shape_cast %swap3A_240 : vector<1x1x1024x16xi32> to vector<1024x16xi32>
    %swap3A_242 = vector.shape_cast %slice3A_235 : vector<1024x16xi32> to vector<1x1x1024x16xi32>
    tpu.vector_store %arg18[%swap3A_236, %swap3A_237, %swap3A_238, %swap3A_239], %swap3A_242 {strides = array<i32>} : memref<1x8x1024x64xi32, #tpu.memory_space<vmem>>, vector<1x1x1024x16xi32>,
    %slice3A_243 = vector.extract_strided_slice %bitcast_convert_type3A {offsets = [0, 0], sizes = [1024, 16], strides = [1, 1]} : vector<1024x128xi32> to vector<1024x16xi32>
    %swap3A_244 = arith.constant 0 : index
    %swap3A_245 = arith.constant 0 : index
    %swap3A_246 = arith.constant 0 : index
    %swap3A_247 = arith.constant 16 : index
    %swap3A_248 = vector.load %arg18[%swap3A_244, %swap3A_245, %swap3A_246, %swap3A_247] : memref<1x8x1024x64xi32, #tpu.memory_space<vmem>>, vector<1x1x1024x16xi32>
    %swap3A_249 = vector.shape_cast %swap3A_248 : vector<1x1x1024x16xi32> to vector<1024x16xi32>
    %swap3A_250 = vector.shape_cast %slice3A_243 : vector<1024x16xi32> to vector<1x1x1024x16xi32>
    tpu.vector_store %arg18[%swap3A_244, %swap3A_245, %swap3A_246, %swap3A_247], %swap3A_250 {strides = array<i32>} : memref<1x8x1024x64xi32, #tpu.memory_space<vmem>>, vector<1x1x1024x16xi32>,
    %slice3A_251 = vector.extract_strided_slice %bitcast_convert_type3A {offsets = [0, 16], sizes = [1024, 16], strides = [1, 1]} : vector<1024x128xi32> to vector<1024x16xi32>
    %swap3A_252 = arith.constant 0 : index
    %swap3A_253 = arith.constant 1 : index
    %swap3A_254 = arith.constant 0 : index
    %swap3A_255 = arith.constant 16 : index
    %swap3A_256 = vector.load %arg18[%swap3A_252, %swap3A_253, %swap3A_254, %swap3A_255] : memref<1x8x1024x64xi32, #tpu.memory_space<vmem>>, vector<1x1x1024x16xi32>
    %swap3A_257 = vector.shape_cast %swap3A_256 : vector<1x1x1024x16xi32> to vector<1024x16xi32>
    %swap3A_258 = vector.shape_cast %slice3A_251 : vector<1024x16xi32> to vector<1x1x1024x16xi32>
    tpu.vector_store %arg18[%swap3A_252, %swap3A_253, %swap3A_254, %swap3A_255], %swap3A_258 {strides = array<i32>} : memref<1x8x1024x64xi32, #tpu.memory_space<vmem>>, vector<1x1x1024x16xi32>,
    %slice3A_259 = vector.extract_strided_slice %bitcast_convert_type3A {offsets = [0, 32], sizes = [1024, 16], strides = [1, 1]} : vector<1024x128xi32> to vector<1024x16xi32>
    %swap3A_260 = arith.constant 0 : index
    %swap3A_261 = arith.constant 2 : index
    %swap3A_262 = arith.constant 0 : index
    %swap3A_263 = arith.constant 16 : index
    %swap3A_264 = vector.load %arg18[%swap3A_260, %swap3A_261, %swap3A_262, %swap3A_263] : memref<1x8x1024x64xi32, #tpu.memory_space<vmem>>, vector<1x1x1024x16xi32>
    %swap3A_265 = vector.shape_cast %swap3A_264 : vector<1x1x1024x16xi32> to vector<1024x16xi32>
    %swap3A_266 = vector.shape_cast %slice3A_259 : vector<1024x16xi32> to vector<1x1x1024x16xi32>
    tpu.vector_store %arg18[%swap3A_260, %swap3A_261, %swap3A_262, %swap3A_263], %swap3A_266 {strides = array<i32>} : memref<1x8x1024x64xi32, #tpu.memory_space<vmem>>, vector<1x1x1024x16xi32>,
    %slice3A_267 = vector.extract_strided_slice %bitcast_convert_type3A {offsets = [0, 48], sizes = [1024, 16], strides = [1, 1]} : vector<1024x128xi32> to vector<1024x16xi32>
    %swap3A_268 = arith.constant 0 : index
    %swap3A_269 = arith.constant 3 : index
    %swap3A_270 = arith.constant 0 : index
    %swap3A_271 = arith.constant 16 : index
    %swap3A_272 = vector.load %arg18[%swap3A_268, %swap3A_269, %swap3A_270, %swap3A_271] : memref<1x8x1024x64xi32, #tpu.memory_space<vmem>>, vector<1x1x1024x16xi32>
    %swap3A_273 = vector.shape_cast %swap3A_272 : vector<1x1x1024x16xi32> to vector<1024x16xi32>
    %swap3A_274 = vector.shape_cast %slice3A_267 : vector<1024x16xi32> to vector<1x1x1024x16xi32>
    tpu.vector_store %arg18[%swap3A_268, %swap3A_269, %swap3A_270, %swap3A_271], %swap3A_274 {strides = array<i32>} : memref<1x8x1024x64xi32, #tpu.memory_space<vmem>>, vector<1x1x1024x16xi32>,
    %slice3A_275 = vector.extract_strided_slice %bitcast_convert_type3A {offsets = [0, 64], sizes = [1024, 16], strides = [1, 1]} : vector<1024x128xi32> to vector<1024x16xi32>
    %swap3A_276 = arith.constant 0 : index
    %swap3A_277 = arith.constant 4 : index
    %swap3A_278 = arith.constant 0 : index
    %swap3A_279 = arith.constant 16 : index
    %swap3A_280 = vector.load %arg18[%swap3A_276, %swap3A_277, %swap3A_278, %swap3A_279] : memref<1x8x1024x64xi32, #tpu.memory_space<vmem>>, vector<1x1x1024x16xi32>
    %swap3A_281 = vector.shape_cast %swap3A_280 : vector<1x1x1024x16xi32> to vector<1024x16xi32>
    %swap3A_282 = vector.shape_cast %slice3A_275 : vector<1024x16xi32> to vector<1x1x1024x16xi32>
    tpu.vector_store %arg18[%swap3A_276, %swap3A_277, %swap3A_278, %swap3A_279], %swap3A_282 {strides = array<i32>} : memref<1x8x1024x64xi32, #tpu.memory_space<vmem>>, vector<1x1x1024x16xi32>,
    %slice3A_283 = vector.extract_strided_slice %bitcast_convert_type3A {offsets = [0, 80], sizes = [1024, 16], strides = [1, 1]} : vector<1024x128xi32> to vector<1024x16xi32>
    %swap3A_284 = arith.constant 0 : index
    %swap3A_285 = arith.constant 5 : index
    %swap3A_286 = arith.constant 0 : index
    %swap3A_287 = arith.constant 16 : index
    %swap3A_288 = vector.load %arg18[%swap3A_284, %swap3A_285, %swap3A_286, %swap3A_287] : memref<1x8x1024x64xi32, #tpu.memory_space<vmem>>, vector<1x1x1024x16xi32>
    %swap3A_289 = vector.shape_cast %swap3A_288 : vector<1x1x1024x16xi32> to vector<1024x16xi32>
    %swap3A_290 = vector.shape_cast %slice3A_283 : vector<1024x16xi32> to vector<1x1x1024x16xi32>
    tpu.vector_store %arg18[%swap3A_284, %swap3A_285, %swap3A_286, %swap3A_287], %swap3A_290 {strides = array<i32>} : memref<1x8x1024x64xi32, #tpu.memory_space<vmem>>, vector<1x1x1024x16xi32>,
    %slice3A_291 = vector.extract_strided_slice %bitcast_convert_type3A {offsets = [0, 96], sizes = [1024, 16], strides = [1, 1]} : vector<1024x128xi32> to vector<1024x16xi32>
    %swap3A_292 = arith.constant 0 : index
    %swap3A_293 = arith.constant 6 : index
    %swap3A_294 = arith.constant 0 : index
    %swap3A_295 = arith.constant 16 : index
    %swap3A_296 = vector.load %arg18[%swap3A_292, %swap3A_293, %swap3A_294, %swap3A_295] : memref<1x8x1024x64xi32, #tpu.memory_space<vmem>>, vector<1x1x1024x16xi32>
    %swap3A_297 = vector.shape_cast %swap3A_296 : vector<1x1x1024x16xi32> to vector<1024x16xi32>
    %swap3A_298 = vector.shape_cast %slice3A_291 : vector<1024x16xi32> to vector<1x1x1024x16xi32>
    tpu.vector_store %arg18[%swap3A_292, %swap3A_293, %swap3A_294, %swap3A_295], %swap3A_298 {strides = array<i32>} : memref<1x8x1024x64xi32, #tpu.memory_space<vmem>>, vector<1x1x1024x16xi32>,
    %slice3A_299 = vector.extract_strided_slice %bitcast_convert_type3A {offsets = [0, 112], sizes = [1024, 16], strides = [1, 1]} : vector<1024x128xi32> to vector<1024x16xi32>
    %swap3A_300 = arith.constant 0 : index
    %swap3A_301 = arith.constant 7 : index
    %swap3A_302 = arith.constant 0 : index
    %swap3A_303 = arith.constant 16 : index
    %swap3A_304 = vector.load %arg18[%swap3A_300, %swap3A_301, %swap3A_302, %swap3A_303] : memref<1x8x1024x64xi32, #tpu.memory_space<vmem>>, vector<1x1x1024x16xi32>
    %swap3A_305 = vector.shape_cast %swap3A_304 : vector<1x1x1024x16xi32> to vector<1024x16xi32>
    %swap3A_306 = vector.shape_cast %slice3A_299 : vector<1024x16xi32> to vector<1x1x1024x16xi32>
    tpu.vector_store %arg18[%swap3A_300, %swap3A_301, %swap3A_302, %swap3A_303], %swap3A_306 {strides = array<i32>} : memref<1x8x1024x64xi32, #tpu.memory_space<vmem>>, vector<1x1x1024x16xi32>,
    %slice3A_307 = vector.extract_strided_slice %bitcast_convert_type3A_178 {offsets = [0, 0], sizes = [1024, 16], strides = [1, 1]} : vector<1024x128xi32> to vector<1024x16xi32>
    %swap3A_308 = arith.constant 0 : index
    %swap3A_309 = arith.constant 0 : index
    %swap3A_310 = arith.constant 0 : index
    %swap3A_311 = arith.constant 32 : index
    %swap3A_312 = vector.load %arg18[%swap3A_308, %swap3A_309, %swap3A_310, %swap3A_311] : memref<1x8x1024x64xi32, #tpu.memory_space<vmem>>, vector<1x1x1024x16xi32>
    %swap3A_313 = vector.shape_cast %swap3A_312 : vector<1x1x1024x16xi32> to vector<1024x16xi32>
    %swap3A_314 = vector.shape_cast %slice3A_307 : vector<1024x16xi32> to vector<1x1x1024x16xi32>
    tpu.vector_store %arg18[%swap3A_308, %swap3A_309, %swap3A_310, %swap3A_311], %swap3A_314 {strides = array<i32>} : memref<1x8x1024x64xi32, #tpu.memory_space<vmem>>, vector<1x1x1024x16xi32>,
    %slice3A_315 = vector.extract_strided_slice %bitcast_convert_type3A_178 {offsets = [0, 16], sizes = [1024, 16], strides = [1, 1]} : vector<1024x128xi32> to vector<1024x16xi32>
    %swap3A_316 = arith.constant 0 : index
    %swap3A_317 = arith.constant 1 : index
    %swap3A_318 = arith.constant 0 : index
    %swap3A_319 = arith.constant 32 : index
    %swap3A_320 = vector.load %arg18[%swap3A_316, %swap3A_317, %swap3A_318, %swap3A_319] : memref<1x8x1024x64xi32, #tpu.memory_space<vmem>>, vector<1x1x1024x16xi32>
    %swap3A_321 = vector.shape_cast %swap3A_320 : vector<1x1x1024x16xi32> to vector<1024x16xi32>
    %swap3A_322 = vector.shape_cast %slice3A_315 : vector<1024x16xi32> to vector<1x1x1024x16xi32>
    tpu.vector_store %arg18[%swap3A_316, %swap3A_317, %swap3A_318, %swap3A_319], %swap3A_322 {strides = array<i32>} : memref<1x8x1024x64xi32, #tpu.memory_space<vmem>>, vector<1x1x1024x16xi32>,
    %slice3A_323 = vector.extract_strided_slice %bitcast_convert_type3A_178 {offsets = [0, 32], sizes = [1024, 16], strides = [1, 1]} : vector<1024x128xi32> to vector<1024x16xi32>
    %swap3A_324 = arith.constant 0 : index
    %swap3A_325 = arith.constant 2 : index
    %swap3A_326 = arith.constant 0 : index
    %swap3A_327 = arith.constant 32 : index
    %swap3A_328 = vector.load %arg18[%swap3A_324, %swap3A_325, %swap3A_326, %swap3A_327] : memref<1x8x1024x64xi32, #tpu.memory_space<vmem>>, vector<1x1x1024x16xi32>
    %swap3A_329 = vector.shape_cast %swap3A_328 : vector<1x1x1024x16xi32> to vector<1024x16xi32>
    %swap3A_330 = vector.shape_cast %slice3A_323 : vector<1024x16xi32> to vector<1x1x1024x16xi32>
    tpu.vector_store %arg18[%swap3A_324, %swap3A_325, %swap3A_326, %swap3A_327], %swap3A_330 {strides = array<i32>} : memref<1x8x1024x64xi32, #tpu.memory_space<vmem>>, vector<1x1x1024x16xi32>,
    %slice3A_331 = vector.extract_strided_slice %bitcast_convert_type3A_178 {offsets = [0, 48], sizes = [1024, 16], strides = [1, 1]} : vector<1024x128xi32> to vector<1024x16xi32>
    %swap3A_332 = arith.constant 0 : index
    %swap3A_333 = arith.constant 3 : index
    %swap3A_334 = arith.constant 0 : index
    %swap3A_335 = arith.constant 32 : index
    %swap3A_336 = vector.load %arg18[%swap3A_332, %swap3A_333, %swap3A_334, %swap3A_335] : memref<1x8x1024x64xi32, #tpu.memory_space<vmem>>, vector<1x1x1024x16xi32>
    %swap3A_337 = vector.shape_cast %swap3A_336 : vector<1x1x1024x16xi32> to vector<1024x16xi32>
    %swap3A_338 = vector.shape_cast %slice3A_331 : vector<1024x16xi32> to vector<1x1x1024x16xi32>
    tpu.vector_store %arg18[%swap3A_332, %swap3A_333, %swap3A_334, %swap3A_335], %swap3A_338 {strides = array<i32>} : memref<1x8x1024x64xi32, #tpu.memory_space<vmem>>, vector<1x1x1024x16xi32>,
    %slice3A_339 = vector.extract_strided_slice %bitcast_convert_type3A_178 {offsets = [0, 64], sizes = [1024, 16], strides = [1, 1]} : vector<1024x128xi32> to vector<1024x16xi32>
    %swap3A_340 = arith.constant 0 : index
    %swap3A_341 = arith.constant 4 : index
    %swap3A_342 = arith.constant 0 : index
    %swap3A_343 = arith.constant 32 : index
    %swap3A_344 = vector.load %arg18[%swap3A_340, %swap3A_341, %swap3A_342, %swap3A_343] : memref<1x8x1024x64xi32, #tpu.memory_space<vmem>>, vector<1x1x1024x16xi32>
    %swap3A_345 = vector.shape_cast %swap3A_344 : vector<1x1x1024x16xi32> to vector<1024x16xi32>
    %swap3A_346 = vector.shape_cast %slice3A_339 : vector<1024x16xi32> to vector<1x1x1024x16xi32>
    tpu.vector_store %arg18[%swap3A_340, %swap3A_341, %swap3A_342, %swap3A_343], %swap3A_346 {strides = array<i32>} : memref<1x8x1024x64xi32, #tpu.memory_space<vmem>>, vector<1x1x1024x16xi32>,
    %slice3A_347 = vector.extract_strided_slice %bitcast_convert_type3A_178 {offsets = [0, 80], sizes = [1024, 16], strides = [1, 1]} : vector<1024x128xi32> to vector<1024x16xi32>
    %swap3A_348 = arith.constant 0 : index
    %swap3A_349 = arith.constant 5 : index
    %swap3A_350 = arith.constant 0 : index
    %swap3A_351 = arith.constant 32 : index
    %swap3A_352 = vector.load %arg18[%swap3A_348, %swap3A_349, %swap3A_350, %swap3A_351] : memref<1x8x1024x64xi32, #tpu.memory_space<vmem>>, vector<1x1x1024x16xi32>
    %swap3A_353 = vector.shape_cast %swap3A_352 : vector<1x1x1024x16xi32> to vector<1024x16xi32>
    %swap3A_354 = vector.shape_cast %slice3A_347 : vector<1024x16xi32> to vector<1x1x1024x16xi32>
    tpu.vector_store %arg18[%swap3A_348, %swap3A_349, %swap3A_350, %swap3A_351], %swap3A_354 {strides = array<i32>} : memref<1x8x1024x64xi32, #tpu.memory_space<vmem>>, vector<1x1x1024x16xi32>,
    %slice3A_355 = vector.extract_strided_slice %bitcast_convert_type3A_178 {offsets = [0, 96], sizes = [1024, 16], strides = [1, 1]} : vector<1024x128xi32> to vector<1024x16xi32>
    %swap3A_356 = arith.constant 0 : index
    %swap3A_357 = arith.constant 6 : index
    %swap3A_358 = arith.constant 0 : index
    %swap3A_359 = arith.constant 32 : index
    %swap3A_360 = vector.load %arg18[%swap3A_356, %swap3A_357, %swap3A_358, %swap3A_359] : memref<1x8x1024x64xi32, #tpu.memory_space<vmem>>, vector<1x1x1024x16xi32>
    %swap3A_361 = vector.shape_cast %swap3A_360 : vector<1x1x1024x16xi32> to vector<1024x16xi32>
    %swap3A_362 = vector.shape_cast %slice3A_355 : vector<1024x16xi32> to vector<1x1x1024x16xi32>
    tpu.vector_store %arg18[%swap3A_356, %swap3A_357, %swap3A_358, %swap3A_359], %swap3A_362 {strides = array<i32>} : memref<1x8x1024x64xi32, #tpu.memory_space<vmem>>, vector<1x1x1024x16xi32>,
    %slice3A_363 = vector.extract_strided_slice %bitcast_convert_type3A_178 {offsets = [0, 112], sizes = [1024, 16], strides = [1, 1]} : vector<1024x128xi32> to vector<1024x16xi32>
    %swap3A_364 = arith.constant 0 : index
    %swap3A_365 = arith.constant 7 : index
    %swap3A_366 = arith.constant 0 : index
    %swap3A_367 = arith.constant 32 : index
    %swap3A_368 = vector.load %arg18[%swap3A_364, %swap3A_365, %swap3A_366, %swap3A_367] : memref<1x8x1024x64xi32, #tpu.memory_space<vmem>>, vector<1x1x1024x16xi32>
    %swap3A_369 = vector.shape_cast %swap3A_368 : vector<1x1x1024x16xi32> to vector<1024x16xi32>
    %swap3A_370 = vector.shape_cast %slice3A_363 : vector<1024x16xi32> to vector<1x1x1024x16xi32>
    tpu.vector_store %arg18[%swap3A_364, %swap3A_365, %swap3A_366, %swap3A_367], %swap3A_370 {strides = array<i32>} : memref<1x8x1024x64xi32, #tpu.memory_space<vmem>>, vector<1x1x1024x16xi32>,
    %slice3A_371 = vector.extract_strided_slice %bitcast_convert_type3A_179 {offsets = [0, 0], sizes = [1024, 16], strides = [1, 1]} : vector<1024x128xi32> to vector<1024x16xi32>
    %swap3A_372 = arith.constant 0 : index
    %swap3A_373 = arith.constant 0 : index
    %swap3A_374 = arith.constant 0 : index
    %swap3A_375 = arith.constant 48 : index
    %swap3A_376 = vector.load %arg18[%swap3A_372, %swap3A_373, %swap3A_374, %swap3A_375] : memref<1x8x1024x64xi32, #tpu.memory_space<vmem>>, vector<1x1x1024x16xi32>
    %swap3A_377 = vector.shape_cast %swap3A_376 : vector<1x1x1024x16xi32> to vector<1024x16xi32>
    %swap3A_378 = vector.shape_cast %slice3A_371 : vector<1024x16xi32> to vector<1x1x1024x16xi32>
    tpu.vector_store %arg18[%swap3A_372, %swap3A_373, %swap3A_374, %swap3A_375], %swap3A_378 {strides = array<i32>} : memref<1x8x1024x64xi32, #tpu.memory_space<vmem>>, vector<1x1x1024x16xi32>,
    %slice3A_379 = vector.extract_strided_slice %bitcast_convert_type3A_179 {offsets = [0, 16], sizes = [1024, 16], strides = [1, 1]} : vector<1024x128xi32> to vector<1024x16xi32>
    %swap3A_380 = arith.constant 0 : index
    %swap3A_381 = arith.constant 1 : index
    %swap3A_382 = arith.constant 0 : index
    %swap3A_383 = arith.constant 48 : index
    %swap3A_384 = vector.load %arg18[%swap3A_380, %swap3A_381, %swap3A_382, %swap3A_383] : memref<1x8x1024x64xi32, #tpu.memory_space<vmem>>, vector<1x1x1024x16xi32>
    %swap3A_385 = vector.shape_cast %swap3A_384 : vector<1x1x1024x16xi32> to vector<1024x16xi32>
    %swap3A_386 = vector.shape_cast %slice3A_379 : vector<1024x16xi32> to vector<1x1x1024x16xi32>
    tpu.vector_store %arg18[%swap3A_380, %swap3A_381, %swap3A_382, %swap3A_383], %swap3A_386 {strides = array<i32>} : memref<1x8x1024x64xi32, #tpu.memory_space<vmem>>, vector<1x1x1024x16xi32>,
    %slice3A_387 = vector.extract_strided_slice %bitcast_convert_type3A_179 {offsets = [0, 32], sizes = [1024, 16], strides = [1, 1]} : vector<1024x128xi32> to vector<1024x16xi32>
    %swap3A_388 = arith.constant 0 : index
    %swap3A_389 = arith.constant 2 : index
    %swap3A_390 = arith.constant 0 : index
    %swap3A_391 = arith.constant 48 : index
    %swap3A_392 = vector.load %arg18[%swap3A_388, %swap3A_389, %swap3A_390, %swap3A_391] : memref<1x8x1024x64xi32, #tpu.memory_space<vmem>>, vector<1x1x1024x16xi32>
    %swap3A_393 = vector.shape_cast %swap3A_392 : vector<1x1x1024x16xi32> to vector<1024x16xi32>
    %swap3A_394 = vector.shape_cast %slice3A_387 : vector<1024x16xi32> to vector<1x1x1024x16xi32>
    tpu.vector_store %arg18[%swap3A_388, %swap3A_389, %swap3A_390, %swap3A_391], %swap3A_394 {strides = array<i32>} : memref<1x8x1024x64xi32, #tpu.memory_space<vmem>>, vector<1x1x1024x16xi32>,
    %slice3A_395 = vector.extract_strided_slice %bitcast_convert_type3A_179 {offsets = [0, 48], sizes = [1024, 16], strides = [1, 1]} : vector<1024x128xi32> to vector<1024x16xi32>
    %swap3A_396 = arith.constant 0 : index
    %swap3A_397 = arith.constant 3 : index
    %swap3A_398 = arith.constant 0 : index
    %swap3A_399 = arith.constant 48 : index
    %swap3A_400 = vector.load %arg18[%swap3A_396, %swap3A_397, %swap3A_398, %swap3A_399] : memref<1x8x1024x64xi32, #tpu.memory_space<vmem>>, vector<1x1x1024x16xi32>
    %swap3A_401 = vector.shape_cast %swap3A_400 : vector<1x1x1024x16xi32> to vector<1024x16xi32>
    %swap3A_402 = vector.shape_cast %slice3A_395 : vector<1024x16xi32> to vector<1x1x1024x16xi32>
    tpu.vector_store %arg18[%swap3A_396, %swap3A_397, %swap3A_398, %swap3A_399], %swap3A_402 {strides = array<i32>} : memref<1x8x1024x64xi32, #tpu.memory_space<vmem>>, vector<1x1x1024x16xi32>,
    %slice3A_403 = vector.extract_strided_slice %bitcast_convert_type3A_179 {offsets = [0, 64], sizes = [1024, 16], strides = [1, 1]} : vector<1024x128xi32> to vector<1024x16xi32>
    %swap3A_404 = arith.constant 0 : index
    %swap3A_405 = arith.constant 4 : index
    %swap3A_406 = arith.constant 0 : index
    %swap3A_407 = arith.constant 48 : index
    %swap3A_408 = vector.load %arg18[%swap3A_404, %swap3A_405, %swap3A_406, %swap3A_407] : memref<1x8x1024x64xi32, #tpu.memory_space<vmem>>, vector<1x1x1024x16xi32>
    %swap3A_409 = vector.shape_cast %swap3A_408 : vector<1x1x1024x16xi32> to vector<1024x16xi32>
    %swap3A_410 = vector.shape_cast %slice3A_403 : vector<1024x16xi32> to vector<1x1x1024x16xi32>
    tpu.vector_store %arg18[%swap3A_404, %swap3A_405, %swap3A_406, %swap3A_407], %swap3A_410 {strides = array<i32>} : memref<1x8x1024x64xi32, #tpu.memory_space<vmem>>, vector<1x1x1024x16xi32>,
    %slice3A_411 = vector.extract_strided_slice %bitcast_convert_type3A_179 {offsets = [0, 80], sizes = [1024, 16], strides = [1, 1]} : vector<1024x128xi32> to vector<1024x16xi32>
    %swap3A_412 = arith.constant 0 : index
    %swap3A_413 = arith.constant 5 : index
    %swap3A_414 = arith.constant 0 : index
    %swap3A_415 = arith.constant 48 : index
    %swap3A_416 = vector.load %arg18[%swap3A_412, %swap3A_413, %swap3A_414, %swap3A_415] : memref<1x8x1024x64xi32, #tpu.memory_space<vmem>>, vector<1x1x1024x16xi32>
    %swap3A_417 = vector.shape_cast %swap3A_416 : vector<1x1x1024x16xi32> to vector<1024x16xi32>
    %swap3A_418 = vector.shape_cast %slice3A_411 : vector<1024x16xi32> to vector<1x1x1024x16xi32>
    tpu.vector_store %arg18[%swap3A_412, %swap3A_413, %swap3A_414, %swap3A_415], %swap3A_418 {strides = array<i32>} : memref<1x8x1024x64xi32, #tpu.memory_space<vmem>>, vector<1x1x1024x16xi32>,
    %slice3A_419 = vector.extract_strided_slice %bitcast_convert_type3A_179 {offsets = [0, 96], sizes = [1024, 16], strides = [1, 1]} : vector<1024x128xi32> to vector<1024x16xi32>
    %swap3A_420 = arith.constant 0 : index
    %swap3A_421 = arith.constant 6 : index
    %swap3A_422 = arith.constant 0 : index
    %swap3A_423 = arith.constant 48 : index
    %swap3A_424 = vector.load %arg18[%swap3A_420, %swap3A_421, %swap3A_422, %swap3A_423] : memref<1x8x1024x64xi32, #tpu.memory_space<vmem>>, vector<1x1x1024x16xi32>
    %swap3A_425 = vector.shape_cast %swap3A_424 : vector<1x1x1024x16xi32> to vector<1024x16xi32>
    %swap3A_426 = vector.shape_cast %slice3A_419 : vector<1024x16xi32> to vector<1x1x1024x16xi32>
    tpu.vector_store %arg18[%swap3A_420, %swap3A_421, %swap3A_422, %swap3A_423], %swap3A_426 {strides = array<i32>} : memref<1x8x1024x64xi32, #tpu.memory_space<vmem>>, vector<1x1x1024x16xi32>,
    %slice3A_427 = vector.extract_strided_slice %bitcast_convert_type3A_179 {offsets = [0, 112], sizes = [1024, 16], strides = [1, 1]} : vector<1024x128xi32> to vector<1024x16xi32>
    %swap3A_428 = arith.constant 0 : index
    %swap3A_429 = arith.constant 7 : index
    %swap3A_430 = arith.constant 0 : index
    %swap3A_431 = arith.constant 48 : index
    %swap3A_432 = vector.load %arg18[%swap3A_428, %swap3A_429, %swap3A_430, %swap3A_431] : memref<1x8x1024x64xi32, #tpu.memory_space<vmem>>, vector<1x1x1024x16xi32>
    %swap3A_433 = vector.shape_cast %swap3A_432 : vector<1x1x1024x16xi32> to vector<1024x16xi32>
    %swap3A_434 = vector.shape_cast %slice3A_427 : vector<1024x16xi32> to vector<1x1x1024x16xi32>
    tpu.vector_store %arg18[%swap3A_428, %swap3A_429, %swap3A_430, %swap3A_431], %swap3A_434 {strides = array<i32>} : memref<1x8x1024x64xi32, #tpu.memory_space<vmem>>, vector<1x1x1024x16xi32>,
    %get3A_435 = arith.constant 0 : index
    %get3A_436 = arith.constant 0 : index
    %get3A_437 = arith.constant 0 : index
    %get3A_438 = vector.load %arg4[%get3A_435, %get3A_436, %get3A_437] : memref<1x1024x256xf32, #tpu.memory_space<vmem>>, vector<1x1024x256xf32>
    %get3A_439 = vector.shape_cast %get3A_438 : vector<1x1024x256xf32> to vector<1024x256xf32>
    %get3A_440 = arith.constant 0 : index
    %get3A_441 = arith.constant 0 : index
    %get3A_442 = vector.load %arg7[%get3A_440, %get3A_441] : memref<256x256xf32, #tpu.memory_space<vmem>>, vector<256x256xf32>
    %dot_general3A_443 = arith.constant dense<0.000000e+00> : vector<1024x256xf32>
    %dot_general3A_444 = tpu.matmul %get3A_439, %get3A_442, %dot_general3A_443 {dimension_numbers = #tpu.dot_dimension_numbers<[1], [0], [0], [1], [0, 0, 1, 1], [], []>, transpose_lhs_hint = false} : vector<1024x256xf32>, vector<256x256xf32>, vector<1024x256xf32> -> vector<1024x256xf32>
    %get3A_445 = arith.constant 0 : index
    %get3A_446 = arith.constant 0 : index
    %get3A_447 = vector.load %arg10[%get3A_445, %get3A_446] : memref<1x256xf32, #tpu.memory_space<vmem>>, vector<1x256xf32>
    %get3A_448 = vector.shape_cast %get3A_447 : vector<1x256xf32> to vector<256xf32>
    %broadcast_in_dim3A_449 = vector.shape_cast %get3A_448 : vector<256xf32> to vector<1x256xf32>
    %add3A_450 = vector.broadcast %broadcast_in_dim3A_449 : vector<1x256xf32> to vector<1024x256xf32>
    %add3A_451 = arith.addf %dot_general3A_444, %add3A_450 : vector<1024x256xf32>
    %slice3A_452 = vector.extract_strided_slice %add3A_451 {offsets = [0, 0], sizes = [1024, 32], strides = [1, 1]} : vector<1024x256xf32> to vector<1024x32xf32>
    %swap3A_453 = arith.constant 0 : index
    %swap3A_454 = arith.constant 0 : index
    %swap3A_455 = arith.constant 0 : index
    %swap3A_456 = arith.constant 0 : index
    %swap3A_457 = vector.load %arg17[%swap3A_453, %swap3A_454, %swap3A_455, %swap3A_456] : memref<1x8x1024x32xf32, #tpu.memory_space<vmem>>, vector<1x1x1024x32xf32>
    %swap3A_458 = vector.shape_cast %swap3A_457 : vector<1x1x1024x32xf32> to vector<1024x32xf32>
    %swap3A_459 = vector.shape_cast %slice3A_452 : vector<1024x32xf32> to vector<1x1x1024x32xf32>
    tpu.vector_store %arg17[%swap3A_453, %swap3A_454, %swap3A_455, %swap3A_456], %swap3A_459 {strides = array<i32>} : memref<1x8x1024x32xf32, #tpu.memory_space<vmem>>, vector<1x1x1024x32xf32>,
    %slice3A_460 = vector.extract_strided_slice %add3A_451 {offsets = [0, 32], sizes = [1024, 32], strides = [1, 1]} : vector<1024x256xf32> to vector<1024x32xf32>
    %swap3A_461 = arith.constant 0 : index
    %swap3A_462 = arith.constant 1 : index
    %swap3A_463 = arith.constant 0 : index
    %swap3A_464 = arith.constant 0 : index
    %swap3A_465 = vector.load %arg17[%swap3A_461, %swap3A_462, %swap3A_463, %swap3A_464] : memref<1x8x1024x32xf32, #tpu.memory_space<vmem>>, vector<1x1x1024x32xf32>
    %swap3A_466 = vector.shape_cast %swap3A_465 : vector<1x1x1024x32xf32> to vector<1024x32xf32>
    %swap3A_467 = vector.shape_cast %slice3A_460 : vector<1024x32xf32> to vector<1x1x1024x32xf32>
    tpu.vector_store %arg17[%swap3A_461, %swap3A_462, %swap3A_463, %swap3A_464], %swap3A_467 {strides = array<i32>} : memref<1x8x1024x32xf32, #tpu.memory_space<vmem>>, vector<1x1x1024x32xf32>,
    %slice3A_468 = vector.extract_strided_slice %add3A_451 {offsets = [0, 64], sizes = [1024, 32], strides = [1, 1]} : vector<1024x256xf32> to vector<1024x32xf32>
    %swap3A_469 = arith.constant 0 : index
    %swap3A_470 = arith.constant 2 : index
    %swap3A_471 = arith.constant 0 : index
    %swap3A_472 = arith.constant 0 : index
    %swap3A_473 = vector.load %arg17[%swap3A_469, %swap3A_470, %swap3A_471, %swap3A_472] : memref<1x8x1024x32xf32, #tpu.memory_space<vmem>>, vector<1x1x1024x32xf32>
    %swap3A_474 = vector.shape_cast %swap3A_473 : vector<1x1x1024x32xf32> to vector<1024x32xf32>
    %swap3A_475 = vector.shape_cast %slice3A_468 : vector<1024x32xf32> to vector<1x1x1024x32xf32>
    tpu.vector_store %arg17[%swap3A_469, %swap3A_470, %swap3A_471, %swap3A_472], %swap3A_475 {strides = array<i32>} : memref<1x8x1024x32xf32, #tpu.memory_space<vmem>>, vector<1x1x1024x32xf32>,
    %slice3A_476 = vector.extract_strided_slice %add3A_451 {offsets = [0, 96], sizes = [1024, 32], strides = [1, 1]} : vector<1024x256xf32> to vector<1024x32xf32>
    %swap3A_477 = arith.constant 0 : index
    %swap3A_478 = arith.constant 3 : index
    %swap3A_479 = arith.constant 0 : index
    %swap3A_480 = arith.constant 0 : index
    %swap3A_481 = vector.load %arg17[%swap3A_477, %swap3A_478, %swap3A_479, %swap3A_480] : memref<1x8x1024x32xf32, #tpu.memory_space<vmem>>, vector<1x1x1024x32xf32>
    %swap3A_482 = vector.shape_cast %swap3A_481 : vector<1x1x1024x32xf32> to vector<1024x32xf32>
    %swap3A_483 = vector.shape_cast %slice3A_476 : vector<1024x32xf32> to vector<1x1x1024x32xf32>
    tpu.vector_store %arg17[%swap3A_477, %swap3A_478, %swap3A_479, %swap3A_480], %swap3A_483 {strides = array<i32>} : memref<1x8x1024x32xf32, #tpu.memory_space<vmem>>, vector<1x1x1024x32xf32>,
    %slice3A_484 = vector.extract_strided_slice %add3A_451 {offsets = [0, 128], sizes = [1024, 32], strides = [1, 1]} : vector<1024x256xf32> to vector<1024x32xf32>
    %swap3A_485 = arith.constant 0 : index
    %swap3A_486 = arith.constant 4 : index
    %swap3A_487 = arith.constant 0 : index
    %swap3A_488 = arith.constant 0 : index
    %swap3A_489 = vector.load %arg17[%swap3A_485, %swap3A_486, %swap3A_487, %swap3A_488] : memref<1x8x1024x32xf32, #tpu.memory_space<vmem>>, vector<1x1x1024x32xf32>
    %swap3A_490 = vector.shape_cast %swap3A_489 : vector<1x1x1024x32xf32> to vector<1024x32xf32>
    %swap3A_491 = vector.shape_cast %slice3A_484 : vector<1024x32xf32> to vector<1x1x1024x32xf32>
    tpu.vector_store %arg17[%swap3A_485, %swap3A_486, %swap3A_487, %swap3A_488], %swap3A_491 {strides = array<i32>} : memref<1x8x1024x32xf32, #tpu.memory_space<vmem>>, vector<1x1x1024x32xf32>,
    %slice3A_492 = vector.extract_strided_slice %add3A_451 {offsets = [0, 160], sizes = [1024, 32], strides = [1, 1]} : vector<1024x256xf32> to vector<1024x32xf32>
    %swap3A_493 = arith.constant 0 : index
    %swap3A_494 = arith.constant 5 : index
    %swap3A_495 = arith.constant 0 : index
    %swap3A_496 = arith.constant 0 : index
    %swap3A_497 = vector.load %arg17[%swap3A_493, %swap3A_494, %swap3A_495, %swap3A_496] : memref<1x8x1024x32xf32, #tpu.memory_space<vmem>>, vector<1x1x1024x32xf32>
    %swap3A_498 = vector.shape_cast %swap3A_497 : vector<1x1x1024x32xf32> to vector<1024x32xf32>
    %swap3A_499 = vector.shape_cast %slice3A_492 : vector<1024x32xf32> to vector<1x1x1024x32xf32>
    tpu.vector_store %arg17[%swap3A_493, %swap3A_494, %swap3A_495, %swap3A_496], %swap3A_499 {strides = array<i32>} : memref<1x8x1024x32xf32, #tpu.memory_space<vmem>>, vector<1x1x1024x32xf32>,
    %slice3A_500 = vector.extract_strided_slice %add3A_451 {offsets = [0, 192], sizes = [1024, 32], strides = [1, 1]} : vector<1024x256xf32> to vector<1024x32xf32>
    %swap3A_501 = arith.constant 0 : index
    %swap3A_502 = arith.constant 6 : index
    %swap3A_503 = arith.constant 0 : index
    %swap3A_504 = arith.constant 0 : index
    %swap3A_505 = vector.load %arg17[%swap3A_501, %swap3A_502, %swap3A_503, %swap3A_504] : memref<1x8x1024x32xf32, #tpu.memory_space<vmem>>, vector<1x1x1024x32xf32>
    %swap3A_506 = vector.shape_cast %swap3A_505 : vector<1x1x1024x32xf32> to vector<1024x32xf32>
    %swap3A_507 = vector.shape_cast %slice3A_500 : vector<1024x32xf32> to vector<1x1x1024x32xf32>
    tpu.vector_store %arg17[%swap3A_501, %swap3A_502, %swap3A_503, %swap3A_504], %swap3A_507 {strides = array<i32>} : memref<1x8x1024x32xf32, #tpu.memory_space<vmem>>, vector<1x1x1024x32xf32>,
    %slice3A_508 = vector.extract_strided_slice %add3A_451 {offsets = [0, 224], sizes = [1024, 32], strides = [1, 1]} : vector<1024x256xf32> to vector<1024x32xf32>
    %swap3A_509 = arith.constant 0 : index
    %swap3A_510 = arith.constant 7 : index
    %swap3A_511 = arith.constant 0 : index
    %swap3A_512 = arith.constant 0 : index
    %swap3A_513 = vector.load %arg17[%swap3A_509, %swap3A_510, %swap3A_511, %swap3A_512] : memref<1x8x1024x32xf32, #tpu.memory_space<vmem>>, vector<1x1x1024x32xf32>
    %swap3A_514 = vector.shape_cast %swap3A_513 : vector<1x1x1024x32xf32> to vector<1024x32xf32>
    %swap3A_515 = vector.shape_cast %slice3A_508 : vector<1024x32xf32> to vector<1x1x1024x32xf32>
    tpu.vector_store %arg17[%swap3A_509, %swap3A_510, %swap3A_511, %swap3A_512], %swap3A_515 {strides = array<i32>} : memref<1x8x1024x32xf32, #tpu.memory_space<vmem>>, vector<1x1x1024x32xf32>,
    return
  }
  func.func @transform_0(%arg0: i32, %arg1: i32) -> (i32, i32, i32) {
    %c0_i32 = arith.constant 0 : i32
    %c0_i32_0 = arith.constant 0 : i32
    return %arg0, %arg1, %c0_i32 : i32, i32, i32
  }
  func.func @transform_1(%arg0: i32, %arg1: i32) -> (i32, i32, i32) {
    %c0_i32 = arith.constant 0 : i32
    %c0_i32_0 = arith.constant 0 : i32
    return %arg0, %arg1, %c0_i32 : i32, i32, i32
  }
  func.func @transform_2(%arg0: i32, %arg1: i32) -> (i32, i32, i32) {
    %c0_i32 = arith.constant 0 : i32
    %c0_i32_0 = arith.constant 0 : i32
    return %arg0, %arg1, %c0_i32 : i32, i32, i32
  }
  func.func @transform_3(%arg0: i32, %arg1: i32) -> (i32, i32) {
    %c0_i32 = arith.constant 0 : i32
    %c0_i32_0 = arith.constant 0 : i32
    %c0_i32_1 = arith.constant 0 : i32
    return %c0_i32, %c0_i32_0 : i32, i32
  }
  func.func @transform_4(%arg0: i32, %arg1: i32) -> (i32, i32) {
    %c0_i32 = arith.constant 0 : i32
    %c0_i32_0 = arith.constant 0 : i32
    %c0_i32_1 = arith.constant 0 : i32
    return %c0_i32, %c0_i32_0 : i32, i32
  }
  func.func @transform_5(%arg0: i32, %arg1: i32) -> (i32, i32) {
    %c0_i32 = arith.constant 0 : i32
    %c0_i32_0 = arith.constant 0 : i32
    %c0_i32_1 = arith.constant 0 : i32
    return %c0_i32, %c0_i32_0 : i32, i32
  }
  func.func @transform_6(%arg0: i32, %arg1: i32) -> (i32, i32) {
    %c0_i32 = arith.constant 0 : i32
    %c0_i32_0 = arith.constant 0 : i32
    %c0_i32_1 = arith.constant 0 : i32
    return %c0_i32, %c0_i32_0 : i32, i32
  }
  func.func @transform_7(%arg0: i32, %arg1: i32) -> (i32, i32) {
    %c0_i32 = arith.constant 0 : i32
    %c0_i32_0 = arith.constant 0 : i32
    %c0_i32_1 = arith.constant 0 : i32
    return %c0_i32, %c0_i32_0 : i32, i32
  }
  func.func @transform_8(%arg0: i32, %arg1: i32) -> (i32, i32) {
    %c0_i32 = arith.constant 0 : i32
    %c0_i32_0 = arith.constant 0 : i32
    %c0_i32_1 = arith.constant 0 : i32
    return %c0_i32, %c0_i32_0 : i32, i32
  }
  func.func @transform_9(%arg0: i32, %arg1: i32) -> (i32, i32) {
    %c0_i32 = arith.constant 0 : i32
    %c0_i32_0 = arith.constant 0 : i32
    %c0_i32_1 = arith.constant 0 : i32
    return %c0_i32, %c0_i32_0 : i32, i32
  }
  func.func @transform_10(%arg0: i32, %arg1: i32) -> (i32, i32) {
    %c0_i32 = arith.constant 0 : i32
    %c0_i32_0 = arith.constant 0 : i32
    %c0_i32_1 = arith.constant 0 : i32
    return %c0_i32, %c0_i32_0 : i32, i32
  }
  func.func @transform_11(%arg0: i32, %arg1: i32) -> (i32, i32) {
    %c0_i32 = arith.constant 0 : i32
    %c0_i32_0 = arith.constant 0 : i32
    %c0_i32_1 = arith.constant 0 : i32
    return %c0_i32, %c0_i32_0 : i32, i32
  }
  func.func @transform_12(%arg0: i32, %arg1: i32) -> (i32, i32) {
    %c0_i32 = arith.constant 0 : i32
    %c0_i32_0 = arith.constant 0 : i32
    %c0_i32_1 = arith.constant 0 : i32
    return %c0_i32, %c0_i32_0 : i32, i32
  }
  func.func @transform_13(%arg0: i32, %arg1: i32) -> (i32, i32) {
    %c0_i32 = arith.constant 0 : i32
    %c0_i32_0 = arith.constant 0 : i32
    %c0_i32_1 = arith.constant 0 : i32
    return %c0_i32, %c0_i32_0 : i32, i32
  }
  func.func @transform_14(%arg0: i32, %arg1: i32) -> (i32, i32) {
    %c0_i32 = arith.constant 0 : i32
    %c0_i32_0 = arith.constant 0 : i32
    %c0_i32_1 = arith.constant 0 : i32
    return %c0_i32, %c0_i32_0 : i32, i32
  }
  func.func @transform_15(%arg0: i32, %arg1: i32) -> (i32, i32, i32, i32) {
    %c0_i32 = arith.constant 0 : i32
    %c0_i32_0 = arith.constant 0 : i32
    %c0_i32_1 = arith.constant 0 : i32
    return %arg0, %c0_i32, %arg1, %c0_i32_0 : i32, i32, i32, i32
  }
  func.func @transform_16(%arg0: i32, %arg1: i32) -> (i32, i32, i32, i32) {
    %c0_i32 = arith.constant 0 : i32
    %c0_i32_0 = arith.constant 0 : i32
    %c0_i32_1 = arith.constant 0 : i32
    return %arg0, %c0_i32, %arg1, %c0_i32_0 : i32, i32, i32, i32
  }
}

module attributes {stable_mosaic.version = 14 : i64} {
  func.func @_proj_body(%arg0: i32, %arg1: i32, %arg2: memref<1x8x1024x32xf32, #tpu.memory_space<vmem>>, %arg3: memref<8x32x256xf32, #tpu.memory_space<vmem>>, %arg4: memref<1x256xf32, #tpu.memory_space<vmem>>, %arg5: memref<1x1024x256xf32, #tpu.memory_space<vmem>>) attributes {dimension_semantics = [#tpu.dimension_semantics<arbitrary>, #tpu.dimension_semantics<arbitrary>], iteration_bounds = array<i64: 2, 3>, scalar_prefetch = 0 : i64, scratch_operands = 0 : i64, tpu.core_type = #tpu.core_type<tc>, window_params = [{transform_indices = @transform_0, window_bounds = array<i64: 1, 8, 1024, 32>}, {pipeline_mode = #tpu.pipeline_mode<synchronous>, transform_indices = @transform_1, window_bounds = array<i64: 8, 32, 256>}, {pipeline_mode = #tpu.pipeline_mode<synchronous>, transform_indices = @transform_2, window_bounds = array<i64: 1, 256>}, {transform_indices = @transform_3, window_bounds = array<i64: 1, 1024, 256>}]} {
    %get3A = arith.constant 0 : index
    %get3A_0 = arith.constant 0 : index
    %get3A_1 = vector.load %arg4[%get3A, %get3A_0] : memref<1x256xf32, #tpu.memory_space<vmem>>, vector<1x256xf32>
    %get3A_2 = vector.shape_cast %get3A_1 : vector<1x256xf32> to vector<256xf32>
    %broadcast_in_dim3A = vector.shape_cast %get3A_2 : vector<256xf32> to vector<1x256xf32>
    %broadcast_in_dim3A_3 = vector.broadcast %broadcast_in_dim3A : vector<1x256xf32> to vector<1024x256xf32>
    %get3A_4 = arith.constant 0 : index
    %get3A_5 = arith.constant 0 : index
    %get3A_6 = arith.constant 0 : index
    %get3A_7 = arith.constant 0 : index
    %get3A_8 = vector.load %arg2[%get3A_4, %get3A_5, %get3A_6, %get3A_7] : memref<1x8x1024x32xf32, #tpu.memory_space<vmem>>, vector<1x1x1024x32xf32>
    %get3A_9 = vector.shape_cast %get3A_8 : vector<1x1x1024x32xf32> to vector<1024x32xf32>
    %get3A_10 = arith.constant 0 : index
    %get3A_11 = arith.constant 0 : index
    %get3A_12 = arith.constant 0 : index
    %get3A_13 = vector.load %arg3[%get3A_10, %get3A_11, %get3A_12] : memref<8x32x256xf32, #tpu.memory_space<vmem>>, vector<1x32x256xf32>
    %get3A_14 = vector.shape_cast %get3A_13 : vector<1x32x256xf32> to vector<32x256xf32>
    %dot_general3A = arith.constant dense<0.000000e+00> : vector<1024x256xf32>
    %dot_general3A_15 = tpu.matmul %get3A_9, %get3A_14, %dot_general3A {dimension_numbers = #tpu.dot_dimension_numbers<[1], [0], [0], [1], [0, 0, 1, 1], [], []>, transpose_lhs_hint = false} : vector<1024x32xf32>, vector<32x256xf32>, vector<1024x256xf32> -> vector<1024x256xf32>
    %add3A = arith.addf %broadcast_in_dim3A_3, %dot_general3A_15 : vector<1024x256xf32>
    %get3A_16 = arith.constant 0 : index
    %get3A_17 = arith.constant 1 : index
    %get3A_18 = arith.constant 0 : index
    %get3A_19 = arith.constant 0 : index
    %get3A_20 = vector.load %arg2[%get3A_16, %get3A_17, %get3A_18, %get3A_19] : memref<1x8x1024x32xf32, #tpu.memory_space<vmem>>, vector<1x1x1024x32xf32>
    %get3A_21 = vector.shape_cast %get3A_20 : vector<1x1x1024x32xf32> to vector<1024x32xf32>
    %get3A_22 = arith.constant 1 : index
    %get3A_23 = arith.constant 0 : index
    %get3A_24 = arith.constant 0 : index
    %get3A_25 = vector.load %arg3[%get3A_22, %get3A_23, %get3A_24] : memref<8x32x256xf32, #tpu.memory_space<vmem>>, vector<1x32x256xf32>
    %get3A_26 = vector.shape_cast %get3A_25 : vector<1x32x256xf32> to vector<32x256xf32>
    %dot_general3A_27 = arith.constant dense<0.000000e+00> : vector<1024x256xf32>
    %dot_general3A_28 = tpu.matmul %get3A_21, %get3A_26, %dot_general3A_27 {dimension_numbers = #tpu.dot_dimension_numbers<[1], [0], [0], [1], [0, 0, 1, 1], [], []>, transpose_lhs_hint = false} : vector<1024x32xf32>, vector<32x256xf32>, vector<1024x256xf32> -> vector<1024x256xf32>
    %add3A_29 = arith.addf %add3A, %dot_general3A_28 : vector<1024x256xf32>
    %get3A_30 = arith.constant 0 : index
    %get3A_31 = arith.constant 2 : index
    %get3A_32 = arith.constant 0 : index
    %get3A_33 = arith.constant 0 : index
    %get3A_34 = vector.load %arg2[%get3A_30, %get3A_31, %get3A_32, %get3A_33] : memref<1x8x1024x32xf32, #tpu.memory_space<vmem>>, vector<1x1x1024x32xf32>
    %get3A_35 = vector.shape_cast %get3A_34 : vector<1x1x1024x32xf32> to vector<1024x32xf32>
    %get3A_36 = arith.constant 2 : index
    %get3A_37 = arith.constant 0 : index
    %get3A_38 = arith.constant 0 : index
    %get3A_39 = vector.load %arg3[%get3A_36, %get3A_37, %get3A_38] : memref<8x32x256xf32, #tpu.memory_space<vmem>>, vector<1x32x256xf32>
    %get3A_40 = vector.shape_cast %get3A_39 : vector<1x32x256xf32> to vector<32x256xf32>
    %dot_general3A_41 = arith.constant dense<0.000000e+00> : vector<1024x256xf32>
    %dot_general3A_42 = tpu.matmul %get3A_35, %get3A_40, %dot_general3A_41 {dimension_numbers = #tpu.dot_dimension_numbers<[1], [0], [0], [1], [0, 0, 1, 1], [], []>, transpose_lhs_hint = false} : vector<1024x32xf32>, vector<32x256xf32>, vector<1024x256xf32> -> vector<1024x256xf32>
    %add3A_43 = arith.addf %add3A_29, %dot_general3A_42 : vector<1024x256xf32>
    %get3A_44 = arith.constant 0 : index
    %get3A_45 = arith.constant 3 : index
    %get3A_46 = arith.constant 0 : index
    %get3A_47 = arith.constant 0 : index
    %get3A_48 = vector.load %arg2[%get3A_44, %get3A_45, %get3A_46, %get3A_47] : memref<1x8x1024x32xf32, #tpu.memory_space<vmem>>, vector<1x1x1024x32xf32>
    %get3A_49 = vector.shape_cast %get3A_48 : vector<1x1x1024x32xf32> to vector<1024x32xf32>
    %get3A_50 = arith.constant 3 : index
    %get3A_51 = arith.constant 0 : index
    %get3A_52 = arith.constant 0 : index
    %get3A_53 = vector.load %arg3[%get3A_50, %get3A_51, %get3A_52] : memref<8x32x256xf32, #tpu.memory_space<vmem>>, vector<1x32x256xf32>
    %get3A_54 = vector.shape_cast %get3A_53 : vector<1x32x256xf32> to vector<32x256xf32>
    %dot_general3A_55 = arith.constant dense<0.000000e+00> : vector<1024x256xf32>
    %dot_general3A_56 = tpu.matmul %get3A_49, %get3A_54, %dot_general3A_55 {dimension_numbers = #tpu.dot_dimension_numbers<[1], [0], [0], [1], [0, 0, 1, 1], [], []>, transpose_lhs_hint = false} : vector<1024x32xf32>, vector<32x256xf32>, vector<1024x256xf32> -> vector<1024x256xf32>
    %add3A_57 = arith.addf %add3A_43, %dot_general3A_56 : vector<1024x256xf32>
    %get3A_58 = arith.constant 0 : index
    %get3A_59 = arith.constant 4 : index
    %get3A_60 = arith.constant 0 : index
    %get3A_61 = arith.constant 0 : index
    %get3A_62 = vector.load %arg2[%get3A_58, %get3A_59, %get3A_60, %get3A_61] : memref<1x8x1024x32xf32, #tpu.memory_space<vmem>>, vector<1x1x1024x32xf32>
    %get3A_63 = vector.shape_cast %get3A_62 : vector<1x1x1024x32xf32> to vector<1024x32xf32>
    %get3A_64 = arith.constant 4 : index
    %get3A_65 = arith.constant 0 : index
    %get3A_66 = arith.constant 0 : index
    %get3A_67 = vector.load %arg3[%get3A_64, %get3A_65, %get3A_66] : memref<8x32x256xf32, #tpu.memory_space<vmem>>, vector<1x32x256xf32>
    %get3A_68 = vector.shape_cast %get3A_67 : vector<1x32x256xf32> to vector<32x256xf32>
    %dot_general3A_69 = arith.constant dense<0.000000e+00> : vector<1024x256xf32>
    %dot_general3A_70 = tpu.matmul %get3A_63, %get3A_68, %dot_general3A_69 {dimension_numbers = #tpu.dot_dimension_numbers<[1], [0], [0], [1], [0, 0, 1, 1], [], []>, transpose_lhs_hint = false} : vector<1024x32xf32>, vector<32x256xf32>, vector<1024x256xf32> -> vector<1024x256xf32>
    %add3A_71 = arith.addf %add3A_57, %dot_general3A_70 : vector<1024x256xf32>
    %get3A_72 = arith.constant 0 : index
    %get3A_73 = arith.constant 5 : index
    %get3A_74 = arith.constant 0 : index
    %get3A_75 = arith.constant 0 : index
    %get3A_76 = vector.load %arg2[%get3A_72, %get3A_73, %get3A_74, %get3A_75] : memref<1x8x1024x32xf32, #tpu.memory_space<vmem>>, vector<1x1x1024x32xf32>
    %get3A_77 = vector.shape_cast %get3A_76 : vector<1x1x1024x32xf32> to vector<1024x32xf32>
    %get3A_78 = arith.constant 5 : index
    %get3A_79 = arith.constant 0 : index
    %get3A_80 = arith.constant 0 : index
    %get3A_81 = vector.load %arg3[%get3A_78, %get3A_79, %get3A_80] : memref<8x32x256xf32, #tpu.memory_space<vmem>>, vector<1x32x256xf32>
    %get3A_82 = vector.shape_cast %get3A_81 : vector<1x32x256xf32> to vector<32x256xf32>
    %dot_general3A_83 = arith.constant dense<0.000000e+00> : vector<1024x256xf32>
    %dot_general3A_84 = tpu.matmul %get3A_77, %get3A_82, %dot_general3A_83 {dimension_numbers = #tpu.dot_dimension_numbers<[1], [0], [0], [1], [0, 0, 1, 1], [], []>, transpose_lhs_hint = false} : vector<1024x32xf32>, vector<32x256xf32>, vector<1024x256xf32> -> vector<1024x256xf32>
    %add3A_85 = arith.addf %add3A_71, %dot_general3A_84 : vector<1024x256xf32>
    %get3A_86 = arith.constant 0 : index
    %get3A_87 = arith.constant 6 : index
    %get3A_88 = arith.constant 0 : index
    %get3A_89 = arith.constant 0 : index
    %get3A_90 = vector.load %arg2[%get3A_86, %get3A_87, %get3A_88, %get3A_89] : memref<1x8x1024x32xf32, #tpu.memory_space<vmem>>, vector<1x1x1024x32xf32>
    %get3A_91 = vector.shape_cast %get3A_90 : vector<1x1x1024x32xf32> to vector<1024x32xf32>
    %get3A_92 = arith.constant 6 : index
    %get3A_93 = arith.constant 0 : index
    %get3A_94 = arith.constant 0 : index
    %get3A_95 = vector.load %arg3[%get3A_92, %get3A_93, %get3A_94] : memref<8x32x256xf32, #tpu.memory_space<vmem>>, vector<1x32x256xf32>
    %get3A_96 = vector.shape_cast %get3A_95 : vector<1x32x256xf32> to vector<32x256xf32>
    %dot_general3A_97 = arith.constant dense<0.000000e+00> : vector<1024x256xf32>
    %dot_general3A_98 = tpu.matmul %get3A_91, %get3A_96, %dot_general3A_97 {dimension_numbers = #tpu.dot_dimension_numbers<[1], [0], [0], [1], [0, 0, 1, 1], [], []>, transpose_lhs_hint = false} : vector<1024x32xf32>, vector<32x256xf32>, vector<1024x256xf32> -> vector<1024x256xf32>
    %add3A_99 = arith.addf %add3A_85, %dot_general3A_98 : vector<1024x256xf32>
    %get3A_100 = arith.constant 0 : index
    %get3A_101 = arith.constant 7 : index
    %get3A_102 = arith.constant 0 : index
    %get3A_103 = arith.constant 0 : index
    %get3A_104 = vector.load %arg2[%get3A_100, %get3A_101, %get3A_102, %get3A_103] : memref<1x8x1024x32xf32, #tpu.memory_space<vmem>>, vector<1x1x1024x32xf32>
    %get3A_105 = vector.shape_cast %get3A_104 : vector<1x1x1024x32xf32> to vector<1024x32xf32>
    %get3A_106 = arith.constant 7 : index
    %get3A_107 = arith.constant 0 : index
    %get3A_108 = arith.constant 0 : index
    %get3A_109 = vector.load %arg3[%get3A_106, %get3A_107, %get3A_108] : memref<8x32x256xf32, #tpu.memory_space<vmem>>, vector<1x32x256xf32>
    %get3A_110 = vector.shape_cast %get3A_109 : vector<1x32x256xf32> to vector<32x256xf32>
    %dot_general3A_111 = arith.constant dense<0.000000e+00> : vector<1024x256xf32>
    %dot_general3A_112 = tpu.matmul %get3A_105, %get3A_110, %dot_general3A_111 {dimension_numbers = #tpu.dot_dimension_numbers<[1], [0], [0], [1], [0, 0, 1, 1], [], []>, transpose_lhs_hint = false} : vector<1024x32xf32>, vector<32x256xf32>, vector<1024x256xf32> -> vector<1024x256xf32>
    %add3A_113 = arith.addf %add3A_99, %dot_general3A_112 : vector<1024x256xf32>
    %swap3A = arith.constant 0 : index
    %swap3A_114 = arith.constant 0 : index
    %swap3A_115 = arith.constant 0 : index
    %swap3A_116 = vector.load %arg5[%swap3A, %swap3A_114, %swap3A_115] : memref<1x1024x256xf32, #tpu.memory_space<vmem>>, vector<1x1024x256xf32>
    %swap3A_117 = vector.shape_cast %swap3A_116 : vector<1x1024x256xf32> to vector<1024x256xf32>
    %swap3A_118 = vector.shape_cast %add3A_113 : vector<1024x256xf32> to vector<1x1024x256xf32>
    tpu.vector_store %arg5[%swap3A, %swap3A_114, %swap3A_115], %swap3A_118 {strides = array<i32>} : memref<1x1024x256xf32, #tpu.memory_space<vmem>>, vector<1x1024x256xf32>,
    return
  }
  func.func @transform_0(%arg0: i32, %arg1: i32) -> (i32, i32, i32, i32) {
    %c0_i32 = arith.constant 0 : i32
    %c0_i32_0 = arith.constant 0 : i32
    %c0_i32_1 = arith.constant 0 : i32
    return %arg0, %c0_i32, %arg1, %c0_i32_0 : i32, i32, i32, i32
  }
  func.func @transform_1(%arg0: i32, %arg1: i32) -> (i32, i32, i32) {
    %c0_i32 = arith.constant 0 : i32
    %c0_i32_0 = arith.constant 0 : i32
    %c0_i32_1 = arith.constant 0 : i32
    %c0_i32_2 = arith.constant 0 : i32
    return %c0_i32, %c0_i32_0, %c0_i32_1 : i32, i32, i32
  }
  func.func @transform_2(%arg0: i32, %arg1: i32) -> (i32, i32) {
    %c0_i32 = arith.constant 0 : i32
    %c0_i32_0 = arith.constant 0 : i32
    %c0_i32_1 = arith.constant 0 : i32
    return %c0_i32, %c0_i32_0 : i32, i32
  }
  func.func @transform_3(%arg0: i32, %arg1: i32) -> (i32, i32, i32) {
    %c0_i32 = arith.constant 0 : i32
    %c0_i32_0 = arith.constant 0 : i32
    return %arg0, %arg1, %c0_i32 : i32, i32, i32
  }
}

</mosaic_0001>

<sc_bundles>
// kernel: kernel.5.cloned.1.call-start
scs
__scs_entry_jumppad:
0x0: {  	(pc) =	sbr.rel $0x88, $3  }
0x1: {  	(tag) =	ssettag $0x0;
	lr =	simm.s32 $0x1  }
0x2: {  	[smem:$0x3F96] =	sst lr;
	_ =	strace $0xD0000000  }
0x3: {  	_ = 	snop  }
0x4: {  	_ = 	snop  }
0x5: {  	_ = 	snop  }
0x6: {  	_ = 	snop  }
0x7: {  	_ = 	snop  }
__scs_overlays_trampoline_lowered:
0x8: {  	[smem:$0x3FA5] =	sst s0  }
0x9: {  	[smem:$0x3FA6] =	sst s1  }
0xa: {  	[smem:$0x3FA7] =	sst s2  }
0xb: {  	[smem:$0x3FA8] =	sst s3  }
0xc: {  	[smem:$0x3FA9] =	sst s4  }
0xd: {  	[smem:$0x3FAA] =	sst s5  }
0xe: {  	[smem:$0x3FAB] =	sst s6  }
0xf: {  	[smem:$0x3FAC] =	sst s7  }
0x10: {  	[smem:$0x3FAD] =	sst s8  }
0x11: {  	[smem:$0x3FAE] =	sst s9;
	s0 =	simm.s32 @!p0 $0x0  }
0x12: {  	s1 =	sld [smem:$0x3F94];
	s0 =	simm.s32 @p0 $0x1  }
0x13: {  	[smem:$0x3FAF] =	sst s0;
	s0 =	simm.s32 @!p1 $0x0  }
0x14: {  	s2 =	sld [smem:$0x3F93];
	s0 =	simm.s32 @p1 $0x1  }
0x15: {  	[smem:$0x3FB0] =	sst s0;
	s0 =	simm.s32 @!p2 $0x0  }
0x16: {  	s3 =	sld [smem:$0x3FDB];
	s0 =	simm.s32 @p2 $0x1  }
0x17: {  	s4 =	simm.s32 $0x1BF5;
	[smem:$0x3FB2] =	sst s0  }
0x18: {  	s0 =	sld [smem:$0x3F95];
	_ =	swait.ge [sflag:s4], $0x0  }
0x19: {  	s7 =	sld [smem:$0x3F96]  }
0x1a: {  	s8 =	sadd.s32 $0xFFFFE003, lr  }
0x1b: {  	s9 =	sadd.s32 $0xFFFFFEF7, lr;
	s5 =	simm.s32 $0xFFFFFFFF;
	p2 =	slt.u32 s8, $0xFFFFF086  }
0x1c: {  	p1 =	slt.u32 s9, $0xF7A;
	s5 =	simm.s32 @!p2 $0x0  }
0x1d: {  	s5 =	simm.s32 @p1 $0x1;
	p0 =	seq.s32 s7, s2  }
0x1e: {  	s7 =	smul.u32 @!p0 $0xF7A, s2;
	p2 =	seq.s32 @!p0 s5, $0x0  }
0x1f: {  	s9 =	smul.u32 $0xF7A, s1;
	s8 =	simm.s32 @!p0 $0x1BF5;
	p2 =	por !p2, p0  }
0x20: {  	[sflag:s8] =	ssyncset.s32 @!p0 $0xFFFFF086;
	s6 =	sadd.s32 @!p0 s3, s7;
	s7 =	simm.s32 @!p0 $0x108  }
0x21: {  	s3 =	sadd.s32 s3, s9;
	s6 =	sadd.s32 @!p0 $0x88, s6;
	s7 =	simm.s32 @p2 $0x1082  }
0x22: {  	[simem:s7], [sflag:s8] =	dma.local @!p0 [hbm:s6], $0xF7A  }
0x23: {  	s9 =	sor.u32 $0xD0000000, s2;
	s6 =	simm.s32 $0x108;
	_ =	swait.ge @!p0 [sflag:s8], $0x0  }
0x24: {  	s3 =	sadd.s32 $0x88, s3;
	s6 =	simm.s32 @!p1 $0x1082;
	[sflag:s4] =	ssyncset.s32 $0xFFFFF086  }
0x25: {  	[simem:s6], [sflag:s4] =	dma.local [hbm:s3], $0xF7A  }
0x26: {  	[smem:$0x3F96] =	sst s1;
	(tag) =	ssettag s2;
	_ =	strace s9  }
0x27: {  	s1 =	sld [smem:$0x3FA6]  }
0x28: {  	s2 =	sld [smem:$0x3FA7]  }
0x29: {  	s4 =	sld [smem:$0x3FA9]  }
0x2a: {  	p0 =	seq.s32 s5, $0x0;
	s5 =	sld [smem:$0x3FAA]  }
0x2b: {  	s6 =	sld [smem:$0x3FAB]  }
0x2c: {  	s7 =	sld [smem:$0x3FAC]  }
0x2d: {  	s3 =	simm.s32 $0x108;
	s8 =	sld [smem:$0x3FAD]  }
0x2e: {  	s3 =	simm.s32 @!p0 $0x1082;
	s9 =	sld [smem:$0x3FAE]  }
0x2f: {  	lr =	sadd.s32 s0, s3;
	s0 =	sld [smem:$0x3FA5]  }
0x30: {  	s3 =	sld [smem:$0x3FA8]  }
0x31: {  	[smem:$0x3FB1] =	sst s10  }
0x32: {  	s10 =	sld [smem:$0x3FAF];
	_ =	sdelay $0x3  }
0x33: {  	p0 =	seq.s32 s10, $0x1;
	s10 =	sld [smem:$0x3FB1];
	_ =	sdelay $0x3  }
0x34: {  	[smem:$0x3FB1] =	sst s10  }
0x35: {  	s10 =	sld [smem:$0x3FB0];
	_ =	sdelay $0x3  }
0x36: {  	p1 =	seq.s32 s10, $0x1;
	s10 =	sld [smem:$0x3FB1];
	_ =	sdelay $0x3  }
0x37: {  	[smem:$0x3FB1] =	sst s10  }
0x38: {  	s10 =	sld [smem:$0x3FB2]  }
0x39: {  	_ = 	snop;
	(pc) =	sbr.ind lr, $3  }
0x3a: {  	_ = 	snop  }
0x3b: {  	_ = 	snop  }
0x3c: {  	p2 =	seq.s32 s10, $0x1;
	s10 =	sld [smem:$0x3FB1]  }
0x3d: {  	_ =	shalt  }
0x3e: {  	_ =	shalt  }
0x3f: {  	_ =	shalt  }
0x40: {  	_ =	shalt  }
0x41: {  	_ =	shalt  }
0x42: {  	_ =	shalt  }
0x43: {  	_ =	shalt  }
0x44: {  	_ =	shalt  }
0x45: {  	_ =	shalt  }
0x46: {  	_ =	shalt  }
0x47: {  	_ =	shalt  }
0x48: {  	_ =	shalt  }
0x49: {  	_ =	shalt  }
0x4a: {  	_ =	shalt  }
0x4b: {  	_ =	shalt  }
0x4c: {  	_ =	shalt  }
0x4d: {  	_ =	shalt  }
0x4e: {  	_ =	shalt  }
0x4f: {  	_ =	shalt  }
0x50: {  	_ =	shalt  }
0x51: {  	_ =	shalt  }
0x52: {  	_ =	shalt  }
0x53: {  	_ =	shalt  }
0x54: {  	_ =	shalt  }
0x55: {  	_ =	shalt  }
0x56: {  	_ =	shalt  }
0x57: {  	_ =	shalt  }
0x58: {  	_ =	shalt  }
0x59: {  	_ =	shalt  }
0x5a: {  	_ =	shalt  }
0x5b: {  	_ =	shalt  }
0x5c: {  	_ =	shalt  }
0x5d: {  	_ =	shalt  }
0x5e: {  	_ =	shalt  }
0x5f: {  	_ =	shalt  }
0x60: {  	_ =	shalt  }
0x61: {  	_ =	shalt  }
0x62: {  	_ =	shalt  }
0x63: {  	_ =	shalt  }
0x64: {  	_ =	shalt  }
0x65: {  	_ =	shalt  }
0x66: {  	_ =	shalt  }
0x67: {  	_ =	shalt  }
0x68: {  	_ =	shalt  }
0x69: {  	_ =	shalt  }
0x6a: {  	_ =	shalt  }
0x6b: {  	_ =	shalt  }
0x6c: {  	_ =	shalt  }
0x6d: {  	_ =	shalt  }
0x6e: {  	_ =	shalt  }
0x6f: {  	_ =	shalt  }
0x70: {  	_ =	shalt  }
0x71: {  	_ =	shalt  }
0x72: {  	_ =	shalt  }
0x73: {  	_ =	shalt  }
0x74: {  	_ =	shalt  }
0x75: {  	_ =	shalt  }
0x76: {  	_ =	shalt  }
0x77: {  	_ =	shalt  }
0x78: {  	_ =	shalt  }
0x79: {  	_ =	shalt  }
0x7a: {  	_ =	shalt  }
0x7b: {  	_ =	shalt  }
0x7c: {  	_ =	shalt  }
0x7d: {  	_ =	shalt  }
0x7e: {  	_ =	shalt  }
0x7f: {  	_ =	shalt  }
0x80: {  	_ =	shalt  }
0x81: {  	_ =	shalt  }
0x82: {  	_ =	shalt  }
0x83: {  	_ =	shalt  }
0x84: {  	_ =	shalt  }
0x85: {  	_ =	shalt  }
0x86: {  	_ =	shalt  }
0x87: {  	_ =	shalt  }
.Lfunc_end0:
.L_simem_size_0:
called_computation_lowered:
.L_overlay_start_0:
0x88: {  	s2 =	sld [smem:$0x3FD9]  }
0x89: {  	s3 =	sld [smem:$0x3FFE];
	_ =	sdelay $0x1  }
0x8a: {  	s1 =	srdreg.scid  }
0x8b: {  	s0 =	sand.u32 $0x1, s1  }
0x8c: {  	s16 =	sshll.u32 s0, $0xA;
	s2 =	sadd.s32 s3, s2  }
0x8d: {  	s2 =	sadd.s32 s2, s16  }
0x8e: {  	[smem:$0x3FBD] =	sst s2  }
0x8f: {  	_ = 	snop  }
0x90: {  	(tm) =	ssettm $0x1  }
0x91: {  	s17 =	sld [smem:$0x3FFB];
	_ =	sdelay $0x3  }
0x92: {  	_ =	strace s17  }
0x93: {  	s2 =	sld [smem:$0x3FFC];
	_ =	sdelay $0x3  }
0x94: {  	_ =	strace s2  }
0x95: {  	s2 =	sld [smem:$0x3FFD];
	_ =	sdelay $0x3  }
0x96: {  	_ =	strace s2  }
0x97: {  	_ =	strace $0x8FFFFFFF  }
0x98: {  	s18 =	sld [smem:$0x3FDB];
	_ =	sdelay $0x1  }
0x99: {  	s19 =	simm.s32 $_scs_section_size  }
0x9a: {  	s4 =	simm.s32 $_size__tile_overlayer_lowered;
	s5 =	simm.s32 $_tile_overlayer_lowered  }
0x9b: {  	s22 =	simm.s32 $0x1BFF;
	s21 =	sshll.u32 s5, $0x1;
	s2 =	sadd.s32 s19, s18  }
0x9c: {  	s6 =	simm.s32 $0x0;
	s20 =	sshll.u32 s4, $0x1;
	s4 =	sadd.s32 s21, s2  }
0x9d: {  	[timem:s6], [sflag:s22] =	dma.local [hbm:s4], s20  }
0x9e: {  	_ =	swait.ge [sflag:s22], s20  }
0x9f: {  	s3 =	ssub.s32 $0x0, s20;
	[sflag:s22] =	ssyncset.done $0x0  }
0xa0: {  	[sflag:s22] =	ssyncadd.s32 s3;
	_ =	sdelay $0x1  }
0xa1: {  	s23 =	simm.s32 $0x1B8B  }
0xa2: {  	_ =	swait.ge [sflag:s23], $0x1  }
0xa3: {  	[sflag:s23] =	ssyncset.done $0x0  }
0xa4: {  	s25 =	simm.s32 $0x1B8E;
	s24 =	sld [smem:$0x3FFE];
	[sflag:s23] =	ssyncadd.s32 $0xFFFFFFFF  }
0xa5: {  	s26 =	simm.s32 $execute0_lowered;
	[smem:$0x3FD2] =	sst s25  }
0xa6: {  	s4 =	sshll.u32 s26, $0x1;
	_ =	strace $0x80000046;
	[dreg:$0x1] =	wrdreg $0xFFFFFFFF  }
0xa7: {  	s28 =	simm.s32 $_size_execute0_lowered;
	s2 =	sadd.s32 s2, s4;
	[dreg:$0x0] =	wrdreg $0x0  }
0xa8: {  	s4 =	sshll.u32 s28, $0x1;
	[dreg:$0x2] =	wrdreg s2  }
0xa9: {  	[dreg:$0x3] =	wrdreg s4  }
0xaa: {  	[dreg:$0x4] =	wrdreg $0xC0  }
0xab: {  	_ =	task [dreg:s6], $0x5FFFF  }
0xac: {  	[dreg:$0x1] =	wrdreg $0xFFFFFFFF  }
0xad: {  	[dreg:$0x0] =	wrdreg $0x60  }
0xae: {  	[dreg:$0x2] =	wrdreg s24  }
0xaf: {  	[dreg:$0x3] =	wrdreg $0x9  }
0xb0: {  	_ =	task.clear_ibuf [dreg:s6], $0x4FFFF;
	_ =	strace $0x90000046  }
0xb1: {  	s29 =	simm.s32 $0x9;
	_ =	strace $0x80000048  }
0xb2: {  	_ =	swait.ge [sflag:s29], $0x1  }
0xb3: {  	[sflag:s29] =	ssyncadd.s32 $0xFFFFFFFF  }
0xb4: {  	_ =	strace $0x90000048  }
0xb5: {  	_ =	sfence  }
0xb6: {  	s30 =	sld [smem:$0x0];
	_ =	sdelay $0x2  }
0xb7: {  	s31 =	sshll.u32 s1, $0xD;
	s1 =	sshrl.u32 s1, $0x2  }
0xb8: {  	s3 =	sand.u32 $0x4000, s31;
	s1 =	sadd.s32 s1, s30  }
0xb9: {  	s0 =	sor.u32 s3, s0;
	s1 =	sshll.u32 s1, $0x11  }
0xba: {  	s0 =	sor.u32 s1, s0  }
0xbb: {  	s0 =	sadd.s32 $0x8F2B, s0  }
0xbc: {  	[sflag:s0] =	ssyncadd.remote.s32 $0x1  }
0xbd: {  	_ =	sfence.sel $0xFFFF  }
0xbe: {  	[dreg:$0x0] =	wrdreg $0xFFFFFFFF;
	(pc) =	sbr.abs _section_cstart, $3  }
0xbf: {  	[dreg:$0x1] =	wrdreg $0xFFFFFFFF  }
0xc0: {  	_ =	task.clear_ibuf [dreg:s6], $0x2FFFF;
	_ =	strace $0x9FFFFFFF  }
0xc1: {  	(tm) =	ssettm $0x7FFFFFFF  }
tec
execute0_lowered:
.L_overlay_start_1:
0x0: {  	(tag) =	ssettag $0x1  }
0x1: {  	s0 =	stileid.u32  }
0x2: {  	s1 =	srdreg.scid;
	s6 =	rddreg [dreg:$0x0];
	s14 =	simm.s32 $0x80  }
0x3: {  	s15 =	simm.s32 $0x400;
	s16 =	simm.s32 $0x18000;
	s17 =	simm.s32 $0x1A000  }
0x4: {  	s18 =	simm.s32 $0x1;
	s19 =	simm.s32 $0x2;
	s20 =	simm.s32 $0x1C000  }
0x5: {  	s21 =	simm.s32 $0x3;
	s22 =	simm.s32 $0x1E000;
	s23 =	simm.s32 $0x4  }
0x6: {  	s24 =	simm.s32 $0x5;
	s25 =	simm.s32 $0x0;
	s2 =	sshll.u32 s0, $0x1  }
0x7: {  	s5 =	sand.u32 $0x1, s1;
	s29 =	sshrl.u32 s0, $0x3;
	s28 =	sand.u32 $0xE, s2  }
0x8: {  	s2 =	simm.s32 $0x0;
	s8 =	smul.u32 $0x30000, s29;
	s10 =	ssub.s32 $0x2, s5  }
0x9: {  	v0 =	vimm.s32 $0x5;
	s12 =	smul.u32 $0x600, s29;
	s3 =	sor.u32 s5, s28;
	s1 =	sshrl.u32 s28, $0x3  }
0xa: {  	v1 =	vimm.s32 $0xC;
	v2 =	vimm.s32 $0x1;
	v3 =	vimm.s32 $0xD;
	[smem:$0x7FF] =	sst s2;
	s30 =	sshrl.u32 s10, $0x1;
	s4 =	smul.u32 $0xC0000, s1  }
0xb: {  	v4 =	vimm.s32 $0xE;
	v6 =	vimm.s32 $0xC0;
	vm0 =	vcmask $0xF00;
	s7 =	sshll.u32 s3, $0x7;
	s1 =	rddreg [dreg:$0x1];
	s3 =	smul.u32 $0x60000, s3  }
0xc: {  	v5 =	vimm.s32 $0xF;
	vm14 =	vcmask $0x1F10;
	vm15 =	vcmask $0x2F20;
	_ =	strace $0x80000047;
	s13 =	ssub.s32 s10, s30;
	s7 =	sand.u32 $0x380, s7  }
.Ltmp0:
0xd: {  	v9 =	vlaneseq.u32;
	v11 =	vimm.s32 $0x2;
	v12 =	vimm.s32 $0x3;
	s10 =	sor.u32 $0x80, s12;
	s4 =	sor.u32 s4, s7;
	(pc) =	sbr.rel .LBB2_1-.Ltmp0, $4  }
0xe: {  	v13 =	vimm.s32 $0x4;
	v14 =	vimm.s32 $0x6;
	v15 =	vimm.s32 $0x7;
	s11 =	sor.u32 $0x40, s12;
	s5 =	sadd.s32 s8, s3;
	s4 =	sshrl.u32 s4, $0x3  }
0xf: {  	v16 =	vimm.s32 $0x8;
	v17 =	vimm.s32 $0x9;
	v7 =	vsel vm0, $0x600, v6;
	s31 =	sshrl.u32 s5, $0x3;
	s9 =	sadd.s32 s4, s6;
	s4 =	sadd.s32 $0xC2800, s6  }
0x10: {  	v18 =	vimm.s32 $0xA;
	v6 =	vimm.s32 $0xB;
	v8 =	vsel vm14, $0x300, v7;
	s12 =	sor.u32 $0xC0, s12;
	s13 =	smax.u32 s13, $0x1;
	s7 =	sadd.s32 s4, s31  }
0x11: {  	v10 =	vor.u32 $0x10, v9;
	v7 =	vimm.s32 $0x0;
	v8 =	vsel vm15, $0x180, v8;
	s6 =	sadd.s32 $0x2800, s6;
	s8 =	sadd.s32 $0x182800, s9;
	s9 =	sadd.s32 $0x400, s7  }
.LBB2_8:
0x12: {  	s25 =	sadd.s32 $0x1, s25  }
0x13: {  	_ =	swait.ge [sflag:s23], $0x2000;
	p0 =	sne.s32 s25, s13  }
.Ltmp1:
0x14: {  	[sflag:s23] =	ssyncset.done $0x0;
	(pc) =	sbr.rel @!p0 .LBB2_9-.Ltmp1, $4  }
0x15: {  	[sflag:s23] =	ssyncadd.s32 $0xFFFFE000  }
0x16: {  	_ =	swait.ge [sflag:s24], $0x2000  }
0x17: {  	[sflag:s24] =	ssyncset.done $0x0  }
0x18: {  	[sflag:s24] =	ssyncadd.s32 $0xFFFFE000  }
.LBB2_1:
0x19: {  	[tilespmem:s2], [sflag:$0x1] =	stream.strided.gather [hbm4b:s8+s14], $0x18000, s15, s14, $0x38;
	v63 =	vld [tilespmem:$0x0]  }
0x1a: {  	_ = 	snop  }
0x1b: {  	[tilespmem:s16], [sflag:$0x2] =	stream.linear.gather [hbm4b:s7+s2], $0x2000, $0x38;
	v63 =	vld [tilespmem:$0x0]  }
0x1c: {  	_ = 	snop  }
0x1d: {  	[tilespmem:s17], [sflag:$0x3] =	stream.linear.gather [hbm4b:s9+s2], $0x2000, $0x38;
	v63 =	vld [tilespmem:$0x0]  }
0x1e: {  	_ =	swait.ge [sflag:s18], $0x18000  }
0x1f: {  	[sflag:s18] =	ssyncset.done $0x0  }
0x20: {  	s26 =	simm.s32 $0x0;
	[sflag:s18] =	ssyncadd.s32 $0xFFFE8000  }
.LBB2_2:
0x21: {  	_ =	swait.ge [sflag:s19], $0x2000  }
0x22: {  	p0 =	seq.s32 s26, $0x0;
	[sflag:s19] =	ssyncset.done $0x0  }
0x23: {  	s29 =	simm.s32 @!p0 $0x4;
	[sflag:s19] =	ssyncadd.s32 $0xFFFFE000  }
0x24: {  	_ =	swait.ge @!p0 [sflag:s29], $0x2000  }
0x25: {  	[sflag:s29] =	ssyncset.done @!p0 $0x0  }
0x26: {  	s28 =	sshll.u32 s26, $0x7;
	[sflag:s29] =	ssyncadd.s32 @!p0 $0xFFFFE000;
	s29 =	simm.s32 $0x0  }
.LBB2_3:
0x27: {  	s30 =	sshra.s32 s29, $0x2  }
0x28: {  	v24 =	vld [tilespmem:s30+$0x18000]  }
0x29: {  	v19 =	vld [tilespmem:s30+$0x18020]  }
0x2a: {  	v20 =	vld [tilespmem:s30+$0x18010];
	_ =	sdelay $0x2  }
0x2b: {  	v21 =	vshll.u32 v24, $0x5;
	v22 =	vshrl.u32 v24, $0xC  }
0x2c: {  	v23 =	vshrl.u32 v24, $0xE;
	v27 =	vsub.f32 $1.000000000e+00, v19;
	v21 =	vand.u32 $0x1FFE0, v21  }
0x2d: {  	v28 =	vsub.f32 $1.000000000e+00, v20;
	v34 =	vshrl.u32 v24, $0xD;
	v25 =	vperm.xlane v21, v7  }
0x2e: {  	v36 =	vshrl.u32 v24, $0xF;
	v22 =	vand.u32 $0x1, v22;
	v23 =	vand.u32 $0x1, v23  }
0x2f: {  	v34 =	vand.u32 $0x1, v34;
	v30 =	vperm.xlane v21, v2;
	v29 =	vadd.s32 v9, v25  }
0x30: {  	v36 =	vand.u32 $0x1, v36;
	v23 =	vcvt.s32.f32 v23;
	v25 =	vadd.s32 v10, v25  }
0x31: {  	v22 =	vcvt.s32.f32 v22;
	v46 =	vperm.xlane v21, v11;
	v31 =	vadd.s32 v9, v30  }
0x32: {  	v26 =	vld [tilespmem:s30+$0x18030];
	v33 =	vperm.xlane v21, v12;
	v38 =	vperm.xlane v21, v13;
	v45 =	vadd.s32 v10, v30  }
0x33: {  	v34 =	vcvt.s32.f32 v34;
	v40 =	vperm.xlane v21, v0;
	v32 =	vadd.s32 v9, v46  }
0x34: {  	v36 =	vcvt.s32.f32 v36;
	v37 =	vadd.s32 v9, v33;
	v33 =	vadd.s32 v10, v33;
	v29 =	vld.idx.msk [tilespmem:v29+s2+$0x0], $0xffff  }
0x35: {  	v41 =	vperm.xlane v21, v14;
	v23 =	vmul.f32 v23, v27;
	v50 =	vadd.s32 v9, v40;
	v25 =	vld.idx.msk [tilespmem:v25+s2+$0x0], $0xffff  }
0x36: {  	v55 =	vperm.xlane v21, v15;
	v59 =	vperm.xlane v21, v16;
	v30 =	vadd.s32 v10, v46;
	v31 =	vld.idx.msk [tilespmem:v31+s2+$0x0], $0xffff  }
0x37: {  	v22 =	vmul.f32 v22, v28;
	v28 =	vmul.f32 v23, v26;
	v23 =	vld.idx.msk [tilespmem:v45+s2+$0x0], $0xffff  }
0x38: {  	v44 =	vperm.xlane v21, v18;
	v36 =	vmul.f32 v36, v19;
	v32 =	vld.idx.msk [tilespmem:v32+s2+$0x0], $0xffff  }
0x39: {  	v47 =	vadd.s32 v9, v38;
	v38 =	vadd.s32 v10, v38;
	v27 =	vmul.f32 v28, v22;
	v49 =	vld.idx.msk [tilespmem:v33+s2+$0x0], $0xffff  }
0x3a: {  	v57 =	vadd.s32 v10, v41;
	v36 =	vmul.f32 v36, v26;
	v33 =	vld.idx.msk [tilespmem:v50+s2+$0x0], $0xffff;
	v50 =	vperm.xlane v21, v17  }
0x3b: {  	v40 =	vadd.s32 v10, v40;
	v30 =	vld.idx.msk [tilespmem:v30+s2+$0x0], $0xffff;
	v35 =	vperm.xlane v27, v7;
	v39 =	vperm.xlane v27, v2  }
0x3c: {  	v37 =	vld.idx.msk [tilespmem:v37+s2+$0x0], $0xffff;
	v48 =	vperm.xlane v27, v11;
	v51 =	vperm.xlane v27, v12  }
0x3d: {  	v53 =	vadd.s32 v9, v41;
	v56 =	vperm.xlane v27, v13;
	v62 =	vperm.xlane v27, v0  }
0x3e: {  	v58 =	vadd.s32 v9, v55;
	v52 =	vld.idx.msk [tilespmem:v38+s2+$0x0], $0xffff;
	v42 =	vperm.xlane v27, v14;
	v29 =	vmul.f32 v29, v35  }
0x3f: {  	v38 =	vld.idx.msk [tilespmem:v57+s2+$0x0], $0xffff;
	v57 =	vadd.s32 v10, v44;
	v25 =	vmul.f32 v25, v35;
	v31 =	vmul.f32 v31, v39  }
0x40: {  	v61 =	vld.idx.msk [tilespmem:v40+s2+$0x0], $0xffff;
	v43 =	vadd.s32 v9, v50;
	v23 =	vmul.f32 v23, v39;
	v32 =	vmul.f32 v32, v48  }
0x41: {  	v30 =	vmul.f32 v30, v48;
	v35 =	vld.idx.msk [tilespmem:v47+s2+$0x0], $0xffff;
	v54 =	vmul.f32 v37, v51;
	v29 =	vadd.f32 $0.0e+00, v29  }
0x42: {  	v48 =	vadd.s32 v9, v59;
	v33 =	vmul.f32 v33, v62;
	v25 =	vadd.f32 $0.0e+00, v25  }
0x43: {  	v39 =	vadd.s32 v10, v59;
	v47 =	vperm.xlane v27, v17;
	v29 =	vadd.f32 v31, v29  }
0x44: {  	v25 =	vadd.f32 v23, v25;
	v23 =	vmul.f32 v34, v20;
	v31 =	vmul.f32 v49, v51  }
0x45: {  	v34 =	vadd.s32 v10, v55;
	v49 =	vshrl.u32 v24, $0xB;
	v55 =	vmul.f32 v38, v42  }
0x46: {  	v24 =	vand.u32 $0x20000, v24;
	v60 =	vmul.f32 v35, v56;
	v35 =	vmul.f32 v61, v62  }
0x47: {  	v51 =	vld.idx.msk [tilespmem:v48+s2+$0x0], $0xffff;
	v62 =	vperm.xlane v21, v1;
	vm0 =	veq.s32 v24, $0x0;
	v20 =	vadd.f32 v32, v29  }
0x48: {  	v25 =	vadd.f32 v30, v25;
	v29 =	vmul.f32 v52, v56;
	v32 =	vld.idx.msk [tilespmem:v53+s2+$0x0], $0xffff;
	v52 =	vadd.s32 v9, v44  }
0x49: {  	v30 =	vld.idx.msk [tilespmem:v58+s2+$0x0], $0xffff;
	v53 =	vperm.xlane v27, v15;
	v58 =	vperm.xlane v27, v16;
	v20 =	vadd.f32 v54, v20  }
0x4a: {  	v59 =	vld.idx.msk [tilespmem:v43+s2+$0x0], $0xffff;
	v19 =	vmul.f32 v28, v23;
	v25 =	vadd.f32 v31, v25;
	v54 =	vperm.xlane v21, v6  }
0x4b: {  	v56 =	vld.idx.msk [tilespmem:v39+s2+$0x0], $0xffff;
	v48 =	vadd.s32 v9, v62;
	v31 =	vadd.s32 v10, v50;
	v20 =	vadd.f32 v60, v20  }
0x4c: {  	v29 =	vadd.f32 v29, v25;
	v25 =	vand.u32 $0x20, v49;
	v60 =	vadd.s32 v9, v54  }
0x4d: {  	v34 =	vld.idx.msk [tilespmem:v34+s2+$0x0], $0xffff;
	v44 =	vmul.f32 v51, v58;
	v32 =	vmul.f32 v32, v42;
	v20 =	vadd.f32 v33, v20  }
0x4e: {  	v46 =	vadd.s32 v10, v54;
	v51 =	vperm.xlane v21, v3;
	v30 =	vmul.f32 v30, v53  }
0x4f: {  	v45 =	vld.idx.msk [tilespmem:v52+s2+$0x0], $0xffff;
	v52 =	vmul.f32 v59, v47;
	v59 =	vperm.xlane v21, v4;
	v20 =	vadd.f32 v32, v20  }
0x50: {  	v50 =	vld.idx.msk [tilespmem:v57+s2+$0x0], $0xffff;
	v49 =	vmul.f32 v56, v58;
	v29 =	vadd.f32 v35, v29;
	v56 =	vadd.s32 v9, v51  }
0x51: {  	v37 =	vld.idx.msk [tilespmem:v48+s2+$0x0], $0xffff;
	v39 =	vadd.s32 v10, v51;
	v35 =	vadd.s32 v10, v59;
	v20 =	vadd.f32 v30, v20  }
0x52: {  	v31 =	vld.idx.msk [tilespmem:v31+s2+$0x0], $0xffff;
	v29 =	vadd.f32 v55, v29;
	v61 =	vmul.f32 v34, v53;
	v53 =	vperm.xlane v27, v18  }
0x53: {  	v34 =	vadd.s32 v10, v62;
	v54 =	vld.idx.msk [tilespmem:v60+s2+$0x0], $0xffff;
	v60 =	vperm.xlane v27, v6;
	v20 =	vadd.f32 v44, v20  }
0x54: {  	v58 =	vld.idx.msk [tilespmem:v46+s2+$0x0], $0xffff;
	v46 =	vperm.xlane v27, v1;
	v29 =	vadd.f32 v61, v29;
	v57 =	vmul.f32 v45, v53  }
0x55: {  	v38 =	vmul.f32 v50, v53;
	v61 =	vadd.s32 v9, v59;
	v20 =	vadd.f32 v52, v20  }
0x56: {  	v45 =	vperm.xlane v21, v5;
	v50 =	vperm.xlane v27, v3;
	v29 =	vadd.f32 v49, v29  }
0x57: {  	v55 =	vmul.f32 v31, v47;
	v32 =	vadd.f32 v57, v20;
	v20 =	vadd.s32 v25, v21  }
0x58: {  	v37 =	vmul.f32 v37, v46;
	v39 =	vld.idx.msk [tilespmem:v39+s2+$0x0], $0xffff;
	v47 =	vadd.s32 v9, v45;
	v49 =	vperm.xlane v20, v7  }
0x59: {  	v48 =	vadd.s32 v10, v45;
	v34 =	vld.idx.msk [tilespmem:v34+s2+$0x0], $0xffff;
	v29 =	vadd.f32 v55, v29;
	v62 =	vmul.f32 v54, v60  }
0x5a: {  	v31 =	vld.idx.msk [tilespmem:v56+s2+$0x0], $0xffff;
	v30 =	vmul.f32 v58, v60;
	v53 =	vperm.xlane v20, v2;
	v51 =	vadd.s32 v9, v49  }
0x5b: {  	v35 =	vld.idx.msk [tilespmem:v35+s2+$0x0], $0xffff;
	v55 =	vperm.xlane v27, v4;
	v27 =	vperm.xlane v27, v5;
	v52 =	vadd.s32 v10, v49  }
0x5c: {  	v40 =	vld.idx.msk [tilespmem:v61+s2+$0x0], $0xffff;
	v29 =	vadd.f32 v38, v29;
	v60 =	vperm.xlane v20, v11;
	v57 =	vadd.s32 v9, v53  }
0x5d: {  	v33 =	vld.idx.msk [tilespmem:v47+s2+$0x0], $0xffff;
	v45 =	vperm.xlane v20, v12;
	v32 =	vadd.f32 v62, v32;
	v59 =	vadd.s32 v10, v53  }
0x5e: {  	v56 =	vld.idx.msk [tilespmem:v48+s2+$0x0], $0xffff;
	v29 =	vadd.f32 v30, v29;
	v34 =	vmul.f32 v34, v46;
	v44 =	vadd.s32 v9, v60  }
0x5f: {  	v31 =	vmul.f32 v31, v50;
	v47 =	vadd.s32 v10, v60;
	v32 =	vadd.f32 v37, v32;
	v61 =	vld.idx.msk [tilespmem:v51+s2+$0x0], $0xffff  }
0x60: {  	v30 =	vmul.f32 v39, v50;
	v49 =	vadd.s32 v9, v45;
	v54 =	vadd.f32 v34, v29;
	v62 =	vld.idx.msk [tilespmem:v52+s2+$0x0], $0xffff  }
0x61: {  	v48 =	vperm.xlane v19, v7;
	v58 =	vmul.f32 v40, v55;
	v31 =	vadd.f32 v31, v32;
	v34 =	vld.idx.msk [tilespmem:v57+s2+$0x0], $0xffff  }
0x62: {  	v29 =	vmul.f32 v35, v55;
	v28 =	vadd.f32 v30, v54;
	v46 =	vmul.f32 v33, v27;
	v50 =	vld.idx.msk [tilespmem:v59+s2+$0x0], $0xffff  }
0x63: {  	v27 =	vmul.f32 v56, v27;
	v54 =	vperm.xlane v19, v2;
	v31 =	vadd.f32 v58, v31;
	v55 =	vld.idx.msk [tilespmem:v44+s2+$0x0], $0xffff  }
0x64: {  	v28 =	vadd.f32 v29, v28;
	v51 =	vperm.xlane v20, v13;
	v33 =	vld.idx.msk [tilespmem:v47+s2+$0x0], $0xffff;
	v58 =	vperm.xlane v20, v0  }
0x65: {  	v38 =	vadd.s32 v10, v45;
	v60 =	vld.idx.msk [tilespmem:v49+s2+$0x0], $0xffff;
	v44 =	vperm.xlane v20, v14;
	v47 =	vperm.xlane v19, v12  }
0x66: {  	v29 =	vadd.f32 v46, v31;
	v27 =	vadd.f32 v27, v28;
	v56 =	vadd.s32 v9, v51  }
0x67: {  	v57 =	vadd.s32 v10, v51;
	v42 =	vadd.s32 v9, v58;
	v51 =	vperm.xlane v20, v15  }
0x68: {  	v43 =	vadd.s32 v10, v58;
	v52 =	vmul.f32 v61, v48;
	v53 =	vmul.f32 v62, v48  }
0x69: {  	v49 =	vadd.s32 v9, v44;
	v59 =	vmul.f32 v34, v54;
	v26 =	vmul.f32 v50, v54  }
0x6a: {  	v61 =	vperm.xlane v19, v11;
	v62 =	vld.idx.msk [tilespmem:v38+s2+$0x0], $0xffff;
	v50 =	vadd.s32 v10, v44;
	v30 =	vmul.f32 v60, v47  }
0x6b: {  	v54 =	vperm.xlane v19, v13;
	v44 =	vperm.xlane v20, v17;
	v28 =	vadd.f32 v52, v29;
	v46 =	vld.idx.msk [tilespmem:v56+s2+$0x0], $0xffff  }
0x6c: {  	v27 =	vadd.f32 v53, v27;
	v45 =	vmul.f32 v55, v61;
	v31 =	vmul.f32 v33, v61;
	v48 =	vld.idx.msk [tilespmem:v57+s2+$0x0], $0xffff  }
0x6d: {  	v53 =	vld.idx.msk [tilespmem:v42+s2+$0x0], $0xffff;
	v55 =	vadd.s32 v9, v51;
	v56 =	vperm.xlane v20, v16;
	v57 =	vadd.s32 v10, v51  }
0x6e: {  	v24 =	vld.idx.msk [tilespmem:v43+s2+$0x0], $0xffff;
	v61 =	vsel vm0, $0x0, v8;
	v40 =	vadd.s32 v10, v44;
	v28 =	vadd.f32 v59, v28  }
0x6f: {  	v26 =	vadd.f32 v26, v27;
	v59 =	vld.idx.msk [tilespmem:v49+s2+$0x0], $0xffff;
	v60 =	vadd.s32 v9, v56;
	v49 =	vperm.xlane v19, v14  }
0x70: {  	v52 =	vmul.f32 v62, v47;
	v62 =	vperm.xlane v19, v0;
	v27 =	vadd.f32 v45, v28  }
0x71: {  	v26 =	vadd.f32 v31, v26;
	v28 =	vld.idx.msk [tilespmem:v50+s2+$0x0], $0xffff;
	v50 =	vperm.xlane v20, v18;
	v29 =	vmul.f32 v46, v54  }
0x72: {  	v58 =	vmul.f32 v48, v54;
	v46 =	vadd.s32 v10, v56;
	v32 =	vmul.f32 v53, v62  }
0x73: {  	v24 =	vmul.f32 v24, v62;
	v47 =	vld.idx.msk [tilespmem:v55+s2+$0x0], $0xffff;
	v48 =	vadd.s32 v9, v44;
	v27 =	vadd.f32 v30, v27  }
0x74: {  	v56 =	vperm.xlane v19, v15;
	v26 =	vadd.f32 v52, v26;
	v55 =	vadd.s32 v9, v50  }
0x75: {  	v30 =	vld.idx.msk [tilespmem:v57+s2+$0x0], $0xffff;
	v57 =	vadd.s32 v10, v50;
	v54 =	vmul.f32 v59, v49;
	v27 =	vadd.f32 v29, v27  }
0x76: {  	v59 =	vperm.xlane v19, v16;
	v45 =	vadd.f32 v58, v26;
	v26 =	vadd.s32 v21, v61  }
0x77: {  	v53 =	vld.idx.msk [tilespmem:v60+s2+$0x0], $0xffff;
	v58 =	vperm.xlane v20, v6;
	v28 =	vmul.f32 v28, v49;
	v51 =	vadd.f32 v32, v27  }
0x78: {  	v61 =	vld.idx.msk [tilespmem:v40+s2+$0x0], $0xffff;
	v52 =	vadd.f32 v24, v45;
	v24 =	vmul.f32 v36, v22;
	v60 =	vmul.f32 v47, v56  }
0x79: {  	v31 =	vld.idx.msk [tilespmem:v46+s2+$0x0], $0xffff;
	v62 =	vadd.s32 v9, v58;
	v44 =	vadd.s32 v10, v58;
	v45 =	vperm.xlane v19, v17  }
0x7a: {  	v38 =	vld.idx.msk [tilespmem:v48+s2+$0x0], $0xffff;
	v46 =	vperm.xlane v26, v7;
	v22 =	vadd.s32 v25, v26;
	v58 =	vperm.xlane v26, v11  }
0x7b: {  	v30 =	vmul.f32 v30, v56;
	v33 =	vld.idx.msk [tilespmem:v55+s2+$0x0], $0xffff;
	v55 =	vperm.xlane v19, v18;
	v21 =	vadd.f32 v54, v51  }
0x7c: {  	v27 =	vadd.f32 v28, v52;
	v29 =	vmul.f32 v53, v59;
	v51 =	vadd.s32 v9, v46  }
0x7d: {  	v54 =	vperm.xlane v26, v2;
	v56 =	vadd.s32 v10, v46;
	v43 =	vperm.xlane v24, v6  }
0x7e: {  	v49 =	vld.idx.msk [tilespmem:v57+s2+$0x0], $0xffff;
	v52 =	vmul.f32 v61, v45;
	v61 =	vperm.xlane v26, v12;
	v21 =	vadd.f32 v60, v21  }
0x7f: {  	v57 =	vadd.s32 v9, v54;
	v32 =	vadd.s32 v10, v54;
	v54 =	vperm.xlane v24, v11  }
0x80: {  	v47 =	vadd.f32 v30, v27;
	v48 =	vmul.f32 v31, v59;
	v50 =	vmul.f32 v38, v45  }
0x81: {  	v60 =	vadd.s32 v9, v58;
	v53 =	vld.idx.msk [tilespmem:v62+s2+$0x0], $0xffff;
	v59 =	vperm.xlane v19, v6;
	v45 =	vperm.xlane v24, v7  }
0x82: {  	v34 =	vld.idx.msk [tilespmem:v44+s2+$0x0], $0xffff;
	v46 =	vadd.s32 v9, v61;
	v21 =	vadd.f32 v29, v21;
	v33 =	vmul.f32 v33, v55  }
0x83: {  	v30 =	vmul.f32 v49, v55;
	v25 =	vadd.f32 v48, v47;
	v31 =	vld.idx.msk [tilespmem:v51+s2+$0x0], $0xffff;
	v47 =	vperm.xlane v26, v13  }
0x84: {  	v44 =	vadd.s32 v10, v58;
	v62 =	vld.idx.msk [tilespmem:v56+s2+$0x0], $0xffff;
	v51 =	vperm.xlane v24, v2;
	v56 =	vperm.xlane v26, v14  }
0x85: {  	v29 =	vadd.f32 v50, v21;
	v21 =	vmul.f32 v36, v23;
	v25 =	vadd.f32 v52, v25  }
0x86: {  	v49 =	vld.idx.msk [tilespmem:v60+s2+$0x0], $0xffff;
	v50 =	vadd.s32 v9, v47;
	v52 =	vperm.xlane v26, v0;
	v60 =	vperm.xlane v24, v12  }
0x87: {  	v27 =	vld.idx.msk [tilespmem:v57+s2+$0x0], $0xffff;
	v40 =	vadd.s32 v10, v56;
	v29 =	vadd.f32 v33, v29;
	v28 =	vmul.f32 v53, v59  }
0x88: {  	v23 =	vmul.f32 v34, v59;
	v53 =	vadd.s32 v10, v47;
	v37 =	vld.idx.msk [tilespmem:v46+s2+$0x0], $0xffff;
	v46 =	vperm.xlane v26, v15  }
0x89: {  	v32 =	vld.idx.msk [tilespmem:v32+s2+$0x0], $0xffff;
	v47 =	vperm.xlane v24, v13;
	v25 =	vadd.f32 v30, v25;
	v30 =	vadd.s32 v10, v61  }
0x8a: {  	v55 =	vadd.s32 v9, v52;
	v59 =	vadd.s32 v10, v52;
	v61 =	vadd.s32 v9, v56  }
0x8b: {  	v28 =	vadd.f32 v28, v29;
	v29 =	vperm.xlane v20, v1;
	v48 =	vmul.f32 v31, v45  }
0x8c: {  	v34 =	vld.idx.msk [tilespmem:v44+s2+$0x0], $0xffff;
	v56 =	vperm.xlane v26, v17;
	v33 =	vmul.f32 v62, v45;
	v35 =	vadd.s32 v10, v46  }
0x8d: {  	v23 =	vadd.f32 v23, v25;
	v39 =	vadd.s32 v9, v29;
	v25 =	vadd.f32 $0.0e+00, v48  }
0x8e: {  	v27 =	vmul.f32 v27, v51;
	v33 =	vadd.f32 $0.0e+00, v33;
	v32 =	vmul.f32 v32, v51;
	v58 =	vld.idx.msk [tilespmem:v50+s2+$0x0], $0xffff  }
0x8f: {  	v57 =	vmul.f32 v49, v54;
	v48 =	vadd.s32 v9, v46;
	v50 =	vperm.xlane v26, v16;
	v45 =	vld.idx.msk [tilespmem:v53+s2+$0x0], $0xffff  }
0x90: {  	v51 =	vperm.xlane v24, v0;
	v29 =	vadd.s32 v10, v29;
	v46 =	vperm.xlane v24, v16;
	v30 =	vld.idx.msk [tilespmem:v30+s2+$0x0], $0xffff  }
0x91: {  	v62 =	vmul.f32 v34, v54;
	v37 =	vmul.f32 v37, v60;
	v25 =	vadd.f32 v27, v25;
	v42 =	vld.idx.msk [tilespmem:v55+s2+$0x0], $0xffff  }
0x92: {  	v32 =	vadd.f32 v32, v33;
	v52 =	vld.idx.msk [tilespmem:v61+s2+$0x0], $0xffff;
	v54 =	vadd.s32 v9, v50;
	v36 =	vadd.s32 v10, v50  }
0x93: {  	v49 =	vld.idx.msk [tilespmem:v59+s2+$0x0], $0xffff;
	v59 =	vadd.s32 v10, v56;
	v61 =	vperm.xlane v24, v15;
	v50 =	vperm.xlane v26, v1  }
0x94: {  	v40 =	vld.idx.msk [tilespmem:v40+s2+$0x0], $0xffff;
	v25 =	vadd.f32 v57, v25;
	v57 =	vperm.xlane v24, v14;
	v31 =	vmul.f32 v58, v47  }
0x95: {  	v27 =	vadd.f32 v62, v32;
	v32 =	vld.idx.msk [tilespmem:v48+s2+$0x0], $0xffff;
	v53 =	vmul.f32 v45, v47;
	v45 =	vperm.xlane v26, v6  }
0x96: {  	v39 =	vld.idx.msk [tilespmem:v39+s2+$0x0], $0xffff;
	v58 =	vadd.s32 v9, v56;
	v30 =	vmul.f32 v30, v60;
	v55 =	vmul.f32 v42, v51  }
0x97: {  	v29 =	vld.idx.msk [tilespmem:v29+s2+$0x0], $0xffff;
	v25 =	vadd.f32 v37, v25;
	v42 =	vperm.xlane v19, v1;
	v37 =	vmul.f32 v52, v57  }
0x98: {  	v60 =	vperm.xlane v26, v18;
	v47 =	vld.idx.msk [tilespmem:v59+s2+$0x0], $0xffff;
	v52 =	vperm.xlane v24, v17;
	v59 =	vadd.s32 v10, v50  }
0x99: {  	v34 =	vld.idx.msk [tilespmem:v54+s2+$0x0], $0xffff;
	v25 =	vadd.f32 v31, v25;
	v31 =	vmul.f32 v40, v57;
	v48 =	vadd.s32 v9, v45  }
0x9a: {  	v36 =	vld.idx.msk [tilespmem:v36+s2+$0x0], $0xffff;
	v57 =	vperm.xlane v26, v3;
	v40 =	vperm.xlane v20, v3;
	v27 =	vadd.f32 v30, v27  }
0x9b: {  	v35 =	vld.idx.msk [tilespmem:v35+s2+$0x0], $0xffff;
	v30 =	vmul.f32 v49, v51;
	v62 =	vadd.s32 v9, v60;
	v44 =	vadd.s32 v10, v60  }
0x9c: {  	v49 =	vadd.s32 v10, v45;
	v25 =	vadd.f32 v55, v25;
	v32 =	vmul.f32 v32, v61  }
0x9d: {  	v39 =	vmul.f32 v39, v42;
	v33 =	vld.idx.msk [tilespmem:v58+s2+$0x0], $0xffff;
	v55 =	vadd.s32 v9, v50;
	v58 =	vperm.xlane v24, v18  }
0x9e: {  	v29 =	vmul.f32 v29, v42;
	v27 =	vadd.f32 v53, v27;
	v25 =	vadd.f32 v37, v25  }
0x9f: {  	v34 =	vmul.f32 v34, v46;
	v51 =	vmul.f32 v36, v46;
	v28 =	vadd.f32 v39, v28  }
0xa0: {  	v23 =	vadd.f32 v29, v23;
	v27 =	vadd.f32 v30, v27;
	v30 =	vmul.f32 v35, v61;
	v35 =	vld.idx.msk [tilespmem:v48+s2+$0x0], $0xffff  }
0xa1: {  	v39 =	vperm.xlane v19, v4;
	v61 =	vadd.s32 v9, v57;
	v53 =	vld.idx.msk [tilespmem:v62+s2+$0x0], $0xffff;
	v62 =	vperm.xlane v26, v4  }
0xa2: {  	v25 =	vadd.f32 v32, v25;
	v60 =	vld.idx.msk [tilespmem:v49+s2+$0x0], $0xffff;
	v26 =	vperm.xlane v26, v5;
	v49 =	vperm.xlane v24, v1  }
0xa3: {  	v27 =	vadd.f32 v31, v27;
	v56 =	vmul.f32 v33, v52;
	v33 =	vadd.s32 v10, v57  }
0xa4: {  	v54 =	vld.idx.msk [tilespmem:v44+s2+$0x0], $0xffff;
	v31 =	vmul.f32 v47, v52;
	v52 =	vperm.xlane v22, v7;
	v45 =	vadd.s32 v9, v62  }
0xa5: {  	v44 =	vld.idx.msk [tilespmem:v55+s2+$0x0], $0xffff;
	v55 =	vperm.xlane v24, v3;
	v25 =	vadd.f32 v34, v25;
	v48 =	vadd.s32 v10, v62  }
0xa6: {  	v47 =	vld.idx.msk [tilespmem:v59+s2+$0x0], $0xffff;
	v57 =	vperm.xlane v22, v2;
	v50 =	vadd.s32 v9, v26;
	v27 =	vadd.f32 v30, v27  }
0xa7: {  	v26 =	vadd.s32 v10, v26;
	v25 =	vadd.f32 v56, v25;
	v46 =	vmul.f32 v35, v43;
	v38 =	vld.idx.msk [tilespmem:v61+s2+$0x0], $0xffff  }
0xa8: {  	v61 =	vperm.xlane v24, v4;
	v24 =	vperm.xlane v24, v5;
	v27 =	vadd.f32 v51, v27;
	v51 =	vld.idx.msk [tilespmem:v33+s2+$0x0], $0xffff  }
0xa9: {  	v56 =	vadd.s32 v9, v52;
	v41 =	vmul.f32 v53, v58;
	v32 =	vmul.f32 v54, v58;
	v54 =	vld.idx.msk [tilespmem:v45+s2+$0x0], $0xffff  }
0xaa: {  	v30 =	vmul.f32 v60, v43;
	v43 =	vadd.s32 v9, v57;
	v53 =	vmul.f32 v44, v49;
	v59 =	vld.idx.msk [tilespmem:v48+s2+$0x0], $0xffff  }
0xab: {  	v58 =	vmul.f32 v47, v49;
	v33 =	vadd.s32 v10, v52;
	v25 =	vadd.f32 v41, v25;
	v62 =	vld.idx.msk [tilespmem:v50+s2+$0x0], $0xffff  }
0xac: {  	v47 =	vperm.xlane v22, v11;
	v27 =	vadd.f32 v31, v27;
	v45 =	vadd.s32 v10, v57;
	v26 =	vld.idx.msk [tilespmem:v26+s2+$0x0], $0xffff  }
0xad: {  	v48 =	vadd.s32 v9, v40;
	v40 =	vadd.s32 v10, v40;
	v25 =	vadd.f32 v46, v25  }
0xae: {  	v27 =	vadd.f32 v32, v27;
	v60 =	vmul.f32 v38, v55;
	v44 =	vmul.f32 v51, v55  }
0xaf: {  	v25 =	vadd.f32 v53, v25;
	v53 =	vperm.xlane v22, v12;
	v46 =	vmul.f32 v54, v61  }
0xb0: {  	v50 =	vadd.s32 v9, v47;
	v49 =	vld.idx.msk [tilespmem:v56+s2+$0x0], $0xffff;
	v32 =	vmul.f32 v59, v61;
	v51 =	vmul.f32 v62, v24  }
0xb1: {  	v52 =	vld.idx.msk [tilespmem:v43+s2+$0x0], $0xffff;
	v27 =	vadd.f32 v30, v27;
	v54 =	vperm.xlane v21, v7;
	v24 =	vmul.f32 v26, v24  }
0xb2: {  	v36 =	vadd.s32 v10, v47;
	v31 =	vld.idx.msk [tilespmem:v45+s2+$0x0], $0xffff;
	v59 =	vperm.xlane v19, v3;
	v45 =	vperm.xlane v21, v11  }
0xb3: {  	v33 =	vld.idx.msk [tilespmem:v33+s2+$0x0], $0xffff;
	v19 =	vperm.xlane v19, v5;
	v27 =	vadd.f32 v58, v27;
	v25 =	vadd.f32 v60, v25  }
0xb4: {  	v56 =	vld.idx.msk [tilespmem:v48+s2+$0x0], $0xffff;
	v55 =	vadd.s32 v9, v53;
	v58 =	vperm.xlane v22, v13;
	v60 =	vperm.xlane v21, v2  }
0xb5: {  	v43 =	vld.idx.msk [tilespmem:v40+s2+$0x0], $0xffff;
	v57 =	vadd.s32 v10, v53;
	v53 =	vperm.xlane v22, v14;
	v30 =	vmul.f32 v49, v54  }
0xb6: {  	v34 =	vld.idx.msk [tilespmem:v50+s2+$0x0], $0xffff;
	v27 =	vadd.f32 v44, v27;
	v25 =	vadd.f32 v46, v25;
	v42 =	vadd.s32 v9, v58  }
0xb7: {  	v38 =	vmul.f32 v52, v60;
	v44 =	vadd.s32 v10, v58;
	v46 =	vperm.xlane v22, v0  }
0xb8: {  	v62 =	vld.idx.msk [tilespmem:v36+s2+$0x0], $0xffff;
	v58 =	vadd.s32 v10, v53;
	v61 =	vmul.f32 v33, v54;
	v27 =	vadd.f32 v32, v27  }
0xb9: {  	v25 =	vadd.f32 v51, v25;
	v47 =	vmul.f32 v56, v59;
	v50 =	vadd.s32 v9, v46  }
0xba: {  	v52 =	vadd.s32 v10, v46;
	v54 =	vmul.f32 v43, v59;
	v59 =	vperm.xlane v21, v13  }
0xbb: {  	v56 =	vadd.s32 v9, v53;
	v46 =	vperm.xlane v22, v16;
	v49 =	vmul.f32 v34, v45  }
0xbc: {  	v26 =	vld.idx.msk [tilespmem:v55+s2+$0x0], $0xffff;
	v55 =	vperm.xlane v21, v12;
	v24 =	vadd.f32 v24, v27;
	v25 =	vadd.f32 v30, v25  }
0xbd: {  	v48 =	vld.idx.msk [tilespmem:v57+s2+$0x0], $0xffff;
	v27 =	vmul.f32 v31, v60;
	v30 =	vmul.f32 v62, v45;
	v28 =	vadd.f32 v47, v28  }
0xbe: {  	v23 =	vadd.f32 v54, v23;
	v60 =	vperm.xlane v22, v15;
	v54 =	vperm.xlane v21, v14;
	v51 =	vld.idx.msk [tilespmem:v42+s2+$0x0], $0xffff  }
0xbf: {  	v31 =	vld.idx.msk [tilespmem:v44+s2+$0x0], $0xffff;
	v44 =	vperm.xlane v21, v0;
	v24 =	vadd.f32 v61, v24;
	v25 =	vadd.f32 v38, v25  }
0xc0: {  	v61 =	vperm.xlane v20, v4;
	v43 =	vadd.s32 v9, v60;
	v45 =	vadd.s32 v10, v60;
	v34 =	vld.idx.msk [tilespmem:v50+s2+$0x0], $0xffff  }
0xc1: {  	v20 =	vperm.xlane v20, v5;
	v62 =	vld.idx.msk [tilespmem:v52+s2+$0x0], $0xffff;
	v50 =	vadd.s32 v9, v46;
	v52 =	vperm.xlane v22, v17  }
0xc2: {  	v24 =	vadd.f32 v27, v24;
	v25 =	vadd.f32 v49, v25;
	v26 =	vmul.f32 v26, v55  }
0xc3: {  	v57 =	vmul.f32 v48, v55;
	v27 =	vld.idx.msk [tilespmem:v56+s2+$0x0], $0xffff;
	v47 =	vadd.s32 v9, v61;
	v53 =	vadd.s32 v10, v61  }
0xc4: {  	v48 =	vld.idx.msk [tilespmem:v58+s2+$0x0], $0xffff;
	v58 =	vperm.xlane v21, v15;
	v56 =	vadd.s32 v9, v52;
	v35 =	vadd.s32 v10, v52  }
0xc5: {  	v24 =	vadd.f32 v30, v24;
	v25 =	vadd.f32 v26, v25;
	v42 =	vmul.f32 v51, v59  }
0xc6: {  	v52 =	vperm.xlane v21, v17;
	v29 =	vmul.f32 v31, v59;
	v51 =	vadd.s32 v10, v46;
	v31 =	vld.idx.msk [tilespmem:v43+s2+$0x0], $0xffff  }
0xc7: {  	v59 =	vperm.xlane v22, v18;
	v55 =	vld.idx.msk [tilespmem:v45+s2+$0x0], $0xffff;
	v24 =	vadd.f32 v57, v24;
	v25 =	vadd.f32 v42, v25  }
0xc8: {  	v49 =	vmul.f32 v34, v44;
	v26 =	vmul.f32 v62, v44;
	v57 =	vadd.s32 v9, v20;
	v34 =	vld.idx.msk [tilespmem:v50+s2+$0x0], $0xffff  }
0xc9: {  	v20 =	vadd.s32 v10, v20;
	v61 =	vadd.s32 v9, v59;
	v62 =	vperm.xlane v22, v6;
	v33 =	vld.idx.msk [tilespmem:v47+s2+$0x0], $0xffff  }
0xca: {  	v44 =	vperm.xlane v21, v16;
	v27 =	vmul.f32 v27, v54;
	v24 =	vadd.f32 v29, v24;
	v29 =	vld.idx.msk [tilespmem:v56+s2+$0x0], $0xffff  }
0xcb: {  	v40 =	vadd.s32 v10, v59;
	v30 =	vmul.f32 v48, v54;
	v47 =	vperm.xlane v22, v1;
	v45 =	vld.idx.msk [tilespmem:v35+s2+$0x0], $0xffff  }
0xcc: {  	v25 =	vadd.f32 v49, v25;
	v46 =	vadd.s32 v9, v62;
	v49 =	vadd.s32 v10, v62;
	v60 =	vld.idx.msk [tilespmem:v51+s2+$0x0], $0xffff  }
0xcd: {  	v62 =	vperm.xlane v21, v6;
	v50 =	vadd.s32 v9, v47;
	v51 =	vperm.xlane v22, v3;
	v37 =	vld.idx.msk [tilespmem:v57+s2+$0x0], $0xffff  }
0xce: {  	v41 =	vadd.s32 v10, v47;
	v24 =	vadd.f32 v26, v24;
	v31 =	vmul.f32 v31, v58;
	v20 =	vld.idx.msk [tilespmem:v20+s2+$0x0], $0xffff  }
0xcf: {  	v25 =	vadd.f32 v27, v25;
	v26 =	vmul.f32 v55, v58;
	v55 =	vperm.xlane v22, v4;
	v32 =	vld.idx.msk [tilespmem:v61+s2+$0x0], $0xffff  }
0xd0: {  	v58 =	vperm.xlane v21, v18;
	v22 =	vperm.xlane v22, v5;
	v24 =	vadd.f32 v30, v24;
	v30 =	vld.idx.msk [tilespmem:v53+s2+$0x0], $0xffff  }
0xd1: {  	v48 =	vmul.f32 v34, v44;
	v54 =	vadd.s32 v9, v51;
	v25 =	vadd.f32 v31, v25;
	v53 =	vld.idx.msk [tilespmem:v40+s2+$0x0], $0xffff  }
0xd2: {  	v57 =	vadd.s32 v10, v51;
	v56 =	vld.idx.msk [tilespmem:v46+s2+$0x0], $0xffff;
	v24 =	vadd.f32 v26, v24;
	v27 =	vmul.f32 v60, v44  }
0xd3: {  	v59 =	vadd.s32 v9, v55;
	v29 =	vmul.f32 v29, v52;
	v34 =	vld.idx.msk [tilespmem:v49+s2+$0x0], $0xffff;
	v25 =	vadd.f32 v48, v25  }
0xd4: {  	v61 =	vadd.s32 v10, v55;
	v26 =	vmul.f32 v45, v52;
	v60 =	vld.idx.msk [tilespmem:v50+s2+$0x0], $0xffff;
	v24 =	vadd.f32 v27, v24  }
0xd5: {  	v41 =	vld.idx.msk [tilespmem:v41+s2+$0x0], $0xffff;
	v45 =	vadd.s32 v9, v22;
	v25 =	vadd.f32 v29, v25;
	v32 =	vmul.f32 v32, v58  }
0xd6: {  	v22 =	vadd.s32 v10, v22;
	v46 =	vld.idx.msk [tilespmem:v54+s2+$0x0], $0xffff;
	v27 =	vmul.f32 v53, v58;
	v24 =	vadd.f32 v26, v24  }
0xd7: {  	v47 =	vperm.xlane v21, v1;
	v35 =	vld.idx.msk [tilespmem:v57+s2+$0x0], $0xffff;
	v25 =	vadd.f32 v32, v25;
	v31 =	vmul.f32 v56, v62  }
0xd8: {  	v33 =	vmul.f32 v33, v39;
	v49 =	vld.idx.msk [tilespmem:v59+s2+$0x0], $0xffff;
	v48 =	vmul.f32 v34, v62;
	v24 =	vadd.f32 v27, v24  }
0xd9: {  	v50 =	vperm.xlane v21, v3;
	v29 =	vld.idx.msk [tilespmem:v61+s2+$0x0], $0xffff;
	v26 =	vmul.f32 v60, v47;
	v25 =	vadd.f32 v31, v25  }
0xda: {  	v28 =	vadd.f32 v33, v28;
	v51 =	vmul.f32 v41, v47;
	v52 =	vld.idx.msk [tilespmem:v45+s2+$0x0], $0xffff;
	v24 =	vadd.f32 v48, v24  }
0xdb: {  	v54 =	vperm.xlane v21, v4;
	v22 =	vld.idx.msk [tilespmem:v22+s2+$0x0], $0xffff;
	v53 =	vmul.f32 v46, v50;
	v25 =	vadd.f32 v26, v25  }
0xdc: {  	v21 =	vperm.xlane v21, v5;
	v55 =	vmul.f32 v35, v50;
	v24 =	vadd.f32 v51, v24  }
0xdd: {  	v30 =	vmul.f32 v30, v39;
	v56 =	vmul.f32 v49, v54;
	v25 =	vadd.f32 v53, v25  }
0xde: {  	v58 =	vmul.f32 v37, v19;
	v57 =	vmul.f32 v29, v54;
	v24 =	vadd.f32 v55, v24  }
0xdf: {  	v19 =	vmul.f32 v20, v19;
	v59 =	vmul.f32 v52, v21;
	v25 =	vadd.f32 v56, v25  }
0xe0: {  	v23 =	vadd.f32 v30, v23;
	v21 =	vmul.f32 v22, v21;
	v20 =	vadd.f32 v57, v24  }
0xe1: {  	p1 =	sne.s32 s29, $0x7E00;
	v60 =	vadd.f32 v58, v28;
	v61 =	vadd.f32 v59, v25  }
.Ltmp2:
0xe2: {  	v19 =	vadd.f32 v19, v23;
	v20 =	vadd.f32 v21, v20;
	(pc) =	sbr.rel @p1 .LBB2_3-.Ltmp2, $4  }
0xe3: {  	v62 =	vadd.f32 v61, v60  }
0xe4: {  	v19 =	vadd.f32 v20, v19  }
0xe5: {  	[tilespmem:s30+$0x1C000] =	vst v62  }
0xe6: {  	s29 =	sadd.s32 $0x200, s29;
	[tilespmem:s30+$0x1C010] =	vst v19  }
0xe7: {  	s29 =	sshll.u32 s26, $0xE  }
0xe8: {  	s29 =	sadd.s32 s29, s5  }
0xe9: {  	s29 =	sshrl.u32 s29, $0x3  }
0xea: {  	p1 =	seq.s32 s26, $0xB;
	s29 =	sadd.s32 s6, s29  }
0xeb: {  	[hbm4b:s29+s2] =	stream.linear.scatter [tilespmem:s20], [sflag:$0x4], $0x2000, $0x38;
	v63 =	vld [tilespmem:$0x0]  }
0xec: {  	s29 =	sadd.s32 @!p1 s28, s10  }
0xed: {  	s29 =	sshll.u32 @!p1 s29, $0x7  }
0xee: {  	s29 =	sadd.s32 @!p1 s3, s29  }
0xef: {  	s29 =	sshrl.u32 @!p1 s29, $0x3  }
0xf0: {  	s30 =	simm.s32 @!p1 $0x0;
	s31 =	simm.s32 @!p1 $0x18000;
	s29 =	sadd.s32 @!p1 s4, s29  }
0xf1: {  	[tilespmem:s31], [sflag:$0x2] =	stream.linear.gather @!p1 [hbm4b:s29+s30], $0x2000, $0x38;
	v63 =	vld [tilespmem:$0x0]  }
0xf2: {  	_ =	swait.ge [sflag:s21], $0x2000  }
0xf3: {  	[sflag:s21] =	ssyncset.done $0x0  }
0xf4: {  	s30 =	simm.s32 @!p0 $0x5;
	[sflag:s21] =	ssyncadd.s32 $0xFFFFE000  }
0xf5: {  	_ =	swait.ge @!p0 [sflag:s30], $0x2000  }
0xf6: {  	[sflag:s30] =	ssyncset.done @!p0 $0x0  }
0xf7: {  	s29 =	sadd.s32 s28, s11;
	[sflag:s30] =	ssyncadd.s32 @!p0 $0xFFFFE000;
	s30 =	simm.s32 $0x0  }
.LBB2_5:
0xf8: {  	s31 =	sshra.s32 s30, $0x2  }
0xf9: {  	v24 =	vld [tilespmem:s31+$0x1A000]  }
0xfa: {  	v19 =	vld [tilespmem:s31+$0x1A020]  }
0xfb: {  	v20 =	vld [tilespmem:s31+$0x1A010];
	_ =	sdelay $0x2  }
0xfc: {  	v21 =	vshll.u32 v24, $0x5;
	v22 =	vshrl.u32 v24, $0xC  }
0xfd: {  	v23 =	vshrl.u32 v24, $0xE;
	v27 =	vsub.f32 $1.000000000e+00, v19;
	v21 =	vand.u32 $0x1FFE0, v21  }
0xfe: {  	v28 =	vsub.f32 $1.000000000e+00, v20;
	v34 =	vshrl.u32 v24, $0xD;
	v25 =	vperm.xlane v21, v7  }
0xff: {  	v36 =	vshrl.u32 v24, $0xF;
	v22 =	vand.u32 $0x1, v22;
	v23 =	vand.u32 $0x1, v23  }
0x100: {  	v34 =	vand.u32 $0x1, v34;
	v30 =	vperm.xlane v21, v2;
	v29 =	vadd.s32 v9, v25  }
0x101: {  	v36 =	vand.u32 $0x1, v36;
	v23 =	vcvt.s32.f32 v23;
	v25 =	vadd.s32 v10, v25  }
0x102: {  	v22 =	vcvt.s32.f32 v22;
	v46 =	vperm.xlane v21, v11;
	v31 =	vadd.s32 v9, v30  }
0x103: {  	v26 =	vld [tilespmem:s31+$0x1A030];
	v33 =	vperm.xlane v21, v12;
	v38 =	vperm.xlane v21, v13;
	v45 =	vadd.s32 v10, v30  }
0x104: {  	v34 =	vcvt.s32.f32 v34;
	v40 =	vperm.xlane v21, v0;
	v32 =	vadd.s32 v9, v46  }
0x105: {  	v36 =	vcvt.s32.f32 v36;
	v37 =	vadd.s32 v9, v33;
	v33 =	vadd.s32 v10, v33;
	v29 =	vld.idx.msk [tilespmem:v29+s2+$0x0], $0xffff  }
0x106: {  	v41 =	vperm.xlane v21, v14;
	v23 =	vmul.f32 v23, v27;
	v50 =	vadd.s32 v9, v40;
	v25 =	vld.idx.msk [tilespmem:v25+s2+$0x0], $0xffff  }
0x107: {  	v55 =	vperm.xlane v21, v15;
	v59 =	vperm.xlane v21, v16;
	v30 =	vadd.s32 v10, v46;
	v31 =	vld.idx.msk [tilespmem:v31+s2+$0x0], $0xffff  }
0x108: {  	v22 =	vmul.f32 v22, v28;
	v28 =	vmul.f32 v23, v26;
	v23 =	vld.idx.msk [tilespmem:v45+s2+$0x0], $0xffff  }
0x109: {  	v44 =	vperm.xlane v21, v18;
	v36 =	vmul.f32 v36, v19;
	v32 =	vld.idx.msk [tilespmem:v32+s2+$0x0], $0xffff  }
0x10a: {  	v47 =	vadd.s32 v9, v38;
	v38 =	vadd.s32 v10, v38;
	v27 =	vmul.f32 v28, v22;
	v49 =	vld.idx.msk [tilespmem:v33+s2+$0x0], $0xffff  }
0x10b: {  	v57 =	vadd.s32 v10, v41;
	v36 =	vmul.f32 v36, v26;
	v33 =	vld.idx.msk [tilespmem:v50+s2+$0x0], $0xffff;
	v50 =	vperm.xlane v21, v17  }
0x10c: {  	v40 =	vadd.s32 v10, v40;
	v30 =	vld.idx.msk [tilespmem:v30+s2+$0x0], $0xffff;
	v35 =	vperm.xlane v27, v7;
	v39 =	vperm.xlane v27, v2  }
0x10d: {  	v37 =	vld.idx.msk [tilespmem:v37+s2+$0x0], $0xffff;
	v48 =	vperm.xlane v27, v11;
	v51 =	vperm.xlane v27, v12  }
0x10e: {  	v53 =	vadd.s32 v9, v41;
	v56 =	vperm.xlane v27, v13;
	v62 =	vperm.xlane v27, v0  }
0x10f: {  	v58 =	vadd.s32 v9, v55;
	v52 =	vld.idx.msk [tilespmem:v38+s2+$0x0], $0xffff;
	v42 =	vperm.xlane v27, v14;
	v29 =	vmul.f32 v29, v35  }
0x110: {  	v38 =	vld.idx.msk [tilespmem:v57+s2+$0x0], $0xffff;
	v57 =	vadd.s32 v10, v44;
	v25 =	vmul.f32 v25, v35;
	v31 =	vmul.f32 v31, v39  }
0x111: {  	v61 =	vld.idx.msk [tilespmem:v40+s2+$0x0], $0xffff;
	v43 =	vadd.s32 v9, v50;
	v23 =	vmul.f32 v23, v39;
	v32 =	vmul.f32 v32, v48  }
0x112: {  	v30 =	vmul.f32 v30, v48;
	v35 =	vld.idx.msk [tilespmem:v47+s2+$0x0], $0xffff;
	v54 =	vmul.f32 v37, v51;
	v29 =	vadd.f32 $0.0e+00, v29  }
0x113: {  	v48 =	vadd.s32 v9, v59;
	v33 =	vmul.f32 v33, v62;
	v25 =	vadd.f32 $0.0e+00, v25  }
0x114: {  	v39 =	vadd.s32 v10, v59;
	v47 =	vperm.xlane v27, v17;
	v29 =	vadd.f32 v31, v29  }
0x115: {  	v25 =	vadd.f32 v23, v25;
	v23 =	vmul.f32 v34, v20;
	v31 =	vmul.f32 v49, v51  }
0x116: {  	v34 =	vadd.s32 v10, v55;
	v49 =	vshrl.u32 v24, $0xB;
	v55 =	vmul.f32 v38, v42  }
0x117: {  	v24 =	vand.u32 $0x20000, v24;
	v60 =	vmul.f32 v35, v56;
	v35 =	vmul.f32 v61, v62  }
0x118: {  	v51 =	vld.idx.msk [tilespmem:v48+s2+$0x0], $0xffff;
	v62 =	vperm.xlane v21, v1;
	vm0 =	veq.s32 v24, $0x0;
	v20 =	vadd.f32 v32, v29  }
0x119: {  	v25 =	vadd.f32 v30, v25;
	v29 =	vmul.f32 v52, v56;
	v32 =	vld.idx.msk [tilespmem:v53+s2+$0x0], $0xffff;
	v52 =	vadd.s32 v9, v44  }
0x11a: {  	v30 =	vld.idx.msk [tilespmem:v58+s2+$0x0], $0xffff;
	v53 =	vperm.xlane v27, v15;
	v58 =	vperm.xlane v27, v16;
	v20 =	vadd.f32 v54, v20  }
0x11b: {  	v59 =	vld.idx.msk [tilespmem:v43+s2+$0x0], $0xffff;
	v19 =	vmul.f32 v28, v23;
	v25 =	vadd.f32 v31, v25;
	v54 =	vperm.xlane v21, v6  }
0x11c: {  	v56 =	vld.idx.msk [tilespmem:v39+s2+$0x0], $0xffff;
	v48 =	vadd.s32 v9, v62;
	v31 =	vadd.s32 v10, v50;
	v20 =	vadd.f32 v60, v20  }
0x11d: {  	v29 =	vadd.f32 v29, v25;
	v25 =	vand.u32 $0x20, v49;
	v60 =	vadd.s32 v9, v54  }
0x11e: {  	v34 =	vld.idx.msk [tilespmem:v34+s2+$0x0], $0xffff;
	v44 =	vmul.f32 v51, v58;
	v32 =	vmul.f32 v32, v42;
	v20 =	vadd.f32 v33, v20  }
0x11f: {  	v46 =	vadd.s32 v10, v54;
	v51 =	vperm.xlane v21, v3;
	v30 =	vmul.f32 v30, v53  }
0x120: {  	v45 =	vld.idx.msk [tilespmem:v52+s2+$0x0], $0xffff;
	v52 =	vmul.f32 v59, v47;
	v59 =	vperm.xlane v21, v4;
	v20 =	vadd.f32 v32, v20  }
0x121: {  	v50 =	vld.idx.msk [tilespmem:v57+s2+$0x0], $0xffff;
	v49 =	vmul.f32 v56, v58;
	v29 =	vadd.f32 v35, v29;
	v56 =	vadd.s32 v9, v51  }
0x122: {  	v37 =	vld.idx.msk [tilespmem:v48+s2+$0x0], $0xffff;
	v39 =	vadd.s32 v10, v51;
	v35 =	vadd.s32 v10, v59;
	v20 =	vadd.f32 v30, v20  }
0x123: {  	v31 =	vld.idx.msk [tilespmem:v31+s2+$0x0], $0xffff;
	v29 =	vadd.f32 v55, v29;
	v61 =	vmul.f32 v34, v53;
	v53 =	vperm.xlane v27, v18  }
0x124: {  	v34 =	vadd.s32 v10, v62;
	v54 =	vld.idx.msk [tilespmem:v60+s2+$0x0], $0xffff;
	v60 =	vperm.xlane v27, v6;
	v20 =	vadd.f32 v44, v20  }
0x125: {  	v58 =	vld.idx.msk [tilespmem:v46+s2+$0x0], $0xffff;
	v46 =	vperm.xlane v27, v1;
	v29 =	vadd.f32 v61, v29;
	v57 =	vmul.f32 v45, v53  }
0x126: {  	v38 =	vmul.f32 v50, v53;
	v61 =	vadd.s32 v9, v59;
	v20 =	vadd.f32 v52, v20  }
0x127: {  	v45 =	vperm.xlane v21, v5;
	v50 =	vperm.xlane v27, v3;
	v29 =	vadd.f32 v49, v29  }
0x128: {  	v55 =	vmul.f32 v31, v47;
	v32 =	vadd.f32 v57, v20;
	v20 =	vadd.s32 v25, v21  }
0x129: {  	v37 =	vmul.f32 v37, v46;
	v39 =	vld.idx.msk [tilespmem:v39+s2+$0x0], $0xffff;
	v47 =	vadd.s32 v9, v45;
	v49 =	vperm.xlane v20, v7  }
0x12a: {  	v48 =	vadd.s32 v10, v45;
	v34 =	vld.idx.msk [tilespmem:v34+s2+$0x0], $0xffff;
	v29 =	vadd.f32 v55, v29;
	v62 =	vmul.f32 v54, v60  }
0x12b: {  	v31 =	vld.idx.msk [tilespmem:v56+s2+$0x0], $0xffff;
	v30 =	vmul.f32 v58, v60;
	v53 =	vperm.xlane v20, v2;
	v51 =	vadd.s32 v9, v49  }
0x12c: {  	v35 =	vld.idx.msk [tilespmem:v35+s2+$0x0], $0xffff;
	v55 =	vperm.xlane v27, v4;
	v27 =	vperm.xlane v27, v5;
	v52 =	vadd.s32 v10, v49  }
0x12d: {  	v40 =	vld.idx.msk [tilespmem:v61+s2+$0x0], $0xffff;
	v29 =	vadd.f32 v38, v29;
	v60 =	vperm.xlane v20, v11;
	v57 =	vadd.s32 v9, v53  }
0x12e: {  	v33 =	vld.idx.msk [tilespmem:v47+s2+$0x0], $0xffff;
	v45 =	vperm.xlane v20, v12;
	v32 =	vadd.f32 v62, v32;
	v59 =	vadd.s32 v10, v53  }
0x12f: {  	v56 =	vld.idx.msk [tilespmem:v48+s2+$0x0], $0xffff;
	v29 =	vadd.f32 v30, v29;
	v34 =	vmul.f32 v34, v46;
	v44 =	vadd.s32 v9, v60  }
0x130: {  	v31 =	vmul.f32 v31, v50;
	v47 =	vadd.s32 v10, v60;
	v32 =	vadd.f32 v37, v32;
	v61 =	vld.idx.msk [tilespmem:v51+s2+$0x0], $0xffff  }
0x131: {  	v30 =	vmul.f32 v39, v50;
	v49 =	vadd.s32 v9, v45;
	v54 =	vadd.f32 v34, v29;
	v62 =	vld.idx.msk [tilespmem:v52+s2+$0x0], $0xffff  }
0x132: {  	v48 =	vperm.xlane v19, v7;
	v58 =	vmul.f32 v40, v55;
	v31 =	vadd.f32 v31, v32;
	v34 =	vld.idx.msk [tilespmem:v57+s2+$0x0], $0xffff  }
0x133: {  	v29 =	vmul.f32 v35, v55;
	v28 =	vadd.f32 v30, v54;
	v46 =	vmul.f32 v33, v27;
	v50 =	vld.idx.msk [tilespmem:v59+s2+$0x0], $0xffff  }
0x134: {  	v27 =	vmul.f32 v56, v27;
	v54 =	vperm.xlane v19, v2;
	v31 =	vadd.f32 v58, v31;
	v55 =	vld.idx.msk [tilespmem:v44+s2+$0x0], $0xffff  }
0x135: {  	v28 =	vadd.f32 v29, v28;
	v51 =	vperm.xlane v20, v13;
	v33 =	vld.idx.msk [tilespmem:v47+s2+$0x0], $0xffff;
	v58 =	vperm.xlane v20, v0  }
0x136: {  	v38 =	vadd.s32 v10, v45;
	v60 =	vld.idx.msk [tilespmem:v49+s2+$0x0], $0xffff;
	v44 =	vperm.xlane v20, v14;
	v47 =	vperm.xlane v19, v12  }
0x137: {  	v29 =	vadd.f32 v46, v31;
	v27 =	vadd.f32 v27, v28;
	v56 =	vadd.s32 v9, v51  }
0x138: {  	v57 =	vadd.s32 v10, v51;
	v42 =	vadd.s32 v9, v58;
	v51 =	vperm.xlane v20, v15  }
0x139: {  	v43 =	vadd.s32 v10, v58;
	v52 =	vmul.f32 v61, v48;
	v53 =	vmul.f32 v62, v48  }
0x13a: {  	v49 =	vadd.s32 v9, v44;
	v59 =	vmul.f32 v34, v54;
	v26 =	vmul.f32 v50, v54  }
0x13b: {  	v61 =	vperm.xlane v19, v11;
	v62 =	vld.idx.msk [tilespmem:v38+s2+$0x0], $0xffff;
	v50 =	vadd.s32 v10, v44;
	v30 =	vmul.f32 v60, v47  }
0x13c: {  	v54 =	vperm.xlane v19, v13;
	v44 =	vperm.xlane v20, v17;
	v28 =	vadd.f32 v52, v29;
	v46 =	vld.idx.msk [tilespmem:v56+s2+$0x0], $0xffff  }
0x13d: {  	v27 =	vadd.f32 v53, v27;
	v45 =	vmul.f32 v55, v61;
	v31 =	vmul.f32 v33, v61;
	v48 =	vld.idx.msk [tilespmem:v57+s2+$0x0], $0xffff  }
0x13e: {  	v53 =	vld.idx.msk [tilespmem:v42+s2+$0x0], $0xffff;
	v55 =	vadd.s32 v9, v51;
	v56 =	vperm.xlane v20, v16;
	v57 =	vadd.s32 v10, v51  }
0x13f: {  	v24 =	vld.idx.msk [tilespmem:v43+s2+$0x0], $0xffff;
	v61 =	vsel vm0, $0x0, v8;
	v40 =	vadd.s32 v10, v44;
	v28 =	vadd.f32 v59, v28  }
0x140: {  	v26 =	vadd.f32 v26, v27;
	v59 =	vld.idx.msk [tilespmem:v49+s2+$0x0], $0xffff;
	v60 =	vadd.s32 v9, v56;
	v49 =	vperm.xlane v19, v14  }
0x141: {  	v52 =	vmul.f32 v62, v47;
	v62 =	vperm.xlane v19, v0;
	v27 =	vadd.f32 v45, v28  }
0x142: {  	v26 =	vadd.f32 v31, v26;
	v28 =	vld.idx.msk [tilespmem:v50+s2+$0x0], $0xffff;
	v50 =	vperm.xlane v20, v18;
	v29 =	vmul.f32 v46, v54  }
0x143: {  	v58 =	vmul.f32 v48, v54;
	v46 =	vadd.s32 v10, v56;
	v32 =	vmul.f32 v53, v62  }
0x144: {  	v24 =	vmul.f32 v24, v62;
	v47 =	vld.idx.msk [tilespmem:v55+s2+$0x0], $0xffff;
	v48 =	vadd.s32 v9, v44;
	v27 =	vadd.f32 v30, v27  }
0x145: {  	v56 =	vperm.xlane v19, v15;
	v26 =	vadd.f32 v52, v26;
	v55 =	vadd.s32 v9, v50  }
0x146: {  	v30 =	vld.idx.msk [tilespmem:v57+s2+$0x0], $0xffff;
	v57 =	vadd.s32 v10, v50;
	v54 =	vmul.f32 v59, v49;
	v27 =	vadd.f32 v29, v27  }
0x147: {  	v59 =	vperm.xlane v19, v16;
	v45 =	vadd.f32 v58, v26;
	v26 =	vadd.s32 v21, v61  }
0x148: {  	v53 =	vld.idx.msk [tilespmem:v60+s2+$0x0], $0xffff;
	v58 =	vperm.xlane v20, v6;
	v28 =	vmul.f32 v28, v49;
	v51 =	vadd.f32 v32, v27  }
0x149: {  	v61 =	vld.idx.msk [tilespmem:v40+s2+$0x0], $0xffff;
	v52 =	vadd.f32 v24, v45;
	v24 =	vmul.f32 v36, v22;
	v60 =	vmul.f32 v47, v56  }
0x14a: {  	v31 =	vld.idx.msk [tilespmem:v46+s2+$0x0], $0xffff;
	v62 =	vadd.s32 v9, v58;
	v44 =	vadd.s32 v10, v58;
	v45 =	vperm.xlane v19, v17  }
0x14b: {  	v38 =	vld.idx.msk [tilespmem:v48+s2+$0x0], $0xffff;
	v46 =	vperm.xlane v26, v7;
	v22 =	vadd.s32 v25, v26;
	v58 =	vperm.xlane v26, v11  }
0x14c: {  	v30 =	vmul.f32 v30, v56;
	v33 =	vld.idx.msk [tilespmem:v55+s2+$0x0], $0xffff;
	v55 =	vperm.xlane v19, v18;
	v21 =	vadd.f32 v54, v51  }
0x14d: {  	v27 =	vadd.f32 v28, v52;
	v29 =	vmul.f32 v53, v59;
	v51 =	vadd.s32 v9, v46  }
0x14e: {  	v54 =	vperm.xlane v26, v2;
	v56 =	vadd.s32 v10, v46;
	v43 =	vperm.xlane v24, v6  }
0x14f: {  	v49 =	vld.idx.msk [tilespmem:v57+s2+$0x0], $0xffff;
	v52 =	vmul.f32 v61, v45;
	v61 =	vperm.xlane v26, v12;
	v21 =	vadd.f32 v60, v21  }
0x150: {  	v57 =	vadd.s32 v9, v54;
	v32 =	vadd.s32 v10, v54;
	v54 =	vperm.xlane v24, v11  }
0x151: {  	v47 =	vadd.f32 v30, v27;
	v48 =	vmul.f32 v31, v59;
	v50 =	vmul.f32 v38, v45  }
0x152: {  	v60 =	vadd.s32 v9, v58;
	v53 =	vld.idx.msk [tilespmem:v62+s2+$0x0], $0xffff;
	v59 =	vperm.xlane v19, v6;
	v45 =	vperm.xlane v24, v7  }
0x153: {  	v34 =	vld.idx.msk [tilespmem:v44+s2+$0x0], $0xffff;
	v46 =	vadd.s32 v9, v61;
	v21 =	vadd.f32 v29, v21;
	v33 =	vmul.f32 v33, v55  }
0x154: {  	v30 =	vmul.f32 v49, v55;
	v25 =	vadd.f32 v48, v47;
	v31 =	vld.idx.msk [tilespmem:v51+s2+$0x0], $0xffff;
	v47 =	vperm.xlane v26, v13  }
0x155: {  	v44 =	vadd.s32 v10, v58;
	v62 =	vld.idx.msk [tilespmem:v56+s2+$0x0], $0xffff;
	v51 =	vperm.xlane v24, v2;
	v56 =	vperm.xlane v26, v14  }
0x156: {  	v29 =	vadd.f32 v50, v21;
	v21 =	vmul.f32 v36, v23;
	v25 =	vadd.f32 v52, v25  }
0x157: {  	v49 =	vld.idx.msk [tilespmem:v60+s2+$0x0], $0xffff;
	v50 =	vadd.s32 v9, v47;
	v52 =	vperm.xlane v26, v0;
	v60 =	vperm.xlane v24, v12  }
0x158: {  	v27 =	vld.idx.msk [tilespmem:v57+s2+$0x0], $0xffff;
	v40 =	vadd.s32 v10, v56;
	v29 =	vadd.f32 v33, v29;
	v28 =	vmul.f32 v53, v59  }
0x159: {  	v23 =	vmul.f32 v34, v59;
	v53 =	vadd.s32 v10, v47;
	v37 =	vld.idx.msk [tilespmem:v46+s2+$0x0], $0xffff;
	v46 =	vperm.xlane v26, v15  }
0x15a: {  	v32 =	vld.idx.msk [tilespmem:v32+s2+$0x0], $0xffff;
	v47 =	vperm.xlane v24, v13;
	v25 =	vadd.f32 v30, v25;
	v30 =	vadd.s32 v10, v61  }
0x15b: {  	v55 =	vadd.s32 v9, v52;
	v59 =	vadd.s32 v10, v52;
	v61 =	vadd.s32 v9, v56  }
0x15c: {  	v28 =	vadd.f32 v28, v29;
	v29 =	vperm.xlane v20, v1;
	v48 =	vmul.f32 v31, v45  }
0x15d: {  	v34 =	vld.idx.msk [tilespmem:v44+s2+$0x0], $0xffff;
	v56 =	vperm.xlane v26, v17;
	v33 =	vmul.f32 v62, v45;
	v35 =	vadd.s32 v10, v46  }
0x15e: {  	v23 =	vadd.f32 v23, v25;
	v39 =	vadd.s32 v9, v29;
	v25 =	vadd.f32 $0.0e+00, v48  }
0x15f: {  	v27 =	vmul.f32 v27, v51;
	v33 =	vadd.f32 $0.0e+00, v33;
	v32 =	vmul.f32 v32, v51;
	v58 =	vld.idx.msk [tilespmem:v50+s2+$0x0], $0xffff  }
0x160: {  	v57 =	vmul.f32 v49, v54;
	v48 =	vadd.s32 v9, v46;
	v50 =	vperm.xlane v26, v16;
	v45 =	vld.idx.msk [tilespmem:v53+s2+$0x0], $0xffff  }
0x161: {  	v51 =	vperm.xlane v24, v0;
	v29 =	vadd.s32 v10, v29;
	v46 =	vperm.xlane v24, v16;
	v30 =	vld.idx.msk [tilespmem:v30+s2+$0x0], $0xffff  }
0x162: {  	v62 =	vmul.f32 v34, v54;
	v37 =	vmul.f32 v37, v60;
	v25 =	vadd.f32 v27, v25;
	v42 =	vld.idx.msk [tilespmem:v55+s2+$0x0], $0xffff  }
0x163: {  	v32 =	vadd.f32 v32, v33;
	v52 =	vld.idx.msk [tilespmem:v61+s2+$0x0], $0xffff;
	v54 =	vadd.s32 v9, v50;
	v36 =	vadd.s32 v10, v50  }
0x164: {  	v49 =	vld.idx.msk [tilespmem:v59+s2+$0x0], $0xffff;
	v59 =	vadd.s32 v10, v56;
	v61 =	vperm.xlane v24, v15;
	v50 =	vperm.xlane v26, v1  }
0x165: {  	v40 =	vld.idx.msk [tilespmem:v40+s2+$0x0], $0xffff;
	v25 =	vadd.f32 v57, v25;
	v57 =	vperm.xlane v24, v14;
	v31 =	vmul.f32 v58, v47  }
0x166: {  	v27 =	vadd.f32 v62, v32;
	v32 =	vld.idx.msk [tilespmem:v48+s2+$0x0], $0xffff;
	v53 =	vmul.f32 v45, v47;
	v45 =	vperm.xlane v26, v6  }
0x167: {  	v39 =	vld.idx.msk [tilespmem:v39+s2+$0x0], $0xffff;
	v58 =	vadd.s32 v9, v56;
	v30 =	vmul.f32 v30, v60;
	v55 =	vmul.f32 v42, v51  }
0x168: {  	v29 =	vld.idx.msk [tilespmem:v29+s2+$0x0], $0xffff;
	v25 =	vadd.f32 v37, v25;
	v42 =	vperm.xlane v19, v1;
	v37 =	vmul.f32 v52, v57  }
0x169: {  	v60 =	vperm.xlane v26, v18;
	v47 =	vld.idx.msk [tilespmem:v59+s2+$0x0], $0xffff;
	v52 =	vperm.xlane v24, v17;
	v59 =	vadd.s32 v10, v50  }
0x16a: {  	v34 =	vld.idx.msk [tilespmem:v54+s2+$0x0], $0xffff;
	v25 =	vadd.f32 v31, v25;
	v31 =	vmul.f32 v40, v57;
	v48 =	vadd.s32 v9, v45  }
0x16b: {  	v36 =	vld.idx.msk [tilespmem:v36+s2+$0x0], $0xffff;
	v57 =	vperm.xlane v26, v3;
	v40 =	vperm.xlane v20, v3;
	v27 =	vadd.f32 v30, v27  }
0x16c: {  	v35 =	vld.idx.msk [tilespmem:v35+s2+$0x0], $0xffff;
	v30 =	vmul.f32 v49, v51;
	v62 =	vadd.s32 v9, v60;
	v44 =	vadd.s32 v10, v60  }
0x16d: {  	v49 =	vadd.s32 v10, v45;
	v25 =	vadd.f32 v55, v25;
	v32 =	vmul.f32 v32, v61  }
0x16e: {  	v39 =	vmul.f32 v39, v42;
	v33 =	vld.idx.msk [tilespmem:v58+s2+$0x0], $0xffff;
	v55 =	vadd.s32 v9, v50;
	v58 =	vperm.xlane v24, v18  }
0x16f: {  	v29 =	vmul.f32 v29, v42;
	v27 =	vadd.f32 v53, v27;
	v25 =	vadd.f32 v37, v25  }
0x170: {  	v34 =	vmul.f32 v34, v46;
	v51 =	vmul.f32 v36, v46;
	v28 =	vadd.f32 v39, v28  }
0x171: {  	v23 =	vadd.f32 v29, v23;
	v27 =	vadd.f32 v30, v27;
	v30 =	vmul.f32 v35, v61;
	v35 =	vld.idx.msk [tilespmem:v48+s2+$0x0], $0xffff  }
0x172: {  	v39 =	vperm.xlane v19, v4;
	v61 =	vadd.s32 v9, v57;
	v53 =	vld.idx.msk [tilespmem:v62+s2+$0x0], $0xffff;
	v62 =	vperm.xlane v26, v4  }
0x173: {  	v25 =	vadd.f32 v32, v25;
	v60 =	vld.idx.msk [tilespmem:v49+s2+$0x0], $0xffff;
	v26 =	vperm.xlane v26, v5;
	v49 =	vperm.xlane v24, v1  }
0x174: {  	v27 =	vadd.f32 v31, v27;
	v56 =	vmul.f32 v33, v52;
	v33 =	vadd.s32 v10, v57  }
0x175: {  	v54 =	vld.idx.msk [tilespmem:v44+s2+$0x0], $0xffff;
	v31 =	vmul.f32 v47, v52;
	v52 =	vperm.xlane v22, v7;
	v45 =	vadd.s32 v9, v62  }
0x176: {  	v44 =	vld.idx.msk [tilespmem:v55+s2+$0x0], $0xffff;
	v55 =	vperm.xlane v24, v3;
	v25 =	vadd.f32 v34, v25;
	v48 =	vadd.s32 v10, v62  }
0x177: {  	v47 =	vld.idx.msk [tilespmem:v59+s2+$0x0], $0xffff;
	v57 =	vperm.xlane v22, v2;
	v50 =	vadd.s32 v9, v26;
	v27 =	vadd.f32 v30, v27  }
0x178: {  	v26 =	vadd.s32 v10, v26;
	v25 =	vadd.f32 v56, v25;
	v46 =	vmul.f32 v35, v43;
	v38 =	vld.idx.msk [tilespmem:v61+s2+$0x0], $0xffff  }
0x179: {  	v61 =	vperm.xlane v24, v4;
	v24 =	vperm.xlane v24, v5;
	v27 =	vadd.f32 v51, v27;
	v51 =	vld.idx.msk [tilespmem:v33+s2+$0x0], $0xffff  }
0x17a: {  	v56 =	vadd.s32 v9, v52;
	v41 =	vmul.f32 v53, v58;
	v32 =	vmul.f32 v54, v58;
	v54 =	vld.idx.msk [tilespmem:v45+s2+$0x0], $0xffff  }
0x17b: {  	v30 =	vmul.f32 v60, v43;
	v43 =	vadd.s32 v9, v57;
	v53 =	vmul.f32 v44, v49;
	v59 =	vld.idx.msk [tilespmem:v48+s2+$0x0], $0xffff  }
0x17c: {  	v58 =	vmul.f32 v47, v49;
	v33 =	vadd.s32 v10, v52;
	v25 =	vadd.f32 v41, v25;
	v62 =	vld.idx.msk [tilespmem:v50+s2+$0x0], $0xffff  }
0x17d: {  	v47 =	vperm.xlane v22, v11;
	v27 =	vadd.f32 v31, v27;
	v45 =	vadd.s32 v10, v57;
	v26 =	vld.idx.msk [tilespmem:v26+s2+$0x0], $0xffff  }
0x17e: {  	v48 =	vadd.s32 v9, v40;
	v40 =	vadd.s32 v10, v40;
	v25 =	vadd.f32 v46, v25  }
0x17f: {  	v27 =	vadd.f32 v32, v27;
	v60 =	vmul.f32 v38, v55;
	v44 =	vmul.f32 v51, v55  }
0x180: {  	v25 =	vadd.f32 v53, v25;
	v53 =	vperm.xlane v22, v12;
	v46 =	vmul.f32 v54, v61  }
0x181: {  	v50 =	vadd.s32 v9, v47;
	v49 =	vld.idx.msk [tilespmem:v56+s2+$0x0], $0xffff;
	v32 =	vmul.f32 v59, v61;
	v51 =	vmul.f32 v62, v24  }
0x182: {  	v52 =	vld.idx.msk [tilespmem:v43+s2+$0x0], $0xffff;
	v27 =	vadd.f32 v30, v27;
	v54 =	vperm.xlane v21, v7;
	v24 =	vmul.f32 v26, v24  }
0x183: {  	v36 =	vadd.s32 v10, v47;
	v31 =	vld.idx.msk [tilespmem:v45+s2+$0x0], $0xffff;
	v59 =	vperm.xlane v19, v3;
	v45 =	vperm.xlane v21, v11  }
0x184: {  	v33 =	vld.idx.msk [tilespmem:v33+s2+$0x0], $0xffff;
	v19 =	vperm.xlane v19, v5;
	v27 =	vadd.f32 v58, v27;
	v25 =	vadd.f32 v60, v25  }
0x185: {  	v56 =	vld.idx.msk [tilespmem:v48+s2+$0x0], $0xffff;
	v55 =	vadd.s32 v9, v53;
	v58 =	vperm.xlane v22, v13;
	v60 =	vperm.xlane v21, v2  }
0x186: {  	v43 =	vld.idx.msk [tilespmem:v40+s2+$0x0], $0xffff;
	v57 =	vadd.s32 v10, v53;
	v53 =	vperm.xlane v22, v14;
	v30 =	vmul.f32 v49, v54  }
0x187: {  	v34 =	vld.idx.msk [tilespmem:v50+s2+$0x0], $0xffff;
	v27 =	vadd.f32 v44, v27;
	v25 =	vadd.f32 v46, v25;
	v42 =	vadd.s32 v9, v58  }
0x188: {  	v38 =	vmul.f32 v52, v60;
	v44 =	vadd.s32 v10, v58;
	v46 =	vperm.xlane v22, v0  }
0x189: {  	v62 =	vld.idx.msk [tilespmem:v36+s2+$0x0], $0xffff;
	v58 =	vadd.s32 v10, v53;
	v61 =	vmul.f32 v33, v54;
	v27 =	vadd.f32 v32, v27  }
0x18a: {  	v25 =	vadd.f32 v51, v25;
	v47 =	vmul.f32 v56, v59;
	v50 =	vadd.s32 v9, v46  }
0x18b: {  	v52 =	vadd.s32 v10, v46;
	v54 =	vmul.f32 v43, v59;
	v59 =	vperm.xlane v21, v13  }
0x18c: {  	v56 =	vadd.s32 v9, v53;
	v46 =	vperm.xlane v22, v16;
	v49 =	vmul.f32 v34, v45  }
0x18d: {  	v26 =	vld.idx.msk [tilespmem:v55+s2+$0x0], $0xffff;
	v55 =	vperm.xlane v21, v12;
	v24 =	vadd.f32 v24, v27;
	v25 =	vadd.f32 v30, v25  }
0x18e: {  	v48 =	vld.idx.msk [tilespmem:v57+s2+$0x0], $0xffff;
	v27 =	vmul.f32 v31, v60;
	v30 =	vmul.f32 v62, v45;
	v28 =	vadd.f32 v47, v28  }
0x18f: {  	v23 =	vadd.f32 v54, v23;
	v60 =	vperm.xlane v22, v15;
	v54 =	vperm.xlane v21, v14;
	v51 =	vld.idx.msk [tilespmem:v42+s2+$0x0], $0xffff  }
0x190: {  	v31 =	vld.idx.msk [tilespmem:v44+s2+$0x0], $0xffff;
	v44 =	vperm.xlane v21, v0;
	v24 =	vadd.f32 v61, v24;
	v25 =	vadd.f32 v38, v25  }
0x191: {  	v61 =	vperm.xlane v20, v4;
	v43 =	vadd.s32 v9, v60;
	v45 =	vadd.s32 v10, v60;
	v34 =	vld.idx.msk [tilespmem:v50+s2+$0x0], $0xffff  }
0x192: {  	v20 =	vperm.xlane v20, v5;
	v62 =	vld.idx.msk [tilespmem:v52+s2+$0x0], $0xffff;
	v50 =	vadd.s32 v9, v46;
	v52 =	vperm.xlane v22, v17  }
0x193: {  	v24 =	vadd.f32 v27, v24;
	v25 =	vadd.f32 v49, v25;
	v26 =	vmul.f32 v26, v55  }
0x194: {  	v57 =	vmul.f32 v48, v55;
	v27 =	vld.idx.msk [tilespmem:v56+s2+$0x0], $0xffff;
	v47 =	vadd.s32 v9, v61;
	v53 =	vadd.s32 v10, v61  }
0x195: {  	v48 =	vld.idx.msk [tilespmem:v58+s2+$0x0], $0xffff;
	v58 =	vperm.xlane v21, v15;
	v56 =	vadd.s32 v9, v52;
	v35 =	vadd.s32 v10, v52  }
0x196: {  	v24 =	vadd.f32 v30, v24;
	v25 =	vadd.f32 v26, v25;
	v42 =	vmul.f32 v51, v59  }
0x197: {  	v52 =	vperm.xlane v21, v17;
	v29 =	vmul.f32 v31, v59;
	v51 =	vadd.s32 v10, v46;
	v31 =	vld.idx.msk [tilespmem:v43+s2+$0x0], $0xffff  }
0x198: {  	v59 =	vperm.xlane v22, v18;
	v55 =	vld.idx.msk [tilespmem:v45+s2+$0x0], $0xffff;
	v24 =	vadd.f32 v57, v24;
	v25 =	vadd.f32 v42, v25  }
0x199: {  	v49 =	vmul.f32 v34, v44;
	v26 =	vmul.f32 v62, v44;
	v57 =	vadd.s32 v9, v20;
	v34 =	vld.idx.msk [tilespmem:v50+s2+$0x0], $0xffff  }
0x19a: {  	v20 =	vadd.s32 v10, v20;
	v61 =	vadd.s32 v9, v59;
	v62 =	vperm.xlane v22, v6;
	v33 =	vld.idx.msk [tilespmem:v47+s2+$0x0], $0xffff  }
0x19b: {  	v44 =	vperm.xlane v21, v16;
	v27 =	vmul.f32 v27, v54;
	v24 =	vadd.f32 v29, v24;
	v29 =	vld.idx.msk [tilespmem:v56+s2+$0x0], $0xffff  }
0x19c: {  	v40 =	vadd.s32 v10, v59;
	v30 =	vmul.f32 v48, v54;
	v47 =	vperm.xlane v22, v1;
	v45 =	vld.idx.msk [tilespmem:v35+s2+$0x0], $0xffff  }
0x19d: {  	v25 =	vadd.f32 v49, v25;
	v46 =	vadd.s32 v9, v62;
	v49 =	vadd.s32 v10, v62;
	v60 =	vld.idx.msk [tilespmem:v51+s2+$0x0], $0xffff  }
0x19e: {  	v62 =	vperm.xlane v21, v6;
	v50 =	vadd.s32 v9, v47;
	v51 =	vperm.xlane v22, v3;
	v37 =	vld.idx.msk [tilespmem:v57+s2+$0x0], $0xffff  }
0x19f: {  	v41 =	vadd.s32 v10, v47;
	v24 =	vadd.f32 v26, v24;
	v31 =	vmul.f32 v31, v58;
	v20 =	vld.idx.msk [tilespmem:v20+s2+$0x0], $0xffff  }
0x1a0: {  	v25 =	vadd.f32 v27, v25;
	v26 =	vmul.f32 v55, v58;
	v55 =	vperm.xlane v22, v4;
	v32 =	vld.idx.msk [tilespmem:v61+s2+$0x0], $0xffff  }
0x1a1: {  	v58 =	vperm.xlane v21, v18;
	v22 =	vperm.xlane v22, v5;
	v24 =	vadd.f32 v30, v24;
	v30 =	vld.idx.msk [tilespmem:v53+s2+$0x0], $0xffff  }
0x1a2: {  	v48 =	vmul.f32 v34, v44;
	v54 =	vadd.s32 v9, v51;
	v25 =	vadd.f32 v31, v25;
	v53 =	vld.idx.msk [tilespmem:v40+s2+$0x0], $0xffff  }
0x1a3: {  	v57 =	vadd.s32 v10, v51;
	v56 =	vld.idx.msk [tilespmem:v46+s2+$0x0], $0xffff;
	v24 =	vadd.f32 v26, v24;
	v27 =	vmul.f32 v60, v44  }
0x1a4: {  	v59 =	vadd.s32 v9, v55;
	v29 =	vmul.f32 v29, v52;
	v34 =	vld.idx.msk [tilespmem:v49+s2+$0x0], $0xffff;
	v25 =	vadd.f32 v48, v25  }
0x1a5: {  	v61 =	vadd.s32 v10, v55;
	v26 =	vmul.f32 v45, v52;
	v60 =	vld.idx.msk [tilespmem:v50+s2+$0x0], $0xffff;
	v24 =	vadd.f32 v27, v24  }
0x1a6: {  	v41 =	vld.idx.msk [tilespmem:v41+s2+$0x0], $0xffff;
	v45 =	vadd.s32 v9, v22;
	v25 =	vadd.f32 v29, v25;
	v32 =	vmul.f32 v32, v58  }
0x1a7: {  	v22 =	vadd.s32 v10, v22;
	v46 =	vld.idx.msk [tilespmem:v54+s2+$0x0], $0xffff;
	v27 =	vmul.f32 v53, v58;
	v24 =	vadd.f32 v26, v24  }
0x1a8: {  	v47 =	vperm.xlane v21, v1;
	v35 =	vld.idx.msk [tilespmem:v57+s2+$0x0], $0xffff;
	v25 =	vadd.f32 v32, v25;
	v31 =	vmul.f32 v56, v62  }
0x1a9: {  	v33 =	vmul.f32 v33, v39;
	v49 =	vld.idx.msk [tilespmem:v59+s2+$0x0], $0xffff;
	v48 =	vmul.f32 v34, v62;
	v24 =	vadd.f32 v27, v24  }
0x1aa: {  	v50 =	vperm.xlane v21, v3;
	v29 =	vld.idx.msk [tilespmem:v61+s2+$0x0], $0xffff;
	v26 =	vmul.f32 v60, v47;
	v25 =	vadd.f32 v31, v25  }
0x1ab: {  	v28 =	vadd.f32 v33, v28;
	v51 =	vmul.f32 v41, v47;
	v52 =	vld.idx.msk [tilespmem:v45+s2+$0x0], $0xffff;
	v24 =	vadd.f32 v48, v24  }
0x1ac: {  	v54 =	vperm.xlane v21, v4;
	v22 =	vld.idx.msk [tilespmem:v22+s2+$0x0], $0xffff;
	v53 =	vmul.f32 v46, v50;
	v25 =	vadd.f32 v26, v25  }
0x1ad: {  	v21 =	vperm.xlane v21, v5;
	v55 =	vmul.f32 v35, v50;
	v24 =	vadd.f32 v51, v24  }
0x1ae: {  	v30 =	vmul.f32 v30, v39;
	v56 =	vmul.f32 v49, v54;
	v25 =	vadd.f32 v53, v25  }
0x1af: {  	v58 =	vmul.f32 v37, v19;
	v57 =	vmul.f32 v29, v54;
	v24 =	vadd.f32 v55, v24  }
0x1b0: {  	v19 =	vmul.f32 v20, v19;
	v59 =	vmul.f32 v52, v21;
	v25 =	vadd.f32 v56, v25  }
0x1b1: {  	v23 =	vadd.f32 v30, v23;
	v21 =	vmul.f32 v22, v21;
	v20 =	vadd.f32 v57, v24  }
0x1b2: {  	p0 =	sne.s32 s30, $0x7E00;
	v60 =	vadd.f32 v58, v28;
	v61 =	vadd.f32 v59, v25  }
.Ltmp3:
0x1b3: {  	v19 =	vadd.f32 v19, v23;
	v20 =	vadd.f32 v21, v20;
	(pc) =	sbr.rel @p0 .LBB2_5-.Ltmp3, $4  }
0x1b4: {  	v62 =	vadd.f32 v61, v60  }
0x1b5: {  	v19 =	vadd.f32 v20, v19  }
0x1b6: {  	[tilespmem:s31+$0x1E000] =	vst v62  }
0x1b7: {  	s30 =	sadd.s32 $0x200, s30;
	[tilespmem:s31+$0x1E010] =	vst v19  }
.Ltmp4:
0x1b8: {  	s29 =	sshll.u32 s29, $0x7;
	(pc) =	sbr.rel @p1 .LBB2_8-.Ltmp4, $4  }
0x1b9: {  	s29 =	sadd.s32 s3, s29  }
0x1ba: {  	s29 =	sshrl.u32 s29, $0x3  }
0x1bb: {  	s29 =	sadd.s32 s6, s29  }
0x1bc: {  	[hbm4b:s29+s2] =	stream.linear.scatter [tilespmem:s22], [sflag:$0x5], $0x2000, $0x38;
	v63 =	vld [tilespmem:$0x0]  }
0x1bd: {  	s28 =	sadd.s32 s28, s12  }
.Ltmp5:
0x1be: {  	s28 =	sshll.u32 s28, $0x7;
	(pc) =	sbr.rel .LBB2_2-.Ltmp5, $4  }
0x1bf: {  	s28 =	sadd.s32 s3, s28  }
0x1c0: {  	s28 =	sshrl.u32 s28, $0x3  }
0x1c1: {  	s26 =	sadd.s32 $0x1, s26;
	s28 =	sadd.s32 s4, s28  }
0x1c2: {  	[tilespmem:s17], [sflag:$0x3] =	stream.linear.gather [hbm4b:s28+s2], $0x2000, $0x38;
	v63 =	vld [tilespmem:$0x0]  }
.LBB2_9:
0x1c3: {  	_ =	sfence.sel $0x180000  }
0x1c4: {  	[bflag:$0x0] =	sbarrier.arrive $0xFFFF  }
0x1c5: {  	p0 =	sne.s32 s0, $0x0;
	_ =	strace $0x90000047  }
0x1c6: {  	s0 =	sadd.s32 @!p0 $0x100000, s1;
	[bflag:$0x2] =	sbarrier.arrive $0xFFFF  }
0x1c7: {  	[sflag:s0] =	ssyncadd.tile.s32 @!p0 $0x1;
	_ =	shalt  }
.Lfunc_end2:
_tile_overlayer_lowered:
.L_overlay_start_2:
0x1c8: {  	(tag) =	ssettag $0x2  }
0x1c9: {  	s0 =	rddreg [dreg:$0x0];
	s2 =	stileid.u32  }
0x1ca: {  	s1 =	rddreg [dreg:$0x1];
	p0 =	sne.s32 s2, $0x0  }
0x1cb: {  	s3 =	rddreg [dreg:$0x2];
	[bflag:$0x3] =	sbarrier.arrive $0xFFFF;
	s2 =	simm.s32 @!p0 $0x1C06  }
0x1cc: {  	[timem:s3], [sflag:s2] =	dma.local @!p0 [hbm:s0], s1  }
0x1cd: {  	s0 =	simm.s32 @!p0 $0x6  }
0x1ce: {  	_ =	swait.ge @!p0 [sflag:s0], s1  }
0x1cf: {  	s1 =	ssub.s32 @!p0 $0x0, s1;
	[sflag:s0] =	ssyncset.done @!p0 $0x0  }
0x1d0: {  	[sflag:s0] =	ssyncadd.s32 @!p0 s1  }
0x1d1: {  	[bflag:$0x3] =	sbarrier.arrive $0xFFFF  }
0x1d2: {  	_ =	shalt  }

</sc_bundles>
